<compile_context>
chip_gen: v7x
topology: tpu7x:2x2x1
jax: 0.10.2.dev20260603
libtpu: 0.0.44.dev20260713+nightly
codegen_flags: <defaults>
</compile_context>

<pallas_src>
import jax
import jax.numpy as jnp
from jax import lax
from jax.experimental import pallas as pl
from jax.experimental.pallas import tpu as pltpu
from jax.experimental.pallas import tpu_sc as plsc

N = 10000
D = 128
H = 128

NC = 2
NS = 16
NW = NC * NS
CHUNK = 128
NP = 10240
RPT = NP // NS
DEC_UNROLL = 16
DEC_A = 48
DEC_LIGHT_CORE = 1

_mesh = plsc.VectorSubcoreMesh(
    core_axis_name="c", subcore_axis_name="s", num_cores=NC, num_subcores=NS)


def _worker(c, s):
    return c * NS + s


def _deg_body(dst3, degp, dstbuf, acc):
    c = lax.axis_index("c")
    s = lax.axis_index("s")
    w = _worker(c, s)
    nch = dst3.shape[1]

    def fz(i, _):
        acc[pl.ds(i * 16, 16)] = jnp.zeros((16,), jnp.float32)
        return 0
    lax.fori_loop(0, NP // 16, fz, 0)

    pltpu.sync_copy(dst3.at[w], dstbuf)
    ones16 = jnp.ones((16,), jnp.float32)

    def f(j, _):
        iv = dstbuf[j // 8, pl.ds((j % 8) * 16, 16)]
        plsc.addupdate_scatter(acc, [iv], ones16)
        return 0
    lax.fori_loop(0, nch * 8, f, 0)

    pltpu.sync_copy(acc, degp.at[w])


def _make_deg(nch):
    return pl.kernel(
        _deg_body,
        out_type=jax.ShapeDtypeStruct((NW, NP), jnp.float32),
        mesh=_mesh,
        scratch_types=[
            pltpu.VMEM((nch, CHUNK), jnp.int32),
            pltpu.VMEM((NP,), jnp.float32),
        ],
        compiler_params=pltpu.CompilerParams(needs_layout_passes=False),
    )


def _agg_body(y, src3, dst3, aggp, srcbuf, dstbuf, rows, rows2, sem0, sem1,
              accsh):
    c = lax.axis_index("c")
    s = lax.axis_index("s")
    w = _worker(c, s)

    def fz(t, _):
        rows[t // 8, pl.ds((t % 8) * 16, 16)] = jnp.zeros((16,), jnp.float32)
        return 0
    lax.fori_loop(0, CHUNK * 8, fz, 0)

    for k in range(RPT // CHUNK):
        pltpu.sync_copy(rows, accsh.at[pl.ds(s * RPT + k * CHUNK, CHUNK)])
    plsc.subcore_barrier()

    nch = src3.shape[1]
    hch = nch // 2
    bufs = (rows, rows2)
    sems = (sem0, sem1)

    def g_start(j, b):
        pltpu.make_async_copy(y.at[srcbuf.at[j]], bufs[b], sems[b]).start()

    def g_wait(j, b):
        pltpu.make_async_copy(y.at[srcbuf.at[j]], bufs[b], sems[b]).wait()

    def seg(row, start):
        pltpu.sync_copy(src3.at[row, pl.ds(start, hch)], srcbuf)
        pltpu.sync_copy(dst3.at[row, pl.ds(start, hch)], dstbuf)
        g_start(0, 0)

        def pair(p, _):
            j0 = 2 * p
            g_start(j0 + 1, 1)
            g_wait(j0, 0)
            pltpu.sync_copy(rows, accsh.at[dstbuf.at[j0]], add=True)

            @pl.when(p + 1 < hch // 2)
            def _():
                g_start(j0 + 2, 0)
            g_wait(j0 + 1, 1)
            pltpu.sync_copy(rows2, accsh.at[dstbuf.at[j0 + 1]], add=True)
            return 0
        lax.fori_loop(0, hch // 2, pair, 0)

    lrow = DEC_LIGHT_CORE * NS + s
    hrow = (1 - DEC_LIGHT_CORE) * NS + s

    @pl.when(c == DEC_LIGHT_CORE)
    def _():
        seg(lrow, 0)

    @pl.when(c != DEC_LIGHT_CORE)
    def _():
        seg(hrow, 0)
        seg(hrow, hch)
        seg(lrow, hch)

    plsc.subcore_barrier()
    for k in range(RPT // CHUNK):
        sl = pl.ds(s * RPT + k * CHUNK, CHUNK)
        pltpu.sync_copy(accsh.at[sl], aggp.at[c, sl])


def _make_agg(nch):
    assert nch % 4 == 0
    return pl.kernel(
        _agg_body,
        out_type=jax.ShapeDtypeStruct((NC, NP, D), jnp.float32),
        mesh=_mesh,
        scratch_types=[
            pltpu.VMEM((nch // 2, CHUNK), jnp.int32),
            pltpu.VMEM((nch // 2, CHUNK), jnp.int32),
            pltpu.VMEM((CHUNK, D), jnp.float32),
            pltpu.VMEM((CHUNK, D), jnp.float32),
            pltpu.SemaphoreType.DMA,
            pltpu.SemaphoreType.DMA,
            pltpu.VMEM_SHARED((NP, D), jnp.float32),
        ],
    )


def _dec_body(z, e03, e13, out, e0b, e1b, a0, b0, a1, b1,
              sa0, sb0, sa1, sb1, ob):
    c = lax.axis_index("c")
    s = lax.axis_index("s")
    nch = e03.shape[1]
    epw = nch * CHUNK

    abufs = (a0, a1)
    bbufs = (b0, b1)
    asems = (sa0, sa1)
    bsems = (sb0, sb1)

    def g_start(j, p):
        pltpu.make_async_copy(z.at[e0b.at[j]], abufs[p], asems[p]).start()
        pltpu.make_async_copy(z.at[e1b.at[j]], bbufs[p], bsems[p]).start()

    def g_wait(j, p):
        pltpu.make_async_copy(z.at[e0b.at[j]], abufs[p], asems[p]).wait()
        pltpu.make_async_copy(z.at[e1b.at[j]], bbufs[p], bsems[p]).wait()

    def compute(j, ab, bb):
        base = j * CHUNK

        def edges(q, _):
            for u in range(4):
                e = q * 4 + u
                ps = []
                for k in range(D // 16):
                    av = ab[e, pl.ds(k * 16, 16)]
                    bv = bb[e, pl.ds(k * 16, 16)]
                    ps.append(av * bv)
                while len(ps) > 1:
                    ps = [ps[i] + ps[i + 1] for i in range(0, len(ps), 2)]
                plsc.addupdate_scatter(
                    ob, [jnp.full((16,), base + e, jnp.int32)], ps[0])
            return 0
        lax.fori_loop(0, CHUNK // 4, edges, 0)

    def run(nchunks):
        def fz(i, _):
            ob[pl.ds(i * 16, 16)] = jnp.zeros((16,), jnp.float32)
            return 0
        lax.fori_loop(0, nchunks * CHUNK // 16, fz, 0)
        g_start(0, 0)

        def pair(p, _):
            j0 = 2 * p
            g_start(j0 + 1, 1)
            g_wait(j0, 0)
            compute(j0, a0, b0)

            @pl.when(p + 1 < nchunks // 2)
            def _():
                g_start(j0 + 2, 0)
            g_wait(j0 + 1, 1)
            compute(j0 + 1, a1, b1)
            return 0
        lax.fori_loop(0, nchunks // 2, pair, 0)

    rem = nch - DEC_A
    lrow = DEC_LIGHT_CORE * NS + s
    hrow = (1 - DEC_LIGHT_CORE) * NS + s

    @pl.when(c == DEC_LIGHT_CORE)
    def _():
        pltpu.sync_copy(e03.at[lrow, pl.ds(0, DEC_A)], e0b.at[pl.ds(0, DEC_A)])
        pltpu.sync_copy(e13.at[lrow, pl.ds(0, DEC_A)], e1b.at[pl.ds(0, DEC_A)])
        run(DEC_A)
        pltpu.sync_copy(ob.at[pl.ds(0, DEC_A * CHUNK)],
                        out.at[pl.ds(lrow * epw, DEC_A * CHUNK)])

    @pl.when(c != DEC_LIGHT_CORE)
    def _():
        pltpu.sync_copy(e03.at[hrow], e0b.at[pl.ds(0, nch)])
        pltpu.sync_copy(e03.at[lrow, pl.ds(DEC_A, rem)],
                        e0b.at[pl.ds(nch, rem)])
        pltpu.sync_copy(e13.at[hrow], e1b.at[pl.ds(0, nch)])
        pltpu.sync_copy(e13.at[lrow, pl.ds(DEC_A, rem)],
                        e1b.at[pl.ds(nch, rem)])
        run(nch + rem)
        pltpu.sync_copy(ob.at[pl.ds(0, nch * CHUNK)],
                        out.at[pl.ds(hrow * epw, nch * CHUNK)])
        pltpu.sync_copy(ob.at[pl.ds(nch * CHUNK, rem * CHUNK)],
                        out.at[pl.ds(lrow * epw + DEC_A * CHUNK, rem * CHUNK)])


def _make_dec(nch):
    assert nch % 2 == 0 and DEC_A % 2 == 0 and (2 * nch - DEC_A) % 2 == 0
    return pl.kernel(
        _dec_body,
        out_type=jax.ShapeDtypeStruct((NW * nch * CHUNK,), jnp.float32),
        mesh=_mesh,
        scratch_types=[
            pltpu.VMEM((2 * nch - DEC_A, CHUNK), jnp.int32),
            pltpu.VMEM((2 * nch - DEC_A, CHUNK), jnp.int32),
            pltpu.VMEM((CHUNK, D), jnp.float32),
            pltpu.VMEM((CHUNK, D), jnp.float32),
            pltpu.VMEM((CHUNK, D), jnp.float32),
            pltpu.VMEM((CHUNK, D), jnp.float32),
            pltpu.SemaphoreType.DMA,
            pltpu.SemaphoreType.DMA,
            pltpu.SemaphoreType.DMA,
            pltpu.SemaphoreType.DMA,
            pltpu.VMEM(((2 * nch - DEC_A) * CHUNK,), jnp.float32),
        ],
        compiler_params=pltpu.CompilerParams(needs_layout_passes=False),
    )


BLK = 512


def _dinv_blk(degp_blk):
    ones = jnp.ones((NW, D), jnp.float32)
    deg = lax.dot_general(degp_blk, ones, (((0,), (0,)), ((), ())),
                          preferred_element_type=jnp.float32)
    return lax.rsqrt(deg + 1.0)


def _tc1_body(x_ref, w_ref, degp_ref, y_ref):
    dinv = _dinv_blk(degp_ref[...])
    y_ref[...] = jnp.dot(x_ref[...], w_ref[...],
                         preferred_element_type=jnp.float32) * dinv


def _tc2_body(y1_ref, aggp_ref, degp_ref, b_ref, w_ref, y2_ref):
    dinv = _dinv_blk(degp_ref[...])
    agg = aggp_ref[0] + aggp_ref[1]
    h = jnp.maximum(dinv * (agg + y1_ref[...]) + b_ref[...], 0.0)
    y2_ref[...] = jnp.dot(h, w_ref[...],
                          preferred_element_type=jnp.float32) * dinv


def _tc3_body(y2_ref, aggp_ref, degp_ref, b_ref, z_ref):
    dinv = _dinv_blk(degp_ref[...])
    agg = aggp_ref[0] + aggp_ref[1]
    z_ref[...] = dinv * (agg + y2_ref[...]) + b_ref[...]


_deg_spec = pl.BlockSpec((NW, BLK), lambda i: (0, i))
_agg_spec = pl.BlockSpec((2, BLK, D), lambda i: (0, i, 0))
_row_spec = pl.BlockSpec((BLK, D), lambda i: (i, 0))
_w_spec = pl.BlockSpec((D, H), lambda i: (0, 0))
_b_spec = pl.BlockSpec((1, H), lambda i: (0, 0))

_tc1 = pl.pallas_call(
    _tc1_body,
    grid=(NP // BLK,),
    in_specs=[_row_spec, _w_spec, _deg_spec],
    out_specs=_row_spec,
    out_shape=jax.ShapeDtypeStruct((NP, H), jnp.float32),
)

_tc2 = pl.pallas_call(
    _tc2_body,
    grid=(NP // BLK,),
    in_specs=[_row_spec, _agg_spec, _deg_spec, _b_spec, _w_spec],
    out_specs=_row_spec,
    out_shape=jax.ShapeDtypeStruct((NP, H), jnp.float32),
)

_tc3 = pl.pallas_call(
    _tc3_body,
    grid=(NP // BLK,),
    in_specs=[_row_spec, _agg_spec, _deg_spec, _b_spec],
    out_specs=_row_spec,
    out_shape=jax.ShapeDtypeStruct((NP, H), jnp.float32),
)


def kernel(x, edge_index, edge_label_index, W1, b1, W2, b2):
    src, dst = edge_index[0], edge_index[1]
    e0, e1 = edge_label_index[0], edge_label_index[1]
    E = src.shape[0]
    EL = e0.shape[0]

    quant = NW * CHUNK * 4
    pe = (-E) % quant
    pel = (-EL) % quant
    src3 = jnp.concatenate(
        [src, jnp.zeros((pe,), jnp.int32)]).reshape(NW, -1, CHUNK)
    dst3 = jnp.concatenate(
        [dst, jnp.full((pe,), N, jnp.int32)]).reshape(NW, -1, CHUNK)
    e03 = jnp.concatenate(
        [e0, jnp.zeros((pel,), jnp.int32)]).reshape(NW, -1, CHUNK)
    e13 = jnp.concatenate(
        [e1, jnp.zeros((pel,), jnp.int32)]).reshape(NW, -1, CHUNK)
    b1r = b1.reshape(1, H)
    b2r = b2.reshape(1, H)
    xp = jnp.concatenate([x, jnp.zeros((NP - x.shape[0], D), x.dtype)])

    degp = _make_deg(dst3.shape[1])(dst3)

    agg_fn = _make_agg(src3.shape[1])
    y1 = _tc1(xp, W1, degp)
    aggp1 = agg_fn(y1, src3, dst3)
    y2 = _tc2(y1, aggp1, degp, b1r, W2)
    aggp2 = agg_fn(y2, src3, dst3)
    z = _tc3(y2, aggp2, degp, b2r)

    dec = _make_dec(e03.shape[1])(z, e03, e13)
    return dec[:EL]

# --- scband reference (transcript-rebuilt; emitter-appended) ---
"""Pipeline reference for scband-vanilla-edge-66254165508603 (READ-ONLY COPY).

The authoritative reference and input builder live on the scoring server;
editing this copy changes nothing except your own understanding.
"""

import jax, jax.numpy as jnp
import numpy as np

N = 10000
E = 320000
EL = 320000
D = 128
H = 128


def gcn_conv(x, edge_index, W, b):
    # GCNConv: out = D^{-1/2} (A + I) D^{-1/2} X W + b
    n = x.shape[0]
    src = edge_index[0]
    dst = edge_index[1]
    loop = jnp.arange(n, dtype=src.dtype)
    src = jnp.concatenate([src, loop])
    dst = jnp.concatenate([dst, loop])
    deg = jnp.zeros((n,), x.dtype).at[dst].add(1.0)
    dinv = jnp.where(deg > 0, deg ** -0.5, 0.0)
    norm = dinv[src] * dinv[dst]
    xw = x @ W
    msg = jnp.take(xw, src, axis=0) * norm[:, None]
    out = jnp.zeros((n, W.shape[1]), x.dtype).at[dst].add(msg)
    return out + b


def setup_inputs(seed: int = 0) -> dict:
    key = jax.random.key(seed)
    k1, k2, k3, k4, k5, k6, k7 = jax.random.split(key, 7)
    x = jax.random.normal(k1, (N, D), dtype=jnp.float32)
    edge_index = jax.random.randint(k2, (2, E), 0, N, dtype=jnp.int32)
    edge_label_index = jax.random.randint(k3, (2, EL), 0, N, dtype=jnp.int32)
    s1 = 1.0 / np.sqrt(D)
    s2 = 1.0 / np.sqrt(H)
    W1 = jax.random.uniform(k4, (D, H), jnp.float32, -s1, s1)
    b1 = jnp.zeros((H,), jnp.float32)
    W2 = jax.random.uniform(k5, (H, H), jnp.float32, -s2, s2)
    b2 = jnp.zeros((H,), jnp.float32)
    return {"x": x, "edge_index": edge_index, "edge_label_index": edge_label_index,
            "W1": W1, "b1": b1, "W2": W2, "b2": b2}


def reference(x, edge_index, edge_label_index, W1, b1, W2, b2):
    # encode: 2-layer GCN node encoder (VanillaNode.embedding), dropout=0 (eval)
    h = jax.nn.relu(gcn_conv(x, edge_index, W1, b1))
    z = gcn_conv(h, edge_index, W2, b2)
    # decode: dot product of endpoint embeddings
    x1 = jnp.take(z, edge_label_index[0], axis=0)
    x2 = jnp.take(z, edge_label_index[1], axis=0)
    return (x1 * x2).sum(axis=1)

if __name__ == "__main__":
    import jax
    _d = setup_inputs()
    print(jax.jit(kernel)(*tuple(_d.values())))

</pallas_src>

<mosaic_0001>
#map = affine_map<(d0, d1) -> (0, 0)>
#map1 = affine_map<(d0, d1) -> (0, 0, 0)>
module attributes {stable_mosaic.version = 14 : i64} {
  func.func @_agg_body(%arg0: i32, %arg1: i32, %arg2: memref<10240x128xf32, #tpu.memory_space<hbm>>, %arg3: memref<32x80x128xi32, #tpu.memory_space<hbm>>, %arg4: memref<32x80x128xi32, #tpu.memory_space<hbm>>, %arg5: memref<2x10240x128xf32, #tpu.memory_space<hbm>>, %arg6: memref<40x128xi32, #tpu.memory_space<vmem>>, %arg7: memref<40x128xi32, #tpu.memory_space<vmem>>, %arg8: memref<128x128xf32, #tpu.memory_space<vmem>>, %arg9: memref<128x128xf32, #tpu.memory_space<vmem>>, %arg10: memref<!tpu.dma_semaphore, #tpu.memory_space<semaphore_mem>>, %arg11: memref<!tpu.dma_semaphore, #tpu.memory_space<semaphore_mem>>, %arg12: memref<10240x128xf32, #tpu.memory_space<vmem_shared>>) attributes {dimension_semantics = [#tpu.dimension_semantics<core_parallel>, #tpu.dimension_semantics<subcore_parallel>], iteration_bounds = array<i64: 2, 16>, scalar_prefetch = 0 : i64, scratch_operands = 7 : i64, tpu.core_type = #tpu.core_type<sc_vector_subcore>, window_params = [{transform_indices = #map}, {transform_indices = #map1}, {transform_indices = #map1}, {transform_indices = #map1}]} {
    %mul3A = arith.constant 16 : i32
    %mul3A_0 = arith.muli %arg0, %mul3A : i32
    %add3A = arith.addi %mul3A_0, %arg1 : i32
    %scan3A = arith.constant 0 : i32
    %scan3A_1 = arith.constant 0 : i32
    %scan3A_2 = arith.constant 1024 : i32
    %scan3A_3 = arith.addi %scan3A_1, %scan3A_2 : i32
    %scan3A_4 = arith.constant 1 : i32
    %scan3A_5 = scf.for %scan3A_58 = %scan3A_1 to %scan3A_3 step %scan3A_4 iter_args(%scan3A_59 = %scan3A) -> (i32)  : i32 {
      %broadcast_in_dim3A = arith.constant 0.000000e+00 : f32
      %broadcast_in_dim3A_60 = vector.broadcast %broadcast_in_dim3A : f32 to vector<16xf32>
      %jit3A = arith.constant 8 : i32
      %div3A = arith.divsi %scan3A_58, %jit3A : i32
      %sign3A = arith.constant 0 : i32
      %sign3A_61 = arith.cmpi sgt, %scan3A_58, %sign3A : i32
      %sign3A_62 = arith.extui %sign3A_61 : i1 to i32
      %sign3A_63 = arith.constant 0 : i32
      %sign3A_64 = arith.cmpi slt, %scan3A_58, %sign3A_63 : i32
      %sign3A_65 = arith.extui %sign3A_64 : i1 to i32
      %sign3A_66 = arith.subi %sign3A_62, %sign3A_65 : i32
      %sign3A_67 = arith.constant 0 : i32
      %sign3A_68 = arith.cmpi sgt, %jit3A, %sign3A_67 : i32
      %sign3A_69 = arith.extui %sign3A_68 : i1 to i32
      %sign3A_70 = arith.constant 0 : i32
      %sign3A_71 = arith.cmpi slt, %jit3A, %sign3A_70 : i32
      %sign3A_72 = arith.extui %sign3A_71 : i1 to i32
      %sign3A_73 = arith.subi %sign3A_69, %sign3A_72 : i32
      %ne3A_74 = arith.cmpi ne, %sign3A_66, %sign3A_73 : i32
      %rem3A = arith.remsi %scan3A_58, %jit3A : i32
      %ne3A_75 = arith.constant 0 : i32
      %ne3A_76 = arith.cmpi ne, %rem3A, %ne3A_75 : i32
      %and3A = arith.andi %ne3A_74, %ne3A_76 : i1
      %sub3A = arith.constant 1 : i32
      %sub3A_77 = arith.subi %div3A, %sub3A : i32
      %select_n3A = arith.select %and3A, %sub3A_77, %div3A : i32
      %jit3A_78 = arith.constant 8 : i32
      %eq3A_79 = arith.constant 0 : i32
      %eq3A_80 = arith.cmpi eq, %jit3A_78, %eq3A_79 : i32
      %jit3A_81 = arith.constant 1 : i32
      %select_n3A_82 = arith.select %eq3A_80, %jit3A_81, %jit3A_78 : i32
      %rem3A_83 = arith.remsi %scan3A_58, %select_n3A_82 : i32
      %ne3A_84 = arith.constant 0 : i32
      %ne3A_85 = arith.cmpi ne, %rem3A_83, %ne3A_84 : i32
      %lt3A = arith.constant 0 : i32
      %lt3A_86 = arith.cmpi slt, %rem3A_83, %lt3A : i32
      %lt3A_87 = arith.constant 0 : i32
      %lt3A_88 = arith.cmpi slt, %select_n3A_82, %lt3A_87 : i32
      %ne3A_89 = arith.xori %lt3A_86, %lt3A_88 : i1
      %and3A_90 = arith.andi %ne3A_89, %ne3A_85 : i1
      %add3A_91 = arith.addi %rem3A_83, %select_n3A_82 : i32
      %select_n3A_92 = arith.select %and3A_90, %add3A_91, %rem3A_83 : i32
      %mul3A_93 = arith.constant 16 : i32
      %mul3A_94 = arith.muli %select_n3A_92, %mul3A_93 : i32
      %swap3A = arith.index_cast %select_n3A : i32 to index
      %swap3A_95 = arith.index_cast %mul3A_94 : i32 to index
      %swap3A_96 = tpu.vector_load %arg8[%swap3A, %swap3A_95] {strides = array<i32>} : memref<128x128xf32, #tpu.memory_space<vmem>>, vector<1x16xf32>,
      %swap3A_97 = vector.shape_cast %swap3A_96 : vector<1x16xf32> to vector<16xf32>
      %swap3A_98 = vector.shape_cast %broadcast_in_dim3A_60 : vector<16xf32> to vector<1x16xf32>
      tpu.vector_store %arg8[%swap3A, %swap3A_95], %swap3A_98 {strides = array<i32>} : memref<128x128xf32, #tpu.memory_space<vmem>>, vector<1x16xf32>,
      %scan3A_99 = arith.constant 0 : i32
      scf.yield %scan3A_99 : i32
    }
    %scan3A_6 = arith.constant 1024 : i32
    %mul3A_7 = arith.constant 640 : i32
    %mul3A_8 = arith.muli %arg1, %mul3A_7 : i32
    %add3A_9 = arith.constant 0 : i32
    %add3A_10 = arith.addi %mul3A_8, %add3A_9 : i32
    "tpu.region"() ({
      %run_scoped3A = tpu.sem_alloc : memref<!tpu.dma_semaphore, #tpu.memory_space<semaphore_mem>>
      %dma_start3A = arith.constant 0 : i32
      %dma_start3A_58 = tpu.memref_slice %arg12[%add3A_10, %dma_start3A] : memref<10240x128xf32, #tpu.memory_space<vmem_shared>> -> memref<128x128xf32, #tpu.memory_space<vmem_shared>>
      %dma_start3A_59 = arith.constant 0 : i32
      %dma_start3A_60 = tpu.memref_slice %arg12[%add3A_10, %dma_start3A_59] : memref<10240x128xf32, #tpu.memory_space<vmem_shared>> -> memref<128x128xf32, #tpu.memory_space<vmem_shared>>
      tpu.enqueue_dma source(%arg8 : memref<128x128xf32, #tpu.memory_space<vmem>>) target(%dma_start3A_60 : memref<128x128xf32, #tpu.memory_space<vmem_shared>>) target_semaphore(%run_scoped3A : memref<!tpu.dma_semaphore, #tpu.memory_space<semaphore_mem>>)
      %dma_wait3A = arith.constant 0 : i32
      %dma_wait3A_61 = tpu.memref_slice %arg12[%add3A_10, %dma_wait3A] : memref<10240x128xf32, #tpu.memory_space<vmem_shared>> -> memref<128x128xf32, #tpu.memory_space<vmem_shared>>
      %dma_wait3A_62 = arith.constant 0 : i32
      %dma_wait3A_63 = tpu.memref_slice %arg12[%add3A_10, %dma_wait3A_62] : memref<10240x128xf32, #tpu.memory_space<vmem_shared>> -> memref<128x128xf32, #tpu.memory_space<vmem_shared>>
      tpu.wait_dma2 semaphore(%run_scoped3A : memref<!tpu.dma_semaphore, #tpu.memory_space<semaphore_mem>>) src(%arg8 : memref<128x128xf32, #tpu.memory_space<vmem>>) dst(%dma_wait3A_63 : memref<128x128xf32, #tpu.memory_space<vmem_shared>>)
      tpu.yield
    }) : () -> ()
    %mul3A_11 = arith.constant 640 : i32
    %mul3A_12 = arith.muli %arg1, %mul3A_11 : i32
    %add3A_13 = arith.constant 128 : i32
    %add3A_14 = arith.addi %mul3A_12, %add3A_13 : i32
    "tpu.region"() ({
      %run_scoped3A = tpu.sem_alloc : memref<!tpu.dma_semaphore, #tpu.memory_space<semaphore_mem>>
      %dma_start3A = arith.constant 0 : i32
      %dma_start3A_58 = tpu.memref_slice %arg12[%add3A_14, %dma_start3A] : memref<10240x128xf32, #tpu.memory_space<vmem_shared>> -> memref<128x128xf32, #tpu.memory_space<vmem_shared>>
      %dma_start3A_59 = arith.constant 0 : i32
      %dma_start3A_60 = tpu.memref_slice %arg12[%add3A_14, %dma_start3A_59] : memref<10240x128xf32, #tpu.memory_space<vmem_shared>> -> memref<128x128xf32, #tpu.memory_space<vmem_shared>>
      tpu.enqueue_dma source(%arg8 : memref<128x128xf32, #tpu.memory_space<vmem>>) target(%dma_start3A_60 : memref<128x128xf32, #tpu.memory_space<vmem_shared>>) target_semaphore(%run_scoped3A : memref<!tpu.dma_semaphore, #tpu.memory_space<semaphore_mem>>)
      %dma_wait3A = arith.constant 0 : i32
      %dma_wait3A_61 = tpu.memref_slice %arg12[%add3A_14, %dma_wait3A] : memref<10240x128xf32, #tpu.memory_space<vmem_shared>> -> memref<128x128xf32, #tpu.memory_space<vmem_shared>>
      %dma_wait3A_62 = arith.constant 0 : i32
      %dma_wait3A_63 = tpu.memref_slice %arg12[%add3A_14, %dma_wait3A_62] : memref<10240x128xf32, #tpu.memory_space<vmem_shared>> -> memref<128x128xf32, #tpu.memory_space<vmem_shared>>
      tpu.wait_dma2 semaphore(%run_scoped3A : memref<!tpu.dma_semaphore, #tpu.memory_space<semaphore_mem>>) src(%arg8 : memref<128x128xf32, #tpu.memory_space<vmem>>) dst(%dma_wait3A_63 : memref<128x128xf32, #tpu.memory_space<vmem_shared>>)
      tpu.yield
    }) : () -> ()
    %mul3A_15 = arith.constant 640 : i32
    %mul3A_16 = arith.muli %arg1, %mul3A_15 : i32
    %add3A_17 = arith.constant 256 : i32
    %add3A_18 = arith.addi %mul3A_16, %add3A_17 : i32
    "tpu.region"() ({
      %run_scoped3A = tpu.sem_alloc : memref<!tpu.dma_semaphore, #tpu.memory_space<semaphore_mem>>
      %dma_start3A = arith.constant 0 : i32
      %dma_start3A_58 = tpu.memref_slice %arg12[%add3A_18, %dma_start3A] : memref<10240x128xf32, #tpu.memory_space<vmem_shared>> -> memref<128x128xf32, #tpu.memory_space<vmem_shared>>
      %dma_start3A_59 = arith.constant 0 : i32
      %dma_start3A_60 = tpu.memref_slice %arg12[%add3A_18, %dma_start3A_59] : memref<10240x128xf32, #tpu.memory_space<vmem_shared>> -> memref<128x128xf32, #tpu.memory_space<vmem_shared>>
      tpu.enqueue_dma source(%arg8 : memref<128x128xf32, #tpu.memory_space<vmem>>) target(%dma_start3A_60 : memref<128x128xf32, #tpu.memory_space<vmem_shared>>) target_semaphore(%run_scoped3A : memref<!tpu.dma_semaphore, #tpu.memory_space<semaphore_mem>>)
      %dma_wait3A = arith.constant 0 : i32
      %dma_wait3A_61 = tpu.memref_slice %arg12[%add3A_18, %dma_wait3A] : memref<10240x128xf32, #tpu.memory_space<vmem_shared>> -> memref<128x128xf32, #tpu.memory_space<vmem_shared>>
      %dma_wait3A_62 = arith.constant 0 : i32
      %dma_wait3A_63 = tpu.memref_slice %arg12[%add3A_18, %dma_wait3A_62] : memref<10240x128xf32, #tpu.memory_space<vmem_shared>> -> memref<128x128xf32, #tpu.memory_space<vmem_shared>>
      tpu.wait_dma2 semaphore(%run_scoped3A : memref<!tpu.dma_semaphore, #tpu.memory_space<semaphore_mem>>) src(%arg8 : memref<128x128xf32, #tpu.memory_space<vmem>>) dst(%dma_wait3A_63 : memref<128x128xf32, #tpu.memory_space<vmem_shared>>)
      tpu.yield
    }) : () -> ()
    %mul3A_19 = arith.constant 640 : i32
    %mul3A_20 = arith.muli %arg1, %mul3A_19 : i32
    %add3A_21 = arith.constant 384 : i32
    %add3A_22 = arith.addi %mul3A_20, %add3A_21 : i32
    "tpu.region"() ({
      %run_scoped3A = tpu.sem_alloc : memref<!tpu.dma_semaphore, #tpu.memory_space<semaphore_mem>>
      %dma_start3A = arith.constant 0 : i32
      %dma_start3A_58 = tpu.memref_slice %arg12[%add3A_22, %dma_start3A] : memref<10240x128xf32, #tpu.memory_space<vmem_shared>> -> memref<128x128xf32, #tpu.memory_space<vmem_shared>>
      %dma_start3A_59 = arith.constant 0 : i32
      %dma_start3A_60 = tpu.memref_slice %arg12[%add3A_22, %dma_start3A_59] : memref<10240x128xf32, #tpu.memory_space<vmem_shared>> -> memref<128x128xf32, #tpu.memory_space<vmem_shared>>
      tpu.enqueue_dma source(%arg8 : memref<128x128xf32, #tpu.memory_space<vmem>>) target(%dma_start3A_60 : memref<128x128xf32, #tpu.memory_space<vmem_shared>>) target_semaphore(%run_scoped3A : memref<!tpu.dma_semaphore, #tpu.memory_space<semaphore_mem>>)
      %dma_wait3A = arith.constant 0 : i32
      %dma_wait3A_61 = tpu.memref_slice %arg12[%add3A_22, %dma_wait3A] : memref<10240x128xf32, #tpu.memory_space<vmem_shared>> -> memref<128x128xf32, #tpu.memory_space<vmem_shared>>
      %dma_wait3A_62 = arith.constant 0 : i32
      %dma_wait3A_63 = tpu.memref_slice %arg12[%add3A_22, %dma_wait3A_62] : memref<10240x128xf32, #tpu.memory_space<vmem_shared>> -> memref<128x128xf32, #tpu.memory_space<vmem_shared>>
      tpu.wait_dma2 semaphore(%run_scoped3A : memref<!tpu.dma_semaphore, #tpu.memory_space<semaphore_mem>>) src(%arg8 : memref<128x128xf32, #tpu.memory_space<vmem>>) dst(%dma_wait3A_63 : memref<128x128xf32, #tpu.memory_space<vmem_shared>>)
      tpu.yield
    }) : () -> ()
    %mul3A_23 = arith.constant 640 : i32
    %mul3A_24 = arith.muli %arg1, %mul3A_23 : i32
    %add3A_25 = arith.constant 512 : i32
    %add3A_26 = arith.addi %mul3A_24, %add3A_25 : i32
    "tpu.region"() ({
      %run_scoped3A = tpu.sem_alloc : memref<!tpu.dma_semaphore, #tpu.memory_space<semaphore_mem>>
      %dma_start3A = arith.constant 0 : i32
      %dma_start3A_58 = tpu.memref_slice %arg12[%add3A_26, %dma_start3A] : memref<10240x128xf32, #tpu.memory_space<vmem_shared>> -> memref<128x128xf32, #tpu.memory_space<vmem_shared>>
      %dma_start3A_59 = arith.constant 0 : i32
      %dma_start3A_60 = tpu.memref_slice %arg12[%add3A_26, %dma_start3A_59] : memref<10240x128xf32, #tpu.memory_space<vmem_shared>> -> memref<128x128xf32, #tpu.memory_space<vmem_shared>>
      tpu.enqueue_dma source(%arg8 : memref<128x128xf32, #tpu.memory_space<vmem>>) target(%dma_start3A_60 : memref<128x128xf32, #tpu.memory_space<vmem_shared>>) target_semaphore(%run_scoped3A : memref<!tpu.dma_semaphore, #tpu.memory_space<semaphore_mem>>)
      %dma_wait3A = arith.constant 0 : i32
      %dma_wait3A_61 = tpu.memref_slice %arg12[%add3A_26, %dma_wait3A] : memref<10240x128xf32, #tpu.memory_space<vmem_shared>> -> memref<128x128xf32, #tpu.memory_space<vmem_shared>>
      %dma_wait3A_62 = arith.constant 0 : i32
      %dma_wait3A_63 = tpu.memref_slice %arg12[%add3A_26, %dma_wait3A_62] : memref<10240x128xf32, #tpu.memory_space<vmem_shared>> -> memref<128x128xf32, #tpu.memory_space<vmem_shared>>
      tpu.wait_dma2 semaphore(%run_scoped3A : memref<!tpu.dma_semaphore, #tpu.memory_space<semaphore_mem>>) src(%arg8 : memref<128x128xf32, #tpu.memory_space<vmem>>) dst(%dma_wait3A_63 : memref<128x128xf32, #tpu.memory_space<vmem_shared>>)
      tpu.yield
    }) : () -> ()
    %barrier3A = arith.constant 0 : index
    tpu.barrier barrier_id(%barrier3A)
    %add3A_27 = arith.constant 16 : i32
    %add3A_28 = arith.addi %add3A_27, %arg1 : i32
    %add3A_29 = arith.constant 0 : i32
    %add3A_30 = arith.addi %add3A_29, %arg1 : i32
    %eq3A = arith.constant 1 : i32
    %eq3A_31 = arith.cmpi eq, %arg0, %eq3A : i32
    %convert_element_type3A = arith.extui %eq3A_31 : i1 to i32
    %cond3A = arith.constant 0 : i32
    %cond3A_32 = arith.cmpi ne, %convert_element_type3A, %cond3A : i32
    scf.if %cond3A_32 {
      "tpu.region"() ({
        %run_scoped3A = tpu.sem_alloc : memref<!tpu.dma_semaphore, #tpu.memory_space<semaphore_mem>>
        %dma_start3A_71 = arith.constant 0 : i32
        %dma_start3A_72 = arith.constant 0 : i32
        %dma_start3A_73 = tpu.memref_slice %arg3[%add3A_28, %dma_start3A_71, %dma_start3A_72] : memref<32x80x128xi32, #tpu.memory_space<hbm>> -> memref<1x40x128xi32, #tpu.memory_space<hbm>>
        %dma_start3A_74 = tpu.memref_squeeze %dma_start3A_73 : memref<1x40x128xi32, #tpu.memory_space<hbm>> -> memref<40x128xi32, #tpu.memory_space<hbm>>
        %dma_start3A_75 = arith.constant 0 : i32
        %dma_start3A_76 = arith.constant 0 : i32
        %dma_start3A_77 = tpu.memref_slice %arg3[%add3A_28, %dma_start3A_75, %dma_start3A_76] : memref<32x80x128xi32, #tpu.memory_space<hbm>> -> memref<1x40x128xi32, #tpu.memory_space<hbm>>
        %dma_start3A_78 = tpu.memref_squeeze %dma_start3A_77 : memref<1x40x128xi32, #tpu.memory_space<hbm>> -> memref<40x128xi32, #tpu.memory_space<hbm>>
        tpu.enqueue_dma source(%dma_start3A_78 : memref<40x128xi32, #tpu.memory_space<hbm>>) target(%arg6 : memref<40x128xi32, #tpu.memory_space<vmem>>) target_semaphore(%run_scoped3A : memref<!tpu.dma_semaphore, #tpu.memory_space<semaphore_mem>>)
        %dma_wait3A = arith.constant 0 : i32
        %dma_wait3A_79 = arith.constant 0 : i32
        %dma_wait3A_80 = tpu.memref_slice %arg3[%add3A_28, %dma_wait3A, %dma_wait3A_79] : memref<32x80x128xi32, #tpu.memory_space<hbm>> -> memref<1x40x128xi32, #tpu.memory_space<hbm>>
        %dma_wait3A_81 = tpu.memref_squeeze %dma_wait3A_80 : memref<1x40x128xi32, #tpu.memory_space<hbm>> -> memref<40x128xi32, #tpu.memory_space<hbm>>
        %dma_wait3A_82 = arith.constant 0 : i32
        %dma_wait3A_83 = arith.constant 0 : i32
        %dma_wait3A_84 = tpu.memref_slice %arg3[%add3A_28, %dma_wait3A_82, %dma_wait3A_83] : memref<32x80x128xi32, #tpu.memory_space<hbm>> -> memref<1x40x128xi32, #tpu.memory_space<hbm>>
        %dma_wait3A_85 = tpu.memref_squeeze %dma_wait3A_84 : memref<1x40x128xi32, #tpu.memory_space<hbm>> -> memref<40x128xi32, #tpu.memory_space<hbm>>
        tpu.wait_dma2 semaphore(%run_scoped3A : memref<!tpu.dma_semaphore, #tpu.memory_space<semaphore_mem>>) src(%dma_wait3A_85 : memref<40x128xi32, #tpu.memory_space<hbm>>) dst(%arg6 : memref<40x128xi32, #tpu.memory_space<vmem>>)
        tpu.yield
      }) : () -> ()
      "tpu.region"() ({
        %run_scoped3A = tpu.sem_alloc : memref<!tpu.dma_semaphore, #tpu.memory_space<semaphore_mem>>
        %dma_start3A_71 = arith.constant 0 : i32
        %dma_start3A_72 = arith.constant 0 : i32
        %dma_start3A_73 = tpu.memref_slice %arg4[%add3A_28, %dma_start3A_71, %dma_start3A_72] : memref<32x80x128xi32, #tpu.memory_space<hbm>> -> memref<1x40x128xi32, #tpu.memory_space<hbm>>
        %dma_start3A_74 = tpu.memref_squeeze %dma_start3A_73 : memref<1x40x128xi32, #tpu.memory_space<hbm>> -> memref<40x128xi32, #tpu.memory_space<hbm>>
        %dma_start3A_75 = arith.constant 0 : i32
        %dma_start3A_76 = arith.constant 0 : i32
        %dma_start3A_77 = tpu.memref_slice %arg4[%add3A_28, %dma_start3A_75, %dma_start3A_76] : memref<32x80x128xi32, #tpu.memory_space<hbm>> -> memref<1x40x128xi32, #tpu.memory_space<hbm>>
        %dma_start3A_78 = tpu.memref_squeeze %dma_start3A_77 : memref<1x40x128xi32, #tpu.memory_space<hbm>> -> memref<40x128xi32, #tpu.memory_space<hbm>>
        tpu.enqueue_dma source(%dma_start3A_78 : memref<40x128xi32, #tpu.memory_space<hbm>>) target(%arg7 : memref<40x128xi32, #tpu.memory_space<vmem>>) target_semaphore(%run_scoped3A : memref<!tpu.dma_semaphore, #tpu.memory_space<semaphore_mem>>)
        %dma_wait3A = arith.constant 0 : i32
        %dma_wait3A_79 = arith.constant 0 : i32
        %dma_wait3A_80 = tpu.memref_slice %arg4[%add3A_28, %dma_wait3A, %dma_wait3A_79] : memref<32x80x128xi32, #tpu.memory_space<hbm>> -> memref<1x40x128xi32, #tpu.memory_space<hbm>>
        %dma_wait3A_81 = tpu.memref_squeeze %dma_wait3A_80 : memref<1x40x128xi32, #tpu.memory_space<hbm>> -> memref<40x128xi32, #tpu.memory_space<hbm>>
        %dma_wait3A_82 = arith.constant 0 : i32
        %dma_wait3A_83 = arith.constant 0 : i32
        %dma_wait3A_84 = tpu.memref_slice %arg4[%add3A_28, %dma_wait3A_82, %dma_wait3A_83] : memref<32x80x128xi32, #tpu.memory_space<hbm>> -> memref<1x40x128xi32, #tpu.memory_space<hbm>>
        %dma_wait3A_85 = tpu.memref_squeeze %dma_wait3A_84 : memref<1x40x128xi32, #tpu.memory_space<hbm>> -> memref<40x128xi32, #tpu.memory_space<hbm>>
        tpu.wait_dma2 semaphore(%run_scoped3A : memref<!tpu.dma_semaphore, #tpu.memory_space<semaphore_mem>>) src(%dma_wait3A_85 : memref<40x128xi32, #tpu.memory_space<hbm>>) dst(%arg7 : memref<40x128xi32, #tpu.memory_space<vmem>>)
        tpu.yield
      }) : () -> ()
      %dma_start3A = arith.constant 0 : i32
      %dma_start3A_58 = arith.constant 0 : i32
      %dma_start3A_59 = tpu.memref_slice %arg6[%dma_start3A, %dma_start3A_58] : memref<40x128xi32, #tpu.memory_space<vmem>> -> memref<1x128xi32, #tpu.memory_space<vmem>>
      %dma_start3A_60 = tpu.memref_squeeze %dma_start3A_59 : memref<1x128xi32, #tpu.memory_space<vmem>> -> memref<128xi32, #tpu.memory_space<vmem>>
      %dma_start3A_61 = arith.constant 0 : i32
      %dma_start3A_62 = arith.constant 0 : i32
      %dma_start3A_63 = tpu.memref_slice %arg2[%dma_start3A_61, %dma_start3A_62] : memref<10240x128xf32, #tpu.memory_space<hbm>> -> memref<10240x128xf32, #tpu.memory_space<hbm>>
      tpu.enqueue_indirect_dma source(%dma_start3A_63 : memref<10240x128xf32, #tpu.memory_space<hbm>>) target(%arg8 : memref<128x128xf32, #tpu.memory_space<vmem>>) offsets(%dma_start3A_60 : memref<128xi32, #tpu.memory_space<vmem>>) semaphore(%arg10 : memref<!tpu.dma_semaphore, #tpu.memory_space<semaphore_mem>>)
      %scan3A_64 = arith.constant 0 : i32
      %scan3A_65 = arith.constant 0 : i32
      %scan3A_66 = arith.constant 20 : i32
      %scan3A_67 = arith.addi %scan3A_65, %scan3A_66 : i32
      %scan3A_68 = arith.constant 1 : i32
      %scan3A_69 = scf.for %scan3A_71 = %scan3A_65 to %scan3A_67 step %scan3A_68 iter_args(%scan3A_72 = %scan3A_64) -> (i32)  : i32 {
        %mul3A_73 = arith.constant 2 : i32
        %mul3A_74 = arith.muli %mul3A_73, %scan3A_71 : i32
        %add3A_75 = arith.constant 1 : i32
        %add3A_76 = arith.addi %mul3A_74, %add3A_75 : i32
        %dma_start3A_77 = arith.constant 0 : i32
        %dma_start3A_78 = tpu.memref_slice %arg6[%add3A_76, %dma_start3A_77] : memref<40x128xi32, #tpu.memory_space<vmem>> -> memref<1x128xi32, #tpu.memory_space<vmem>>
        %dma_start3A_79 = tpu.memref_squeeze %dma_start3A_78 : memref<1x128xi32, #tpu.memory_space<vmem>> -> memref<128xi32, #tpu.memory_space<vmem>>
        %dma_start3A_80 = arith.constant 0 : i32
        %dma_start3A_81 = arith.constant 0 : i32
        %dma_start3A_82 = tpu.memref_slice %arg2[%dma_start3A_80, %dma_start3A_81] : memref<10240x128xf32, #tpu.memory_space<hbm>> -> memref<10240x128xf32, #tpu.memory_space<hbm>>
        tpu.enqueue_indirect_dma source(%dma_start3A_82 : memref<10240x128xf32, #tpu.memory_space<hbm>>) target(%arg9 : memref<128x128xf32, #tpu.memory_space<vmem>>) offsets(%dma_start3A_79 : memref<128xi32, #tpu.memory_space<vmem>>) semaphore(%arg11 : memref<!tpu.dma_semaphore, #tpu.memory_space<semaphore_mem>>)
        %dma_wait3A = arith.constant 0 : i32
        %dma_wait3A_83 = tpu.memref_slice %arg6[%mul3A_74, %dma_wait3A] : memref<40x128xi32, #tpu.memory_space<vmem>> -> memref<1x128xi32, #tpu.memory_space<vmem>>
        %dma_wait3A_84 = tpu.memref_squeeze %dma_wait3A_83 : memref<1x128xi32, #tpu.memory_space<vmem>> -> memref<128xi32, #tpu.memory_space<vmem>>
        %dma_wait3A_85 = arith.constant 0 : i32
        %dma_wait3A_86 = arith.constant 0 : i32
        %dma_wait3A_87 = tpu.memref_slice %arg2[%dma_wait3A_85, %dma_wait3A_86] : memref<10240x128xf32, #tpu.memory_space<hbm>> -> memref<10240x128xf32, #tpu.memory_space<hbm>>
        tpu.wait_indirect_dma semaphore(%arg10 : memref<!tpu.dma_semaphore, #tpu.memory_space<semaphore_mem>>) src(%dma_wait3A_87 : memref<10240x128xf32, #tpu.memory_space<hbm>>) dst(%arg8 : memref<128x128xf32, #tpu.memory_space<vmem>>)
        "tpu.region"() ({
          %run_scoped3A = tpu.sem_alloc : memref<!tpu.dma_semaphore, #tpu.memory_space<semaphore_mem>>
          %dma_start3A_105 = arith.constant 0 : i32
          %dma_start3A_106 = tpu.memref_slice %arg7[%mul3A_74, %dma_start3A_105] : memref<40x128xi32, #tpu.memory_space<vmem>> -> memref<1x128xi32, #tpu.memory_space<vmem>>
          %dma_start3A_107 = tpu.memref_squeeze %dma_start3A_106 : memref<1x128xi32, #tpu.memory_space<vmem>> -> memref<128xi32, #tpu.memory_space<vmem>>
          %dma_start3A_108 = arith.constant 0 : i32
          %dma_start3A_109 = arith.constant 0 : i32
          %dma_start3A_110 = tpu.memref_slice %arg12[%dma_start3A_108, %dma_start3A_109] : memref<10240x128xf32, #tpu.memory_space<vmem_shared>> -> memref<10240x128xf32, #tpu.memory_space<vmem_shared>>
          tpu.enqueue_indirect_dma source(%arg8 : memref<128x128xf32, #tpu.memory_space<vmem>>) target(%dma_start3A_110 : memref<10240x128xf32, #tpu.memory_space<vmem_shared>>) offsets(%dma_start3A_107 : memref<128xi32, #tpu.memory_space<vmem>>) semaphore(%run_scoped3A : memref<!tpu.dma_semaphore, #tpu.memory_space<semaphore_mem>>) {add = true}
          %dma_wait3A_111 = arith.constant 0 : i32
          %dma_wait3A_112 = tpu.memref_slice %arg7[%mul3A_74, %dma_wait3A_111] : memref<40x128xi32, #tpu.memory_space<vmem>> -> memref<1x128xi32, #tpu.memory_space<vmem>>
          %dma_wait3A_113 = tpu.memref_squeeze %dma_wait3A_112 : memref<1x128xi32, #tpu.memory_space<vmem>> -> memref<128xi32, #tpu.memory_space<vmem>>
          %dma_wait3A_114 = arith.constant 0 : i32
          %dma_wait3A_115 = arith.constant 0 : i32
          %dma_wait3A_116 = tpu.memref_slice %arg12[%dma_wait3A_114, %dma_wait3A_115] : memref<10240x128xf32, #tpu.memory_space<vmem_shared>> -> memref<10240x128xf32, #tpu.memory_space<vmem_shared>>
          tpu.wait_indirect_dma semaphore(%run_scoped3A : memref<!tpu.dma_semaphore, #tpu.memory_space<semaphore_mem>>) src(%arg8 : memref<128x128xf32, #tpu.memory_space<vmem>>) dst(%dma_wait3A_116 : memref<10240x128xf32, #tpu.memory_space<vmem_shared>>)
          tpu.yield
        }) : () -> ()
        %add3A_88 = arith.constant 1 : i32
        %add3A_89 = arith.addi %scan3A_71, %add3A_88 : i32
        %lt3A = arith.constant 20 : i32
        %lt3A_90 = arith.cmpi slt, %add3A_89, %lt3A : i32
        %convert_element_type3A_91 = arith.extui %lt3A_90 : i1 to i32
        %cond3A_92 = arith.constant 0 : i32
        %cond3A_93 = arith.cmpi ne, %convert_element_type3A_91, %cond3A_92 : i32
        scf.if %cond3A_93 {
          %add3A_105 = arith.constant 2 : i32
          %add3A_106 = arith.addi %mul3A_74, %add3A_105 : i32
          %dma_start3A_107 = arith.constant 0 : i32
          %dma_start3A_108 = tpu.memref_slice %arg6[%add3A_106, %dma_start3A_107] : memref<40x128xi32, #tpu.memory_space<vmem>> -> memref<1x128xi32, #tpu.memory_space<vmem>>
          %dma_start3A_109 = tpu.memref_squeeze %dma_start3A_108 : memref<1x128xi32, #tpu.memory_space<vmem>> -> memref<128xi32, #tpu.memory_space<vmem>>
          %dma_start3A_110 = arith.constant 0 : i32
          %dma_start3A_111 = arith.constant 0 : i32
          %dma_start3A_112 = tpu.memref_slice %arg2[%dma_start3A_110, %dma_start3A_111] : memref<10240x128xf32, #tpu.memory_space<hbm>> -> memref<10240x128xf32, #tpu.memory_space<hbm>>
          tpu.enqueue_indirect_dma source(%dma_start3A_112 : memref<10240x128xf32, #tpu.memory_space<hbm>>) target(%arg8 : memref<128x128xf32, #tpu.memory_space<vmem>>) offsets(%dma_start3A_109 : memref<128xi32, #tpu.memory_space<vmem>>) semaphore(%arg10 : memref<!tpu.dma_semaphore, #tpu.memory_space<semaphore_mem>>)
        } else {
        }
        %add3A_94 = arith.constant 1 : i32
        %add3A_95 = arith.addi %mul3A_74, %add3A_94 : i32
        %dma_wait3A_96 = arith.constant 0 : i32
        %dma_wait3A_97 = tpu.memref_slice %arg6[%add3A_95, %dma_wait3A_96] : memref<40x128xi32, #tpu.memory_space<vmem>> -> memref<1x128xi32, #tpu.memory_space<vmem>>
        %dma_wait3A_98 = tpu.memref_squeeze %dma_wait3A_97 : memref<1x128xi32, #tpu.memory_space<vmem>> -> memref<128xi32, #tpu.memory_space<vmem>>
        %dma_wait3A_99 = arith.constant 0 : i32
        %dma_wait3A_100 = arith.constant 0 : i32
        %dma_wait3A_101 = tpu.memref_slice %arg2[%dma_wait3A_99, %dma_wait3A_100] : memref<10240x128xf32, #tpu.memory_space<hbm>> -> memref<10240x128xf32, #tpu.memory_space<hbm>>
        tpu.wait_indirect_dma semaphore(%arg11 : memref<!tpu.dma_semaphore, #tpu.memory_space<semaphore_mem>>) src(%dma_wait3A_101 : memref<10240x128xf32, #tpu.memory_space<hbm>>) dst(%arg9 : memref<128x128xf32, #tpu.memory_space<vmem>>)
        %add3A_102 = arith.constant 1 : i32
        %add3A_103 = arith.addi %mul3A_74, %add3A_102 : i32
        "tpu.region"() ({
          %run_scoped3A = tpu.sem_alloc : memref<!tpu.dma_semaphore, #tpu.memory_space<semaphore_mem>>
          %dma_start3A_105 = arith.constant 0 : i32
          %dma_start3A_106 = tpu.memref_slice %arg7[%add3A_103, %dma_start3A_105] : memref<40x128xi32, #tpu.memory_space<vmem>> -> memref<1x128xi32, #tpu.memory_space<vmem>>
          %dma_start3A_107 = tpu.memref_squeeze %dma_start3A_106 : memref<1x128xi32, #tpu.memory_space<vmem>> -> memref<128xi32, #tpu.memory_space<vmem>>
          %dma_start3A_108 = arith.constant 0 : i32
          %dma_start3A_109 = arith.constant 0 : i32
          %dma_start3A_110 = tpu.memref_slice %arg12[%dma_start3A_108, %dma_start3A_109] : memref<10240x128xf32, #tpu.memory_space<vmem_shared>> -> memref<10240x128xf32, #tpu.memory_space<vmem_shared>>
          tpu.enqueue_indirect_dma source(%arg9 : memref<128x128xf32, #tpu.memory_space<vmem>>) target(%dma_start3A_110 : memref<10240x128xf32, #tpu.memory_space<vmem_shared>>) offsets(%dma_start3A_107 : memref<128xi32, #tpu.memory_space<vmem>>) semaphore(%run_scoped3A : memref<!tpu.dma_semaphore, #tpu.memory_space<semaphore_mem>>) {add = true}
          %dma_wait3A_111 = arith.constant 0 : i32
          %dma_wait3A_112 = tpu.memref_slice %arg7[%add3A_103, %dma_wait3A_111] : memref<40x128xi32, #tpu.memory_space<vmem>> -> memref<1x128xi32, #tpu.memory_space<vmem>>
          %dma_wait3A_113 = tpu.memref_squeeze %dma_wait3A_112 : memref<1x128xi32, #tpu.memory_space<vmem>> -> memref<128xi32, #tpu.memory_space<vmem>>
          %dma_wait3A_114 = arith.constant 0 : i32
          %dma_wait3A_115 = arith.constant 0 : i32
          %dma_wait3A_116 = tpu.memref_slice %arg12[%dma_wait3A_114, %dma_wait3A_115] : memref<10240x128xf32, #tpu.memory_space<vmem_shared>> -> memref<10240x128xf32, #tpu.memory_space<vmem_shared>>
          tpu.wait_indirect_dma semaphore(%run_scoped3A : memref<!tpu.dma_semaphore, #tpu.memory_space<semaphore_mem>>) src(%arg9 : memref<128x128xf32, #tpu.memory_space<vmem>>) dst(%dma_wait3A_116 : memref<10240x128xf32, #tpu.memory_space<vmem_shared>>)
          tpu.yield
        }) : () -> ()
        %scan3A_104 = arith.constant 0 : i32
        scf.yield %scan3A_104 : i32
      }
      %scan3A_70 = arith.constant 20 : i32
    } else {
    }
    %ne3A = arith.constant 1 : i32
    %ne3A_33 = arith.cmpi ne, %arg0, %ne3A : i32
    %convert_element_type3A_34 = arith.extui %ne3A_33 : i1 to i32
    %cond3A_35 = arith.constant 0 : i32
    %cond3A_36 = arith.cmpi ne, %convert_element_type3A_34, %cond3A_35 : i32
    scf.if %cond3A_36 {
      "tpu.region"() ({
        %run_scoped3A = tpu.sem_alloc : memref<!tpu.dma_semaphore, #tpu.memory_space<semaphore_mem>>
        %dma_start3A_99 = arith.constant 0 : i32
        %dma_start3A_100 = arith.constant 0 : i32
        %dma_start3A_101 = tpu.memref_slice %arg3[%add3A_30, %dma_start3A_99, %dma_start3A_100] : memref<32x80x128xi32, #tpu.memory_space<hbm>> -> memref<1x40x128xi32, #tpu.memory_space<hbm>>
        %dma_start3A_102 = tpu.memref_squeeze %dma_start3A_101 : memref<1x40x128xi32, #tpu.memory_space<hbm>> -> memref<40x128xi32, #tpu.memory_space<hbm>>
        %dma_start3A_103 = arith.constant 0 : i32
        %dma_start3A_104 = arith.constant 0 : i32
        %dma_start3A_105 = tpu.memref_slice %arg3[%add3A_30, %dma_start3A_103, %dma_start3A_104] : memref<32x80x128xi32, #tpu.memory_space<hbm>> -> memref<1x40x128xi32, #tpu.memory_space<hbm>>
        %dma_start3A_106 = tpu.memref_squeeze %dma_start3A_105 : memref<1x40x128xi32, #tpu.memory_space<hbm>> -> memref<40x128xi32, #tpu.memory_space<hbm>>
        tpu.enqueue_dma source(%dma_start3A_106 : memref<40x128xi32, #tpu.memory_space<hbm>>) target(%arg6 : memref<40x128xi32, #tpu.memory_space<vmem>>) target_semaphore(%run_scoped3A : memref<!tpu.dma_semaphore, #tpu.memory_space<semaphore_mem>>)
        %dma_wait3A = arith.constant 0 : i32
        %dma_wait3A_107 = arith.constant 0 : i32
        %dma_wait3A_108 = tpu.memref_slice %arg3[%add3A_30, %dma_wait3A, %dma_wait3A_107] : memref<32x80x128xi32, #tpu.memory_space<hbm>> -> memref<1x40x128xi32, #tpu.memory_space<hbm>>
        %dma_wait3A_109 = tpu.memref_squeeze %dma_wait3A_108 : memref<1x40x128xi32, #tpu.memory_space<hbm>> -> memref<40x128xi32, #tpu.memory_space<hbm>>
        %dma_wait3A_110 = arith.constant 0 : i32
        %dma_wait3A_111 = arith.constant 0 : i32
        %dma_wait3A_112 = tpu.memref_slice %arg3[%add3A_30, %dma_wait3A_110, %dma_wait3A_111] : memref<32x80x128xi32, #tpu.memory_space<hbm>> -> memref<1x40x128xi32, #tpu.memory_space<hbm>>
        %dma_wait3A_113 = tpu.memref_squeeze %dma_wait3A_112 : memref<1x40x128xi32, #tpu.memory_space<hbm>> -> memref<40x128xi32, #tpu.memory_space<hbm>>
        tpu.wait_dma2 semaphore(%run_scoped3A : memref<!tpu.dma_semaphore, #tpu.memory_space<semaphore_mem>>) src(%dma_wait3A_113 : memref<40x128xi32, #tpu.memory_space<hbm>>) dst(%arg6 : memref<40x128xi32, #tpu.memory_space<vmem>>)
        tpu.yield
      }) : () -> ()
      "tpu.region"() ({
        %run_scoped3A = tpu.sem_alloc : memref<!tpu.dma_semaphore, #tpu.memory_space<semaphore_mem>>
        %dma_start3A_99 = arith.constant 0 : i32
        %dma_start3A_100 = arith.constant 0 : i32
        %dma_start3A_101 = tpu.memref_slice %arg4[%add3A_30, %dma_start3A_99, %dma_start3A_100] : memref<32x80x128xi32, #tpu.memory_space<hbm>> -> memref<1x40x128xi32, #tpu.memory_space<hbm>>
        %dma_start3A_102 = tpu.memref_squeeze %dma_start3A_101 : memref<1x40x128xi32, #tpu.memory_space<hbm>> -> memref<40x128xi32, #tpu.memory_space<hbm>>
        %dma_start3A_103 = arith.constant 0 : i32
        %dma_start3A_104 = arith.constant 0 : i32
        %dma_start3A_105 = tpu.memref_slice %arg4[%add3A_30, %dma_start3A_103, %dma_start3A_104] : memref<32x80x128xi32, #tpu.memory_space<hbm>> -> memref<1x40x128xi32, #tpu.memory_space<hbm>>
        %dma_start3A_106 = tpu.memref_squeeze %dma_start3A_105 : memref<1x40x128xi32, #tpu.memory_space<hbm>> -> memref<40x128xi32, #tpu.memory_space<hbm>>
        tpu.enqueue_dma source(%dma_start3A_106 : memref<40x128xi32, #tpu.memory_space<hbm>>) target(%arg7 : memref<40x128xi32, #tpu.memory_space<vmem>>) target_semaphore(%run_scoped3A : memref<!tpu.dma_semaphore, #tpu.memory_space<semaphore_mem>>)
        %dma_wait3A = arith.constant 0 : i32
        %dma_wait3A_107 = arith.constant 0 : i32
        %dma_wait3A_108 = tpu.memref_slice %arg4[%add3A_30, %dma_wait3A, %dma_wait3A_107] : memref<32x80x128xi32, #tpu.memory_space<hbm>> -> memref<1x40x128xi32, #tpu.memory_space<hbm>>
        %dma_wait3A_109 = tpu.memref_squeeze %dma_wait3A_108 : memref<1x40x128xi32, #tpu.memory_space<hbm>> -> memref<40x128xi32, #tpu.memory_space<hbm>>
        %dma_wait3A_110 = arith.constant 0 : i32
        %dma_wait3A_111 = arith.constant 0 : i32
        %dma_wait3A_112 = tpu.memref_slice %arg4[%add3A_30, %dma_wait3A_110, %dma_wait3A_111] : memref<32x80x128xi32, #tpu.memory_space<hbm>> -> memref<1x40x128xi32, #tpu.memory_space<hbm>>
        %dma_wait3A_113 = tpu.memref_squeeze %dma_wait3A_112 : memref<1x40x128xi32, #tpu.memory_space<hbm>> -> memref<40x128xi32, #tpu.memory_space<hbm>>
        tpu.wait_dma2 semaphore(%run_scoped3A : memref<!tpu.dma_semaphore, #tpu.memory_space<semaphore_mem>>) src(%dma_wait3A_113 : memref<40x128xi32, #tpu.memory_space<hbm>>) dst(%arg7 : memref<40x128xi32, #tpu.memory_space<vmem>>)
        tpu.yield
      }) : () -> ()
      %dma_start3A = arith.constant 0 : i32
      %dma_start3A_58 = arith.constant 0 : i32
      %dma_start3A_59 = tpu.memref_slice %arg6[%dma_start3A, %dma_start3A_58] : memref<40x128xi32, #tpu.memory_space<vmem>> -> memref<1x128xi32, #tpu.memory_space<vmem>>
      %dma_start3A_60 = tpu.memref_squeeze %dma_start3A_59 : memref<1x128xi32, #tpu.memory_space<vmem>> -> memref<128xi32, #tpu.memory_space<vmem>>
      %dma_start3A_61 = arith.constant 0 : i32
      %dma_start3A_62 = arith.constant 0 : i32
      %dma_start3A_63 = tpu.memref_slice %arg2[%dma_start3A_61, %dma_start3A_62] : memref<10240x128xf32, #tpu.memory_space<hbm>> -> memref<10240x128xf32, #tpu.memory_space<hbm>>
      tpu.enqueue_indirect_dma source(%dma_start3A_63 : memref<10240x128xf32, #tpu.memory_space<hbm>>) target(%arg8 : memref<128x128xf32, #tpu.memory_space<vmem>>) offsets(%dma_start3A_60 : memref<128xi32, #tpu.memory_space<vmem>>) semaphore(%arg10 : memref<!tpu.dma_semaphore, #tpu.memory_space<semaphore_mem>>)
      %scan3A_64 = arith.constant 0 : i32
      %scan3A_65 = arith.constant 0 : i32
      %scan3A_66 = arith.constant 20 : i32
      %scan3A_67 = arith.addi %scan3A_65, %scan3A_66 : i32
      %scan3A_68 = arith.constant 1 : i32
      %scan3A_69 = scf.for %scan3A_99 = %scan3A_65 to %scan3A_67 step %scan3A_68 iter_args(%scan3A_100 = %scan3A_64) -> (i32)  : i32 {
        %mul3A_101 = arith.constant 2 : i32
        %mul3A_102 = arith.muli %mul3A_101, %scan3A_99 : i32
        %add3A_103 = arith.constant 1 : i32
        %add3A_104 = arith.addi %mul3A_102, %add3A_103 : i32
        %dma_start3A_105 = arith.constant 0 : i32
        %dma_start3A_106 = tpu.memref_slice %arg6[%add3A_104, %dma_start3A_105] : memref<40x128xi32, #tpu.memory_space<vmem>> -> memref<1x128xi32, #tpu.memory_space<vmem>>
        %dma_start3A_107 = tpu.memref_squeeze %dma_start3A_106 : memref<1x128xi32, #tpu.memory_space<vmem>> -> memref<128xi32, #tpu.memory_space<vmem>>
        %dma_start3A_108 = arith.constant 0 : i32
        %dma_start3A_109 = arith.constant 0 : i32
        %dma_start3A_110 = tpu.memref_slice %arg2[%dma_start3A_108, %dma_start3A_109] : memref<10240x128xf32, #tpu.memory_space<hbm>> -> memref<10240x128xf32, #tpu.memory_space<hbm>>
        tpu.enqueue_indirect_dma source(%dma_start3A_110 : memref<10240x128xf32, #tpu.memory_space<hbm>>) target(%arg9 : memref<128x128xf32, #tpu.memory_space<vmem>>) offsets(%dma_start3A_107 : memref<128xi32, #tpu.memory_space<vmem>>) semaphore(%arg11 : memref<!tpu.dma_semaphore, #tpu.memory_space<semaphore_mem>>)
        %dma_wait3A = arith.constant 0 : i32
        %dma_wait3A_111 = tpu.memref_slice %arg6[%mul3A_102, %dma_wait3A] : memref<40x128xi32, #tpu.memory_space<vmem>> -> memref<1x128xi32, #tpu.memory_space<vmem>>
        %dma_wait3A_112 = tpu.memref_squeeze %dma_wait3A_111 : memref<1x128xi32, #tpu.memory_space<vmem>> -> memref<128xi32, #tpu.memory_space<vmem>>
        %dma_wait3A_113 = arith.constant 0 : i32
        %dma_wait3A_114 = arith.constant 0 : i32
        %dma_wait3A_115 = tpu.memref_slice %arg2[%dma_wait3A_113, %dma_wait3A_114] : memref<10240x128xf32, #tpu.memory_space<hbm>> -> memref<10240x128xf32, #tpu.memory_space<hbm>>
        tpu.wait_indirect_dma semaphore(%arg10 : memref<!tpu.dma_semaphore, #tpu.memory_space<semaphore_mem>>) src(%dma_wait3A_115 : memref<10240x128xf32, #tpu.memory_space<hbm>>) dst(%arg8 : memref<128x128xf32, #tpu.memory_space<vmem>>)
        "tpu.region"() ({
          %run_scoped3A = tpu.sem_alloc : memref<!tpu.dma_semaphore, #tpu.memory_space<semaphore_mem>>
          %dma_start3A_133 = arith.constant 0 : i32
          %dma_start3A_134 = tpu.memref_slice %arg7[%mul3A_102, %dma_start3A_133] : memref<40x128xi32, #tpu.memory_space<vmem>> -> memref<1x128xi32, #tpu.memory_space<vmem>>
          %dma_start3A_135 = tpu.memref_squeeze %dma_start3A_134 : memref<1x128xi32, #tpu.memory_space<vmem>> -> memref<128xi32, #tpu.memory_space<vmem>>
          %dma_start3A_136 = arith.constant 0 : i32
          %dma_start3A_137 = arith.constant 0 : i32
          %dma_start3A_138 = tpu.memref_slice %arg12[%dma_start3A_136, %dma_start3A_137] : memref<10240x128xf32, #tpu.memory_space<vmem_shared>> -> memref<10240x128xf32, #tpu.memory_space<vmem_shared>>
          tpu.enqueue_indirect_dma source(%arg8 : memref<128x128xf32, #tpu.memory_space<vmem>>) target(%dma_start3A_138 : memref<10240x128xf32, #tpu.memory_space<vmem_shared>>) offsets(%dma_start3A_135 : memref<128xi32, #tpu.memory_space<vmem>>) semaphore(%run_scoped3A : memref<!tpu.dma_semaphore, #tpu.memory_space<semaphore_mem>>) {add = true}
          %dma_wait3A_139 = arith.constant 0 : i32
          %dma_wait3A_140 = tpu.memref_slice %arg7[%mul3A_102, %dma_wait3A_139] : memref<40x128xi32, #tpu.memory_space<vmem>> -> memref<1x128xi32, #tpu.memory_space<vmem>>
          %dma_wait3A_141 = tpu.memref_squeeze %dma_wait3A_140 : memref<1x128xi32, #tpu.memory_space<vmem>> -> memref<128xi32, #tpu.memory_space<vmem>>
          %dma_wait3A_142 = arith.constant 0 : i32
          %dma_wait3A_143 = arith.constant 0 : i32
          %dma_wait3A_144 = tpu.memref_slice %arg12[%dma_wait3A_142, %dma_wait3A_143] : memref<10240x128xf32, #tpu.memory_space<vmem_shared>> -> memref<10240x128xf32, #tpu.memory_space<vmem_shared>>
          tpu.wait_indirect_dma semaphore(%run_scoped3A : memref<!tpu.dma_semaphore, #tpu.memory_space<semaphore_mem>>) src(%arg8 : memref<128x128xf32, #tpu.memory_space<vmem>>) dst(%dma_wait3A_144 : memref<10240x128xf32, #tpu.memory_space<vmem_shared>>)
          tpu.yield
        }) : () -> ()
        %add3A_116 = arith.constant 1 : i32
        %add3A_117 = arith.addi %scan3A_99, %add3A_116 : i32
        %lt3A = arith.constant 20 : i32
        %lt3A_118 = arith.cmpi slt, %add3A_117, %lt3A : i32
        %convert_element_type3A_119 = arith.extui %lt3A_118 : i1 to i32
        %cond3A_120 = arith.constant 0 : i32
        %cond3A_121 = arith.cmpi ne, %convert_element_type3A_119, %cond3A_120 : i32
        scf.if %cond3A_121 {
          %add3A_133 = arith.constant 2 : i32
          %add3A_134 = arith.addi %mul3A_102, %add3A_133 : i32
          %dma_start3A_135 = arith.constant 0 : i32
          %dma_start3A_136 = tpu.memref_slice %arg6[%add3A_134, %dma_start3A_135] : memref<40x128xi32, #tpu.memory_space<vmem>> -> memref<1x128xi32, #tpu.memory_space<vmem>>
          %dma_start3A_137 = tpu.memref_squeeze %dma_start3A_136 : memref<1x128xi32, #tpu.memory_space<vmem>> -> memref<128xi32, #tpu.memory_space<vmem>>
          %dma_start3A_138 = arith.constant 0 : i32
          %dma_start3A_139 = arith.constant 0 : i32
          %dma_start3A_140 = tpu.memref_slice %arg2[%dma_start3A_138, %dma_start3A_139] : memref<10240x128xf32, #tpu.memory_space<hbm>> -> memref<10240x128xf32, #tpu.memory_space<hbm>>
          tpu.enqueue_indirect_dma source(%dma_start3A_140 : memref<10240x128xf32, #tpu.memory_space<hbm>>) target(%arg8 : memref<128x128xf32, #tpu.memory_space<vmem>>) offsets(%dma_start3A_137 : memref<128xi32, #tpu.memory_space<vmem>>) semaphore(%arg10 : memref<!tpu.dma_semaphore, #tpu.memory_space<semaphore_mem>>)
        } else {
        }
        %add3A_122 = arith.constant 1 : i32
        %add3A_123 = arith.addi %mul3A_102, %add3A_122 : i32
        %dma_wait3A_124 = arith.constant 0 : i32
        %dma_wait3A_125 = tpu.memref_slice %arg6[%add3A_123, %dma_wait3A_124] : memref<40x128xi32, #tpu.memory_space<vmem>> -> memref<1x128xi32, #tpu.memory_space<vmem>>
        %dma_wait3A_126 = tpu.memref_squeeze %dma_wait3A_125 : memref<1x128xi32, #tpu.memory_space<vmem>> -> memref<128xi32, #tpu.memory_space<vmem>>
        %dma_wait3A_127 = arith.constant 0 : i32
        %dma_wait3A_128 = arith.constant 0 : i32
        %dma_wait3A_129 = tpu.memref_slice %arg2[%dma_wait3A_127, %dma_wait3A_128] : memref<10240x128xf32, #tpu.memory_space<hbm>> -> memref<10240x128xf32, #tpu.memory_space<hbm>>
        tpu.wait_indirect_dma semaphore(%arg11 : memref<!tpu.dma_semaphore, #tpu.memory_space<semaphore_mem>>) src(%dma_wait3A_129 : memref<10240x128xf32, #tpu.memory_space<hbm>>) dst(%arg9 : memref<128x128xf32, #tpu.memory_space<vmem>>)
        %add3A_130 = arith.constant 1 : i32
        %add3A_131 = arith.addi %mul3A_102, %add3A_130 : i32
        "tpu.region"() ({
          %run_scoped3A = tpu.sem_alloc : memref<!tpu.dma_semaphore, #tpu.memory_space<semaphore_mem>>
          %dma_start3A_133 = arith.constant 0 : i32
          %dma_start3A_134 = tpu.memref_slice %arg7[%add3A_131, %dma_start3A_133] : memref<40x128xi32, #tpu.memory_space<vmem>> -> memref<1x128xi32, #tpu.memory_space<vmem>>
          %dma_start3A_135 = tpu.memref_squeeze %dma_start3A_134 : memref<1x128xi32, #tpu.memory_space<vmem>> -> memref<128xi32, #tpu.memory_space<vmem>>
          %dma_start3A_136 = arith.constant 0 : i32
          %dma_start3A_137 = arith.constant 0 : i32
          %dma_start3A_138 = tpu.memref_slice %arg12[%dma_start3A_136, %dma_start3A_137] : memref<10240x128xf32, #tpu.memory_space<vmem_shared>> -> memref<10240x128xf32, #tpu.memory_space<vmem_shared>>
          tpu.enqueue_indirect_dma source(%arg9 : memref<128x128xf32, #tpu.memory_space<vmem>>) target(%dma_start3A_138 : memref<10240x128xf32, #tpu.memory_space<vmem_shared>>) offsets(%dma_start3A_135 : memref<128xi32, #tpu.memory_space<vmem>>) semaphore(%run_scoped3A : memref<!tpu.dma_semaphore, #tpu.memory_space<semaphore_mem>>) {add = true}
          %dma_wait3A_139 = arith.constant 0 : i32
          %dma_wait3A_140 = tpu.memref_slice %arg7[%add3A_131, %dma_wait3A_139] : memref<40x128xi32, #tpu.memory_space<vmem>> -> memref<1x128xi32, #tpu.memory_space<vmem>>
          %dma_wait3A_141 = tpu.memref_squeeze %dma_wait3A_140 : memref<1x128xi32, #tpu.memory_space<vmem>> -> memref<128xi32, #tpu.memory_space<vmem>>
          %dma_wait3A_142 = arith.constant 0 : i32
          %dma_wait3A_143 = arith.constant 0 : i32
          %dma_wait3A_144 = tpu.memref_slice %arg12[%dma_wait3A_142, %dma_wait3A_143] : memref<10240x128xf32, #tpu.memory_space<vmem_shared>> -> memref<10240x128xf32, #tpu.memory_space<vmem_shared>>
          tpu.wait_indirect_dma semaphore(%run_scoped3A : memref<!tpu.dma_semaphore, #tpu.memory_space<semaphore_mem>>) src(%arg9 : memref<128x128xf32, #tpu.memory_space<vmem>>) dst(%dma_wait3A_144 : memref<10240x128xf32, #tpu.memory_space<vmem_shared>>)
          tpu.yield
        }) : () -> ()
        %scan3A_132 = arith.constant 0 : i32
        scf.yield %scan3A_132 : i32
      }
      %scan3A_70 = arith.constant 20 : i32
      "tpu.region"() ({
        %run_scoped3A = tpu.sem_alloc : memref<!tpu.dma_semaphore, #tpu.memory_space<semaphore_mem>>
        %dma_start3A_99 = arith.constant 40 : i32
        %dma_start3A_100 = arith.constant 0 : i32
        %dma_start3A_101 = tpu.memref_slice %arg3[%add3A_30, %dma_start3A_99, %dma_start3A_100] : memref<32x80x128xi32, #tpu.memory_space<hbm>> -> memref<1x40x128xi32, #tpu.memory_space<hbm>>
        %dma_start3A_102 = tpu.memref_squeeze %dma_start3A_101 : memref<1x40x128xi32, #tpu.memory_space<hbm>> -> memref<40x128xi32, #tpu.memory_space<hbm>>
        %dma_start3A_103 = arith.constant 40 : i32
        %dma_start3A_104 = arith.constant 0 : i32
        %dma_start3A_105 = tpu.memref_slice %arg3[%add3A_30, %dma_start3A_103, %dma_start3A_104] : memref<32x80x128xi32, #tpu.memory_space<hbm>> -> memref<1x40x128xi32, #tpu.memory_space<hbm>>
        %dma_start3A_106 = tpu.memref_squeeze %dma_start3A_105 : memref<1x40x128xi32, #tpu.memory_space<hbm>> -> memref<40x128xi32, #tpu.memory_space<hbm>>
        tpu.enqueue_dma source(%dma_start3A_106 : memref<40x128xi32, #tpu.memory_space<hbm>>) target(%arg6 : memref<40x128xi32, #tpu.memory_space<vmem>>) target_semaphore(%run_scoped3A : memref<!tpu.dma_semaphore, #tpu.memory_space<semaphore_mem>>)
        %dma_wait3A = arith.constant 40 : i32
        %dma_wait3A_107 = arith.constant 0 : i32
        %dma_wait3A_108 = tpu.memref_slice %arg3[%add3A_30, %dma_wait3A, %dma_wait3A_107] : memref<32x80x128xi32, #tpu.memory_space<hbm>> -> memref<1x40x128xi32, #tpu.memory_space<hbm>>
        %dma_wait3A_109 = tpu.memref_squeeze %dma_wait3A_108 : memref<1x40x128xi32, #tpu.memory_space<hbm>> -> memref<40x128xi32, #tpu.memory_space<hbm>>
        %dma_wait3A_110 = arith.constant 40 : i32
        %dma_wait3A_111 = arith.constant 0 : i32
        %dma_wait3A_112 = tpu.memref_slice %arg3[%add3A_30, %dma_wait3A_110, %dma_wait3A_111] : memref<32x80x128xi32, #tpu.memory_space<hbm>> -> memref<1x40x128xi32, #tpu.memory_space<hbm>>
        %dma_wait3A_113 = tpu.memref_squeeze %dma_wait3A_112 : memref<1x40x128xi32, #tpu.memory_space<hbm>> -> memref<40x128xi32, #tpu.memory_space<hbm>>
        tpu.wait_dma2 semaphore(%run_scoped3A : memref<!tpu.dma_semaphore, #tpu.memory_space<semaphore_mem>>) src(%dma_wait3A_113 : memref<40x128xi32, #tpu.memory_space<hbm>>) dst(%arg6 : memref<40x128xi32, #tpu.memory_space<vmem>>)
        tpu.yield
      }) : () -> ()
      "tpu.region"() ({
        %run_scoped3A = tpu.sem_alloc : memref<!tpu.dma_semaphore, #tpu.memory_space<semaphore_mem>>
        %dma_start3A_99 = arith.constant 40 : i32
        %dma_start3A_100 = arith.constant 0 : i32
        %dma_start3A_101 = tpu.memref_slice %arg4[%add3A_30, %dma_start3A_99, %dma_start3A_100] : memref<32x80x128xi32, #tpu.memory_space<hbm>> -> memref<1x40x128xi32, #tpu.memory_space<hbm>>
        %dma_start3A_102 = tpu.memref_squeeze %dma_start3A_101 : memref<1x40x128xi32, #tpu.memory_space<hbm>> -> memref<40x128xi32, #tpu.memory_space<hbm>>
        %dma_start3A_103 = arith.constant 40 : i32
        %dma_start3A_104 = arith.constant 0 : i32
        %dma_start3A_105 = tpu.memref_slice %arg4[%add3A_30, %dma_start3A_103, %dma_start3A_104] : memref<32x80x128xi32, #tpu.memory_space<hbm>> -> memref<1x40x128xi32, #tpu.memory_space<hbm>>
        %dma_start3A_106 = tpu.memref_squeeze %dma_start3A_105 : memref<1x40x128xi32, #tpu.memory_space<hbm>> -> memref<40x128xi32, #tpu.memory_space<hbm>>
        tpu.enqueue_dma source(%dma_start3A_106 : memref<40x128xi32, #tpu.memory_space<hbm>>) target(%arg7 : memref<40x128xi32, #tpu.memory_space<vmem>>) target_semaphore(%run_scoped3A : memref<!tpu.dma_semaphore, #tpu.memory_space<semaphore_mem>>)
        %dma_wait3A = arith.constant 40 : i32
        %dma_wait3A_107 = arith.constant 0 : i32
        %dma_wait3A_108 = tpu.memref_slice %arg4[%add3A_30, %dma_wait3A, %dma_wait3A_107] : memref<32x80x128xi32, #tpu.memory_space<hbm>> -> memref<1x40x128xi32, #tpu.memory_space<hbm>>
        %dma_wait3A_109 = tpu.memref_squeeze %dma_wait3A_108 : memref<1x40x128xi32, #tpu.memory_space<hbm>> -> memref<40x128xi32, #tpu.memory_space<hbm>>
        %dma_wait3A_110 = arith.constant 40 : i32
        %dma_wait3A_111 = arith.constant 0 : i32
        %dma_wait3A_112 = tpu.memref_slice %arg4[%add3A_30, %dma_wait3A_110, %dma_wait3A_111] : memref<32x80x128xi32, #tpu.memory_space<hbm>> -> memref<1x40x128xi32, #tpu.memory_space<hbm>>
        %dma_wait3A_113 = tpu.memref_squeeze %dma_wait3A_112 : memref<1x40x128xi32, #tpu.memory_space<hbm>> -> memref<40x128xi32, #tpu.memory_space<hbm>>
        tpu.wait_dma2 semaphore(%run_scoped3A : memref<!tpu.dma_semaphore, #tpu.memory_space<semaphore_mem>>) src(%dma_wait3A_113 : memref<40x128xi32, #tpu.memory_space<hbm>>) dst(%arg7 : memref<40x128xi32, #tpu.memory_space<vmem>>)
        tpu.yield
      }) : () -> ()
      %dma_start3A_71 = arith.constant 0 : i32
      %dma_start3A_72 = arith.constant 0 : i32
      %dma_start3A_73 = tpu.memref_slice %arg6[%dma_start3A_71, %dma_start3A_72] : memref<40x128xi32, #tpu.memory_space<vmem>> -> memref<1x128xi32, #tpu.memory_space<vmem>>
      %dma_start3A_74 = tpu.memref_squeeze %dma_start3A_73 : memref<1x128xi32, #tpu.memory_space<vmem>> -> memref<128xi32, #tpu.memory_space<vmem>>
      %dma_start3A_75 = arith.constant 0 : i32
      %dma_start3A_76 = arith.constant 0 : i32
      %dma_start3A_77 = tpu.memref_slice %arg2[%dma_start3A_75, %dma_start3A_76] : memref<10240x128xf32, #tpu.memory_space<hbm>> -> memref<10240x128xf32, #tpu.memory_space<hbm>>
      tpu.enqueue_indirect_dma source(%dma_start3A_77 : memref<10240x128xf32, #tpu.memory_space<hbm>>) target(%arg8 : memref<128x128xf32, #tpu.memory_space<vmem>>) offsets(%dma_start3A_74 : memref<128xi32, #tpu.memory_space<vmem>>) semaphore(%arg10 : memref<!tpu.dma_semaphore, #tpu.memory_space<semaphore_mem>>)
      %scan3A_78 = arith.constant 0 : i32
      %scan3A_79 = arith.constant 0 : i32
      %scan3A_80 = arith.constant 20 : i32
      %scan3A_81 = arith.addi %scan3A_79, %scan3A_80 : i32
      %scan3A_82 = arith.constant 1 : i32
      %scan3A_83 = scf.for %scan3A_99 = %scan3A_79 to %scan3A_81 step %scan3A_82 iter_args(%scan3A_100 = %scan3A_78) -> (i32)  : i32 {
        %mul3A_101 = arith.constant 2 : i32
        %mul3A_102 = arith.muli %mul3A_101, %scan3A_99 : i32
        %add3A_103 = arith.constant 1 : i32
        %add3A_104 = arith.addi %mul3A_102, %add3A_103 : i32
        %dma_start3A_105 = arith.constant 0 : i32
        %dma_start3A_106 = tpu.memref_slice %arg6[%add3A_104, %dma_start3A_105] : memref<40x128xi32, #tpu.memory_space<vmem>> -> memref<1x128xi32, #tpu.memory_space<vmem>>
        %dma_start3A_107 = tpu.memref_squeeze %dma_start3A_106 : memref<1x128xi32, #tpu.memory_space<vmem>> -> memref<128xi32, #tpu.memory_space<vmem>>
        %dma_start3A_108 = arith.constant 0 : i32
        %dma_start3A_109 = arith.constant 0 : i32
        %dma_start3A_110 = tpu.memref_slice %arg2[%dma_start3A_108, %dma_start3A_109] : memref<10240x128xf32, #tpu.memory_space<hbm>> -> memref<10240x128xf32, #tpu.memory_space<hbm>>
        tpu.enqueue_indirect_dma source(%dma_start3A_110 : memref<10240x128xf32, #tpu.memory_space<hbm>>) target(%arg9 : memref<128x128xf32, #tpu.memory_space<vmem>>) offsets(%dma_start3A_107 : memref<128xi32, #tpu.memory_space<vmem>>) semaphore(%arg11 : memref<!tpu.dma_semaphore, #tpu.memory_space<semaphore_mem>>)
        %dma_wait3A = arith.constant 0 : i32
        %dma_wait3A_111 = tpu.memref_slice %arg6[%mul3A_102, %dma_wait3A] : memref<40x128xi32, #tpu.memory_space<vmem>> -> memref<1x128xi32, #tpu.memory_space<vmem>>
        %dma_wait3A_112 = tpu.memref_squeeze %dma_wait3A_111 : memref<1x128xi32, #tpu.memory_space<vmem>> -> memref<128xi32, #tpu.memory_space<vmem>>
        %dma_wait3A_113 = arith.constant 0 : i32
        %dma_wait3A_114 = arith.constant 0 : i32
        %dma_wait3A_115 = tpu.memref_slice %arg2[%dma_wait3A_113, %dma_wait3A_114] : memref<10240x128xf32, #tpu.memory_space<hbm>> -> memref<10240x128xf32, #tpu.memory_space<hbm>>
        tpu.wait_indirect_dma semaphore(%arg10 : memref<!tpu.dma_semaphore, #tpu.memory_space<semaphore_mem>>) src(%dma_wait3A_115 : memref<10240x128xf32, #tpu.memory_space<hbm>>) dst(%arg8 : memref<128x128xf32, #tpu.memory_space<vmem>>)
        "tpu.region"() ({
          %run_scoped3A = tpu.sem_alloc : memref<!tpu.dma_semaphore, #tpu.memory_space<semaphore_mem>>
          %dma_start3A_133 = arith.constant 0 : i32
          %dma_start3A_134 = tpu.memref_slice %arg7[%mul3A_102, %dma_start3A_133] : memref<40x128xi32, #tpu.memory_space<vmem>> -> memref<1x128xi32, #tpu.memory_space<vmem>>
          %dma_start3A_135 = tpu.memref_squeeze %dma_start3A_134 : memref<1x128xi32, #tpu.memory_space<vmem>> -> memref<128xi32, #tpu.memory_space<vmem>>
          %dma_start3A_136 = arith.constant 0 : i32
          %dma_start3A_137 = arith.constant 0 : i32
          %dma_start3A_138 = tpu.memref_slice %arg12[%dma_start3A_136, %dma_start3A_137] : memref<10240x128xf32, #tpu.memory_space<vmem_shared>> -> memref<10240x128xf32, #tpu.memory_space<vmem_shared>>
          tpu.enqueue_indirect_dma source(%arg8 : memref<128x128xf32, #tpu.memory_space<vmem>>) target(%dma_start3A_138 : memref<10240x128xf32, #tpu.memory_space<vmem_shared>>) offsets(%dma_start3A_135 : memref<128xi32, #tpu.memory_space<vmem>>) semaphore(%run_scoped3A : memref<!tpu.dma_semaphore, #tpu.memory_space<semaphore_mem>>) {add = true}
          %dma_wait3A_139 = arith.constant 0 : i32
          %dma_wait3A_140 = tpu.memref_slice %arg7[%mul3A_102, %dma_wait3A_139] : memref<40x128xi32, #tpu.memory_space<vmem>> -> memref<1x128xi32, #tpu.memory_space<vmem>>
          %dma_wait3A_141 = tpu.memref_squeeze %dma_wait3A_140 : memref<1x128xi32, #tpu.memory_space<vmem>> -> memref<128xi32, #tpu.memory_space<vmem>>
          %dma_wait3A_142 = arith.constant 0 : i32
          %dma_wait3A_143 = arith.constant 0 : i32
          %dma_wait3A_144 = tpu.memref_slice %arg12[%dma_wait3A_142, %dma_wait3A_143] : memref<10240x128xf32, #tpu.memory_space<vmem_shared>> -> memref<10240x128xf32, #tpu.memory_space<vmem_shared>>
          tpu.wait_indirect_dma semaphore(%run_scoped3A : memref<!tpu.dma_semaphore, #tpu.memory_space<semaphore_mem>>) src(%arg8 : memref<128x128xf32, #tpu.memory_space<vmem>>) dst(%dma_wait3A_144 : memref<10240x128xf32, #tpu.memory_space<vmem_shared>>)
          tpu.yield
        }) : () -> ()
        %add3A_116 = arith.constant 1 : i32
        %add3A_117 = arith.addi %scan3A_99, %add3A_116 : i32
        %lt3A = arith.constant 20 : i32
        %lt3A_118 = arith.cmpi slt, %add3A_117, %lt3A : i32
        %convert_element_type3A_119 = arith.extui %lt3A_118 : i1 to i32
        %cond3A_120 = arith.constant 0 : i32
        %cond3A_121 = arith.cmpi ne, %convert_element_type3A_119, %cond3A_120 : i32
        scf.if %cond3A_121 {
          %add3A_133 = arith.constant 2 : i32
          %add3A_134 = arith.addi %mul3A_102, %add3A_133 : i32
          %dma_start3A_135 = arith.constant 0 : i32
          %dma_start3A_136 = tpu.memref_slice %arg6[%add3A_134, %dma_start3A_135] : memref<40x128xi32, #tpu.memory_space<vmem>> -> memref<1x128xi32, #tpu.memory_space<vmem>>
          %dma_start3A_137 = tpu.memref_squeeze %dma_start3A_136 : memref<1x128xi32, #tpu.memory_space<vmem>> -> memref<128xi32, #tpu.memory_space<vmem>>
          %dma_start3A_138 = arith.constant 0 : i32
          %dma_start3A_139 = arith.constant 0 : i32
          %dma_start3A_140 = tpu.memref_slice %arg2[%dma_start3A_138, %dma_start3A_139] : memref<10240x128xf32, #tpu.memory_space<hbm>> -> memref<10240x128xf32, #tpu.memory_space<hbm>>
          tpu.enqueue_indirect_dma source(%dma_start3A_140 : memref<10240x128xf32, #tpu.memory_space<hbm>>) target(%arg8 : memref<128x128xf32, #tpu.memory_space<vmem>>) offsets(%dma_start3A_137 : memref<128xi32, #tpu.memory_space<vmem>>) semaphore(%arg10 : memref<!tpu.dma_semaphore, #tpu.memory_space<semaphore_mem>>)
        } else {
        }
        %add3A_122 = arith.constant 1 : i32
        %add3A_123 = arith.addi %mul3A_102, %add3A_122 : i32
        %dma_wait3A_124 = arith.constant 0 : i32
        %dma_wait3A_125 = tpu.memref_slice %arg6[%add3A_123, %dma_wait3A_124] : memref<40x128xi32, #tpu.memory_space<vmem>> -> memref<1x128xi32, #tpu.memory_space<vmem>>
        %dma_wait3A_126 = tpu.memref_squeeze %dma_wait3A_125 : memref<1x128xi32, #tpu.memory_space<vmem>> -> memref<128xi32, #tpu.memory_space<vmem>>
        %dma_wait3A_127 = arith.constant 0 : i32
        %dma_wait3A_128 = arith.constant 0 : i32
        %dma_wait3A_129 = tpu.memref_slice %arg2[%dma_wait3A_127, %dma_wait3A_128] : memref<10240x128xf32, #tpu.memory_space<hbm>> -> memref<10240x128xf32, #tpu.memory_space<hbm>>
        tpu.wait_indirect_dma semaphore(%arg11 : memref<!tpu.dma_semaphore, #tpu.memory_space<semaphore_mem>>) src(%dma_wait3A_129 : memref<10240x128xf32, #tpu.memory_space<hbm>>) dst(%arg9 : memref<128x128xf32, #tpu.memory_space<vmem>>)
        %add3A_130 = arith.constant 1 : i32
        %add3A_131 = arith.addi %mul3A_102, %add3A_130 : i32
        "tpu.region"() ({
          %run_scoped3A = tpu.sem_alloc : memref<!tpu.dma_semaphore, #tpu.memory_space<semaphore_mem>>
          %dma_start3A_133 = arith.constant 0 : i32
          %dma_start3A_134 = tpu.memref_slice %arg7[%add3A_131, %dma_start3A_133] : memref<40x128xi32, #tpu.memory_space<vmem>> -> memref<1x128xi32, #tpu.memory_space<vmem>>
          %dma_start3A_135 = tpu.memref_squeeze %dma_start3A_134 : memref<1x128xi32, #tpu.memory_space<vmem>> -> memref<128xi32, #tpu.memory_space<vmem>>
          %dma_start3A_136 = arith.constant 0 : i32
          %dma_start3A_137 = arith.constant 0 : i32
          %dma_start3A_138 = tpu.memref_slice %arg12[%dma_start3A_136, %dma_start3A_137] : memref<10240x128xf32, #tpu.memory_space<vmem_shared>> -> memref<10240x128xf32, #tpu.memory_space<vmem_shared>>
          tpu.enqueue_indirect_dma source(%arg9 : memref<128x128xf32, #tpu.memory_space<vmem>>) target(%dma_start3A_138 : memref<10240x128xf32, #tpu.memory_space<vmem_shared>>) offsets(%dma_start3A_135 : memref<128xi32, #tpu.memory_space<vmem>>) semaphore(%run_scoped3A : memref<!tpu.dma_semaphore, #tpu.memory_space<semaphore_mem>>) {add = true}
          %dma_wait3A_139 = arith.constant 0 : i32
          %dma_wait3A_140 = tpu.memref_slice %arg7[%add3A_131, %dma_wait3A_139] : memref<40x128xi32, #tpu.memory_space<vmem>> -> memref<1x128xi32, #tpu.memory_space<vmem>>
          %dma_wait3A_141 = tpu.memref_squeeze %dma_wait3A_140 : memref<1x128xi32, #tpu.memory_space<vmem>> -> memref<128xi32, #tpu.memory_space<vmem>>
          %dma_wait3A_142 = arith.constant 0 : i32
          %dma_wait3A_143 = arith.constant 0 : i32
          %dma_wait3A_144 = tpu.memref_slice %arg12[%dma_wait3A_142, %dma_wait3A_143] : memref<10240x128xf32, #tpu.memory_space<vmem_shared>> -> memref<10240x128xf32, #tpu.memory_space<vmem_shared>>
          tpu.wait_indirect_dma semaphore(%run_scoped3A : memref<!tpu.dma_semaphore, #tpu.memory_space<semaphore_mem>>) src(%arg9 : memref<128x128xf32, #tpu.memory_space<vmem>>) dst(%dma_wait3A_144 : memref<10240x128xf32, #tpu.memory_space<vmem_shared>>)
          tpu.yield
        }) : () -> ()
        %scan3A_132 = arith.constant 0 : i32
        scf.yield %scan3A_132 : i32
      }
      %scan3A_84 = arith.constant 20 : i32
      "tpu.region"() ({
        %run_scoped3A = tpu.sem_alloc : memref<!tpu.dma_semaphore, #tpu.memory_space<semaphore_mem>>
        %dma_start3A_99 = arith.constant 40 : i32
        %dma_start3A_100 = arith.constant 0 : i32
        %dma_start3A_101 = tpu.memref_slice %arg3[%add3A_28, %dma_start3A_99, %dma_start3A_100] : memref<32x80x128xi32, #tpu.memory_space<hbm>> -> memref<1x40x128xi32, #tpu.memory_space<hbm>>
        %dma_start3A_102 = tpu.memref_squeeze %dma_start3A_101 : memref<1x40x128xi32, #tpu.memory_space<hbm>> -> memref<40x128xi32, #tpu.memory_space<hbm>>
        %dma_start3A_103 = arith.constant 40 : i32
        %dma_start3A_104 = arith.constant 0 : i32
        %dma_start3A_105 = tpu.memref_slice %arg3[%add3A_28, %dma_start3A_103, %dma_start3A_104] : memref<32x80x128xi32, #tpu.memory_space<hbm>> -> memref<1x40x128xi32, #tpu.memory_space<hbm>>
        %dma_start3A_106 = tpu.memref_squeeze %dma_start3A_105 : memref<1x40x128xi32, #tpu.memory_space<hbm>> -> memref<40x128xi32, #tpu.memory_space<hbm>>
        tpu.enqueue_dma source(%dma_start3A_106 : memref<40x128xi32, #tpu.memory_space<hbm>>) target(%arg6 : memref<40x128xi32, #tpu.memory_space<vmem>>) target_semaphore(%run_scoped3A : memref<!tpu.dma_semaphore, #tpu.memory_space<semaphore_mem>>)
        %dma_wait3A = arith.constant 40 : i32
        %dma_wait3A_107 = arith.constant 0 : i32
        %dma_wait3A_108 = tpu.memref_slice %arg3[%add3A_28, %dma_wait3A, %dma_wait3A_107] : memref<32x80x128xi32, #tpu.memory_space<hbm>> -> memref<1x40x128xi32, #tpu.memory_space<hbm>>
        %dma_wait3A_109 = tpu.memref_squeeze %dma_wait3A_108 : memref<1x40x128xi32, #tpu.memory_space<hbm>> -> memref<40x128xi32, #tpu.memory_space<hbm>>
        %dma_wait3A_110 = arith.constant 40 : i32
        %dma_wait3A_111 = arith.constant 0 : i32
        %dma_wait3A_112 = tpu.memref_slice %arg3[%add3A_28, %dma_wait3A_110, %dma_wait3A_111] : memref<32x80x128xi32, #tpu.memory_space<hbm>> -> memref<1x40x128xi32, #tpu.memory_space<hbm>>
        %dma_wait3A_113 = tpu.memref_squeeze %dma_wait3A_112 : memref<1x40x128xi32, #tpu.memory_space<hbm>> -> memref<40x128xi32, #tpu.memory_space<hbm>>
        tpu.wait_dma2 semaphore(%run_scoped3A : memref<!tpu.dma_semaphore, #tpu.memory_space<semaphore_mem>>) src(%dma_wait3A_113 : memref<40x128xi32, #tpu.memory_space<hbm>>) dst(%arg6 : memref<40x128xi32, #tpu.memory_space<vmem>>)
        tpu.yield
      }) : () -> ()
      "tpu.region"() ({
        %run_scoped3A = tpu.sem_alloc : memref<!tpu.dma_semaphore, #tpu.memory_space<semaphore_mem>>
        %dma_start3A_99 = arith.constant 40 : i32
        %dma_start3A_100 = arith.constant 0 : i32
        %dma_start3A_101 = tpu.memref_slice %arg4[%add3A_28, %dma_start3A_99, %dma_start3A_100] : memref<32x80x128xi32, #tpu.memory_space<hbm>> -> memref<1x40x128xi32, #tpu.memory_space<hbm>>
        %dma_start3A_102 = tpu.memref_squeeze %dma_start3A_101 : memref<1x40x128xi32, #tpu.memory_space<hbm>> -> memref<40x128xi32, #tpu.memory_space<hbm>>
        %dma_start3A_103 = arith.constant 40 : i32
        %dma_start3A_104 = arith.constant 0 : i32
        %dma_start3A_105 = tpu.memref_slice %arg4[%add3A_28, %dma_start3A_103, %dma_start3A_104] : memref<32x80x128xi32, #tpu.memory_space<hbm>> -> memref<1x40x128xi32, #tpu.memory_space<hbm>>
        %dma_start3A_106 = tpu.memref_squeeze %dma_start3A_105 : memref<1x40x128xi32, #tpu.memory_space<hbm>> -> memref<40x128xi32, #tpu.memory_space<hbm>>
        tpu.enqueue_dma source(%dma_start3A_106 : memref<40x128xi32, #tpu.memory_space<hbm>>) target(%arg7 : memref<40x128xi32, #tpu.memory_space<vmem>>) target_semaphore(%run_scoped3A : memref<!tpu.dma_semaphore, #tpu.memory_space<semaphore_mem>>)
        %dma_wait3A = arith.constant 40 : i32
        %dma_wait3A_107 = arith.constant 0 : i32
        %dma_wait3A_108 = tpu.memref_slice %arg4[%add3A_28, %dma_wait3A, %dma_wait3A_107] : memref<32x80x128xi32, #tpu.memory_space<hbm>> -> memref<1x40x128xi32, #tpu.memory_space<hbm>>
        %dma_wait3A_109 = tpu.memref_squeeze %dma_wait3A_108 : memref<1x40x128xi32, #tpu.memory_space<hbm>> -> memref<40x128xi32, #tpu.memory_space<hbm>>
        %dma_wait3A_110 = arith.constant 40 : i32
        %dma_wait3A_111 = arith.constant 0 : i32
        %dma_wait3A_112 = tpu.memref_slice %arg4[%add3A_28, %dma_wait3A_110, %dma_wait3A_111] : memref<32x80x128xi32, #tpu.memory_space<hbm>> -> memref<1x40x128xi32, #tpu.memory_space<hbm>>
        %dma_wait3A_113 = tpu.memref_squeeze %dma_wait3A_112 : memref<1x40x128xi32, #tpu.memory_space<hbm>> -> memref<40x128xi32, #tpu.memory_space<hbm>>
        tpu.wait_dma2 semaphore(%run_scoped3A : memref<!tpu.dma_semaphore, #tpu.memory_space<semaphore_mem>>) src(%dma_wait3A_113 : memref<40x128xi32, #tpu.memory_space<hbm>>) dst(%arg7 : memref<40x128xi32, #tpu.memory_space<vmem>>)
        tpu.yield
      }) : () -> ()
      %dma_start3A_85 = arith.constant 0 : i32
      %dma_start3A_86 = arith.constant 0 : i32
      %dma_start3A_87 = tpu.memref_slice %arg6[%dma_start3A_85, %dma_start3A_86] : memref<40x128xi32, #tpu.memory_space<vmem>> -> memref<1x128xi32, #tpu.memory_space<vmem>>
      %dma_start3A_88 = tpu.memref_squeeze %dma_start3A_87 : memref<1x128xi32, #tpu.memory_space<vmem>> -> memref<128xi32, #tpu.memory_space<vmem>>
      %dma_start3A_89 = arith.constant 0 : i32
      %dma_start3A_90 = arith.constant 0 : i32
      %dma_start3A_91 = tpu.memref_slice %arg2[%dma_start3A_89, %dma_start3A_90] : memref<10240x128xf32, #tpu.memory_space<hbm>> -> memref<10240x128xf32, #tpu.memory_space<hbm>>
      tpu.enqueue_indirect_dma source(%dma_start3A_91 : memref<10240x128xf32, #tpu.memory_space<hbm>>) target(%arg8 : memref<128x128xf32, #tpu.memory_space<vmem>>) offsets(%dma_start3A_88 : memref<128xi32, #tpu.memory_space<vmem>>) semaphore(%arg10 : memref<!tpu.dma_semaphore, #tpu.memory_space<semaphore_mem>>)
      %scan3A_92 = arith.constant 0 : i32
      %scan3A_93 = arith.constant 0 : i32
      %scan3A_94 = arith.constant 20 : i32
      %scan3A_95 = arith.addi %scan3A_93, %scan3A_94 : i32
      %scan3A_96 = arith.constant 1 : i32
      %scan3A_97 = scf.for %scan3A_99 = %scan3A_93 to %scan3A_95 step %scan3A_96 iter_args(%scan3A_100 = %scan3A_92) -> (i32)  : i32 {
        %mul3A_101 = arith.constant 2 : i32
        %mul3A_102 = arith.muli %mul3A_101, %scan3A_99 : i32
        %add3A_103 = arith.constant 1 : i32
        %add3A_104 = arith.addi %mul3A_102, %add3A_103 : i32
        %dma_start3A_105 = arith.constant 0 : i32
        %dma_start3A_106 = tpu.memref_slice %arg6[%add3A_104, %dma_start3A_105] : memref<40x128xi32, #tpu.memory_space<vmem>> -> memref<1x128xi32, #tpu.memory_space<vmem>>
        %dma_start3A_107 = tpu.memref_squeeze %dma_start3A_106 : memref<1x128xi32, #tpu.memory_space<vmem>> -> memref<128xi32, #tpu.memory_space<vmem>>
        %dma_start3A_108 = arith.constant 0 : i32
        %dma_start3A_109 = arith.constant 0 : i32
        %dma_start3A_110 = tpu.memref_slice %arg2[%dma_start3A_108, %dma_start3A_109] : memref<10240x128xf32, #tpu.memory_space<hbm>> -> memref<10240x128xf32, #tpu.memory_space<hbm>>
        tpu.enqueue_indirect_dma source(%dma_start3A_110 : memref<10240x128xf32, #tpu.memory_space<hbm>>) target(%arg9 : memref<128x128xf32, #tpu.memory_space<vmem>>) offsets(%dma_start3A_107 : memref<128xi32, #tpu.memory_space<vmem>>) semaphore(%arg11 : memref<!tpu.dma_semaphore, #tpu.memory_space<semaphore_mem>>)
        %dma_wait3A = arith.constant 0 : i32
        %dma_wait3A_111 = tpu.memref_slice %arg6[%mul3A_102, %dma_wait3A] : memref<40x128xi32, #tpu.memory_space<vmem>> -> memref<1x128xi32, #tpu.memory_space<vmem>>
        %dma_wait3A_112 = tpu.memref_squeeze %dma_wait3A_111 : memref<1x128xi32, #tpu.memory_space<vmem>> -> memref<128xi32, #tpu.memory_space<vmem>>
        %dma_wait3A_113 = arith.constant 0 : i32
        %dma_wait3A_114 = arith.constant 0 : i32
        %dma_wait3A_115 = tpu.memref_slice %arg2[%dma_wait3A_113, %dma_wait3A_114] : memref<10240x128xf32, #tpu.memory_space<hbm>> -> memref<10240x128xf32, #tpu.memory_space<hbm>>
        tpu.wait_indirect_dma semaphore(%arg10 : memref<!tpu.dma_semaphore, #tpu.memory_space<semaphore_mem>>) src(%dma_wait3A_115 : memref<10240x128xf32, #tpu.memory_space<hbm>>) dst(%arg8 : memref<128x128xf32, #tpu.memory_space<vmem>>)
        "tpu.region"() ({
          %run_scoped3A = tpu.sem_alloc : memref<!tpu.dma_semaphore, #tpu.memory_space<semaphore_mem>>
          %dma_start3A_133 = arith.constant 0 : i32
          %dma_start3A_134 = tpu.memref_slice %arg7[%mul3A_102, %dma_start3A_133] : memref<40x128xi32, #tpu.memory_space<vmem>> -> memref<1x128xi32, #tpu.memory_space<vmem>>
          %dma_start3A_135 = tpu.memref_squeeze %dma_start3A_134 : memref<1x128xi32, #tpu.memory_space<vmem>> -> memref<128xi32, #tpu.memory_space<vmem>>
          %dma_start3A_136 = arith.constant 0 : i32
          %dma_start3A_137 = arith.constant 0 : i32
          %dma_start3A_138 = tpu.memref_slice %arg12[%dma_start3A_136, %dma_start3A_137] : memref<10240x128xf32, #tpu.memory_space<vmem_shared>> -> memref<10240x128xf32, #tpu.memory_space<vmem_shared>>
          tpu.enqueue_indirect_dma source(%arg8 : memref<128x128xf32, #tpu.memory_space<vmem>>) target(%dma_start3A_138 : memref<10240x128xf32, #tpu.memory_space<vmem_shared>>) offsets(%dma_start3A_135 : memref<128xi32, #tpu.memory_space<vmem>>) semaphore(%run_scoped3A : memref<!tpu.dma_semaphore, #tpu.memory_space<semaphore_mem>>) {add = true}
          %dma_wait3A_139 = arith.constant 0 : i32
          %dma_wait3A_140 = tpu.memref_slice %arg7[%mul3A_102, %dma_wait3A_139] : memref<40x128xi32, #tpu.memory_space<vmem>> -> memref<1x128xi32, #tpu.memory_space<vmem>>
          %dma_wait3A_141 = tpu.memref_squeeze %dma_wait3A_140 : memref<1x128xi32, #tpu.memory_space<vmem>> -> memref<128xi32, #tpu.memory_space<vmem>>
          %dma_wait3A_142 = arith.constant 0 : i32
          %dma_wait3A_143 = arith.constant 0 : i32
          %dma_wait3A_144 = tpu.memref_slice %arg12[%dma_wait3A_142, %dma_wait3A_143] : memref<10240x128xf32, #tpu.memory_space<vmem_shared>> -> memref<10240x128xf32, #tpu.memory_space<vmem_shared>>
          tpu.wait_indirect_dma semaphore(%run_scoped3A : memref<!tpu.dma_semaphore, #tpu.memory_space<semaphore_mem>>) src(%arg8 : memref<128x128xf32, #tpu.memory_space<vmem>>) dst(%dma_wait3A_144 : memref<10240x128xf32, #tpu.memory_space<vmem_shared>>)
          tpu.yield
        }) : () -> ()
        %add3A_116 = arith.constant 1 : i32
        %add3A_117 = arith.addi %scan3A_99, %add3A_116 : i32
        %lt3A = arith.constant 20 : i32
        %lt3A_118 = arith.cmpi slt, %add3A_117, %lt3A : i32
        %convert_element_type3A_119 = arith.extui %lt3A_118 : i1 to i32
        %cond3A_120 = arith.constant 0 : i32
        %cond3A_121 = arith.cmpi ne, %convert_element_type3A_119, %cond3A_120 : i32
        scf.if %cond3A_121 {
          %add3A_133 = arith.constant 2 : i32
          %add3A_134 = arith.addi %mul3A_102, %add3A_133 : i32
          %dma_start3A_135 = arith.constant 0 : i32
          %dma_start3A_136 = tpu.memref_slice %arg6[%add3A_134, %dma_start3A_135] : memref<40x128xi32, #tpu.memory_space<vmem>> -> memref<1x128xi32, #tpu.memory_space<vmem>>
          %dma_start3A_137 = tpu.memref_squeeze %dma_start3A_136 : memref<1x128xi32, #tpu.memory_space<vmem>> -> memref<128xi32, #tpu.memory_space<vmem>>
          %dma_start3A_138 = arith.constant 0 : i32
          %dma_start3A_139 = arith.constant 0 : i32
          %dma_start3A_140 = tpu.memref_slice %arg2[%dma_start3A_138, %dma_start3A_139] : memref<10240x128xf32, #tpu.memory_space<hbm>> -> memref<10240x128xf32, #tpu.memory_space<hbm>>
          tpu.enqueue_indirect_dma source(%dma_start3A_140 : memref<10240x128xf32, #tpu.memory_space<hbm>>) target(%arg8 : memref<128x128xf32, #tpu.memory_space<vmem>>) offsets(%dma_start3A_137 : memref<128xi32, #tpu.memory_space<vmem>>) semaphore(%arg10 : memref<!tpu.dma_semaphore, #tpu.memory_space<semaphore_mem>>)
        } else {
        }
        %add3A_122 = arith.constant 1 : i32
        %add3A_123 = arith.addi %mul3A_102, %add3A_122 : i32
        %dma_wait3A_124 = arith.constant 0 : i32
        %dma_wait3A_125 = tpu.memref_slice %arg6[%add3A_123, %dma_wait3A_124] : memref<40x128xi32, #tpu.memory_space<vmem>> -> memref<1x128xi32, #tpu.memory_space<vmem>>
        %dma_wait3A_126 = tpu.memref_squeeze %dma_wait3A_125 : memref<1x128xi32, #tpu.memory_space<vmem>> -> memref<128xi32, #tpu.memory_space<vmem>>
        %dma_wait3A_127 = arith.constant 0 : i32
        %dma_wait3A_128 = arith.constant 0 : i32
        %dma_wait3A_129 = tpu.memref_slice %arg2[%dma_wait3A_127, %dma_wait3A_128] : memref<10240x128xf32, #tpu.memory_space<hbm>> -> memref<10240x128xf32, #tpu.memory_space<hbm>>
        tpu.wait_indirect_dma semaphore(%arg11 : memref<!tpu.dma_semaphore, #tpu.memory_space<semaphore_mem>>) src(%dma_wait3A_129 : memref<10240x128xf32, #tpu.memory_space<hbm>>) dst(%arg9 : memref<128x128xf32, #tpu.memory_space<vmem>>)
        %add3A_130 = arith.constant 1 : i32
        %add3A_131 = arith.addi %mul3A_102, %add3A_130 : i32
        "tpu.region"() ({
          %run_scoped3A = tpu.sem_alloc : memref<!tpu.dma_semaphore, #tpu.memory_space<semaphore_mem>>
          %dma_start3A_133 = arith.constant 0 : i32
          %dma_start3A_134 = tpu.memref_slice %arg7[%add3A_131, %dma_start3A_133] : memref<40x128xi32, #tpu.memory_space<vmem>> -> memref<1x128xi32, #tpu.memory_space<vmem>>
          %dma_start3A_135 = tpu.memref_squeeze %dma_start3A_134 : memref<1x128xi32, #tpu.memory_space<vmem>> -> memref<128xi32, #tpu.memory_space<vmem>>
          %dma_start3A_136 = arith.constant 0 : i32
          %dma_start3A_137 = arith.constant 0 : i32
          %dma_start3A_138 = tpu.memref_slice %arg12[%dma_start3A_136, %dma_start3A_137] : memref<10240x128xf32, #tpu.memory_space<vmem_shared>> -> memref<10240x128xf32, #tpu.memory_space<vmem_shared>>
          tpu.enqueue_indirect_dma source(%arg9 : memref<128x128xf32, #tpu.memory_space<vmem>>) target(%dma_start3A_138 : memref<10240x128xf32, #tpu.memory_space<vmem_shared>>) offsets(%dma_start3A_135 : memref<128xi32, #tpu.memory_space<vmem>>) semaphore(%run_scoped3A : memref<!tpu.dma_semaphore, #tpu.memory_space<semaphore_mem>>) {add = true}
          %dma_wait3A_139 = arith.constant 0 : i32
          %dma_wait3A_140 = tpu.memref_slice %arg7[%add3A_131, %dma_wait3A_139] : memref<40x128xi32, #tpu.memory_space<vmem>> -> memref<1x128xi32, #tpu.memory_space<vmem>>
          %dma_wait3A_141 = tpu.memref_squeeze %dma_wait3A_140 : memref<1x128xi32, #tpu.memory_space<vmem>> -> memref<128xi32, #tpu.memory_space<vmem>>
          %dma_wait3A_142 = arith.constant 0 : i32
          %dma_wait3A_143 = arith.constant 0 : i32
          %dma_wait3A_144 = tpu.memref_slice %arg12[%dma_wait3A_142, %dma_wait3A_143] : memref<10240x128xf32, #tpu.memory_space<vmem_shared>> -> memref<10240x128xf32, #tpu.memory_space<vmem_shared>>
          tpu.wait_indirect_dma semaphore(%run_scoped3A : memref<!tpu.dma_semaphore, #tpu.memory_space<semaphore_mem>>) src(%arg9 : memref<128x128xf32, #tpu.memory_space<vmem>>) dst(%dma_wait3A_144 : memref<10240x128xf32, #tpu.memory_space<vmem_shared>>)
          tpu.yield
        }) : () -> ()
        %scan3A_132 = arith.constant 0 : i32
        scf.yield %scan3A_132 : i32
      }
      %scan3A_98 = arith.constant 20 : i32
    } else {
    }
    %barrier3A_37 = arith.constant 0 : index
    tpu.barrier barrier_id(%barrier3A_37)
    %mul3A_38 = arith.constant 640 : i32
    %mul3A_39 = arith.muli %arg1, %mul3A_38 : i32
    %add3A_40 = arith.constant 0 : i32
    %add3A_41 = arith.addi %mul3A_39, %add3A_40 : i32
    "tpu.region"() ({
      %run_scoped3A = tpu.sem_alloc : memref<!tpu.dma_semaphore, #tpu.memory_space<semaphore_mem>>
      %dma_start3A = arith.constant 0 : i32
      %dma_start3A_58 = tpu.memref_slice %arg5[%arg0, %add3A_41, %dma_start3A] : memref<2x10240x128xf32, #tpu.memory_space<hbm>> -> memref<1x128x128xf32, #tpu.memory_space<hbm>>
      %dma_start3A_59 = tpu.memref_squeeze %dma_start3A_58 : memref<1x128x128xf32, #tpu.memory_space<hbm>> -> memref<128x128xf32, #tpu.memory_space<hbm>>
      %dma_start3A_60 = arith.constant 0 : i32
      %dma_start3A_61 = tpu.memref_slice %arg12[%add3A_41, %dma_start3A_60] : memref<10240x128xf32, #tpu.memory_space<vmem_shared>> -> memref<128x128xf32, #tpu.memory_space<vmem_shared>>
      tpu.enqueue_dma source(%dma_start3A_61 : memref<128x128xf32, #tpu.memory_space<vmem_shared>>) target(%dma_start3A_59 : memref<128x128xf32, #tpu.memory_space<hbm>>) target_semaphore(%run_scoped3A : memref<!tpu.dma_semaphore, #tpu.memory_space<semaphore_mem>>)
      %dma_wait3A = arith.constant 0 : i32
      %dma_wait3A_62 = tpu.memref_slice %arg5[%arg0, %add3A_41, %dma_wait3A] : memref<2x10240x128xf32, #tpu.memory_space<hbm>> -> memref<1x128x128xf32, #tpu.memory_space<hbm>>
      %dma_wait3A_63 = tpu.memref_squeeze %dma_wait3A_62 : memref<1x128x128xf32, #tpu.memory_space<hbm>> -> memref<128x128xf32, #tpu.memory_space<hbm>>
      %dma_wait3A_64 = arith.constant 0 : i32
      %dma_wait3A_65 = tpu.memref_slice %arg12[%add3A_41, %dma_wait3A_64] : memref<10240x128xf32, #tpu.memory_space<vmem_shared>> -> memref<128x128xf32, #tpu.memory_space<vmem_shared>>
      tpu.wait_dma2 semaphore(%run_scoped3A : memref<!tpu.dma_semaphore, #tpu.memory_space<semaphore_mem>>) src(%dma_wait3A_65 : memref<128x128xf32, #tpu.memory_space<vmem_shared>>) dst(%dma_wait3A_63 : memref<128x128xf32, #tpu.memory_space<hbm>>)
      tpu.yield
    }) : () -> ()
    %mul3A_42 = arith.constant 640 : i32
    %mul3A_43 = arith.muli %arg1, %mul3A_42 : i32
    %add3A_44 = arith.constant 128 : i32
    %add3A_45 = arith.addi %mul3A_43, %add3A_44 : i32
    "tpu.region"() ({
      %run_scoped3A = tpu.sem_alloc : memref<!tpu.dma_semaphore, #tpu.memory_space<semaphore_mem>>
      %dma_start3A = arith.constant 0 : i32
      %dma_start3A_58 = tpu.memref_slice %arg5[%arg0, %add3A_45, %dma_start3A] : memref<2x10240x128xf32, #tpu.memory_space<hbm>> -> memref<1x128x128xf32, #tpu.memory_space<hbm>>
      %dma_start3A_59 = tpu.memref_squeeze %dma_start3A_58 : memref<1x128x128xf32, #tpu.memory_space<hbm>> -> memref<128x128xf32, #tpu.memory_space<hbm>>
      %dma_start3A_60 = arith.constant 0 : i32
      %dma_start3A_61 = tpu.memref_slice %arg12[%add3A_45, %dma_start3A_60] : memref<10240x128xf32, #tpu.memory_space<vmem_shared>> -> memref<128x128xf32, #tpu.memory_space<vmem_shared>>
      tpu.enqueue_dma source(%dma_start3A_61 : memref<128x128xf32, #tpu.memory_space<vmem_shared>>) target(%dma_start3A_59 : memref<128x128xf32, #tpu.memory_space<hbm>>) target_semaphore(%run_scoped3A : memref<!tpu.dma_semaphore, #tpu.memory_space<semaphore_mem>>)
      %dma_wait3A = arith.constant 0 : i32
      %dma_wait3A_62 = tpu.memref_slice %arg5[%arg0, %add3A_45, %dma_wait3A] : memref<2x10240x128xf32, #tpu.memory_space<hbm>> -> memref<1x128x128xf32, #tpu.memory_space<hbm>>
      %dma_wait3A_63 = tpu.memref_squeeze %dma_wait3A_62 : memref<1x128x128xf32, #tpu.memory_space<hbm>> -> memref<128x128xf32, #tpu.memory_space<hbm>>
      %dma_wait3A_64 = arith.constant 0 : i32
      %dma_wait3A_65 = tpu.memref_slice %arg12[%add3A_45, %dma_wait3A_64] : memref<10240x128xf32, #tpu.memory_space<vmem_shared>> -> memref<128x128xf32, #tpu.memory_space<vmem_shared>>
      tpu.wait_dma2 semaphore(%run_scoped3A : memref<!tpu.dma_semaphore, #tpu.memory_space<semaphore_mem>>) src(%dma_wait3A_65 : memref<128x128xf32, #tpu.memory_space<vmem_shared>>) dst(%dma_wait3A_63 : memref<128x128xf32, #tpu.memory_space<hbm>>)
      tpu.yield
    }) : () -> ()
    %mul3A_46 = arith.constant 640 : i32
    %mul3A_47 = arith.muli %arg1, %mul3A_46 : i32
    %add3A_48 = arith.constant 256 : i32
    %add3A_49 = arith.addi %mul3A_47, %add3A_48 : i32
    "tpu.region"() ({
      %run_scoped3A = tpu.sem_alloc : memref<!tpu.dma_semaphore, #tpu.memory_space<semaphore_mem>>
      %dma_start3A = arith.constant 0 : i32
      %dma_start3A_58 = tpu.memref_slice %arg5[%arg0, %add3A_49, %dma_start3A] : memref<2x10240x128xf32, #tpu.memory_space<hbm>> -> memref<1x128x128xf32, #tpu.memory_space<hbm>>
      %dma_start3A_59 = tpu.memref_squeeze %dma_start3A_58 : memref<1x128x128xf32, #tpu.memory_space<hbm>> -> memref<128x128xf32, #tpu.memory_space<hbm>>
      %dma_start3A_60 = arith.constant 0 : i32
      %dma_start3A_61 = tpu.memref_slice %arg12[%add3A_49, %dma_start3A_60] : memref<10240x128xf32, #tpu.memory_space<vmem_shared>> -> memref<128x128xf32, #tpu.memory_space<vmem_shared>>
      tpu.enqueue_dma source(%dma_start3A_61 : memref<128x128xf32, #tpu.memory_space<vmem_shared>>) target(%dma_start3A_59 : memref<128x128xf32, #tpu.memory_space<hbm>>) target_semaphore(%run_scoped3A : memref<!tpu.dma_semaphore, #tpu.memory_space<semaphore_mem>>)
      %dma_wait3A = arith.constant 0 : i32
      %dma_wait3A_62 = tpu.memref_slice %arg5[%arg0, %add3A_49, %dma_wait3A] : memref<2x10240x128xf32, #tpu.memory_space<hbm>> -> memref<1x128x128xf32, #tpu.memory_space<hbm>>
      %dma_wait3A_63 = tpu.memref_squeeze %dma_wait3A_62 : memref<1x128x128xf32, #tpu.memory_space<hbm>> -> memref<128x128xf32, #tpu.memory_space<hbm>>
      %dma_wait3A_64 = arith.constant 0 : i32
      %dma_wait3A_65 = tpu.memref_slice %arg12[%add3A_49, %dma_wait3A_64] : memref<10240x128xf32, #tpu.memory_space<vmem_shared>> -> memref<128x128xf32, #tpu.memory_space<vmem_shared>>
      tpu.wait_dma2 semaphore(%run_scoped3A : memref<!tpu.dma_semaphore, #tpu.memory_space<semaphore_mem>>) src(%dma_wait3A_65 : memref<128x128xf32, #tpu.memory_space<vmem_shared>>) dst(%dma_wait3A_63 : memref<128x128xf32, #tpu.memory_space<hbm>>)
      tpu.yield
    }) : () -> ()
    %mul3A_50 = arith.constant 640 : i32
    %mul3A_51 = arith.muli %arg1, %mul3A_50 : i32
    %add3A_52 = arith.constant 384 : i32
    %add3A_53 = arith.addi %mul3A_51, %add3A_52 : i32
    "tpu.region"() ({
      %run_scoped3A = tpu.sem_alloc : memref<!tpu.dma_semaphore, #tpu.memory_space<semaphore_mem>>
      %dma_start3A = arith.constant 0 : i32
      %dma_start3A_58 = tpu.memref_slice %arg5[%arg0, %add3A_53, %dma_start3A] : memref<2x10240x128xf32, #tpu.memory_space<hbm>> -> memref<1x128x128xf32, #tpu.memory_space<hbm>>
      %dma_start3A_59 = tpu.memref_squeeze %dma_start3A_58 : memref<1x128x128xf32, #tpu.memory_space<hbm>> -> memref<128x128xf32, #tpu.memory_space<hbm>>
      %dma_start3A_60 = arith.constant 0 : i32
      %dma_start3A_61 = tpu.memref_slice %arg12[%add3A_53, %dma_start3A_60] : memref<10240x128xf32, #tpu.memory_space<vmem_shared>> -> memref<128x128xf32, #tpu.memory_space<vmem_shared>>
      tpu.enqueue_dma source(%dma_start3A_61 : memref<128x128xf32, #tpu.memory_space<vmem_shared>>) target(%dma_start3A_59 : memref<128x128xf32, #tpu.memory_space<hbm>>) target_semaphore(%run_scoped3A : memref<!tpu.dma_semaphore, #tpu.memory_space<semaphore_mem>>)
      %dma_wait3A = arith.constant 0 : i32
      %dma_wait3A_62 = tpu.memref_slice %arg5[%arg0, %add3A_53, %dma_wait3A] : memref<2x10240x128xf32, #tpu.memory_space<hbm>> -> memref<1x128x128xf32, #tpu.memory_space<hbm>>
      %dma_wait3A_63 = tpu.memref_squeeze %dma_wait3A_62 : memref<1x128x128xf32, #tpu.memory_space<hbm>> -> memref<128x128xf32, #tpu.memory_space<hbm>>
      %dma_wait3A_64 = arith.constant 0 : i32
      %dma_wait3A_65 = tpu.memref_slice %arg12[%add3A_53, %dma_wait3A_64] : memref<10240x128xf32, #tpu.memory_space<vmem_shared>> -> memref<128x128xf32, #tpu.memory_space<vmem_shared>>
      tpu.wait_dma2 semaphore(%run_scoped3A : memref<!tpu.dma_semaphore, #tpu.memory_space<semaphore_mem>>) src(%dma_wait3A_65 : memref<128x128xf32, #tpu.memory_space<vmem_shared>>) dst(%dma_wait3A_63 : memref<128x128xf32, #tpu.memory_space<hbm>>)
      tpu.yield
    }) : () -> ()
    %mul3A_54 = arith.constant 640 : i32
    %mul3A_55 = arith.muli %arg1, %mul3A_54 : i32
    %add3A_56 = arith.constant 512 : i32
    %add3A_57 = arith.addi %mul3A_55, %add3A_56 : i32
    "tpu.region"() ({
      %run_scoped3A = tpu.sem_alloc : memref<!tpu.dma_semaphore, #tpu.memory_space<semaphore_mem>>
      %dma_start3A = arith.constant 0 : i32
      %dma_start3A_58 = tpu.memref_slice %arg5[%arg0, %add3A_57, %dma_start3A] : memref<2x10240x128xf32, #tpu.memory_space<hbm>> -> memref<1x128x128xf32, #tpu.memory_space<hbm>>
      %dma_start3A_59 = tpu.memref_squeeze %dma_start3A_58 : memref<1x128x128xf32, #tpu.memory_space<hbm>> -> memref<128x128xf32, #tpu.memory_space<hbm>>
      %dma_start3A_60 = arith.constant 0 : i32
      %dma_start3A_61 = tpu.memref_slice %arg12[%add3A_57, %dma_start3A_60] : memref<10240x128xf32, #tpu.memory_space<vmem_shared>> -> memref<128x128xf32, #tpu.memory_space<vmem_shared>>
      tpu.enqueue_dma source(%dma_start3A_61 : memref<128x128xf32, #tpu.memory_space<vmem_shared>>) target(%dma_start3A_59 : memref<128x128xf32, #tpu.memory_space<hbm>>) target_semaphore(%run_scoped3A : memref<!tpu.dma_semaphore, #tpu.memory_space<semaphore_mem>>)
      %dma_wait3A = arith.constant 0 : i32
      %dma_wait3A_62 = tpu.memref_slice %arg5[%arg0, %add3A_57, %dma_wait3A] : memref<2x10240x128xf32, #tpu.memory_space<hbm>> -> memref<1x128x128xf32, #tpu.memory_space<hbm>>
      %dma_wait3A_63 = tpu.memref_squeeze %dma_wait3A_62 : memref<1x128x128xf32, #tpu.memory_space<hbm>> -> memref<128x128xf32, #tpu.memory_space<hbm>>
      %dma_wait3A_64 = arith.constant 0 : i32
      %dma_wait3A_65 = tpu.memref_slice %arg12[%add3A_57, %dma_wait3A_64] : memref<10240x128xf32, #tpu.memory_space<vmem_shared>> -> memref<128x128xf32, #tpu.memory_space<vmem_shared>>
      tpu.wait_dma2 semaphore(%run_scoped3A : memref<!tpu.dma_semaphore, #tpu.memory_space<semaphore_mem>>) src(%dma_wait3A_65 : memref<128x128xf32, #tpu.memory_space<vmem_shared>>) dst(%dma_wait3A_63 : memref<128x128xf32, #tpu.memory_space<hbm>>)
      tpu.yield
    }) : () -> ()
    return
  }
}

#map = affine_map<(d0, d1) -> (0, 0, 0)>
#map1 = affine_map<(d0, d1) -> (0, 0)>
module attributes {stable_mosaic.version = 14 : i64} {
  func.func @_deg_body(%arg0: i32, %arg1: i32, %arg2: memref<32x80x128xi32, #tpu.memory_space<hbm>>, %arg3: memref<32x10240xf32, #tpu.memory_space<hbm>>, %arg4: memref<80x128xi32, #tpu.memory_space<vmem>>, %arg5: memref<10240xf32, #tpu.memory_space<vmem>>) attributes {dimension_semantics = [#tpu.dimension_semantics<core_parallel>, #tpu.dimension_semantics<subcore_parallel>], iteration_bounds = array<i64: 2, 16>, scalar_prefetch = 0 : i64, scratch_operands = 2 : i64, tpu.core_type = #tpu.core_type<sc_vector_subcore>, window_params = [{transform_indices = #map}, {transform_indices = #map1}]} {
    %mul3A = arith.constant 16 : i32
    %mul3A_0 = arith.muli %arg0, %mul3A : i32
    %add3A = arith.addi %mul3A_0, %arg1 : i32
    %scan3A = arith.constant 0 : i32
    %scan3A_1 = arith.constant 0 : i32
    %scan3A_2 = arith.constant 640 : i32
    %scan3A_3 = arith.addi %scan3A_1, %scan3A_2 : i32
    %scan3A_4 = arith.constant 1 : i32
    %scan3A_5 = scf.for %scan3A_15 = %scan3A_1 to %scan3A_3 step %scan3A_4 iter_args(%scan3A_16 = %scan3A) -> (i32)  : i32 {
      %broadcast_in_dim3A_17 = arith.constant 0.000000e+00 : f32
      %broadcast_in_dim3A_18 = vector.broadcast %broadcast_in_dim3A_17 : f32 to vector<16xf32>
      %mul3A_19 = arith.constant 16 : i32
      %mul3A_20 = arith.muli %scan3A_15, %mul3A_19 : i32
      %swap3A = arith.index_cast %mul3A_20 : i32 to index
      %swap3A_21 = tpu.vector_load %arg5[%swap3A] {strides = array<i32>} : memref<10240xf32, #tpu.memory_space<vmem>>, vector<16xf32>,
      tpu.vector_store %arg5[%swap3A], %broadcast_in_dim3A_18 {strides = array<i32>} : memref<10240xf32, #tpu.memory_space<vmem>>, vector<16xf32>,
      %scan3A_22 = arith.constant 0 : i32
      scf.yield %scan3A_22 : i32
    }
    %scan3A_6 = arith.constant 640 : i32
    "tpu.region"() ({
      %run_scoped3A = tpu.sem_alloc : memref<!tpu.dma_semaphore, #tpu.memory_space<semaphore_mem>>
      %dma_start3A = arith.constant 0 : i32
      %dma_start3A_15 = arith.constant 0 : i32
      %dma_start3A_16 = tpu.memref_slice %arg2[%add3A, %dma_start3A, %dma_start3A_15] : memref<32x80x128xi32, #tpu.memory_space<hbm>> -> memref<1x80x128xi32, #tpu.memory_space<hbm>>
      %dma_start3A_17 = tpu.memref_squeeze %dma_start3A_16 : memref<1x80x128xi32, #tpu.memory_space<hbm>> -> memref<80x128xi32, #tpu.memory_space<hbm>>
      %dma_start3A_18 = arith.constant 0 : i32
      %dma_start3A_19 = arith.constant 0 : i32
      %dma_start3A_20 = tpu.memref_slice %arg2[%add3A, %dma_start3A_18, %dma_start3A_19] : memref<32x80x128xi32, #tpu.memory_space<hbm>> -> memref<1x80x128xi32, #tpu.memory_space<hbm>>
      %dma_start3A_21 = tpu.memref_squeeze %dma_start3A_20 : memref<1x80x128xi32, #tpu.memory_space<hbm>> -> memref<80x128xi32, #tpu.memory_space<hbm>>
      tpu.enqueue_dma source(%dma_start3A_21 : memref<80x128xi32, #tpu.memory_space<hbm>>) target(%arg4 : memref<80x128xi32, #tpu.memory_space<vmem>>) target_semaphore(%run_scoped3A : memref<!tpu.dma_semaphore, #tpu.memory_space<semaphore_mem>>)
      %dma_wait3A = arith.constant 0 : i32
      %dma_wait3A_22 = arith.constant 0 : i32
      %dma_wait3A_23 = tpu.memref_slice %arg2[%add3A, %dma_wait3A, %dma_wait3A_22] : memref<32x80x128xi32, #tpu.memory_space<hbm>> -> memref<1x80x128xi32, #tpu.memory_space<hbm>>
      %dma_wait3A_24 = tpu.memref_squeeze %dma_wait3A_23 : memref<1x80x128xi32, #tpu.memory_space<hbm>> -> memref<80x128xi32, #tpu.memory_space<hbm>>
      %dma_wait3A_25 = arith.constant 0 : i32
      %dma_wait3A_26 = arith.constant 0 : i32
      %dma_wait3A_27 = tpu.memref_slice %arg2[%add3A, %dma_wait3A_25, %dma_wait3A_26] : memref<32x80x128xi32, #tpu.memory_space<hbm>> -> memref<1x80x128xi32, #tpu.memory_space<hbm>>
      %dma_wait3A_28 = tpu.memref_squeeze %dma_wait3A_27 : memref<1x80x128xi32, #tpu.memory_space<hbm>> -> memref<80x128xi32, #tpu.memory_space<hbm>>
      tpu.wait_dma2 semaphore(%run_scoped3A : memref<!tpu.dma_semaphore, #tpu.memory_space<semaphore_mem>>) src(%dma_wait3A_28 : memref<80x128xi32, #tpu.memory_space<hbm>>) dst(%arg4 : memref<80x128xi32, #tpu.memory_space<vmem>>)
      tpu.yield
    }) : () -> ()
    %broadcast_in_dim3A = arith.constant 1.000000e+00 : f32
    %broadcast_in_dim3A_7 = vector.broadcast %broadcast_in_dim3A : f32 to vector<16xf32>
    %scan3A_8 = arith.constant 0 : i32
    %scan3A_9 = arith.constant 0 : i32
    %scan3A_10 = arith.constant 640 : i32
    %scan3A_11 = arith.addi %scan3A_9, %scan3A_10 : i32
    %scan3A_12 = arith.constant 1 : i32
    %scan3A_13 = scf.for %scan3A_15 = %scan3A_9 to %scan3A_11 step %scan3A_12 iter_args(%scan3A_16 = %scan3A_8) -> (i32)  : i32 {
      %jit3A = arith.constant 8 : i32
      %div3A = arith.divsi %scan3A_15, %jit3A : i32
      %sign3A = arith.constant 0 : i32
      %sign3A_17 = arith.cmpi sgt, %scan3A_15, %sign3A : i32
      %sign3A_18 = arith.extui %sign3A_17 : i1 to i32
      %sign3A_19 = arith.constant 0 : i32
      %sign3A_20 = arith.cmpi slt, %scan3A_15, %sign3A_19 : i32
      %sign3A_21 = arith.extui %sign3A_20 : i1 to i32
      %sign3A_22 = arith.subi %sign3A_18, %sign3A_21 : i32
      %sign3A_23 = arith.constant 0 : i32
      %sign3A_24 = arith.cmpi sgt, %jit3A, %sign3A_23 : i32
      %sign3A_25 = arith.extui %sign3A_24 : i1 to i32
      %sign3A_26 = arith.constant 0 : i32
      %sign3A_27 = arith.cmpi slt, %jit3A, %sign3A_26 : i32
      %sign3A_28 = arith.extui %sign3A_27 : i1 to i32
      %sign3A_29 = arith.subi %sign3A_25, %sign3A_28 : i32
      %ne3A = arith.cmpi ne, %sign3A_22, %sign3A_29 : i32
      %rem3A = arith.remsi %scan3A_15, %jit3A : i32
      %ne3A_30 = arith.constant 0 : i32
      %ne3A_31 = arith.cmpi ne, %rem3A, %ne3A_30 : i32
      %and3A = arith.andi %ne3A, %ne3A_31 : i1
      %sub3A = arith.constant 1 : i32
      %sub3A_32 = arith.subi %div3A, %sub3A : i32
      %select_n3A = arith.select %and3A, %sub3A_32, %div3A : i32
      %jit3A_33 = arith.constant 8 : i32
      %eq3A = arith.constant 0 : i32
      %eq3A_34 = arith.cmpi eq, %jit3A_33, %eq3A : i32
      %jit3A_35 = arith.constant 1 : i32
      %select_n3A_36 = arith.select %eq3A_34, %jit3A_35, %jit3A_33 : i32
      %rem3A_37 = arith.remsi %scan3A_15, %select_n3A_36 : i32
      %ne3A_38 = arith.constant 0 : i32
      %ne3A_39 = arith.cmpi ne, %rem3A_37, %ne3A_38 : i32
      %lt3A = arith.constant 0 : i32
      %lt3A_40 = arith.cmpi slt, %rem3A_37, %lt3A : i32
      %lt3A_41 = arith.constant 0 : i32
      %lt3A_42 = arith.cmpi slt, %select_n3A_36, %lt3A_41 : i32
      %ne3A_43 = arith.xori %lt3A_40, %lt3A_42 : i1
      %and3A_44 = arith.andi %ne3A_43, %ne3A_39 : i1
      %add3A_45 = arith.addi %rem3A_37, %select_n3A_36 : i32
      %select_n3A_46 = arith.select %and3A_44, %add3A_45, %rem3A_37 : i32
      %mul3A_47 = arith.constant 16 : i32
      %mul3A_48 = arith.muli %select_n3A_46, %mul3A_47 : i32
      %get3A = arith.index_cast %select_n3A : i32 to index
      %get3A_49 = arith.index_cast %mul3A_48 : i32 to index
      %get3A_50 = tpu.vector_load %arg4[%get3A, %get3A_49] {strides = array<i32>} : memref<80x128xi32, #tpu.memory_space<vmem>>, vector<16xi32>,
      tpu.vector_store_idx %arg5[%get3A_50], %broadcast_in_dim3A_7 {add = true} : memref<10240xf32, #tpu.memory_space<vmem>>[vector<16xi32>], vector<16xf32>,
      %scan3A_51 = arith.constant 0 : i32
      scf.yield %scan3A_51 : i32
    }
    %scan3A_14 = arith.constant 640 : i32
    "tpu.region"() ({
      %run_scoped3A = tpu.sem_alloc : memref<!tpu.dma_semaphore, #tpu.memory_space<semaphore_mem>>
      %dma_start3A = arith.constant 0 : i32
      %dma_start3A_15 = tpu.memref_slice %arg3[%add3A, %dma_start3A] : memref<32x10240xf32, #tpu.memory_space<hbm>> -> memref<1x10240xf32, #tpu.memory_space<hbm>>
      %dma_start3A_16 = tpu.memref_squeeze %dma_start3A_15 : memref<1x10240xf32, #tpu.memory_space<hbm>> -> memref<10240xf32, #tpu.memory_space<hbm>>
      %dma_start3A_17 = arith.constant 0 : i32
      %dma_start3A_18 = tpu.memref_slice %arg3[%add3A, %dma_start3A_17] : memref<32x10240xf32, #tpu.memory_space<hbm>> -> memref<1x10240xf32, #tpu.memory_space<hbm>>
      %dma_start3A_19 = tpu.memref_squeeze %dma_start3A_18 : memref<1x10240xf32, #tpu.memory_space<hbm>> -> memref<10240xf32, #tpu.memory_space<hbm>>
      tpu.enqueue_dma source(%arg5 : memref<10240xf32, #tpu.memory_space<vmem>>) target(%dma_start3A_19 : memref<10240xf32, #tpu.memory_space<hbm>>) target_semaphore(%run_scoped3A : memref<!tpu.dma_semaphore, #tpu.memory_space<semaphore_mem>>)
      %dma_wait3A = arith.constant 0 : i32
      %dma_wait3A_20 = tpu.memref_slice %arg3[%add3A, %dma_wait3A] : memref<32x10240xf32, #tpu.memory_space<hbm>> -> memref<1x10240xf32, #tpu.memory_space<hbm>>
      %dma_wait3A_21 = tpu.memref_squeeze %dma_wait3A_20 : memref<1x10240xf32, #tpu.memory_space<hbm>> -> memref<10240xf32, #tpu.memory_space<hbm>>
      %dma_wait3A_22 = arith.constant 0 : i32
      %dma_wait3A_23 = tpu.memref_slice %arg3[%add3A, %dma_wait3A_22] : memref<32x10240xf32, #tpu.memory_space<hbm>> -> memref<1x10240xf32, #tpu.memory_space<hbm>>
      %dma_wait3A_24 = tpu.memref_squeeze %dma_wait3A_23 : memref<1x10240xf32, #tpu.memory_space<hbm>> -> memref<10240xf32, #tpu.memory_space<hbm>>
      tpu.wait_dma2 semaphore(%run_scoped3A : memref<!tpu.dma_semaphore, #tpu.memory_space<semaphore_mem>>) src(%arg5 : memref<10240xf32, #tpu.memory_space<vmem>>) dst(%dma_wait3A_24 : memref<10240xf32, #tpu.memory_space<hbm>>)
      tpu.yield
    }) : () -> ()
    return
  }
}

#map = affine_map<(d0, d1) -> (0, 0)>
#map1 = affine_map<(d0, d1) -> (0, 0, 0)>
#map2 = affine_map<(d0, d1) -> (0)>
module attributes {stable_mosaic.version = 14 : i64} {
  func.func @_dec_body(%arg0: i32, %arg1: i32, %arg2: memref<10240x128xf32, #tpu.memory_space<hbm>>, %arg3: memref<32x80x128xi32, #tpu.memory_space<hbm>>, %arg4: memref<32x80x128xi32, #tpu.memory_space<hbm>>, %arg5: memref<327680xf32, #tpu.memory_space<hbm>>, %arg6: memref<112x128xi32, #tpu.memory_space<vmem>>, %arg7: memref<112x128xi32, #tpu.memory_space<vmem>>, %arg8: memref<128x128xf32, #tpu.memory_space<vmem>>, %arg9: memref<128x128xf32, #tpu.memory_space<vmem>>, %arg10: memref<128x128xf32, #tpu.memory_space<vmem>>, %arg11: memref<128x128xf32, #tpu.memory_space<vmem>>, %arg12: memref<!tpu.dma_semaphore, #tpu.memory_space<semaphore_mem>>, %arg13: memref<!tpu.dma_semaphore, #tpu.memory_space<semaphore_mem>>, %arg14: memref<!tpu.dma_semaphore, #tpu.memory_space<semaphore_mem>>, %arg15: memref<!tpu.dma_semaphore, #tpu.memory_space<semaphore_mem>>, %arg16: memref<14336xf32, #tpu.memory_space<vmem>>) attributes {dimension_semantics = [#tpu.dimension_semantics<core_parallel>, #tpu.dimension_semantics<subcore_parallel>], iteration_bounds = array<i64: 2, 16>, scalar_prefetch = 0 : i64, scratch_operands = 11 : i64, tpu.core_type = #tpu.core_type<sc_vector_subcore>, window_params = [{transform_indices = #map}, {transform_indices = #map1}, {transform_indices = #map1}, {transform_indices = #map2}]} {
    %add3A = arith.constant 16 : i32
    %add3A_0 = arith.addi %add3A, %arg1 : i32
    %add3A_1 = arith.constant 0 : i32
    %add3A_2 = arith.addi %add3A_1, %arg1 : i32
    %eq3A = arith.constant 1 : i32
    %eq3A_3 = arith.cmpi eq, %arg0, %eq3A : i32
    %convert_element_type3A = arith.extui %eq3A_3 : i1 to i32
    %cond3A = arith.constant 0 : i32
    %cond3A_4 = arith.cmpi ne, %convert_element_type3A, %cond3A : i32
    scf.if %cond3A_4 {
      "tpu.region"() ({
        %run_scoped3A = tpu.sem_alloc : memref<!tpu.dma_semaphore, #tpu.memory_space<semaphore_mem>>
        %dma_start3A_36 = arith.constant 0 : i32
        %dma_start3A_37 = arith.constant 0 : i32
        %dma_start3A_38 = tpu.memref_slice %arg6[%dma_start3A_36, %dma_start3A_37] : memref<112x128xi32, #tpu.memory_space<vmem>> -> memref<48x128xi32, #tpu.memory_space<vmem>>
        %dma_start3A_39 = arith.constant 0 : i32
        %dma_start3A_40 = arith.constant 0 : i32
        %dma_start3A_41 = tpu.memref_slice %arg3[%add3A_0, %dma_start3A_39, %dma_start3A_40] : memref<32x80x128xi32, #tpu.memory_space<hbm>> -> memref<1x48x128xi32, #tpu.memory_space<hbm>>
        %dma_start3A_42 = tpu.memref_squeeze %dma_start3A_41 : memref<1x48x128xi32, #tpu.memory_space<hbm>> -> memref<48x128xi32, #tpu.memory_space<hbm>>
        %dma_start3A_43 = arith.constant 0 : i32
        %dma_start3A_44 = arith.constant 0 : i32
        %dma_start3A_45 = tpu.memref_slice %arg6[%dma_start3A_43, %dma_start3A_44] : memref<112x128xi32, #tpu.memory_space<vmem>> -> memref<48x128xi32, #tpu.memory_space<vmem>>
        %dma_start3A_46 = arith.constant 0 : i32
        %dma_start3A_47 = arith.constant 0 : i32
        %dma_start3A_48 = tpu.memref_slice %arg3[%add3A_0, %dma_start3A_46, %dma_start3A_47] : memref<32x80x128xi32, #tpu.memory_space<hbm>> -> memref<1x48x128xi32, #tpu.memory_space<hbm>>
        %dma_start3A_49 = tpu.memref_squeeze %dma_start3A_48 : memref<1x48x128xi32, #tpu.memory_space<hbm>> -> memref<48x128xi32, #tpu.memory_space<hbm>>
        tpu.enqueue_dma source(%dma_start3A_49 : memref<48x128xi32, #tpu.memory_space<hbm>>) target(%dma_start3A_45 : memref<48x128xi32, #tpu.memory_space<vmem>>) target_semaphore(%run_scoped3A : memref<!tpu.dma_semaphore, #tpu.memory_space<semaphore_mem>>)
        %dma_wait3A = arith.constant 0 : i32
        %dma_wait3A_50 = arith.constant 0 : i32
        %dma_wait3A_51 = tpu.memref_slice %arg6[%dma_wait3A, %dma_wait3A_50] : memref<112x128xi32, #tpu.memory_space<vmem>> -> memref<48x128xi32, #tpu.memory_space<vmem>>
        %dma_wait3A_52 = arith.constant 0 : i32
        %dma_wait3A_53 = arith.constant 0 : i32
        %dma_wait3A_54 = tpu.memref_slice %arg3[%add3A_0, %dma_wait3A_52, %dma_wait3A_53] : memref<32x80x128xi32, #tpu.memory_space<hbm>> -> memref<1x48x128xi32, #tpu.memory_space<hbm>>
        %dma_wait3A_55 = tpu.memref_squeeze %dma_wait3A_54 : memref<1x48x128xi32, #tpu.memory_space<hbm>> -> memref<48x128xi32, #tpu.memory_space<hbm>>
        %dma_wait3A_56 = arith.constant 0 : i32
        %dma_wait3A_57 = arith.constant 0 : i32
        %dma_wait3A_58 = tpu.memref_slice %arg6[%dma_wait3A_56, %dma_wait3A_57] : memref<112x128xi32, #tpu.memory_space<vmem>> -> memref<48x128xi32, #tpu.memory_space<vmem>>
        %dma_wait3A_59 = arith.constant 0 : i32
        %dma_wait3A_60 = arith.constant 0 : i32
        %dma_wait3A_61 = tpu.memref_slice %arg3[%add3A_0, %dma_wait3A_59, %dma_wait3A_60] : memref<32x80x128xi32, #tpu.memory_space<hbm>> -> memref<1x48x128xi32, #tpu.memory_space<hbm>>
        %dma_wait3A_62 = tpu.memref_squeeze %dma_wait3A_61 : memref<1x48x128xi32, #tpu.memory_space<hbm>> -> memref<48x128xi32, #tpu.memory_space<hbm>>
        tpu.wait_dma2 semaphore(%run_scoped3A : memref<!tpu.dma_semaphore, #tpu.memory_space<semaphore_mem>>) src(%dma_wait3A_62 : memref<48x128xi32, #tpu.memory_space<hbm>>) dst(%dma_wait3A_58 : memref<48x128xi32, #tpu.memory_space<vmem>>)
        tpu.yield
      }) : () -> ()
      "tpu.region"() ({
        %run_scoped3A = tpu.sem_alloc : memref<!tpu.dma_semaphore, #tpu.memory_space<semaphore_mem>>
        %dma_start3A_36 = arith.constant 0 : i32
        %dma_start3A_37 = arith.constant 0 : i32
        %dma_start3A_38 = tpu.memref_slice %arg7[%dma_start3A_36, %dma_start3A_37] : memref<112x128xi32, #tpu.memory_space<vmem>> -> memref<48x128xi32, #tpu.memory_space<vmem>>
        %dma_start3A_39 = arith.constant 0 : i32
        %dma_start3A_40 = arith.constant 0 : i32
        %dma_start3A_41 = tpu.memref_slice %arg4[%add3A_0, %dma_start3A_39, %dma_start3A_40] : memref<32x80x128xi32, #tpu.memory_space<hbm>> -> memref<1x48x128xi32, #tpu.memory_space<hbm>>
        %dma_start3A_42 = tpu.memref_squeeze %dma_start3A_41 : memref<1x48x128xi32, #tpu.memory_space<hbm>> -> memref<48x128xi32, #tpu.memory_space<hbm>>
        %dma_start3A_43 = arith.constant 0 : i32
        %dma_start3A_44 = arith.constant 0 : i32
        %dma_start3A_45 = tpu.memref_slice %arg7[%dma_start3A_43, %dma_start3A_44] : memref<112x128xi32, #tpu.memory_space<vmem>> -> memref<48x128xi32, #tpu.memory_space<vmem>>
        %dma_start3A_46 = arith.constant 0 : i32
        %dma_start3A_47 = arith.constant 0 : i32
        %dma_start3A_48 = tpu.memref_slice %arg4[%add3A_0, %dma_start3A_46, %dma_start3A_47] : memref<32x80x128xi32, #tpu.memory_space<hbm>> -> memref<1x48x128xi32, #tpu.memory_space<hbm>>
        %dma_start3A_49 = tpu.memref_squeeze %dma_start3A_48 : memref<1x48x128xi32, #tpu.memory_space<hbm>> -> memref<48x128xi32, #tpu.memory_space<hbm>>
        tpu.enqueue_dma source(%dma_start3A_49 : memref<48x128xi32, #tpu.memory_space<hbm>>) target(%dma_start3A_45 : memref<48x128xi32, #tpu.memory_space<vmem>>) target_semaphore(%run_scoped3A : memref<!tpu.dma_semaphore, #tpu.memory_space<semaphore_mem>>)
        %dma_wait3A = arith.constant 0 : i32
        %dma_wait3A_50 = arith.constant 0 : i32
        %dma_wait3A_51 = tpu.memref_slice %arg7[%dma_wait3A, %dma_wait3A_50] : memref<112x128xi32, #tpu.memory_space<vmem>> -> memref<48x128xi32, #tpu.memory_space<vmem>>
        %dma_wait3A_52 = arith.constant 0 : i32
        %dma_wait3A_53 = arith.constant 0 : i32
        %dma_wait3A_54 = tpu.memref_slice %arg4[%add3A_0, %dma_wait3A_52, %dma_wait3A_53] : memref<32x80x128xi32, #tpu.memory_space<hbm>> -> memref<1x48x128xi32, #tpu.memory_space<hbm>>
        %dma_wait3A_55 = tpu.memref_squeeze %dma_wait3A_54 : memref<1x48x128xi32, #tpu.memory_space<hbm>> -> memref<48x128xi32, #tpu.memory_space<hbm>>
        %dma_wait3A_56 = arith.constant 0 : i32
        %dma_wait3A_57 = arith.constant 0 : i32
        %dma_wait3A_58 = tpu.memref_slice %arg7[%dma_wait3A_56, %dma_wait3A_57] : memref<112x128xi32, #tpu.memory_space<vmem>> -> memref<48x128xi32, #tpu.memory_space<vmem>>
        %dma_wait3A_59 = arith.constant 0 : i32
        %dma_wait3A_60 = arith.constant 0 : i32
        %dma_wait3A_61 = tpu.memref_slice %arg4[%add3A_0, %dma_wait3A_59, %dma_wait3A_60] : memref<32x80x128xi32, #tpu.memory_space<hbm>> -> memref<1x48x128xi32, #tpu.memory_space<hbm>>
        %dma_wait3A_62 = tpu.memref_squeeze %dma_wait3A_61 : memref<1x48x128xi32, #tpu.memory_space<hbm>> -> memref<48x128xi32, #tpu.memory_space<hbm>>
        tpu.wait_dma2 semaphore(%run_scoped3A : memref<!tpu.dma_semaphore, #tpu.memory_space<semaphore_mem>>) src(%dma_wait3A_62 : memref<48x128xi32, #tpu.memory_space<hbm>>) dst(%dma_wait3A_58 : memref<48x128xi32, #tpu.memory_space<vmem>>)
        tpu.yield
      }) : () -> ()
      %scan3A = arith.constant 0 : i32
      %scan3A_9 = arith.constant 0 : i32
      %scan3A_10 = arith.constant 384 : i32
      %scan3A_11 = arith.addi %scan3A_9, %scan3A_10 : i32
      %scan3A_12 = arith.constant 1 : i32
      %scan3A_13 = scf.for %scan3A_36 = %scan3A_9 to %scan3A_11 step %scan3A_12 iter_args(%scan3A_37 = %scan3A) -> (i32)  : i32 {
        %broadcast_in_dim3A = arith.constant 0.000000e+00 : f32
        %broadcast_in_dim3A_38 = vector.broadcast %broadcast_in_dim3A : f32 to vector<16xf32>
        %mul3A_39 = arith.constant 16 : i32
        %mul3A_40 = arith.muli %scan3A_36, %mul3A_39 : i32
        %swap3A = arith.index_cast %mul3A_40 : i32 to index
        %swap3A_41 = tpu.vector_load %arg16[%swap3A] {strides = array<i32>} : memref<14336xf32, #tpu.memory_space<vmem>>, vector<16xf32>,
        tpu.vector_store %arg16[%swap3A], %broadcast_in_dim3A_38 {strides = array<i32>} : memref<14336xf32, #tpu.memory_space<vmem>>, vector<16xf32>,
        %scan3A_42 = arith.constant 0 : i32
        scf.yield %scan3A_42 : i32
      }
      %scan3A_14 = arith.constant 384 : i32
      %dma_start3A = arith.constant 0 : i32
      %dma_start3A_15 = arith.constant 0 : i32
      %dma_start3A_16 = tpu.memref_slice %arg6[%dma_start3A, %dma_start3A_15] : memref<112x128xi32, #tpu.memory_space<vmem>> -> memref<1x128xi32, #tpu.memory_space<vmem>>
      %dma_start3A_17 = tpu.memref_squeeze %dma_start3A_16 : memref<1x128xi32, #tpu.memory_space<vmem>> -> memref<128xi32, #tpu.memory_space<vmem>>
      %dma_start3A_18 = arith.constant 0 : i32
      %dma_start3A_19 = arith.constant 0 : i32
      %dma_start3A_20 = tpu.memref_slice %arg2[%dma_start3A_18, %dma_start3A_19] : memref<10240x128xf32, #tpu.memory_space<hbm>> -> memref<10240x128xf32, #tpu.memory_space<hbm>>
      tpu.enqueue_indirect_dma source(%dma_start3A_20 : memref<10240x128xf32, #tpu.memory_space<hbm>>) target(%arg8 : memref<128x128xf32, #tpu.memory_space<vmem>>) offsets(%dma_start3A_17 : memref<128xi32, #tpu.memory_space<vmem>>) semaphore(%arg12 : memref<!tpu.dma_semaphore, #tpu.memory_space<semaphore_mem>>)
      %dma_start3A_21 = arith.constant 0 : i32
      %dma_start3A_22 = arith.constant 0 : i32
      %dma_start3A_23 = tpu.memref_slice %arg7[%dma_start3A_21, %dma_start3A_22] : memref<112x128xi32, #tpu.memory_space<vmem>> -> memref<1x128xi32, #tpu.memory_space<vmem>>
      %dma_start3A_24 = tpu.memref_squeeze %dma_start3A_23 : memref<1x128xi32, #tpu.memory_space<vmem>> -> memref<128xi32, #tpu.memory_space<vmem>>
      %dma_start3A_25 = arith.constant 0 : i32
      %dma_start3A_26 = arith.constant 0 : i32
      %dma_start3A_27 = tpu.memref_slice %arg2[%dma_start3A_25, %dma_start3A_26] : memref<10240x128xf32, #tpu.memory_space<hbm>> -> memref<10240x128xf32, #tpu.memory_space<hbm>>
      tpu.enqueue_indirect_dma source(%dma_start3A_27 : memref<10240x128xf32, #tpu.memory_space<hbm>>) target(%arg9 : memref<128x128xf32, #tpu.memory_space<vmem>>) offsets(%dma_start3A_24 : memref<128xi32, #tpu.memory_space<vmem>>) semaphore(%arg13 : memref<!tpu.dma_semaphore, #tpu.memory_space<semaphore_mem>>)
      %scan3A_28 = arith.constant 0 : i32
      %scan3A_29 = arith.constant 0 : i32
      %scan3A_30 = arith.constant 24 : i32
      %scan3A_31 = arith.addi %scan3A_29, %scan3A_30 : i32
      %scan3A_32 = arith.constant 1 : i32
      %scan3A_33 = scf.for %scan3A_36 = %scan3A_29 to %scan3A_31 step %scan3A_32 iter_args(%scan3A_37 = %scan3A_28) -> (i32)  : i32 {
        %mul3A_38 = arith.constant 2 : i32
        %mul3A_39 = arith.muli %mul3A_38, %scan3A_36 : i32
        %add3A_40 = arith.constant 1 : i32
        %add3A_41 = arith.addi %mul3A_39, %add3A_40 : i32
        %dma_start3A_42 = arith.constant 0 : i32
        %dma_start3A_43 = tpu.memref_slice %arg6[%add3A_41, %dma_start3A_42] : memref<112x128xi32, #tpu.memory_space<vmem>> -> memref<1x128xi32, #tpu.memory_space<vmem>>
        %dma_start3A_44 = tpu.memref_squeeze %dma_start3A_43 : memref<1x128xi32, #tpu.memory_space<vmem>> -> memref<128xi32, #tpu.memory_space<vmem>>
        %dma_start3A_45 = arith.constant 0 : i32
        %dma_start3A_46 = arith.constant 0 : i32
        %dma_start3A_47 = tpu.memref_slice %arg2[%dma_start3A_45, %dma_start3A_46] : memref<10240x128xf32, #tpu.memory_space<hbm>> -> memref<10240x128xf32, #tpu.memory_space<hbm>>
        tpu.enqueue_indirect_dma source(%dma_start3A_47 : memref<10240x128xf32, #tpu.memory_space<hbm>>) target(%arg10 : memref<128x128xf32, #tpu.memory_space<vmem>>) offsets(%dma_start3A_44 : memref<128xi32, #tpu.memory_space<vmem>>) semaphore(%arg14 : memref<!tpu.dma_semaphore, #tpu.memory_space<semaphore_mem>>)
        %dma_start3A_48 = arith.constant 0 : i32
        %dma_start3A_49 = tpu.memref_slice %arg7[%add3A_41, %dma_start3A_48] : memref<112x128xi32, #tpu.memory_space<vmem>> -> memref<1x128xi32, #tpu.memory_space<vmem>>
        %dma_start3A_50 = tpu.memref_squeeze %dma_start3A_49 : memref<1x128xi32, #tpu.memory_space<vmem>> -> memref<128xi32, #tpu.memory_space<vmem>>
        %dma_start3A_51 = arith.constant 0 : i32
        %dma_start3A_52 = arith.constant 0 : i32
        %dma_start3A_53 = tpu.memref_slice %arg2[%dma_start3A_51, %dma_start3A_52] : memref<10240x128xf32, #tpu.memory_space<hbm>> -> memref<10240x128xf32, #tpu.memory_space<hbm>>
        tpu.enqueue_indirect_dma source(%dma_start3A_53 : memref<10240x128xf32, #tpu.memory_space<hbm>>) target(%arg11 : memref<128x128xf32, #tpu.memory_space<vmem>>) offsets(%dma_start3A_50 : memref<128xi32, #tpu.memory_space<vmem>>) semaphore(%arg15 : memref<!tpu.dma_semaphore, #tpu.memory_space<semaphore_mem>>)
        %dma_wait3A = arith.constant 0 : i32
        %dma_wait3A_54 = tpu.memref_slice %arg6[%mul3A_39, %dma_wait3A] : memref<112x128xi32, #tpu.memory_space<vmem>> -> memref<1x128xi32, #tpu.memory_space<vmem>>
        %dma_wait3A_55 = tpu.memref_squeeze %dma_wait3A_54 : memref<1x128xi32, #tpu.memory_space<vmem>> -> memref<128xi32, #tpu.memory_space<vmem>>
        %dma_wait3A_56 = arith.constant 0 : i32
        %dma_wait3A_57 = arith.constant 0 : i32
        %dma_wait3A_58 = tpu.memref_slice %arg2[%dma_wait3A_56, %dma_wait3A_57] : memref<10240x128xf32, #tpu.memory_space<hbm>> -> memref<10240x128xf32, #tpu.memory_space<hbm>>
        tpu.wait_indirect_dma semaphore(%arg12 : memref<!tpu.dma_semaphore, #tpu.memory_space<semaphore_mem>>) src(%dma_wait3A_58 : memref<10240x128xf32, #tpu.memory_space<hbm>>) dst(%arg8 : memref<128x128xf32, #tpu.memory_space<vmem>>)
        %dma_wait3A_59 = arith.constant 0 : i32
        %dma_wait3A_60 = tpu.memref_slice %arg7[%mul3A_39, %dma_wait3A_59] : memref<112x128xi32, #tpu.memory_space<vmem>> -> memref<1x128xi32, #tpu.memory_space<vmem>>
        %dma_wait3A_61 = tpu.memref_squeeze %dma_wait3A_60 : memref<1x128xi32, #tpu.memory_space<vmem>> -> memref<128xi32, #tpu.memory_space<vmem>>
        %dma_wait3A_62 = arith.constant 0 : i32
        %dma_wait3A_63 = arith.constant 0 : i32
        %dma_wait3A_64 = tpu.memref_slice %arg2[%dma_wait3A_62, %dma_wait3A_63] : memref<10240x128xf32, #tpu.memory_space<hbm>> -> memref<10240x128xf32, #tpu.memory_space<hbm>>
        tpu.wait_indirect_dma semaphore(%arg13 : memref<!tpu.dma_semaphore, #tpu.memory_space<semaphore_mem>>) src(%dma_wait3A_64 : memref<10240x128xf32, #tpu.memory_space<hbm>>) dst(%arg9 : memref<128x128xf32, #tpu.memory_space<vmem>>)
        %mul3A_65 = arith.constant 128 : i32
        %mul3A_66 = arith.muli %mul3A_39, %mul3A_65 : i32
        %scan3A_67 = arith.constant 0 : i32
        %scan3A_68 = arith.constant 0 : i32
        %scan3A_69 = arith.constant 32 : i32
        %scan3A_70 = arith.addi %scan3A_68, %scan3A_69 : i32
        %scan3A_71 = arith.constant 1 : i32
        %scan3A_72 = scf.for %scan3A_106 = %scan3A_68 to %scan3A_70 step %scan3A_71 iter_args(%scan3A_107 = %scan3A_67) -> (i32)  : i32 {
          %mul3A_108 = arith.constant 4 : i32
          %mul3A_109 = arith.muli %scan3A_106, %mul3A_108 : i32
          %add3A_110 = arith.constant 0 : i32
          %add3A_111 = arith.addi %mul3A_109, %add3A_110 : i32
          %get3A = arith.index_cast %add3A_111 : i32 to index
          %get3A_112 = arith.constant 0 : index
          %get3A_113 = tpu.vector_load %arg8[%get3A, %get3A_112] {strides = array<i32>} : memref<128x128xf32, #tpu.memory_space<vmem>>, vector<16xf32>,
          %get3A_114 = arith.index_cast %add3A_111 : i32 to index
          %get3A_115 = arith.constant 0 : index
          %get3A_116 = tpu.vector_load %arg9[%get3A_114, %get3A_115] {strides = array<i32>} : memref<128x128xf32, #tpu.memory_space<vmem>>, vector<16xf32>,
          %mul3A_117 = arith.mulf %get3A_113, %get3A_116 : vector<16xf32>
          %get3A_118 = arith.index_cast %add3A_111 : i32 to index
          %get3A_119 = arith.constant 16 : index
          %get3A_120 = tpu.vector_load %arg8[%get3A_118, %get3A_119] {strides = array<i32>} : memref<128x128xf32, #tpu.memory_space<vmem>>, vector<16xf32>,
          %get3A_121 = arith.index_cast %add3A_111 : i32 to index
          %get3A_122 = arith.constant 16 : index
          %get3A_123 = tpu.vector_load %arg9[%get3A_121, %get3A_122] {strides = array<i32>} : memref<128x128xf32, #tpu.memory_space<vmem>>, vector<16xf32>,
          %mul3A_124 = arith.mulf %get3A_120, %get3A_123 : vector<16xf32>
          %get3A_125 = arith.index_cast %add3A_111 : i32 to index
          %get3A_126 = arith.constant 32 : index
          %get3A_127 = tpu.vector_load %arg8[%get3A_125, %get3A_126] {strides = array<i32>} : memref<128x128xf32, #tpu.memory_space<vmem>>, vector<16xf32>,
          %get3A_128 = arith.index_cast %add3A_111 : i32 to index
          %get3A_129 = arith.constant 32 : index
          %get3A_130 = tpu.vector_load %arg9[%get3A_128, %get3A_129] {strides = array<i32>} : memref<128x128xf32, #tpu.memory_space<vmem>>, vector<16xf32>,
          %mul3A_131 = arith.mulf %get3A_127, %get3A_130 : vector<16xf32>
          %get3A_132 = arith.index_cast %add3A_111 : i32 to index
          %get3A_133 = arith.constant 48 : index
          %get3A_134 = tpu.vector_load %arg8[%get3A_132, %get3A_133] {strides = array<i32>} : memref<128x128xf32, #tpu.memory_space<vmem>>, vector<16xf32>,
          %get3A_135 = arith.index_cast %add3A_111 : i32 to index
          %get3A_136 = arith.constant 48 : index
          %get3A_137 = tpu.vector_load %arg9[%get3A_135, %get3A_136] {strides = array<i32>} : memref<128x128xf32, #tpu.memory_space<vmem>>, vector<16xf32>,
          %mul3A_138 = arith.mulf %get3A_134, %get3A_137 : vector<16xf32>
          %get3A_139 = arith.index_cast %add3A_111 : i32 to index
          %get3A_140 = arith.constant 64 : index
          %get3A_141 = tpu.vector_load %arg8[%get3A_139, %get3A_140] {strides = array<i32>} : memref<128x128xf32, #tpu.memory_space<vmem>>, vector<16xf32>,
          %get3A_142 = arith.index_cast %add3A_111 : i32 to index
          %get3A_143 = arith.constant 64 : index
          %get3A_144 = tpu.vector_load %arg9[%get3A_142, %get3A_143] {strides = array<i32>} : memref<128x128xf32, #tpu.memory_space<vmem>>, vector<16xf32>,
          %mul3A_145 = arith.mulf %get3A_141, %get3A_144 : vector<16xf32>
          %get3A_146 = arith.index_cast %add3A_111 : i32 to index
          %get3A_147 = arith.constant 80 : index
          %get3A_148 = tpu.vector_load %arg8[%get3A_146, %get3A_147] {strides = array<i32>} : memref<128x128xf32, #tpu.memory_space<vmem>>, vector<16xf32>,
          %get3A_149 = arith.index_cast %add3A_111 : i32 to index
          %get3A_150 = arith.constant 80 : index
          %get3A_151 = tpu.vector_load %arg9[%get3A_149, %get3A_150] {strides = array<i32>} : memref<128x128xf32, #tpu.memory_space<vmem>>, vector<16xf32>,
          %mul3A_152 = arith.mulf %get3A_148, %get3A_151 : vector<16xf32>
          %get3A_153 = arith.index_cast %add3A_111 : i32 to index
          %get3A_154 = arith.constant 96 : index
          %get3A_155 = tpu.vector_load %arg8[%get3A_153, %get3A_154] {strides = array<i32>} : memref<128x128xf32, #tpu.memory_space<vmem>>, vector<16xf32>,
          %get3A_156 = arith.index_cast %add3A_111 : i32 to index
          %get3A_157 = arith.constant 96 : index
          %get3A_158 = tpu.vector_load %arg9[%get3A_156, %get3A_157] {strides = array<i32>} : memref<128x128xf32, #tpu.memory_space<vmem>>, vector<16xf32>,
          %mul3A_159 = arith.mulf %get3A_155, %get3A_158 : vector<16xf32>
          %get3A_160 = arith.index_cast %add3A_111 : i32 to index
          %get3A_161 = arith.constant 112 : index
          %get3A_162 = tpu.vector_load %arg8[%get3A_160, %get3A_161] {strides = array<i32>} : memref<128x128xf32, #tpu.memory_space<vmem>>, vector<16xf32>,
          %get3A_163 = arith.index_cast %add3A_111 : i32 to index
          %get3A_164 = arith.constant 112 : index
          %get3A_165 = tpu.vector_load %arg9[%get3A_163, %get3A_164] {strides = array<i32>} : memref<128x128xf32, #tpu.memory_space<vmem>>, vector<16xf32>,
          %mul3A_166 = arith.mulf %get3A_162, %get3A_165 : vector<16xf32>
          %add3A_167 = arith.addf %mul3A_117, %mul3A_124 : vector<16xf32>
          %add3A_168 = arith.addf %mul3A_131, %mul3A_138 : vector<16xf32>
          %add3A_169 = arith.addf %mul3A_145, %mul3A_152 : vector<16xf32>
          %add3A_170 = arith.addf %mul3A_159, %mul3A_166 : vector<16xf32>
          %add3A_171 = arith.addf %add3A_167, %add3A_168 : vector<16xf32>
          %add3A_172 = arith.addf %add3A_169, %add3A_170 : vector<16xf32>
          %add3A_173 = arith.addf %add3A_171, %add3A_172 : vector<16xf32>
          %add3A_174 = arith.addi %mul3A_66, %add3A_111 : i32
          %broadcast_in_dim3A = vector.broadcast %add3A_174 : i32 to vector<16xi32>
          tpu.vector_store_idx %arg16[%broadcast_in_dim3A], %add3A_173 {add = true} : memref<14336xf32, #tpu.memory_space<vmem>>[vector<16xi32>], vector<16xf32>,
          %mul3A_175 = arith.constant 4 : i32
          %mul3A_176 = arith.muli %scan3A_106, %mul3A_175 : i32
          %add3A_177 = arith.constant 1 : i32
          %add3A_178 = arith.addi %mul3A_176, %add3A_177 : i32
          %get3A_179 = arith.index_cast %add3A_178 : i32 to index
          %get3A_180 = arith.constant 0 : index
          %get3A_181 = tpu.vector_load %arg8[%get3A_179, %get3A_180] {strides = array<i32>} : memref<128x128xf32, #tpu.memory_space<vmem>>, vector<16xf32>,
          %get3A_182 = arith.index_cast %add3A_178 : i32 to index
          %get3A_183 = arith.constant 0 : index
          %get3A_184 = tpu.vector_load %arg9[%get3A_182, %get3A_183] {strides = array<i32>} : memref<128x128xf32, #tpu.memory_space<vmem>>, vector<16xf32>,
          %mul3A_185 = arith.mulf %get3A_181, %get3A_184 : vector<16xf32>
          %get3A_186 = arith.index_cast %add3A_178 : i32 to index
          %get3A_187 = arith.constant 16 : index
          %get3A_188 = tpu.vector_load %arg8[%get3A_186, %get3A_187] {strides = array<i32>} : memref<128x128xf32, #tpu.memory_space<vmem>>, vector<16xf32>,
          %get3A_189 = arith.index_cast %add3A_178 : i32 to index
          %get3A_190 = arith.constant 16 : index
          %get3A_191 = tpu.vector_load %arg9[%get3A_189, %get3A_190] {strides = array<i32>} : memref<128x128xf32, #tpu.memory_space<vmem>>, vector<16xf32>,
          %mul3A_192 = arith.mulf %get3A_188, %get3A_191 : vector<16xf32>
          %get3A_193 = arith.index_cast %add3A_178 : i32 to index
          %get3A_194 = arith.constant 32 : index
          %get3A_195 = tpu.vector_load %arg8[%get3A_193, %get3A_194] {strides = array<i32>} : memref<128x128xf32, #tpu.memory_space<vmem>>, vector<16xf32>,
          %get3A_196 = arith.index_cast %add3A_178 : i32 to index
          %get3A_197 = arith.constant 32 : index
          %get3A_198 = tpu.vector_load %arg9[%get3A_196, %get3A_197] {strides = array<i32>} : memref<128x128xf32, #tpu.memory_space<vmem>>, vector<16xf32>,
          %mul3A_199 = arith.mulf %get3A_195, %get3A_198 : vector<16xf32>
          %get3A_200 = arith.index_cast %add3A_178 : i32 to index
          %get3A_201 = arith.constant 48 : index
          %get3A_202 = tpu.vector_load %arg8[%get3A_200, %get3A_201] {strides = array<i32>} : memref<128x128xf32, #tpu.memory_space<vmem>>, vector<16xf32>,
          %get3A_203 = arith.index_cast %add3A_178 : i32 to index
          %get3A_204 = arith.constant 48 : index
          %get3A_205 = tpu.vector_load %arg9[%get3A_203, %get3A_204] {strides = array<i32>} : memref<128x128xf32, #tpu.memory_space<vmem>>, vector<16xf32>,
          %mul3A_206 = arith.mulf %get3A_202, %get3A_205 : vector<16xf32>
          %get3A_207 = arith.index_cast %add3A_178 : i32 to index
          %get3A_208 = arith.constant 64 : index
          %get3A_209 = tpu.vector_load %arg8[%get3A_207, %get3A_208] {strides = array<i32>} : memref<128x128xf32, #tpu.memory_space<vmem>>, vector<16xf32>,
          %get3A_210 = arith.index_cast %add3A_178 : i32 to index
          %get3A_211 = arith.constant 64 : index
          %get3A_212 = tpu.vector_load %arg9[%get3A_210, %get3A_211] {strides = array<i32>} : memref<128x128xf32, #tpu.memory_space<vmem>>, vector<16xf32>,
          %mul3A_213 = arith.mulf %get3A_209, %get3A_212 : vector<16xf32>
          %get3A_214 = arith.index_cast %add3A_178 : i32 to index
          %get3A_215 = arith.constant 80 : index
          %get3A_216 = tpu.vector_load %arg8[%get3A_214, %get3A_215] {strides = array<i32>} : memref<128x128xf32, #tpu.memory_space<vmem>>, vector<16xf32>,
          %get3A_217 = arith.index_cast %add3A_178 : i32 to index
          %get3A_218 = arith.constant 80 : index
          %get3A_219 = tpu.vector_load %arg9[%get3A_217, %get3A_218] {strides = array<i32>} : memref<128x128xf32, #tpu.memory_space<vmem>>, vector<16xf32>,
          %mul3A_220 = arith.mulf %get3A_216, %get3A_219 : vector<16xf32>
          %get3A_221 = arith.index_cast %add3A_178 : i32 to index
          %get3A_222 = arith.constant 96 : index
          %get3A_223 = tpu.vector_load %arg8[%get3A_221, %get3A_222] {strides = array<i32>} : memref<128x128xf32, #tpu.memory_space<vmem>>, vector<16xf32>,
          %get3A_224 = arith.index_cast %add3A_178 : i32 to index
          %get3A_225 = arith.constant 96 : index
          %get3A_226 = tpu.vector_load %arg9[%get3A_224, %get3A_225] {strides = array<i32>} : memref<128x128xf32, #tpu.memory_space<vmem>>, vector<16xf32>,
          %mul3A_227 = arith.mulf %get3A_223, %get3A_226 : vector<16xf32>
          %get3A_228 = arith.index_cast %add3A_178 : i32 to index
          %get3A_229 = arith.constant 112 : index
          %get3A_230 = tpu.vector_load %arg8[%get3A_228, %get3A_229] {strides = array<i32>} : memref<128x128xf32, #tpu.memory_space<vmem>>, vector<16xf32>,
          %get3A_231 = arith.index_cast %add3A_178 : i32 to index
          %get3A_232 = arith.constant 112 : index
          %get3A_233 = tpu.vector_load %arg9[%get3A_231, %get3A_232] {strides = array<i32>} : memref<128x128xf32, #tpu.memory_space<vmem>>, vector<16xf32>,
          %mul3A_234 = arith.mulf %get3A_230, %get3A_233 : vector<16xf32>
          %add3A_235 = arith.addf %mul3A_185, %mul3A_192 : vector<16xf32>
          %add3A_236 = arith.addf %mul3A_199, %mul3A_206 : vector<16xf32>
          %add3A_237 = arith.addf %mul3A_213, %mul3A_220 : vector<16xf32>
          %add3A_238 = arith.addf %mul3A_227, %mul3A_234 : vector<16xf32>
          %add3A_239 = arith.addf %add3A_235, %add3A_236 : vector<16xf32>
          %add3A_240 = arith.addf %add3A_237, %add3A_238 : vector<16xf32>
          %add3A_241 = arith.addf %add3A_239, %add3A_240 : vector<16xf32>
          %add3A_242 = arith.addi %mul3A_66, %add3A_178 : i32
          %broadcast_in_dim3A_243 = vector.broadcast %add3A_242 : i32 to vector<16xi32>
          tpu.vector_store_idx %arg16[%broadcast_in_dim3A_243], %add3A_241 {add = true} : memref<14336xf32, #tpu.memory_space<vmem>>[vector<16xi32>], vector<16xf32>,
          %mul3A_244 = arith.constant 4 : i32
          %mul3A_245 = arith.muli %scan3A_106, %mul3A_244 : i32
          %add3A_246 = arith.constant 2 : i32
          %add3A_247 = arith.addi %mul3A_245, %add3A_246 : i32
          %get3A_248 = arith.index_cast %add3A_247 : i32 to index
          %get3A_249 = arith.constant 0 : index
          %get3A_250 = tpu.vector_load %arg8[%get3A_248, %get3A_249] {strides = array<i32>} : memref<128x128xf32, #tpu.memory_space<vmem>>, vector<16xf32>,
          %get3A_251 = arith.index_cast %add3A_247 : i32 to index
          %get3A_252 = arith.constant 0 : index
          %get3A_253 = tpu.vector_load %arg9[%get3A_251, %get3A_252] {strides = array<i32>} : memref<128x128xf32, #tpu.memory_space<vmem>>, vector<16xf32>,
          %mul3A_254 = arith.mulf %get3A_250, %get3A_253 : vector<16xf32>
          %get3A_255 = arith.index_cast %add3A_247 : i32 to index
          %get3A_256 = arith.constant 16 : index
          %get3A_257 = tpu.vector_load %arg8[%get3A_255, %get3A_256] {strides = array<i32>} : memref<128x128xf32, #tpu.memory_space<vmem>>, vector<16xf32>,
          %get3A_258 = arith.index_cast %add3A_247 : i32 to index
          %get3A_259 = arith.constant 16 : index
          %get3A_260 = tpu.vector_load %arg9[%get3A_258, %get3A_259] {strides = array<i32>} : memref<128x128xf32, #tpu.memory_space<vmem>>, vector<16xf32>,
          %mul3A_261 = arith.mulf %get3A_257, %get3A_260 : vector<16xf32>
          %get3A_262 = arith.index_cast %add3A_247 : i32 to index
          %get3A_263 = arith.constant 32 : index
          %get3A_264 = tpu.vector_load %arg8[%get3A_262, %get3A_263] {strides = array<i32>} : memref<128x128xf32, #tpu.memory_space<vmem>>, vector<16xf32>,
          %get3A_265 = arith.index_cast %add3A_247 : i32 to index
          %get3A_266 = arith.constant 32 : index
          %get3A_267 = tpu.vector_load %arg9[%get3A_265, %get3A_266] {strides = array<i32>} : memref<128x128xf32, #tpu.memory_space<vmem>>, vector<16xf32>,
          %mul3A_268 = arith.mulf %get3A_264, %get3A_267 : vector<16xf32>
          %get3A_269 = arith.index_cast %add3A_247 : i32 to index
          %get3A_270 = arith.constant 48 : index
          %get3A_271 = tpu.vector_load %arg8[%get3A_269, %get3A_270] {strides = array<i32>} : memref<128x128xf32, #tpu.memory_space<vmem>>, vector<16xf32>,
          %get3A_272 = arith.index_cast %add3A_247 : i32 to index
          %get3A_273 = arith.constant 48 : index
          %get3A_274 = tpu.vector_load %arg9[%get3A_272, %get3A_273] {strides = array<i32>} : memref<128x128xf32, #tpu.memory_space<vmem>>, vector<16xf32>,
          %mul3A_275 = arith.mulf %get3A_271, %get3A_274 : vector<16xf32>
          %get3A_276 = arith.index_cast %add3A_247 : i32 to index
          %get3A_277 = arith.constant 64 : index
          %get3A_278 = tpu.vector_load %arg8[%get3A_276, %get3A_277] {strides = array<i32>} : memref<128x128xf32, #tpu.memory_space<vmem>>, vector<16xf32>,
          %get3A_279 = arith.index_cast %add3A_247 : i32 to index
          %get3A_280 = arith.constant 64 : index
          %get3A_281 = tpu.vector_load %arg9[%get3A_279, %get3A_280] {strides = array<i32>} : memref<128x128xf32, #tpu.memory_space<vmem>>, vector<16xf32>,
          %mul3A_282 = arith.mulf %get3A_278, %get3A_281 : vector<16xf32>
          %get3A_283 = arith.index_cast %add3A_247 : i32 to index
          %get3A_284 = arith.constant 80 : index
          %get3A_285 = tpu.vector_load %arg8[%get3A_283, %get3A_284] {strides = array<i32>} : memref<128x128xf32, #tpu.memory_space<vmem>>, vector<16xf32>,
          %get3A_286 = arith.index_cast %add3A_247 : i32 to index
          %get3A_287 = arith.constant 80 : index
          %get3A_288 = tpu.vector_load %arg9[%get3A_286, %get3A_287] {strides = array<i32>} : memref<128x128xf32, #tpu.memory_space<vmem>>, vector<16xf32>,
          %mul3A_289 = arith.mulf %get3A_285, %get3A_288 : vector<16xf32>
          %get3A_290 = arith.index_cast %add3A_247 : i32 to index
          %get3A_291 = arith.constant 96 : index
          %get3A_292 = tpu.vector_load %arg8[%get3A_290, %get3A_291] {strides = array<i32>} : memref<128x128xf32, #tpu.memory_space<vmem>>, vector<16xf32>,
          %get3A_293 = arith.index_cast %add3A_247 : i32 to index
          %get3A_294 = arith.constant 96 : index
          %get3A_295 = tpu.vector_load %arg9[%get3A_293, %get3A_294] {strides = array<i32>} : memref<128x128xf32, #tpu.memory_space<vmem>>, vector<16xf32>,
          %mul3A_296 = arith.mulf %get3A_292, %get3A_295 : vector<16xf32>
          %get3A_297 = arith.index_cast %add3A_247 : i32 to index
          %get3A_298 = arith.constant 112 : index
          %get3A_299 = tpu.vector_load %arg8[%get3A_297, %get3A_298] {strides = array<i32>} : memref<128x128xf32, #tpu.memory_space<vmem>>, vector<16xf32>,
          %get3A_300 = arith.index_cast %add3A_247 : i32 to index
          %get3A_301 = arith.constant 112 : index
          %get3A_302 = tpu.vector_load %arg9[%get3A_300, %get3A_301] {strides = array<i32>} : memref<128x128xf32, #tpu.memory_space<vmem>>, vector<16xf32>,
          %mul3A_303 = arith.mulf %get3A_299, %get3A_302 : vector<16xf32>
          %add3A_304 = arith.addf %mul3A_254, %mul3A_261 : vector<16xf32>
          %add3A_305 = arith.addf %mul3A_268, %mul3A_275 : vector<16xf32>
          %add3A_306 = arith.addf %mul3A_282, %mul3A_289 : vector<16xf32>
          %add3A_307 = arith.addf %mul3A_296, %mul3A_303 : vector<16xf32>
          %add3A_308 = arith.addf %add3A_304, %add3A_305 : vector<16xf32>
          %add3A_309 = arith.addf %add3A_306, %add3A_307 : vector<16xf32>
          %add3A_310 = arith.addf %add3A_308, %add3A_309 : vector<16xf32>
          %add3A_311 = arith.addi %mul3A_66, %add3A_247 : i32
          %broadcast_in_dim3A_312 = vector.broadcast %add3A_311 : i32 to vector<16xi32>
          tpu.vector_store_idx %arg16[%broadcast_in_dim3A_312], %add3A_310 {add = true} : memref<14336xf32, #tpu.memory_space<vmem>>[vector<16xi32>], vector<16xf32>,
          %mul3A_313 = arith.constant 4 : i32
          %mul3A_314 = arith.muli %scan3A_106, %mul3A_313 : i32
          %add3A_315 = arith.constant 3 : i32
          %add3A_316 = arith.addi %mul3A_314, %add3A_315 : i32
          %get3A_317 = arith.index_cast %add3A_316 : i32 to index
          %get3A_318 = arith.constant 0 : index
          %get3A_319 = tpu.vector_load %arg8[%get3A_317, %get3A_318] {strides = array<i32>} : memref<128x128xf32, #tpu.memory_space<vmem>>, vector<16xf32>,
          %get3A_320 = arith.index_cast %add3A_316 : i32 to index
          %get3A_321 = arith.constant 0 : index
          %get3A_322 = tpu.vector_load %arg9[%get3A_320, %get3A_321] {strides = array<i32>} : memref<128x128xf32, #tpu.memory_space<vmem>>, vector<16xf32>,
          %mul3A_323 = arith.mulf %get3A_319, %get3A_322 : vector<16xf32>
          %get3A_324 = arith.index_cast %add3A_316 : i32 to index
          %get3A_325 = arith.constant 16 : index
          %get3A_326 = tpu.vector_load %arg8[%get3A_324, %get3A_325] {strides = array<i32>} : memref<128x128xf32, #tpu.memory_space<vmem>>, vector<16xf32>,
          %get3A_327 = arith.index_cast %add3A_316 : i32 to index
          %get3A_328 = arith.constant 16 : index
          %get3A_329 = tpu.vector_load %arg9[%get3A_327, %get3A_328] {strides = array<i32>} : memref<128x128xf32, #tpu.memory_space<vmem>>, vector<16xf32>,
          %mul3A_330 = arith.mulf %get3A_326, %get3A_329 : vector<16xf32>
          %get3A_331 = arith.index_cast %add3A_316 : i32 to index
          %get3A_332 = arith.constant 32 : index
          %get3A_333 = tpu.vector_load %arg8[%get3A_331, %get3A_332] {strides = array<i32>} : memref<128x128xf32, #tpu.memory_space<vmem>>, vector<16xf32>,
          %get3A_334 = arith.index_cast %add3A_316 : i32 to index
          %get3A_335 = arith.constant 32 : index
          %get3A_336 = tpu.vector_load %arg9[%get3A_334, %get3A_335] {strides = array<i32>} : memref<128x128xf32, #tpu.memory_space<vmem>>, vector<16xf32>,
          %mul3A_337 = arith.mulf %get3A_333, %get3A_336 : vector<16xf32>
          %get3A_338 = arith.index_cast %add3A_316 : i32 to index
          %get3A_339 = arith.constant 48 : index
          %get3A_340 = tpu.vector_load %arg8[%get3A_338, %get3A_339] {strides = array<i32>} : memref<128x128xf32, #tpu.memory_space<vmem>>, vector<16xf32>,
          %get3A_341 = arith.index_cast %add3A_316 : i32 to index
          %get3A_342 = arith.constant 48 : index
          %get3A_343 = tpu.vector_load %arg9[%get3A_341, %get3A_342] {strides = array<i32>} : memref<128x128xf32, #tpu.memory_space<vmem>>, vector<16xf32>,
          %mul3A_344 = arith.mulf %get3A_340, %get3A_343 : vector<16xf32>
          %get3A_345 = arith.index_cast %add3A_316 : i32 to index
          %get3A_346 = arith.constant 64 : index
          %get3A_347 = tpu.vector_load %arg8[%get3A_345, %get3A_346] {strides = array<i32>} : memref<128x128xf32, #tpu.memory_space<vmem>>, vector<16xf32>,
          %get3A_348 = arith.index_cast %add3A_316 : i32 to index
          %get3A_349 = arith.constant 64 : index
          %get3A_350 = tpu.vector_load %arg9[%get3A_348, %get3A_349] {strides = array<i32>} : memref<128x128xf32, #tpu.memory_space<vmem>>, vector<16xf32>,
          %mul3A_351 = arith.mulf %get3A_347, %get3A_350 : vector<16xf32>
          %get3A_352 = arith.index_cast %add3A_316 : i32 to index
          %get3A_353 = arith.constant 80 : index
          %get3A_354 = tpu.vector_load %arg8[%get3A_352, %get3A_353] {strides = array<i32>} : memref<128x128xf32, #tpu.memory_space<vmem>>, vector<16xf32>,
          %get3A_355 = arith.index_cast %add3A_316 : i32 to index
          %get3A_356 = arith.constant 80 : index
          %get3A_357 = tpu.vector_load %arg9[%get3A_355, %get3A_356] {strides = array<i32>} : memref<128x128xf32, #tpu.memory_space<vmem>>, vector<16xf32>,
          %mul3A_358 = arith.mulf %get3A_354, %get3A_357 : vector<16xf32>
          %get3A_359 = arith.index_cast %add3A_316 : i32 to index
          %get3A_360 = arith.constant 96 : index
          %get3A_361 = tpu.vector_load %arg8[%get3A_359, %get3A_360] {strides = array<i32>} : memref<128x128xf32, #tpu.memory_space<vmem>>, vector<16xf32>,
          %get3A_362 = arith.index_cast %add3A_316 : i32 to index
          %get3A_363 = arith.constant 96 : index
          %get3A_364 = tpu.vector_load %arg9[%get3A_362, %get3A_363] {strides = array<i32>} : memref<128x128xf32, #tpu.memory_space<vmem>>, vector<16xf32>,
          %mul3A_365 = arith.mulf %get3A_361, %get3A_364 : vector<16xf32>
          %get3A_366 = arith.index_cast %add3A_316 : i32 to index
          %get3A_367 = arith.constant 112 : index
          %get3A_368 = tpu.vector_load %arg8[%get3A_366, %get3A_367] {strides = array<i32>} : memref<128x128xf32, #tpu.memory_space<vmem>>, vector<16xf32>,
          %get3A_369 = arith.index_cast %add3A_316 : i32 to index
          %get3A_370 = arith.constant 112 : index
          %get3A_371 = tpu.vector_load %arg9[%get3A_369, %get3A_370] {strides = array<i32>} : memref<128x128xf32, #tpu.memory_space<vmem>>, vector<16xf32>,
          %mul3A_372 = arith.mulf %get3A_368, %get3A_371 : vector<16xf32>
          %add3A_373 = arith.addf %mul3A_323, %mul3A_330 : vector<16xf32>
          %add3A_374 = arith.addf %mul3A_337, %mul3A_344 : vector<16xf32>
          %add3A_375 = arith.addf %mul3A_351, %mul3A_358 : vector<16xf32>
          %add3A_376 = arith.addf %mul3A_365, %mul3A_372 : vector<16xf32>
          %add3A_377 = arith.addf %add3A_373, %add3A_374 : vector<16xf32>
          %add3A_378 = arith.addf %add3A_375, %add3A_376 : vector<16xf32>
          %add3A_379 = arith.addf %add3A_377, %add3A_378 : vector<16xf32>
          %add3A_380 = arith.addi %mul3A_66, %add3A_316 : i32
          %broadcast_in_dim3A_381 = vector.broadcast %add3A_380 : i32 to vector<16xi32>
          tpu.vector_store_idx %arg16[%broadcast_in_dim3A_381], %add3A_379 {add = true} : memref<14336xf32, #tpu.memory_space<vmem>>[vector<16xi32>], vector<16xf32>,
          %scan3A_382 = arith.constant 0 : i32
          scf.yield %scan3A_382 : i32
        }
        %scan3A_73 = arith.constant 32 : i32
        %add3A_74 = arith.constant 1 : i32
        %add3A_75 = arith.addi %scan3A_36, %add3A_74 : i32
        %lt3A = arith.constant 24 : i32
        %lt3A_76 = arith.cmpi slt, %add3A_75, %lt3A : i32
        %convert_element_type3A_77 = arith.extui %lt3A_76 : i1 to i32
        %cond3A_78 = arith.constant 0 : i32
        %cond3A_79 = arith.cmpi ne, %convert_element_type3A_77, %cond3A_78 : i32
        scf.if %cond3A_79 {
          %add3A_106 = arith.constant 2 : i32
          %add3A_107 = arith.addi %mul3A_39, %add3A_106 : i32
          %dma_start3A_108 = arith.constant 0 : i32
          %dma_start3A_109 = tpu.memref_slice %arg6[%add3A_107, %dma_start3A_108] : memref<112x128xi32, #tpu.memory_space<vmem>> -> memref<1x128xi32, #tpu.memory_space<vmem>>
          %dma_start3A_110 = tpu.memref_squeeze %dma_start3A_109 : memref<1x128xi32, #tpu.memory_space<vmem>> -> memref<128xi32, #tpu.memory_space<vmem>>
          %dma_start3A_111 = arith.constant 0 : i32
          %dma_start3A_112 = arith.constant 0 : i32
          %dma_start3A_113 = tpu.memref_slice %arg2[%dma_start3A_111, %dma_start3A_112] : memref<10240x128xf32, #tpu.memory_space<hbm>> -> memref<10240x128xf32, #tpu.memory_space<hbm>>
          tpu.enqueue_indirect_dma source(%dma_start3A_113 : memref<10240x128xf32, #tpu.memory_space<hbm>>) target(%arg8 : memref<128x128xf32, #tpu.memory_space<vmem>>) offsets(%dma_start3A_110 : memref<128xi32, #tpu.memory_space<vmem>>) semaphore(%arg12 : memref<!tpu.dma_semaphore, #tpu.memory_space<semaphore_mem>>)
          %dma_start3A_114 = arith.constant 0 : i32
          %dma_start3A_115 = tpu.memref_slice %arg7[%add3A_107, %dma_start3A_114] : memref<112x128xi32, #tpu.memory_space<vmem>> -> memref<1x128xi32, #tpu.memory_space<vmem>>
          %dma_start3A_116 = tpu.memref_squeeze %dma_start3A_115 : memref<1x128xi32, #tpu.memory_space<vmem>> -> memref<128xi32, #tpu.memory_space<vmem>>
          %dma_start3A_117 = arith.constant 0 : i32
          %dma_start3A_118 = arith.constant 0 : i32
          %dma_start3A_119 = tpu.memref_slice %arg2[%dma_start3A_117, %dma_start3A_118] : memref<10240x128xf32, #tpu.memory_space<hbm>> -> memref<10240x128xf32, #tpu.memory_space<hbm>>
          tpu.enqueue_indirect_dma source(%dma_start3A_119 : memref<10240x128xf32, #tpu.memory_space<hbm>>) target(%arg9 : memref<128x128xf32, #tpu.memory_space<vmem>>) offsets(%dma_start3A_116 : memref<128xi32, #tpu.memory_space<vmem>>) semaphore(%arg13 : memref<!tpu.dma_semaphore, #tpu.memory_space<semaphore_mem>>)
        } else {
        }
        %add3A_80 = arith.constant 1 : i32
        %add3A_81 = arith.addi %mul3A_39, %add3A_80 : i32
        %dma_wait3A_82 = arith.constant 0 : i32
        %dma_wait3A_83 = tpu.memref_slice %arg6[%add3A_81, %dma_wait3A_82] : memref<112x128xi32, #tpu.memory_space<vmem>> -> memref<1x128xi32, #tpu.memory_space<vmem>>
        %dma_wait3A_84 = tpu.memref_squeeze %dma_wait3A_83 : memref<1x128xi32, #tpu.memory_space<vmem>> -> memref<128xi32, #tpu.memory_space<vmem>>
        %dma_wait3A_85 = arith.constant 0 : i32
        %dma_wait3A_86 = arith.constant 0 : i32
        %dma_wait3A_87 = tpu.memref_slice %arg2[%dma_wait3A_85, %dma_wait3A_86] : memref<10240x128xf32, #tpu.memory_space<hbm>> -> memref<10240x128xf32, #tpu.memory_space<hbm>>
        tpu.wait_indirect_dma semaphore(%arg14 : memref<!tpu.dma_semaphore, #tpu.memory_space<semaphore_mem>>) src(%dma_wait3A_87 : memref<10240x128xf32, #tpu.memory_space<hbm>>) dst(%arg10 : memref<128x128xf32, #tpu.memory_space<vmem>>)
        %dma_wait3A_88 = arith.constant 0 : i32
        %dma_wait3A_89 = tpu.memref_slice %arg7[%add3A_81, %dma_wait3A_88] : memref<112x128xi32, #tpu.memory_space<vmem>> -> memref<1x128xi32, #tpu.memory_space<vmem>>
        %dma_wait3A_90 = tpu.memref_squeeze %dma_wait3A_89 : memref<1x128xi32, #tpu.memory_space<vmem>> -> memref<128xi32, #tpu.memory_space<vmem>>
        %dma_wait3A_91 = arith.constant 0 : i32
        %dma_wait3A_92 = arith.constant 0 : i32
        %dma_wait3A_93 = tpu.memref_slice %arg2[%dma_wait3A_91, %dma_wait3A_92] : memref<10240x128xf32, #tpu.memory_space<hbm>> -> memref<10240x128xf32, #tpu.memory_space<hbm>>
        tpu.wait_indirect_dma semaphore(%arg15 : memref<!tpu.dma_semaphore, #tpu.memory_space<semaphore_mem>>) src(%dma_wait3A_93 : memref<10240x128xf32, #tpu.memory_space<hbm>>) dst(%arg11 : memref<128x128xf32, #tpu.memory_space<vmem>>)
        %add3A_94 = arith.constant 1 : i32
        %add3A_95 = arith.addi %mul3A_39, %add3A_94 : i32
        %mul3A_96 = arith.constant 128 : i32
        %mul3A_97 = arith.muli %add3A_95, %mul3A_96 : i32
        %scan3A_98 = arith.constant 0 : i32
        %scan3A_99 = arith.constant 0 : i32
        %scan3A_100 = arith.constant 32 : i32
        %scan3A_101 = arith.addi %scan3A_99, %scan3A_100 : i32
        %scan3A_102 = arith.constant 1 : i32
        %scan3A_103 = scf.for %scan3A_106 = %scan3A_99 to %scan3A_101 step %scan3A_102 iter_args(%scan3A_107 = %scan3A_98) -> (i32)  : i32 {
          %mul3A_108 = arith.constant 4 : i32
          %mul3A_109 = arith.muli %scan3A_106, %mul3A_108 : i32
          %add3A_110 = arith.constant 0 : i32
          %add3A_111 = arith.addi %mul3A_109, %add3A_110 : i32
          %get3A = arith.index_cast %add3A_111 : i32 to index
          %get3A_112 = arith.constant 0 : index
          %get3A_113 = tpu.vector_load %arg10[%get3A, %get3A_112] {strides = array<i32>} : memref<128x128xf32, #tpu.memory_space<vmem>>, vector<16xf32>,
          %get3A_114 = arith.index_cast %add3A_111 : i32 to index
          %get3A_115 = arith.constant 0 : index
          %get3A_116 = tpu.vector_load %arg11[%get3A_114, %get3A_115] {strides = array<i32>} : memref<128x128xf32, #tpu.memory_space<vmem>>, vector<16xf32>,
          %mul3A_117 = arith.mulf %get3A_113, %get3A_116 : vector<16xf32>
          %get3A_118 = arith.index_cast %add3A_111 : i32 to index
          %get3A_119 = arith.constant 16 : index
          %get3A_120 = tpu.vector_load %arg10[%get3A_118, %get3A_119] {strides = array<i32>} : memref<128x128xf32, #tpu.memory_space<vmem>>, vector<16xf32>,
          %get3A_121 = arith.index_cast %add3A_111 : i32 to index
          %get3A_122 = arith.constant 16 : index
          %get3A_123 = tpu.vector_load %arg11[%get3A_121, %get3A_122] {strides = array<i32>} : memref<128x128xf32, #tpu.memory_space<vmem>>, vector<16xf32>,
          %mul3A_124 = arith.mulf %get3A_120, %get3A_123 : vector<16xf32>
          %get3A_125 = arith.index_cast %add3A_111 : i32 to index
          %get3A_126 = arith.constant 32 : index
          %get3A_127 = tpu.vector_load %arg10[%get3A_125, %get3A_126] {strides = array<i32>} : memref<128x128xf32, #tpu.memory_space<vmem>>, vector<16xf32>,
          %get3A_128 = arith.index_cast %add3A_111 : i32 to index
          %get3A_129 = arith.constant 32 : index
          %get3A_130 = tpu.vector_load %arg11[%get3A_128, %get3A_129] {strides = array<i32>} : memref<128x128xf32, #tpu.memory_space<vmem>>, vector<16xf32>,
          %mul3A_131 = arith.mulf %get3A_127, %get3A_130 : vector<16xf32>
          %get3A_132 = arith.index_cast %add3A_111 : i32 to index
          %get3A_133 = arith.constant 48 : index
          %get3A_134 = tpu.vector_load %arg10[%get3A_132, %get3A_133] {strides = array<i32>} : memref<128x128xf32, #tpu.memory_space<vmem>>, vector<16xf32>,
          %get3A_135 = arith.index_cast %add3A_111 : i32 to index
          %get3A_136 = arith.constant 48 : index
          %get3A_137 = tpu.vector_load %arg11[%get3A_135, %get3A_136] {strides = array<i32>} : memref<128x128xf32, #tpu.memory_space<vmem>>, vector<16xf32>,
          %mul3A_138 = arith.mulf %get3A_134, %get3A_137 : vector<16xf32>
          %get3A_139 = arith.index_cast %add3A_111 : i32 to index
          %get3A_140 = arith.constant 64 : index
          %get3A_141 = tpu.vector_load %arg10[%get3A_139, %get3A_140] {strides = array<i32>} : memref<128x128xf32, #tpu.memory_space<vmem>>, vector<16xf32>,
          %get3A_142 = arith.index_cast %add3A_111 : i32 to index
          %get3A_143 = arith.constant 64 : index
          %get3A_144 = tpu.vector_load %arg11[%get3A_142, %get3A_143] {strides = array<i32>} : memref<128x128xf32, #tpu.memory_space<vmem>>, vector<16xf32>,
          %mul3A_145 = arith.mulf %get3A_141, %get3A_144 : vector<16xf32>
          %get3A_146 = arith.index_cast %add3A_111 : i32 to index
          %get3A_147 = arith.constant 80 : index
          %get3A_148 = tpu.vector_load %arg10[%get3A_146, %get3A_147] {strides = array<i32>} : memref<128x128xf32, #tpu.memory_space<vmem>>, vector<16xf32>,
          %get3A_149 = arith.index_cast %add3A_111 : i32 to index
          %get3A_150 = arith.constant 80 : index
          %get3A_151 = tpu.vector_load %arg11[%get3A_149, %get3A_150] {strides = array<i32>} : memref<128x128xf32, #tpu.memory_space<vmem>>, vector<16xf32>,
          %mul3A_152 = arith.mulf %get3A_148, %get3A_151 : vector<16xf32>
          %get3A_153 = arith.index_cast %add3A_111 : i32 to index
          %get3A_154 = arith.constant 96 : index
          %get3A_155 = tpu.vector_load %arg10[%get3A_153, %get3A_154] {strides = array<i32>} : memref<128x128xf32, #tpu.memory_space<vmem>>, vector<16xf32>,
          %get3A_156 = arith.index_cast %add3A_111 : i32 to index
          %get3A_157 = arith.constant 96 : index
          %get3A_158 = tpu.vector_load %arg11[%get3A_156, %get3A_157] {strides = array<i32>} : memref<128x128xf32, #tpu.memory_space<vmem>>, vector<16xf32>,
          %mul3A_159 = arith.mulf %get3A_155, %get3A_158 : vector<16xf32>
          %get3A_160 = arith.index_cast %add3A_111 : i32 to index
          %get3A_161 = arith.constant 112 : index
          %get3A_162 = tpu.vector_load %arg10[%get3A_160, %get3A_161] {strides = array<i32>} : memref<128x128xf32, #tpu.memory_space<vmem>>, vector<16xf32>,
          %get3A_163 = arith.index_cast %add3A_111 : i32 to index
          %get3A_164 = arith.constant 112 : index
          %get3A_165 = tpu.vector_load %arg11[%get3A_163, %get3A_164] {strides = array<i32>} : memref<128x128xf32, #tpu.memory_space<vmem>>, vector<16xf32>,
          %mul3A_166 = arith.mulf %get3A_162, %get3A_165 : vector<16xf32>
          %add3A_167 = arith.addf %mul3A_117, %mul3A_124 : vector<16xf32>
          %add3A_168 = arith.addf %mul3A_131, %mul3A_138 : vector<16xf32>
          %add3A_169 = arith.addf %mul3A_145, %mul3A_152 : vector<16xf32>
          %add3A_170 = arith.addf %mul3A_159, %mul3A_166 : vector<16xf32>
          %add3A_171 = arith.addf %add3A_167, %add3A_168 : vector<16xf32>
          %add3A_172 = arith.addf %add3A_169, %add3A_170 : vector<16xf32>
          %add3A_173 = arith.addf %add3A_171, %add3A_172 : vector<16xf32>
          %add3A_174 = arith.addi %mul3A_97, %add3A_111 : i32
          %broadcast_in_dim3A = vector.broadcast %add3A_174 : i32 to vector<16xi32>
          tpu.vector_store_idx %arg16[%broadcast_in_dim3A], %add3A_173 {add = true} : memref<14336xf32, #tpu.memory_space<vmem>>[vector<16xi32>], vector<16xf32>,
          %mul3A_175 = arith.constant 4 : i32
          %mul3A_176 = arith.muli %scan3A_106, %mul3A_175 : i32
          %add3A_177 = arith.constant 1 : i32
          %add3A_178 = arith.addi %mul3A_176, %add3A_177 : i32
          %get3A_179 = arith.index_cast %add3A_178 : i32 to index
          %get3A_180 = arith.constant 0 : index
          %get3A_181 = tpu.vector_load %arg10[%get3A_179, %get3A_180] {strides = array<i32>} : memref<128x128xf32, #tpu.memory_space<vmem>>, vector<16xf32>,
          %get3A_182 = arith.index_cast %add3A_178 : i32 to index
          %get3A_183 = arith.constant 0 : index
          %get3A_184 = tpu.vector_load %arg11[%get3A_182, %get3A_183] {strides = array<i32>} : memref<128x128xf32, #tpu.memory_space<vmem>>, vector<16xf32>,
          %mul3A_185 = arith.mulf %get3A_181, %get3A_184 : vector<16xf32>
          %get3A_186 = arith.index_cast %add3A_178 : i32 to index
          %get3A_187 = arith.constant 16 : index
          %get3A_188 = tpu.vector_load %arg10[%get3A_186, %get3A_187] {strides = array<i32>} : memref<128x128xf32, #tpu.memory_space<vmem>>, vector<16xf32>,
          %get3A_189 = arith.index_cast %add3A_178 : i32 to index
          %get3A_190 = arith.constant 16 : index
          %get3A_191 = tpu.vector_load %arg11[%get3A_189, %get3A_190] {strides = array<i32>} : memref<128x128xf32, #tpu.memory_space<vmem>>, vector<16xf32>,
          %mul3A_192 = arith.mulf %get3A_188, %get3A_191 : vector<16xf32>
          %get3A_193 = arith.index_cast %add3A_178 : i32 to index
          %get3A_194 = arith.constant 32 : index
          %get3A_195 = tpu.vector_load %arg10[%get3A_193, %get3A_194] {strides = array<i32>} : memref<128x128xf32, #tpu.memory_space<vmem>>, vector<16xf32>,
          %get3A_196 = arith.index_cast %add3A_178 : i32 to index
          %get3A_197 = arith.constant 32 : index
          %get3A_198 = tpu.vector_load %arg11[%get3A_196, %get3A_197] {strides = array<i32>} : memref<128x128xf32, #tpu.memory_space<vmem>>, vector<16xf32>,
          %mul3A_199 = arith.mulf %get3A_195, %get3A_198 : vector<16xf32>
          %get3A_200 = arith.index_cast %add3A_178 : i32 to index
          %get3A_201 = arith.constant 48 : index
          %get3A_202 = tpu.vector_load %arg10[%get3A_200, %get3A_201] {strides = array<i32>} : memref<128x128xf32, #tpu.memory_space<vmem>>, vector<16xf32>,
          %get3A_203 = arith.index_cast %add3A_178 : i32 to index
          %get3A_204 = arith.constant 48 : index
          %get3A_205 = tpu.vector_load %arg11[%get3A_203, %get3A_204] {strides = array<i32>} : memref<128x128xf32, #tpu.memory_space<vmem>>, vector<16xf32>,
          %mul3A_206 = arith.mulf %get3A_202, %get3A_205 : vector<16xf32>
          %get3A_207 = arith.index_cast %add3A_178 : i32 to index
          %get3A_208 = arith.constant 64 : index
          %get3A_209 = tpu.vector_load %arg10[%get3A_207, %get3A_208] {strides = array<i32>} : memref<128x128xf32, #tpu.memory_space<vmem>>, vector<16xf32>,
          %get3A_210 = arith.index_cast %add3A_178 : i32 to index
          %get3A_211 = arith.constant 64 : index
          %get3A_212 = tpu.vector_load %arg11[%get3A_210, %get3A_211] {strides = array<i32>} : memref<128x128xf32, #tpu.memory_space<vmem>>, vector<16xf32>,
          %mul3A_213 = arith.mulf %get3A_209, %get3A_212 : vector<16xf32>
          %get3A_214 = arith.index_cast %add3A_178 : i32 to index
          %get3A_215 = arith.constant 80 : index
          %get3A_216 = tpu.vector_load %arg10[%get3A_214, %get3A_215] {strides = array<i32>} : memref<128x128xf32, #tpu.memory_space<vmem>>, vector<16xf32>,
          %get3A_217 = arith.index_cast %add3A_178 : i32 to index
          %get3A_218 = arith.constant 80 : index
          %get3A_219 = tpu.vector_load %arg11[%get3A_217, %get3A_218] {strides = array<i32>} : memref<128x128xf32, #tpu.memory_space<vmem>>, vector<16xf32>,
          %mul3A_220 = arith.mulf %get3A_216, %get3A_219 : vector<16xf32>
          %get3A_221 = arith.index_cast %add3A_178 : i32 to index
          %get3A_222 = arith.constant 96 : index
          %get3A_223 = tpu.vector_load %arg10[%get3A_221, %get3A_222] {strides = array<i32>} : memref<128x128xf32, #tpu.memory_space<vmem>>, vector<16xf32>,
          %get3A_224 = arith.index_cast %add3A_178 : i32 to index
          %get3A_225 = arith.constant 96 : index
          %get3A_226 = tpu.vector_load %arg11[%get3A_224, %get3A_225] {strides = array<i32>} : memref<128x128xf32, #tpu.memory_space<vmem>>, vector<16xf32>,
          %mul3A_227 = arith.mulf %get3A_223, %get3A_226 : vector<16xf32>
          %get3A_228 = arith.index_cast %add3A_178 : i32 to index
          %get3A_229 = arith.constant 112 : index
          %get3A_230 = tpu.vector_load %arg10[%get3A_228, %get3A_229] {strides = array<i32>} : memref<128x128xf32, #tpu.memory_space<vmem>>, vector<16xf32>,
          %get3A_231 = arith.index_cast %add3A_178 : i32 to index
          %get3A_232 = arith.constant 112 : index
          %get3A_233 = tpu.vector_load %arg11[%get3A_231, %get3A_232] {strides = array<i32>} : memref<128x128xf32, #tpu.memory_space<vmem>>, vector<16xf32>,
          %mul3A_234 = arith.mulf %get3A_230, %get3A_233 : vector<16xf32>
          %add3A_235 = arith.addf %mul3A_185, %mul3A_192 : vector<16xf32>
          %add3A_236 = arith.addf %mul3A_199, %mul3A_206 : vector<16xf32>
          %add3A_237 = arith.addf %mul3A_213, %mul3A_220 : vector<16xf32>
          %add3A_238 = arith.addf %mul3A_227, %mul3A_234 : vector<16xf32>
          %add3A_239 = arith.addf %add3A_235, %add3A_236 : vector<16xf32>
          %add3A_240 = arith.addf %add3A_237, %add3A_238 : vector<16xf32>
          %add3A_241 = arith.addf %add3A_239, %add3A_240 : vector<16xf32>
          %add3A_242 = arith.addi %mul3A_97, %add3A_178 : i32
          %broadcast_in_dim3A_243 = vector.broadcast %add3A_242 : i32 to vector<16xi32>
          tpu.vector_store_idx %arg16[%broadcast_in_dim3A_243], %add3A_241 {add = true} : memref<14336xf32, #tpu.memory_space<vmem>>[vector<16xi32>], vector<16xf32>,
          %mul3A_244 = arith.constant 4 : i32
          %mul3A_245 = arith.muli %scan3A_106, %mul3A_244 : i32
          %add3A_246 = arith.constant 2 : i32
          %add3A_247 = arith.addi %mul3A_245, %add3A_246 : i32
          %get3A_248 = arith.index_cast %add3A_247 : i32 to index
          %get3A_249 = arith.constant 0 : index
          %get3A_250 = tpu.vector_load %arg10[%get3A_248, %get3A_249] {strides = array<i32>} : memref<128x128xf32, #tpu.memory_space<vmem>>, vector<16xf32>,
          %get3A_251 = arith.index_cast %add3A_247 : i32 to index
          %get3A_252 = arith.constant 0 : index
          %get3A_253 = tpu.vector_load %arg11[%get3A_251, %get3A_252] {strides = array<i32>} : memref<128x128xf32, #tpu.memory_space<vmem>>, vector<16xf32>,
          %mul3A_254 = arith.mulf %get3A_250, %get3A_253 : vector<16xf32>
          %get3A_255 = arith.index_cast %add3A_247 : i32 to index
          %get3A_256 = arith.constant 16 : index
          %get3A_257 = tpu.vector_load %arg10[%get3A_255, %get3A_256] {strides = array<i32>} : memref<128x128xf32, #tpu.memory_space<vmem>>, vector<16xf32>,
          %get3A_258 = arith.index_cast %add3A_247 : i32 to index
          %get3A_259 = arith.constant 16 : index
          %get3A_260 = tpu.vector_load %arg11[%get3A_258, %get3A_259] {strides = array<i32>} : memref<128x128xf32, #tpu.memory_space<vmem>>, vector<16xf32>,
          %mul3A_261 = arith.mulf %get3A_257, %get3A_260 : vector<16xf32>
          %get3A_262 = arith.index_cast %add3A_247 : i32 to index
          %get3A_263 = arith.constant 32 : index
          %get3A_264 = tpu.vector_load %arg10[%get3A_262, %get3A_263] {strides = array<i32>} : memref<128x128xf32, #tpu.memory_space<vmem>>, vector<16xf32>,
          %get3A_265 = arith.index_cast %add3A_247 : i32 to index
          %get3A_266 = arith.constant 32 : index
          %get3A_267 = tpu.vector_load %arg11[%get3A_265, %get3A_266] {strides = array<i32>} : memref<128x128xf32, #tpu.memory_space<vmem>>, vector<16xf32>,
          %mul3A_268 = arith.mulf %get3A_264, %get3A_267 : vector<16xf32>
          %get3A_269 = arith.index_cast %add3A_247 : i32 to index
          %get3A_270 = arith.constant 48 : index
          %get3A_271 = tpu.vector_load %arg10[%get3A_269, %get3A_270] {strides = array<i32>} : memref<128x128xf32, #tpu.memory_space<vmem>>, vector<16xf32>,
          %get3A_272 = arith.index_cast %add3A_247 : i32 to index
          %get3A_273 = arith.constant 48 : index
          %get3A_274 = tpu.vector_load %arg11[%get3A_272, %get3A_273] {strides = array<i32>} : memref<128x128xf32, #tpu.memory_space<vmem>>, vector<16xf32>,
          %mul3A_275 = arith.mulf %get3A_271, %get3A_274 : vector<16xf32>
          %get3A_276 = arith.index_cast %add3A_247 : i32 to index
          %get3A_277 = arith.constant 64 : index
          %get3A_278 = tpu.vector_load %arg10[%get3A_276, %get3A_277] {strides = array<i32>} : memref<128x128xf32, #tpu.memory_space<vmem>>, vector<16xf32>,
          %get3A_279 = arith.index_cast %add3A_247 : i32 to index
          %get3A_280 = arith.constant 64 : index
          %get3A_281 = tpu.vector_load %arg11[%get3A_279, %get3A_280] {strides = array<i32>} : memref<128x128xf32, #tpu.memory_space<vmem>>, vector<16xf32>,
          %mul3A_282 = arith.mulf %get3A_278, %get3A_281 : vector<16xf32>
          %get3A_283 = arith.index_cast %add3A_247 : i32 to index
          %get3A_284 = arith.constant 80 : index
          %get3A_285 = tpu.vector_load %arg10[%get3A_283, %get3A_284] {strides = array<i32>} : memref<128x128xf32, #tpu.memory_space<vmem>>, vector<16xf32>,
          %get3A_286 = arith.index_cast %add3A_247 : i32 to index
          %get3A_287 = arith.constant 80 : index
          %get3A_288 = tpu.vector_load %arg11[%get3A_286, %get3A_287] {strides = array<i32>} : memref<128x128xf32, #tpu.memory_space<vmem>>, vector<16xf32>,
          %mul3A_289 = arith.mulf %get3A_285, %get3A_288 : vector<16xf32>
          %get3A_290 = arith.index_cast %add3A_247 : i32 to index
          %get3A_291 = arith.constant 96 : index
          %get3A_292 = tpu.vector_load %arg10[%get3A_290, %get3A_291] {strides = array<i32>} : memref<128x128xf32, #tpu.memory_space<vmem>>, vector<16xf32>,
          %get3A_293 = arith.index_cast %add3A_247 : i32 to index
          %get3A_294 = arith.constant 96 : index
          %get3A_295 = tpu.vector_load %arg11[%get3A_293, %get3A_294] {strides = array<i32>} : memref<128x128xf32, #tpu.memory_space<vmem>>, vector<16xf32>,
          %mul3A_296 = arith.mulf %get3A_292, %get3A_295 : vector<16xf32>
          %get3A_297 = arith.index_cast %add3A_247 : i32 to index
          %get3A_298 = arith.constant 112 : index
          %get3A_299 = tpu.vector_load %arg10[%get3A_297, %get3A_298] {strides = array<i32>} : memref<128x128xf32, #tpu.memory_space<vmem>>, vector<16xf32>,
          %get3A_300 = arith.index_cast %add3A_247 : i32 to index
          %get3A_301 = arith.constant 112 : index
          %get3A_302 = tpu.vector_load %arg11[%get3A_300, %get3A_301] {strides = array<i32>} : memref<128x128xf32, #tpu.memory_space<vmem>>, vector<16xf32>,
          %mul3A_303 = arith.mulf %get3A_299, %get3A_302 : vector<16xf32>
          %add3A_304 = arith.addf %mul3A_254, %mul3A_261 : vector<16xf32>
          %add3A_305 = arith.addf %mul3A_268, %mul3A_275 : vector<16xf32>
          %add3A_306 = arith.addf %mul3A_282, %mul3A_289 : vector<16xf32>
          %add3A_307 = arith.addf %mul3A_296, %mul3A_303 : vector<16xf32>
          %add3A_308 = arith.addf %add3A_304, %add3A_305 : vector<16xf32>
          %add3A_309 = arith.addf %add3A_306, %add3A_307 : vector<16xf32>
          %add3A_310 = arith.addf %add3A_308, %add3A_309 : vector<16xf32>
          %add3A_311 = arith.addi %mul3A_97, %add3A_247 : i32
          %broadcast_in_dim3A_312 = vector.broadcast %add3A_311 : i32 to vector<16xi32>
          tpu.vector_store_idx %arg16[%broadcast_in_dim3A_312], %add3A_310 {add = true} : memref<14336xf32, #tpu.memory_space<vmem>>[vector<16xi32>], vector<16xf32>,
          %mul3A_313 = arith.constant 4 : i32
          %mul3A_314 = arith.muli %scan3A_106, %mul3A_313 : i32
          %add3A_315 = arith.constant 3 : i32
          %add3A_316 = arith.addi %mul3A_314, %add3A_315 : i32
          %get3A_317 = arith.index_cast %add3A_316 : i32 to index
          %get3A_318 = arith.constant 0 : index
          %get3A_319 = tpu.vector_load %arg10[%get3A_317, %get3A_318] {strides = array<i32>} : memref<128x128xf32, #tpu.memory_space<vmem>>, vector<16xf32>,
          %get3A_320 = arith.index_cast %add3A_316 : i32 to index
          %get3A_321 = arith.constant 0 : index
          %get3A_322 = tpu.vector_load %arg11[%get3A_320, %get3A_321] {strides = array<i32>} : memref<128x128xf32, #tpu.memory_space<vmem>>, vector<16xf32>,
          %mul3A_323 = arith.mulf %get3A_319, %get3A_322 : vector<16xf32>
          %get3A_324 = arith.index_cast %add3A_316 : i32 to index
          %get3A_325 = arith.constant 16 : index
          %get3A_326 = tpu.vector_load %arg10[%get3A_324, %get3A_325] {strides = array<i32>} : memref<128x128xf32, #tpu.memory_space<vmem>>, vector<16xf32>,
          %get3A_327 = arith.index_cast %add3A_316 : i32 to index
          %get3A_328 = arith.constant 16 : index
          %get3A_329 = tpu.vector_load %arg11[%get3A_327, %get3A_328] {strides = array<i32>} : memref<128x128xf32, #tpu.memory_space<vmem>>, vector<16xf32>,
          %mul3A_330 = arith.mulf %get3A_326, %get3A_329 : vector<16xf32>
          %get3A_331 = arith.index_cast %add3A_316 : i32 to index
          %get3A_332 = arith.constant 32 : index
          %get3A_333 = tpu.vector_load %arg10[%get3A_331, %get3A_332] {strides = array<i32>} : memref<128x128xf32, #tpu.memory_space<vmem>>, vector<16xf32>,
          %get3A_334 = arith.index_cast %add3A_316 : i32 to index
          %get3A_335 = arith.constant 32 : index
          %get3A_336 = tpu.vector_load %arg11[%get3A_334, %get3A_335] {strides = array<i32>} : memref<128x128xf32, #tpu.memory_space<vmem>>, vector<16xf32>,
          %mul3A_337 = arith.mulf %get3A_333, %get3A_336 : vector<16xf32>
          %get3A_338 = arith.index_cast %add3A_316 : i32 to index
          %get3A_339 = arith.constant 48 : index
          %get3A_340 = tpu.vector_load %arg10[%get3A_338, %get3A_339] {strides = array<i32>} : memref<128x128xf32, #tpu.memory_space<vmem>>, vector<16xf32>,
          %get3A_341 = arith.index_cast %add3A_316 : i32 to index
          %get3A_342 = arith.constant 48 : index
          %get3A_343 = tpu.vector_load %arg11[%get3A_341, %get3A_342] {strides = array<i32>} : memref<128x128xf32, #tpu.memory_space<vmem>>, vector<16xf32>,
          %mul3A_344 = arith.mulf %get3A_340, %get3A_343 : vector<16xf32>
          %get3A_345 = arith.index_cast %add3A_316 : i32 to index
          %get3A_346 = arith.constant 64 : index
          %get3A_347 = tpu.vector_load %arg10[%get3A_345, %get3A_346] {strides = array<i32>} : memref<128x128xf32, #tpu.memory_space<vmem>>, vector<16xf32>,
          %get3A_348 = arith.index_cast %add3A_316 : i32 to index
          %get3A_349 = arith.constant 64 : index
          %get3A_350 = tpu.vector_load %arg11[%get3A_348, %get3A_349] {strides = array<i32>} : memref<128x128xf32, #tpu.memory_space<vmem>>, vector<16xf32>,
          %mul3A_351 = arith.mulf %get3A_347, %get3A_350 : vector<16xf32>
          %get3A_352 = arith.index_cast %add3A_316 : i32 to index
          %get3A_353 = arith.constant 80 : index
          %get3A_354 = tpu.vector_load %arg10[%get3A_352, %get3A_353] {strides = array<i32>} : memref<128x128xf32, #tpu.memory_space<vmem>>, vector<16xf32>,
          %get3A_355 = arith.index_cast %add3A_316 : i32 to index
          %get3A_356 = arith.constant 80 : index
          %get3A_357 = tpu.vector_load %arg11[%get3A_355, %get3A_356] {strides = array<i32>} : memref<128x128xf32, #tpu.memory_space<vmem>>, vector<16xf32>,
          %mul3A_358 = arith.mulf %get3A_354, %get3A_357 : vector<16xf32>
          %get3A_359 = arith.index_cast %add3A_316 : i32 to index
          %get3A_360 = arith.constant 96 : index
          %get3A_361 = tpu.vector_load %arg10[%get3A_359, %get3A_360] {strides = array<i32>} : memref<128x128xf32, #tpu.memory_space<vmem>>, vector<16xf32>,
          %get3A_362 = arith.index_cast %add3A_316 : i32 to index
          %get3A_363 = arith.constant 96 : index
          %get3A_364 = tpu.vector_load %arg11[%get3A_362, %get3A_363] {strides = array<i32>} : memref<128x128xf32, #tpu.memory_space<vmem>>, vector<16xf32>,
          %mul3A_365 = arith.mulf %get3A_361, %get3A_364 : vector<16xf32>
          %get3A_366 = arith.index_cast %add3A_316 : i32 to index
          %get3A_367 = arith.constant 112 : index
          %get3A_368 = tpu.vector_load %arg10[%get3A_366, %get3A_367] {strides = array<i32>} : memref<128x128xf32, #tpu.memory_space<vmem>>, vector<16xf32>,
          %get3A_369 = arith.index_cast %add3A_316 : i32 to index
          %get3A_370 = arith.constant 112 : index
          %get3A_371 = tpu.vector_load %arg11[%get3A_369, %get3A_370] {strides = array<i32>} : memref<128x128xf32, #tpu.memory_space<vmem>>, vector<16xf32>,
          %mul3A_372 = arith.mulf %get3A_368, %get3A_371 : vector<16xf32>
          %add3A_373 = arith.addf %mul3A_323, %mul3A_330 : vector<16xf32>
          %add3A_374 = arith.addf %mul3A_337, %mul3A_344 : vector<16xf32>
          %add3A_375 = arith.addf %mul3A_351, %mul3A_358 : vector<16xf32>
          %add3A_376 = arith.addf %mul3A_365, %mul3A_372 : vector<16xf32>
          %add3A_377 = arith.addf %add3A_373, %add3A_374 : vector<16xf32>
          %add3A_378 = arith.addf %add3A_375, %add3A_376 : vector<16xf32>
          %add3A_379 = arith.addf %add3A_377, %add3A_378 : vector<16xf32>
          %add3A_380 = arith.addi %mul3A_97, %add3A_316 : i32
          %broadcast_in_dim3A_381 = vector.broadcast %add3A_380 : i32 to vector<16xi32>
          tpu.vector_store_idx %arg16[%broadcast_in_dim3A_381], %add3A_379 {add = true} : memref<14336xf32, #tpu.memory_space<vmem>>[vector<16xi32>], vector<16xf32>,
          %scan3A_382 = arith.constant 0 : i32
          scf.yield %scan3A_382 : i32
        }
        %scan3A_104 = arith.constant 32 : i32
        %scan3A_105 = arith.constant 0 : i32
        scf.yield %scan3A_105 : i32
      }
      %scan3A_34 = arith.constant 24 : i32
      %mul3A = arith.constant 10240 : i32
      %mul3A_35 = arith.muli %add3A_0, %mul3A : i32
      "tpu.region"() ({
        %run_scoped3A = tpu.sem_alloc : memref<!tpu.dma_semaphore, #tpu.memory_space<semaphore_mem>>
        %dma_start3A_36 = arith.constant 0 : i32
        %dma_start3A_37 = tpu.memref_slice %arg16[%dma_start3A_36] : memref<14336xf32, #tpu.memory_space<vmem>> -> memref<6144xf32, #tpu.memory_space<vmem>>
        %dma_start3A_38 = tpu.memref_slice %arg5[%mul3A_35] : memref<327680xf32, #tpu.memory_space<hbm>> -> memref<6144xf32, #tpu.memory_space<hbm>>
        %dma_start3A_39 = tpu.memref_slice %arg5[%mul3A_35] : memref<327680xf32, #tpu.memory_space<hbm>> -> memref<6144xf32, #tpu.memory_space<hbm>>
        %dma_start3A_40 = arith.constant 0 : i32
        %dma_start3A_41 = tpu.memref_slice %arg16[%dma_start3A_40] : memref<14336xf32, #tpu.memory_space<vmem>> -> memref<6144xf32, #tpu.memory_space<vmem>>
        tpu.enqueue_dma source(%dma_start3A_41 : memref<6144xf32, #tpu.memory_space<vmem>>) target(%dma_start3A_39 : memref<6144xf32, #tpu.memory_space<hbm>>) target_semaphore(%run_scoped3A : memref<!tpu.dma_semaphore, #tpu.memory_space<semaphore_mem>>)
        %dma_wait3A = arith.constant 0 : i32
        %dma_wait3A_42 = tpu.memref_slice %arg16[%dma_wait3A] : memref<14336xf32, #tpu.memory_space<vmem>> -> memref<6144xf32, #tpu.memory_space<vmem>>
        %dma_wait3A_43 = tpu.memref_slice %arg5[%mul3A_35] : memref<327680xf32, #tpu.memory_space<hbm>> -> memref<6144xf32, #tpu.memory_space<hbm>>
        %dma_wait3A_44 = tpu.memref_slice %arg5[%mul3A_35] : memref<327680xf32, #tpu.memory_space<hbm>> -> memref<6144xf32, #tpu.memory_space<hbm>>
        %dma_wait3A_45 = arith.constant 0 : i32
        %dma_wait3A_46 = tpu.memref_slice %arg16[%dma_wait3A_45] : memref<14336xf32, #tpu.memory_space<vmem>> -> memref<6144xf32, #tpu.memory_space<vmem>>
        tpu.wait_dma2 semaphore(%run_scoped3A : memref<!tpu.dma_semaphore, #tpu.memory_space<semaphore_mem>>) src(%dma_wait3A_46 : memref<6144xf32, #tpu.memory_space<vmem>>) dst(%dma_wait3A_44 : memref<6144xf32, #tpu.memory_space<hbm>>)
        tpu.yield
      }) : () -> ()
    } else {
    }
    %ne3A = arith.constant 1 : i32
    %ne3A_5 = arith.cmpi ne, %arg0, %ne3A : i32
    %convert_element_type3A_6 = arith.extui %ne3A_5 : i1 to i32
    %cond3A_7 = arith.constant 0 : i32
    %cond3A_8 = arith.cmpi ne, %convert_element_type3A_6, %cond3A_7 : i32
    scf.if %cond3A_8 {
      "tpu.region"() ({
        %run_scoped3A = tpu.sem_alloc : memref<!tpu.dma_semaphore, #tpu.memory_space<semaphore_mem>>
        %dma_start3A_40 = arith.constant 0 : i32
        %dma_start3A_41 = arith.constant 0 : i32
        %dma_start3A_42 = tpu.memref_slice %arg6[%dma_start3A_40, %dma_start3A_41] : memref<112x128xi32, #tpu.memory_space<vmem>> -> memref<80x128xi32, #tpu.memory_space<vmem>>
        %dma_start3A_43 = arith.constant 0 : i32
        %dma_start3A_44 = arith.constant 0 : i32
        %dma_start3A_45 = tpu.memref_slice %arg3[%add3A_2, %dma_start3A_43, %dma_start3A_44] : memref<32x80x128xi32, #tpu.memory_space<hbm>> -> memref<1x80x128xi32, #tpu.memory_space<hbm>>
        %dma_start3A_46 = tpu.memref_squeeze %dma_start3A_45 : memref<1x80x128xi32, #tpu.memory_space<hbm>> -> memref<80x128xi32, #tpu.memory_space<hbm>>
        %dma_start3A_47 = arith.constant 0 : i32
        %dma_start3A_48 = arith.constant 0 : i32
        %dma_start3A_49 = tpu.memref_slice %arg6[%dma_start3A_47, %dma_start3A_48] : memref<112x128xi32, #tpu.memory_space<vmem>> -> memref<80x128xi32, #tpu.memory_space<vmem>>
        %dma_start3A_50 = arith.constant 0 : i32
        %dma_start3A_51 = arith.constant 0 : i32
        %dma_start3A_52 = tpu.memref_slice %arg3[%add3A_2, %dma_start3A_50, %dma_start3A_51] : memref<32x80x128xi32, #tpu.memory_space<hbm>> -> memref<1x80x128xi32, #tpu.memory_space<hbm>>
        %dma_start3A_53 = tpu.memref_squeeze %dma_start3A_52 : memref<1x80x128xi32, #tpu.memory_space<hbm>> -> memref<80x128xi32, #tpu.memory_space<hbm>>
        tpu.enqueue_dma source(%dma_start3A_53 : memref<80x128xi32, #tpu.memory_space<hbm>>) target(%dma_start3A_49 : memref<80x128xi32, #tpu.memory_space<vmem>>) target_semaphore(%run_scoped3A : memref<!tpu.dma_semaphore, #tpu.memory_space<semaphore_mem>>)
        %dma_wait3A = arith.constant 0 : i32
        %dma_wait3A_54 = arith.constant 0 : i32
        %dma_wait3A_55 = tpu.memref_slice %arg6[%dma_wait3A, %dma_wait3A_54] : memref<112x128xi32, #tpu.memory_space<vmem>> -> memref<80x128xi32, #tpu.memory_space<vmem>>
        %dma_wait3A_56 = arith.constant 0 : i32
        %dma_wait3A_57 = arith.constant 0 : i32
        %dma_wait3A_58 = tpu.memref_slice %arg3[%add3A_2, %dma_wait3A_56, %dma_wait3A_57] : memref<32x80x128xi32, #tpu.memory_space<hbm>> -> memref<1x80x128xi32, #tpu.memory_space<hbm>>
        %dma_wait3A_59 = tpu.memref_squeeze %dma_wait3A_58 : memref<1x80x128xi32, #tpu.memory_space<hbm>> -> memref<80x128xi32, #tpu.memory_space<hbm>>
        %dma_wait3A_60 = arith.constant 0 : i32
        %dma_wait3A_61 = arith.constant 0 : i32
        %dma_wait3A_62 = tpu.memref_slice %arg6[%dma_wait3A_60, %dma_wait3A_61] : memref<112x128xi32, #tpu.memory_space<vmem>> -> memref<80x128xi32, #tpu.memory_space<vmem>>
        %dma_wait3A_63 = arith.constant 0 : i32
        %dma_wait3A_64 = arith.constant 0 : i32
        %dma_wait3A_65 = tpu.memref_slice %arg3[%add3A_2, %dma_wait3A_63, %dma_wait3A_64] : memref<32x80x128xi32, #tpu.memory_space<hbm>> -> memref<1x80x128xi32, #tpu.memory_space<hbm>>
        %dma_wait3A_66 = tpu.memref_squeeze %dma_wait3A_65 : memref<1x80x128xi32, #tpu.memory_space<hbm>> -> memref<80x128xi32, #tpu.memory_space<hbm>>
        tpu.wait_dma2 semaphore(%run_scoped3A : memref<!tpu.dma_semaphore, #tpu.memory_space<semaphore_mem>>) src(%dma_wait3A_66 : memref<80x128xi32, #tpu.memory_space<hbm>>) dst(%dma_wait3A_62 : memref<80x128xi32, #tpu.memory_space<vmem>>)
        tpu.yield
      }) : () -> ()
      "tpu.region"() ({
        %run_scoped3A = tpu.sem_alloc : memref<!tpu.dma_semaphore, #tpu.memory_space<semaphore_mem>>
        %dma_start3A_40 = arith.constant 80 : i32
        %dma_start3A_41 = arith.constant 0 : i32
        %dma_start3A_42 = tpu.memref_slice %arg6[%dma_start3A_40, %dma_start3A_41] : memref<112x128xi32, #tpu.memory_space<vmem>> -> memref<32x128xi32, #tpu.memory_space<vmem>>
        %dma_start3A_43 = arith.constant 48 : i32
        %dma_start3A_44 = arith.constant 0 : i32
        %dma_start3A_45 = tpu.memref_slice %arg3[%add3A_0, %dma_start3A_43, %dma_start3A_44] : memref<32x80x128xi32, #tpu.memory_space<hbm>> -> memref<1x32x128xi32, #tpu.memory_space<hbm>>
        %dma_start3A_46 = tpu.memref_squeeze %dma_start3A_45 : memref<1x32x128xi32, #tpu.memory_space<hbm>> -> memref<32x128xi32, #tpu.memory_space<hbm>>
        %dma_start3A_47 = arith.constant 80 : i32
        %dma_start3A_48 = arith.constant 0 : i32
        %dma_start3A_49 = tpu.memref_slice %arg6[%dma_start3A_47, %dma_start3A_48] : memref<112x128xi32, #tpu.memory_space<vmem>> -> memref<32x128xi32, #tpu.memory_space<vmem>>
        %dma_start3A_50 = arith.constant 48 : i32
        %dma_start3A_51 = arith.constant 0 : i32
        %dma_start3A_52 = tpu.memref_slice %arg3[%add3A_0, %dma_start3A_50, %dma_start3A_51] : memref<32x80x128xi32, #tpu.memory_space<hbm>> -> memref<1x32x128xi32, #tpu.memory_space<hbm>>
        %dma_start3A_53 = tpu.memref_squeeze %dma_start3A_52 : memref<1x32x128xi32, #tpu.memory_space<hbm>> -> memref<32x128xi32, #tpu.memory_space<hbm>>
        tpu.enqueue_dma source(%dma_start3A_53 : memref<32x128xi32, #tpu.memory_space<hbm>>) target(%dma_start3A_49 : memref<32x128xi32, #tpu.memory_space<vmem>>) target_semaphore(%run_scoped3A : memref<!tpu.dma_semaphore, #tpu.memory_space<semaphore_mem>>)
        %dma_wait3A = arith.constant 80 : i32
        %dma_wait3A_54 = arith.constant 0 : i32
        %dma_wait3A_55 = tpu.memref_slice %arg6[%dma_wait3A, %dma_wait3A_54] : memref<112x128xi32, #tpu.memory_space<vmem>> -> memref<32x128xi32, #tpu.memory_space<vmem>>
        %dma_wait3A_56 = arith.constant 48 : i32
        %dma_wait3A_57 = arith.constant 0 : i32
        %dma_wait3A_58 = tpu.memref_slice %arg3[%add3A_0, %dma_wait3A_56, %dma_wait3A_57] : memref<32x80x128xi32, #tpu.memory_space<hbm>> -> memref<1x32x128xi32, #tpu.memory_space<hbm>>
        %dma_wait3A_59 = tpu.memref_squeeze %dma_wait3A_58 : memref<1x32x128xi32, #tpu.memory_space<hbm>> -> memref<32x128xi32, #tpu.memory_space<hbm>>
        %dma_wait3A_60 = arith.constant 80 : i32
        %dma_wait3A_61 = arith.constant 0 : i32
        %dma_wait3A_62 = tpu.memref_slice %arg6[%dma_wait3A_60, %dma_wait3A_61] : memref<112x128xi32, #tpu.memory_space<vmem>> -> memref<32x128xi32, #tpu.memory_space<vmem>>
        %dma_wait3A_63 = arith.constant 48 : i32
        %dma_wait3A_64 = arith.constant 0 : i32
        %dma_wait3A_65 = tpu.memref_slice %arg3[%add3A_0, %dma_wait3A_63, %dma_wait3A_64] : memref<32x80x128xi32, #tpu.memory_space<hbm>> -> memref<1x32x128xi32, #tpu.memory_space<hbm>>
        %dma_wait3A_66 = tpu.memref_squeeze %dma_wait3A_65 : memref<1x32x128xi32, #tpu.memory_space<hbm>> -> memref<32x128xi32, #tpu.memory_space<hbm>>
        tpu.wait_dma2 semaphore(%run_scoped3A : memref<!tpu.dma_semaphore, #tpu.memory_space<semaphore_mem>>) src(%dma_wait3A_66 : memref<32x128xi32, #tpu.memory_space<hbm>>) dst(%dma_wait3A_62 : memref<32x128xi32, #tpu.memory_space<vmem>>)
        tpu.yield
      }) : () -> ()
      "tpu.region"() ({
        %run_scoped3A = tpu.sem_alloc : memref<!tpu.dma_semaphore, #tpu.memory_space<semaphore_mem>>
        %dma_start3A_40 = arith.constant 0 : i32
        %dma_start3A_41 = arith.constant 0 : i32
        %dma_start3A_42 = tpu.memref_slice %arg7[%dma_start3A_40, %dma_start3A_41] : memref<112x128xi32, #tpu.memory_space<vmem>> -> memref<80x128xi32, #tpu.memory_space<vmem>>
        %dma_start3A_43 = arith.constant 0 : i32
        %dma_start3A_44 = arith.constant 0 : i32
        %dma_start3A_45 = tpu.memref_slice %arg4[%add3A_2, %dma_start3A_43, %dma_start3A_44] : memref<32x80x128xi32, #tpu.memory_space<hbm>> -> memref<1x80x128xi32, #tpu.memory_space<hbm>>
        %dma_start3A_46 = tpu.memref_squeeze %dma_start3A_45 : memref<1x80x128xi32, #tpu.memory_space<hbm>> -> memref<80x128xi32, #tpu.memory_space<hbm>>
        %dma_start3A_47 = arith.constant 0 : i32
        %dma_start3A_48 = arith.constant 0 : i32
        %dma_start3A_49 = tpu.memref_slice %arg7[%dma_start3A_47, %dma_start3A_48] : memref<112x128xi32, #tpu.memory_space<vmem>> -> memref<80x128xi32, #tpu.memory_space<vmem>>
        %dma_start3A_50 = arith.constant 0 : i32
        %dma_start3A_51 = arith.constant 0 : i32
        %dma_start3A_52 = tpu.memref_slice %arg4[%add3A_2, %dma_start3A_50, %dma_start3A_51] : memref<32x80x128xi32, #tpu.memory_space<hbm>> -> memref<1x80x128xi32, #tpu.memory_space<hbm>>
        %dma_start3A_53 = tpu.memref_squeeze %dma_start3A_52 : memref<1x80x128xi32, #tpu.memory_space<hbm>> -> memref<80x128xi32, #tpu.memory_space<hbm>>
        tpu.enqueue_dma source(%dma_start3A_53 : memref<80x128xi32, #tpu.memory_space<hbm>>) target(%dma_start3A_49 : memref<80x128xi32, #tpu.memory_space<vmem>>) target_semaphore(%run_scoped3A : memref<!tpu.dma_semaphore, #tpu.memory_space<semaphore_mem>>)
        %dma_wait3A = arith.constant 0 : i32
        %dma_wait3A_54 = arith.constant 0 : i32
        %dma_wait3A_55 = tpu.memref_slice %arg7[%dma_wait3A, %dma_wait3A_54] : memref<112x128xi32, #tpu.memory_space<vmem>> -> memref<80x128xi32, #tpu.memory_space<vmem>>
        %dma_wait3A_56 = arith.constant 0 : i32
        %dma_wait3A_57 = arith.constant 0 : i32
        %dma_wait3A_58 = tpu.memref_slice %arg4[%add3A_2, %dma_wait3A_56, %dma_wait3A_57] : memref<32x80x128xi32, #tpu.memory_space<hbm>> -> memref<1x80x128xi32, #tpu.memory_space<hbm>>
        %dma_wait3A_59 = tpu.memref_squeeze %dma_wait3A_58 : memref<1x80x128xi32, #tpu.memory_space<hbm>> -> memref<80x128xi32, #tpu.memory_space<hbm>>
        %dma_wait3A_60 = arith.constant 0 : i32
        %dma_wait3A_61 = arith.constant 0 : i32
        %dma_wait3A_62 = tpu.memref_slice %arg7[%dma_wait3A_60, %dma_wait3A_61] : memref<112x128xi32, #tpu.memory_space<vmem>> -> memref<80x128xi32, #tpu.memory_space<vmem>>
        %dma_wait3A_63 = arith.constant 0 : i32
        %dma_wait3A_64 = arith.constant 0 : i32
        %dma_wait3A_65 = tpu.memref_slice %arg4[%add3A_2, %dma_wait3A_63, %dma_wait3A_64] : memref<32x80x128xi32, #tpu.memory_space<hbm>> -> memref<1x80x128xi32, #tpu.memory_space<hbm>>
        %dma_wait3A_66 = tpu.memref_squeeze %dma_wait3A_65 : memref<1x80x128xi32, #tpu.memory_space<hbm>> -> memref<80x128xi32, #tpu.memory_space<hbm>>
        tpu.wait_dma2 semaphore(%run_scoped3A : memref<!tpu.dma_semaphore, #tpu.memory_space<semaphore_mem>>) src(%dma_wait3A_66 : memref<80x128xi32, #tpu.memory_space<hbm>>) dst(%dma_wait3A_62 : memref<80x128xi32, #tpu.memory_space<vmem>>)
        tpu.yield
      }) : () -> ()
      "tpu.region"() ({
        %run_scoped3A = tpu.sem_alloc : memref<!tpu.dma_semaphore, #tpu.memory_space<semaphore_mem>>
        %dma_start3A_40 = arith.constant 80 : i32
        %dma_start3A_41 = arith.constant 0 : i32
        %dma_start3A_42 = tpu.memref_slice %arg7[%dma_start3A_40, %dma_start3A_41] : memref<112x128xi32, #tpu.memory_space<vmem>> -> memref<32x128xi32, #tpu.memory_space<vmem>>
        %dma_start3A_43 = arith.constant 48 : i32
        %dma_start3A_44 = arith.constant 0 : i32
        %dma_start3A_45 = tpu.memref_slice %arg4[%add3A_0, %dma_start3A_43, %dma_start3A_44] : memref<32x80x128xi32, #tpu.memory_space<hbm>> -> memref<1x32x128xi32, #tpu.memory_space<hbm>>
        %dma_start3A_46 = tpu.memref_squeeze %dma_start3A_45 : memref<1x32x128xi32, #tpu.memory_space<hbm>> -> memref<32x128xi32, #tpu.memory_space<hbm>>
        %dma_start3A_47 = arith.constant 80 : i32
        %dma_start3A_48 = arith.constant 0 : i32
        %dma_start3A_49 = tpu.memref_slice %arg7[%dma_start3A_47, %dma_start3A_48] : memref<112x128xi32, #tpu.memory_space<vmem>> -> memref<32x128xi32, #tpu.memory_space<vmem>>
        %dma_start3A_50 = arith.constant 48 : i32
        %dma_start3A_51 = arith.constant 0 : i32
        %dma_start3A_52 = tpu.memref_slice %arg4[%add3A_0, %dma_start3A_50, %dma_start3A_51] : memref<32x80x128xi32, #tpu.memory_space<hbm>> -> memref<1x32x128xi32, #tpu.memory_space<hbm>>
        %dma_start3A_53 = tpu.memref_squeeze %dma_start3A_52 : memref<1x32x128xi32, #tpu.memory_space<hbm>> -> memref<32x128xi32, #tpu.memory_space<hbm>>
        tpu.enqueue_dma source(%dma_start3A_53 : memref<32x128xi32, #tpu.memory_space<hbm>>) target(%dma_start3A_49 : memref<32x128xi32, #tpu.memory_space<vmem>>) target_semaphore(%run_scoped3A : memref<!tpu.dma_semaphore, #tpu.memory_space<semaphore_mem>>)
        %dma_wait3A = arith.constant 80 : i32
        %dma_wait3A_54 = arith.constant 0 : i32
        %dma_wait3A_55 = tpu.memref_slice %arg7[%dma_wait3A, %dma_wait3A_54] : memref<112x128xi32, #tpu.memory_space<vmem>> -> memref<32x128xi32, #tpu.memory_space<vmem>>
        %dma_wait3A_56 = arith.constant 48 : i32
        %dma_wait3A_57 = arith.constant 0 : i32
        %dma_wait3A_58 = tpu.memref_slice %arg4[%add3A_0, %dma_wait3A_56, %dma_wait3A_57] : memref<32x80x128xi32, #tpu.memory_space<hbm>> -> memref<1x32x128xi32, #tpu.memory_space<hbm>>
        %dma_wait3A_59 = tpu.memref_squeeze %dma_wait3A_58 : memref<1x32x128xi32, #tpu.memory_space<hbm>> -> memref<32x128xi32, #tpu.memory_space<hbm>>
        %dma_wait3A_60 = arith.constant 80 : i32
        %dma_wait3A_61 = arith.constant 0 : i32
        %dma_wait3A_62 = tpu.memref_slice %arg7[%dma_wait3A_60, %dma_wait3A_61] : memref<112x128xi32, #tpu.memory_space<vmem>> -> memref<32x128xi32, #tpu.memory_space<vmem>>
        %dma_wait3A_63 = arith.constant 48 : i32
        %dma_wait3A_64 = arith.constant 0 : i32
        %dma_wait3A_65 = tpu.memref_slice %arg4[%add3A_0, %dma_wait3A_63, %dma_wait3A_64] : memref<32x80x128xi32, #tpu.memory_space<hbm>> -> memref<1x32x128xi32, #tpu.memory_space<hbm>>
        %dma_wait3A_66 = tpu.memref_squeeze %dma_wait3A_65 : memref<1x32x128xi32, #tpu.memory_space<hbm>> -> memref<32x128xi32, #tpu.memory_space<hbm>>
        tpu.wait_dma2 semaphore(%run_scoped3A : memref<!tpu.dma_semaphore, #tpu.memory_space<semaphore_mem>>) src(%dma_wait3A_66 : memref<32x128xi32, #tpu.memory_space<hbm>>) dst(%dma_wait3A_62 : memref<32x128xi32, #tpu.memory_space<vmem>>)
        tpu.yield
      }) : () -> ()
      %scan3A = arith.constant 0 : i32
      %scan3A_9 = arith.constant 0 : i32
      %scan3A_10 = arith.constant 896 : i32
      %scan3A_11 = arith.addi %scan3A_9, %scan3A_10 : i32
      %scan3A_12 = arith.constant 1 : i32
      %scan3A_13 = scf.for %scan3A_40 = %scan3A_9 to %scan3A_11 step %scan3A_12 iter_args(%scan3A_41 = %scan3A) -> (i32)  : i32 {
        %broadcast_in_dim3A = arith.constant 0.000000e+00 : f32
        %broadcast_in_dim3A_42 = vector.broadcast %broadcast_in_dim3A : f32 to vector<16xf32>
        %mul3A_43 = arith.constant 16 : i32
        %mul3A_44 = arith.muli %scan3A_40, %mul3A_43 : i32
        %swap3A = arith.index_cast %mul3A_44 : i32 to index
        %swap3A_45 = tpu.vector_load %arg16[%swap3A] {strides = array<i32>} : memref<14336xf32, #tpu.memory_space<vmem>>, vector<16xf32>,
        tpu.vector_store %arg16[%swap3A], %broadcast_in_dim3A_42 {strides = array<i32>} : memref<14336xf32, #tpu.memory_space<vmem>>, vector<16xf32>,
        %scan3A_46 = arith.constant 0 : i32
        scf.yield %scan3A_46 : i32
      }
      %scan3A_14 = arith.constant 896 : i32
      %dma_start3A = arith.constant 0 : i32
      %dma_start3A_15 = arith.constant 0 : i32
      %dma_start3A_16 = tpu.memref_slice %arg6[%dma_start3A, %dma_start3A_15] : memref<112x128xi32, #tpu.memory_space<vmem>> -> memref<1x128xi32, #tpu.memory_space<vmem>>
      %dma_start3A_17 = tpu.memref_squeeze %dma_start3A_16 : memref<1x128xi32, #tpu.memory_space<vmem>> -> memref<128xi32, #tpu.memory_space<vmem>>
      %dma_start3A_18 = arith.constant 0 : i32
      %dma_start3A_19 = arith.constant 0 : i32
      %dma_start3A_20 = tpu.memref_slice %arg2[%dma_start3A_18, %dma_start3A_19] : memref<10240x128xf32, #tpu.memory_space<hbm>> -> memref<10240x128xf32, #tpu.memory_space<hbm>>
      tpu.enqueue_indirect_dma source(%dma_start3A_20 : memref<10240x128xf32, #tpu.memory_space<hbm>>) target(%arg8 : memref<128x128xf32, #tpu.memory_space<vmem>>) offsets(%dma_start3A_17 : memref<128xi32, #tpu.memory_space<vmem>>) semaphore(%arg12 : memref<!tpu.dma_semaphore, #tpu.memory_space<semaphore_mem>>)
      %dma_start3A_21 = arith.constant 0 : i32
      %dma_start3A_22 = arith.constant 0 : i32
      %dma_start3A_23 = tpu.memref_slice %arg7[%dma_start3A_21, %dma_start3A_22] : memref<112x128xi32, #tpu.memory_space<vmem>> -> memref<1x128xi32, #tpu.memory_space<vmem>>
      %dma_start3A_24 = tpu.memref_squeeze %dma_start3A_23 : memref<1x128xi32, #tpu.memory_space<vmem>> -> memref<128xi32, #tpu.memory_space<vmem>>
      %dma_start3A_25 = arith.constant 0 : i32
      %dma_start3A_26 = arith.constant 0 : i32
      %dma_start3A_27 = tpu.memref_slice %arg2[%dma_start3A_25, %dma_start3A_26] : memref<10240x128xf32, #tpu.memory_space<hbm>> -> memref<10240x128xf32, #tpu.memory_space<hbm>>
      tpu.enqueue_indirect_dma source(%dma_start3A_27 : memref<10240x128xf32, #tpu.memory_space<hbm>>) target(%arg9 : memref<128x128xf32, #tpu.memory_space<vmem>>) offsets(%dma_start3A_24 : memref<128xi32, #tpu.memory_space<vmem>>) semaphore(%arg13 : memref<!tpu.dma_semaphore, #tpu.memory_space<semaphore_mem>>)
      %scan3A_28 = arith.constant 0 : i32
      %scan3A_29 = arith.constant 0 : i32
      %scan3A_30 = arith.constant 56 : i32
      %scan3A_31 = arith.addi %scan3A_29, %scan3A_30 : i32
      %scan3A_32 = arith.constant 1 : i32
      %scan3A_33 = scf.for %scan3A_40 = %scan3A_29 to %scan3A_31 step %scan3A_32 iter_args(%scan3A_41 = %scan3A_28) -> (i32)  : i32 {
        %mul3A_42 = arith.constant 2 : i32
        %mul3A_43 = arith.muli %mul3A_42, %scan3A_40 : i32
        %add3A_44 = arith.constant 1 : i32
        %add3A_45 = arith.addi %mul3A_43, %add3A_44 : i32
        %dma_start3A_46 = arith.constant 0 : i32
        %dma_start3A_47 = tpu.memref_slice %arg6[%add3A_45, %dma_start3A_46] : memref<112x128xi32, #tpu.memory_space<vmem>> -> memref<1x128xi32, #tpu.memory_space<vmem>>
        %dma_start3A_48 = tpu.memref_squeeze %dma_start3A_47 : memref<1x128xi32, #tpu.memory_space<vmem>> -> memref<128xi32, #tpu.memory_space<vmem>>
        %dma_start3A_49 = arith.constant 0 : i32
        %dma_start3A_50 = arith.constant 0 : i32
        %dma_start3A_51 = tpu.memref_slice %arg2[%dma_start3A_49, %dma_start3A_50] : memref<10240x128xf32, #tpu.memory_space<hbm>> -> memref<10240x128xf32, #tpu.memory_space<hbm>>
        tpu.enqueue_indirect_dma source(%dma_start3A_51 : memref<10240x128xf32, #tpu.memory_space<hbm>>) target(%arg10 : memref<128x128xf32, #tpu.memory_space<vmem>>) offsets(%dma_start3A_48 : memref<128xi32, #tpu.memory_space<vmem>>) semaphore(%arg14 : memref<!tpu.dma_semaphore, #tpu.memory_space<semaphore_mem>>)
        %dma_start3A_52 = arith.constant 0 : i32
        %dma_start3A_53 = tpu.memref_slice %arg7[%add3A_45, %dma_start3A_52] : memref<112x128xi32, #tpu.memory_space<vmem>> -> memref<1x128xi32, #tpu.memory_space<vmem>>
        %dma_start3A_54 = tpu.memref_squeeze %dma_start3A_53 : memref<1x128xi32, #tpu.memory_space<vmem>> -> memref<128xi32, #tpu.memory_space<vmem>>
        %dma_start3A_55 = arith.constant 0 : i32
        %dma_start3A_56 = arith.constant 0 : i32
        %dma_start3A_57 = tpu.memref_slice %arg2[%dma_start3A_55, %dma_start3A_56] : memref<10240x128xf32, #tpu.memory_space<hbm>> -> memref<10240x128xf32, #tpu.memory_space<hbm>>
        tpu.enqueue_indirect_dma source(%dma_start3A_57 : memref<10240x128xf32, #tpu.memory_space<hbm>>) target(%arg11 : memref<128x128xf32, #tpu.memory_space<vmem>>) offsets(%dma_start3A_54 : memref<128xi32, #tpu.memory_space<vmem>>) semaphore(%arg15 : memref<!tpu.dma_semaphore, #tpu.memory_space<semaphore_mem>>)
        %dma_wait3A = arith.constant 0 : i32
        %dma_wait3A_58 = tpu.memref_slice %arg6[%mul3A_43, %dma_wait3A] : memref<112x128xi32, #tpu.memory_space<vmem>> -> memref<1x128xi32, #tpu.memory_space<vmem>>
        %dma_wait3A_59 = tpu.memref_squeeze %dma_wait3A_58 : memref<1x128xi32, #tpu.memory_space<vmem>> -> memref<128xi32, #tpu.memory_space<vmem>>
        %dma_wait3A_60 = arith.constant 0 : i32
        %dma_wait3A_61 = arith.constant 0 : i32
        %dma_wait3A_62 = tpu.memref_slice %arg2[%dma_wait3A_60, %dma_wait3A_61] : memref<10240x128xf32, #tpu.memory_space<hbm>> -> memref<10240x128xf32, #tpu.memory_space<hbm>>
        tpu.wait_indirect_dma semaphore(%arg12 : memref<!tpu.dma_semaphore, #tpu.memory_space<semaphore_mem>>) src(%dma_wait3A_62 : memref<10240x128xf32, #tpu.memory_space<hbm>>) dst(%arg8 : memref<128x128xf32, #tpu.memory_space<vmem>>)
        %dma_wait3A_63 = arith.constant 0 : i32
        %dma_wait3A_64 = tpu.memref_slice %arg7[%mul3A_43, %dma_wait3A_63] : memref<112x128xi32, #tpu.memory_space<vmem>> -> memref<1x128xi32, #tpu.memory_space<vmem>>
        %dma_wait3A_65 = tpu.memref_squeeze %dma_wait3A_64 : memref<1x128xi32, #tpu.memory_space<vmem>> -> memref<128xi32, #tpu.memory_space<vmem>>
        %dma_wait3A_66 = arith.constant 0 : i32
        %dma_wait3A_67 = arith.constant 0 : i32
        %dma_wait3A_68 = tpu.memref_slice %arg2[%dma_wait3A_66, %dma_wait3A_67] : memref<10240x128xf32, #tpu.memory_space<hbm>> -> memref<10240x128xf32, #tpu.memory_space<hbm>>
        tpu.wait_indirect_dma semaphore(%arg13 : memref<!tpu.dma_semaphore, #tpu.memory_space<semaphore_mem>>) src(%dma_wait3A_68 : memref<10240x128xf32, #tpu.memory_space<hbm>>) dst(%arg9 : memref<128x128xf32, #tpu.memory_space<vmem>>)
        %mul3A_69 = arith.constant 128 : i32
        %mul3A_70 = arith.muli %mul3A_43, %mul3A_69 : i32
        %scan3A_71 = arith.constant 0 : i32
        %scan3A_72 = arith.constant 0 : i32
        %scan3A_73 = arith.constant 32 : i32
        %scan3A_74 = arith.addi %scan3A_72, %scan3A_73 : i32
        %scan3A_75 = arith.constant 1 : i32
        %scan3A_76 = scf.for %scan3A_110 = %scan3A_72 to %scan3A_74 step %scan3A_75 iter_args(%scan3A_111 = %scan3A_71) -> (i32)  : i32 {
          %mul3A_112 = arith.constant 4 : i32
          %mul3A_113 = arith.muli %scan3A_110, %mul3A_112 : i32
          %add3A_114 = arith.constant 0 : i32
          %add3A_115 = arith.addi %mul3A_113, %add3A_114 : i32
          %get3A = arith.index_cast %add3A_115 : i32 to index
          %get3A_116 = arith.constant 0 : index
          %get3A_117 = tpu.vector_load %arg8[%get3A, %get3A_116] {strides = array<i32>} : memref<128x128xf32, #tpu.memory_space<vmem>>, vector<16xf32>,
          %get3A_118 = arith.index_cast %add3A_115 : i32 to index
          %get3A_119 = arith.constant 0 : index
          %get3A_120 = tpu.vector_load %arg9[%get3A_118, %get3A_119] {strides = array<i32>} : memref<128x128xf32, #tpu.memory_space<vmem>>, vector<16xf32>,
          %mul3A_121 = arith.mulf %get3A_117, %get3A_120 : vector<16xf32>
          %get3A_122 = arith.index_cast %add3A_115 : i32 to index
          %get3A_123 = arith.constant 16 : index
          %get3A_124 = tpu.vector_load %arg8[%get3A_122, %get3A_123] {strides = array<i32>} : memref<128x128xf32, #tpu.memory_space<vmem>>, vector<16xf32>,
          %get3A_125 = arith.index_cast %add3A_115 : i32 to index
          %get3A_126 = arith.constant 16 : index
          %get3A_127 = tpu.vector_load %arg9[%get3A_125, %get3A_126] {strides = array<i32>} : memref<128x128xf32, #tpu.memory_space<vmem>>, vector<16xf32>,
          %mul3A_128 = arith.mulf %get3A_124, %get3A_127 : vector<16xf32>
          %get3A_129 = arith.index_cast %add3A_115 : i32 to index
          %get3A_130 = arith.constant 32 : index
          %get3A_131 = tpu.vector_load %arg8[%get3A_129, %get3A_130] {strides = array<i32>} : memref<128x128xf32, #tpu.memory_space<vmem>>, vector<16xf32>,
          %get3A_132 = arith.index_cast %add3A_115 : i32 to index
          %get3A_133 = arith.constant 32 : index
          %get3A_134 = tpu.vector_load %arg9[%get3A_132, %get3A_133] {strides = array<i32>} : memref<128x128xf32, #tpu.memory_space<vmem>>, vector<16xf32>,
          %mul3A_135 = arith.mulf %get3A_131, %get3A_134 : vector<16xf32>
          %get3A_136 = arith.index_cast %add3A_115 : i32 to index
          %get3A_137 = arith.constant 48 : index
          %get3A_138 = tpu.vector_load %arg8[%get3A_136, %get3A_137] {strides = array<i32>} : memref<128x128xf32, #tpu.memory_space<vmem>>, vector<16xf32>,
          %get3A_139 = arith.index_cast %add3A_115 : i32 to index
          %get3A_140 = arith.constant 48 : index
          %get3A_141 = tpu.vector_load %arg9[%get3A_139, %get3A_140] {strides = array<i32>} : memref<128x128xf32, #tpu.memory_space<vmem>>, vector<16xf32>,
          %mul3A_142 = arith.mulf %get3A_138, %get3A_141 : vector<16xf32>
          %get3A_143 = arith.index_cast %add3A_115 : i32 to index
          %get3A_144 = arith.constant 64 : index
          %get3A_145 = tpu.vector_load %arg8[%get3A_143, %get3A_144] {strides = array<i32>} : memref<128x128xf32, #tpu.memory_space<vmem>>, vector<16xf32>,
          %get3A_146 = arith.index_cast %add3A_115 : i32 to index
          %get3A_147 = arith.constant 64 : index
          %get3A_148 = tpu.vector_load %arg9[%get3A_146, %get3A_147] {strides = array<i32>} : memref<128x128xf32, #tpu.memory_space<vmem>>, vector<16xf32>,
          %mul3A_149 = arith.mulf %get3A_145, %get3A_148 : vector<16xf32>
          %get3A_150 = arith.index_cast %add3A_115 : i32 to index
          %get3A_151 = arith.constant 80 : index
          %get3A_152 = tpu.vector_load %arg8[%get3A_150, %get3A_151] {strides = array<i32>} : memref<128x128xf32, #tpu.memory_space<vmem>>, vector<16xf32>,
          %get3A_153 = arith.index_cast %add3A_115 : i32 to index
          %get3A_154 = arith.constant 80 : index
          %get3A_155 = tpu.vector_load %arg9[%get3A_153, %get3A_154] {strides = array<i32>} : memref<128x128xf32, #tpu.memory_space<vmem>>, vector<16xf32>,
          %mul3A_156 = arith.mulf %get3A_152, %get3A_155 : vector<16xf32>
          %get3A_157 = arith.index_cast %add3A_115 : i32 to index
          %get3A_158 = arith.constant 96 : index
          %get3A_159 = tpu.vector_load %arg8[%get3A_157, %get3A_158] {strides = array<i32>} : memref<128x128xf32, #tpu.memory_space<vmem>>, vector<16xf32>,
          %get3A_160 = arith.index_cast %add3A_115 : i32 to index
          %get3A_161 = arith.constant 96 : index
          %get3A_162 = tpu.vector_load %arg9[%get3A_160, %get3A_161] {strides = array<i32>} : memref<128x128xf32, #tpu.memory_space<vmem>>, vector<16xf32>,
          %mul3A_163 = arith.mulf %get3A_159, %get3A_162 : vector<16xf32>
          %get3A_164 = arith.index_cast %add3A_115 : i32 to index
          %get3A_165 = arith.constant 112 : index
          %get3A_166 = tpu.vector_load %arg8[%get3A_164, %get3A_165] {strides = array<i32>} : memref<128x128xf32, #tpu.memory_space<vmem>>, vector<16xf32>,
          %get3A_167 = arith.index_cast %add3A_115 : i32 to index
          %get3A_168 = arith.constant 112 : index
          %get3A_169 = tpu.vector_load %arg9[%get3A_167, %get3A_168] {strides = array<i32>} : memref<128x128xf32, #tpu.memory_space<vmem>>, vector<16xf32>,
          %mul3A_170 = arith.mulf %get3A_166, %get3A_169 : vector<16xf32>
          %add3A_171 = arith.addf %mul3A_121, %mul3A_128 : vector<16xf32>
          %add3A_172 = arith.addf %mul3A_135, %mul3A_142 : vector<16xf32>
          %add3A_173 = arith.addf %mul3A_149, %mul3A_156 : vector<16xf32>
          %add3A_174 = arith.addf %mul3A_163, %mul3A_170 : vector<16xf32>
          %add3A_175 = arith.addf %add3A_171, %add3A_172 : vector<16xf32>
          %add3A_176 = arith.addf %add3A_173, %add3A_174 : vector<16xf32>
          %add3A_177 = arith.addf %add3A_175, %add3A_176 : vector<16xf32>
          %add3A_178 = arith.addi %mul3A_70, %add3A_115 : i32
          %broadcast_in_dim3A = vector.broadcast %add3A_178 : i32 to vector<16xi32>
          tpu.vector_store_idx %arg16[%broadcast_in_dim3A], %add3A_177 {add = true} : memref<14336xf32, #tpu.memory_space<vmem>>[vector<16xi32>], vector<16xf32>,
          %mul3A_179 = arith.constant 4 : i32
          %mul3A_180 = arith.muli %scan3A_110, %mul3A_179 : i32
          %add3A_181 = arith.constant 1 : i32
          %add3A_182 = arith.addi %mul3A_180, %add3A_181 : i32
          %get3A_183 = arith.index_cast %add3A_182 : i32 to index
          %get3A_184 = arith.constant 0 : index
          %get3A_185 = tpu.vector_load %arg8[%get3A_183, %get3A_184] {strides = array<i32>} : memref<128x128xf32, #tpu.memory_space<vmem>>, vector<16xf32>,
          %get3A_186 = arith.index_cast %add3A_182 : i32 to index
          %get3A_187 = arith.constant 0 : index
          %get3A_188 = tpu.vector_load %arg9[%get3A_186, %get3A_187] {strides = array<i32>} : memref<128x128xf32, #tpu.memory_space<vmem>>, vector<16xf32>,
          %mul3A_189 = arith.mulf %get3A_185, %get3A_188 : vector<16xf32>
          %get3A_190 = arith.index_cast %add3A_182 : i32 to index
          %get3A_191 = arith.constant 16 : index
          %get3A_192 = tpu.vector_load %arg8[%get3A_190, %get3A_191] {strides = array<i32>} : memref<128x128xf32, #tpu.memory_space<vmem>>, vector<16xf32>,
          %get3A_193 = arith.index_cast %add3A_182 : i32 to index
          %get3A_194 = arith.constant 16 : index
          %get3A_195 = tpu.vector_load %arg9[%get3A_193, %get3A_194] {strides = array<i32>} : memref<128x128xf32, #tpu.memory_space<vmem>>, vector<16xf32>,
          %mul3A_196 = arith.mulf %get3A_192, %get3A_195 : vector<16xf32>
          %get3A_197 = arith.index_cast %add3A_182 : i32 to index
          %get3A_198 = arith.constant 32 : index
          %get3A_199 = tpu.vector_load %arg8[%get3A_197, %get3A_198] {strides = array<i32>} : memref<128x128xf32, #tpu.memory_space<vmem>>, vector<16xf32>,
          %get3A_200 = arith.index_cast %add3A_182 : i32 to index
          %get3A_201 = arith.constant 32 : index
          %get3A_202 = tpu.vector_load %arg9[%get3A_200, %get3A_201] {strides = array<i32>} : memref<128x128xf32, #tpu.memory_space<vmem>>, vector<16xf32>,
          %mul3A_203 = arith.mulf %get3A_199, %get3A_202 : vector<16xf32>
          %get3A_204 = arith.index_cast %add3A_182 : i32 to index
          %get3A_205 = arith.constant 48 : index
          %get3A_206 = tpu.vector_load %arg8[%get3A_204, %get3A_205] {strides = array<i32>} : memref<128x128xf32, #tpu.memory_space<vmem>>, vector<16xf32>,
          %get3A_207 = arith.index_cast %add3A_182 : i32 to index
          %get3A_208 = arith.constant 48 : index
          %get3A_209 = tpu.vector_load %arg9[%get3A_207, %get3A_208] {strides = array<i32>} : memref<128x128xf32, #tpu.memory_space<vmem>>, vector<16xf32>,
          %mul3A_210 = arith.mulf %get3A_206, %get3A_209 : vector<16xf32>
          %get3A_211 = arith.index_cast %add3A_182 : i32 to index
          %get3A_212 = arith.constant 64 : index
          %get3A_213 = tpu.vector_load %arg8[%get3A_211, %get3A_212] {strides = array<i32>} : memref<128x128xf32, #tpu.memory_space<vmem>>, vector<16xf32>,
          %get3A_214 = arith.index_cast %add3A_182 : i32 to index
          %get3A_215 = arith.constant 64 : index
          %get3A_216 = tpu.vector_load %arg9[%get3A_214, %get3A_215] {strides = array<i32>} : memref<128x128xf32, #tpu.memory_space<vmem>>, vector<16xf32>,
          %mul3A_217 = arith.mulf %get3A_213, %get3A_216 : vector<16xf32>
          %get3A_218 = arith.index_cast %add3A_182 : i32 to index
          %get3A_219 = arith.constant 80 : index
          %get3A_220 = tpu.vector_load %arg8[%get3A_218, %get3A_219] {strides = array<i32>} : memref<128x128xf32, #tpu.memory_space<vmem>>, vector<16xf32>,
          %get3A_221 = arith.index_cast %add3A_182 : i32 to index
          %get3A_222 = arith.constant 80 : index
          %get3A_223 = tpu.vector_load %arg9[%get3A_221, %get3A_222] {strides = array<i32>} : memref<128x128xf32, #tpu.memory_space<vmem>>, vector<16xf32>,
          %mul3A_224 = arith.mulf %get3A_220, %get3A_223 : vector<16xf32>
          %get3A_225 = arith.index_cast %add3A_182 : i32 to index
          %get3A_226 = arith.constant 96 : index
          %get3A_227 = tpu.vector_load %arg8[%get3A_225, %get3A_226] {strides = array<i32>} : memref<128x128xf32, #tpu.memory_space<vmem>>, vector<16xf32>,
          %get3A_228 = arith.index_cast %add3A_182 : i32 to index
          %get3A_229 = arith.constant 96 : index
          %get3A_230 = tpu.vector_load %arg9[%get3A_228, %get3A_229] {strides = array<i32>} : memref<128x128xf32, #tpu.memory_space<vmem>>, vector<16xf32>,
          %mul3A_231 = arith.mulf %get3A_227, %get3A_230 : vector<16xf32>
          %get3A_232 = arith.index_cast %add3A_182 : i32 to index
          %get3A_233 = arith.constant 112 : index
          %get3A_234 = tpu.vector_load %arg8[%get3A_232, %get3A_233] {strides = array<i32>} : memref<128x128xf32, #tpu.memory_space<vmem>>, vector<16xf32>,
          %get3A_235 = arith.index_cast %add3A_182 : i32 to index
          %get3A_236 = arith.constant 112 : index
          %get3A_237 = tpu.vector_load %arg9[%get3A_235, %get3A_236] {strides = array<i32>} : memref<128x128xf32, #tpu.memory_space<vmem>>, vector<16xf32>,
          %mul3A_238 = arith.mulf %get3A_234, %get3A_237 : vector<16xf32>
          %add3A_239 = arith.addf %mul3A_189, %mul3A_196 : vector<16xf32>
          %add3A_240 = arith.addf %mul3A_203, %mul3A_210 : vector<16xf32>
          %add3A_241 = arith.addf %mul3A_217, %mul3A_224 : vector<16xf32>
          %add3A_242 = arith.addf %mul3A_231, %mul3A_238 : vector<16xf32>
          %add3A_243 = arith.addf %add3A_239, %add3A_240 : vector<16xf32>
          %add3A_244 = arith.addf %add3A_241, %add3A_242 : vector<16xf32>
          %add3A_245 = arith.addf %add3A_243, %add3A_244 : vector<16xf32>
          %add3A_246 = arith.addi %mul3A_70, %add3A_182 : i32
          %broadcast_in_dim3A_247 = vector.broadcast %add3A_246 : i32 to vector<16xi32>
          tpu.vector_store_idx %arg16[%broadcast_in_dim3A_247], %add3A_245 {add = true} : memref<14336xf32, #tpu.memory_space<vmem>>[vector<16xi32>], vector<16xf32>,
          %mul3A_248 = arith.constant 4 : i32
          %mul3A_249 = arith.muli %scan3A_110, %mul3A_248 : i32
          %add3A_250 = arith.constant 2 : i32
          %add3A_251 = arith.addi %mul3A_249, %add3A_250 : i32
          %get3A_252 = arith.index_cast %add3A_251 : i32 to index
          %get3A_253 = arith.constant 0 : index
          %get3A_254 = tpu.vector_load %arg8[%get3A_252, %get3A_253] {strides = array<i32>} : memref<128x128xf32, #tpu.memory_space<vmem>>, vector<16xf32>,
          %get3A_255 = arith.index_cast %add3A_251 : i32 to index
          %get3A_256 = arith.constant 0 : index
          %get3A_257 = tpu.vector_load %arg9[%get3A_255, %get3A_256] {strides = array<i32>} : memref<128x128xf32, #tpu.memory_space<vmem>>, vector<16xf32>,
          %mul3A_258 = arith.mulf %get3A_254, %get3A_257 : vector<16xf32>
          %get3A_259 = arith.index_cast %add3A_251 : i32 to index
          %get3A_260 = arith.constant 16 : index
          %get3A_261 = tpu.vector_load %arg8[%get3A_259, %get3A_260] {strides = array<i32>} : memref<128x128xf32, #tpu.memory_space<vmem>>, vector<16xf32>,
          %get3A_262 = arith.index_cast %add3A_251 : i32 to index
          %get3A_263 = arith.constant 16 : index
          %get3A_264 = tpu.vector_load %arg9[%get3A_262, %get3A_263] {strides = array<i32>} : memref<128x128xf32, #tpu.memory_space<vmem>>, vector<16xf32>,
          %mul3A_265 = arith.mulf %get3A_261, %get3A_264 : vector<16xf32>
          %get3A_266 = arith.index_cast %add3A_251 : i32 to index
          %get3A_267 = arith.constant 32 : index
          %get3A_268 = tpu.vector_load %arg8[%get3A_266, %get3A_267] {strides = array<i32>} : memref<128x128xf32, #tpu.memory_space<vmem>>, vector<16xf32>,
          %get3A_269 = arith.index_cast %add3A_251 : i32 to index
          %get3A_270 = arith.constant 32 : index
          %get3A_271 = tpu.vector_load %arg9[%get3A_269, %get3A_270] {strides = array<i32>} : memref<128x128xf32, #tpu.memory_space<vmem>>, vector<16xf32>,
          %mul3A_272 = arith.mulf %get3A_268, %get3A_271 : vector<16xf32>
          %get3A_273 = arith.index_cast %add3A_251 : i32 to index
          %get3A_274 = arith.constant 48 : index
          %get3A_275 = tpu.vector_load %arg8[%get3A_273, %get3A_274] {strides = array<i32>} : memref<128x128xf32, #tpu.memory_space<vmem>>, vector<16xf32>,
          %get3A_276 = arith.index_cast %add3A_251 : i32 to index
          %get3A_277 = arith.constant 48 : index
          %get3A_278 = tpu.vector_load %arg9[%get3A_276, %get3A_277] {strides = array<i32>} : memref<128x128xf32, #tpu.memory_space<vmem>>, vector<16xf32>,
          %mul3A_279 = arith.mulf %get3A_275, %get3A_278 : vector<16xf32>
          %get3A_280 = arith.index_cast %add3A_251 : i32 to index
          %get3A_281 = arith.constant 64 : index
          %get3A_282 = tpu.vector_load %arg8[%get3A_280, %get3A_281] {strides = array<i32>} : memref<128x128xf32, #tpu.memory_space<vmem>>, vector<16xf32>,
          %get3A_283 = arith.index_cast %add3A_251 : i32 to index
          %get3A_284 = arith.constant 64 : index
          %get3A_285 = tpu.vector_load %arg9[%get3A_283, %get3A_284] {strides = array<i32>} : memref<128x128xf32, #tpu.memory_space<vmem>>, vector<16xf32>,
          %mul3A_286 = arith.mulf %get3A_282, %get3A_285 : vector<16xf32>
          %get3A_287 = arith.index_cast %add3A_251 : i32 to index
          %get3A_288 = arith.constant 80 : index
          %get3A_289 = tpu.vector_load %arg8[%get3A_287, %get3A_288] {strides = array<i32>} : memref<128x128xf32, #tpu.memory_space<vmem>>, vector<16xf32>,
          %get3A_290 = arith.index_cast %add3A_251 : i32 to index
          %get3A_291 = arith.constant 80 : index
          %get3A_292 = tpu.vector_load %arg9[%get3A_290, %get3A_291] {strides = array<i32>} : memref<128x128xf32, #tpu.memory_space<vmem>>, vector<16xf32>,
          %mul3A_293 = arith.mulf %get3A_289, %get3A_292 : vector<16xf32>
          %get3A_294 = arith.index_cast %add3A_251 : i32 to index
          %get3A_295 = arith.constant 96 : index
          %get3A_296 = tpu.vector_load %arg8[%get3A_294, %get3A_295] {strides = array<i32>} : memref<128x128xf32, #tpu.memory_space<vmem>>, vector<16xf32>,
          %get3A_297 = arith.index_cast %add3A_251 : i32 to index
          %get3A_298 = arith.constant 96 : index
          %get3A_299 = tpu.vector_load %arg9[%get3A_297, %get3A_298] {strides = array<i32>} : memref<128x128xf32, #tpu.memory_space<vmem>>, vector<16xf32>,
          %mul3A_300 = arith.mulf %get3A_296, %get3A_299 : vector<16xf32>
          %get3A_301 = arith.index_cast %add3A_251 : i32 to index
          %get3A_302 = arith.constant 112 : index
          %get3A_303 = tpu.vector_load %arg8[%get3A_301, %get3A_302] {strides = array<i32>} : memref<128x128xf32, #tpu.memory_space<vmem>>, vector<16xf32>,
          %get3A_304 = arith.index_cast %add3A_251 : i32 to index
          %get3A_305 = arith.constant 112 : index
          %get3A_306 = tpu.vector_load %arg9[%get3A_304, %get3A_305] {strides = array<i32>} : memref<128x128xf32, #tpu.memory_space<vmem>>, vector<16xf32>,
          %mul3A_307 = arith.mulf %get3A_303, %get3A_306 : vector<16xf32>
          %add3A_308 = arith.addf %mul3A_258, %mul3A_265 : vector<16xf32>
          %add3A_309 = arith.addf %mul3A_272, %mul3A_279 : vector<16xf32>
          %add3A_310 = arith.addf %mul3A_286, %mul3A_293 : vector<16xf32>
          %add3A_311 = arith.addf %mul3A_300, %mul3A_307 : vector<16xf32>
          %add3A_312 = arith.addf %add3A_308, %add3A_309 : vector<16xf32>
          %add3A_313 = arith.addf %add3A_310, %add3A_311 : vector<16xf32>
          %add3A_314 = arith.addf %add3A_312, %add3A_313 : vector<16xf32>
          %add3A_315 = arith.addi %mul3A_70, %add3A_251 : i32
          %broadcast_in_dim3A_316 = vector.broadcast %add3A_315 : i32 to vector<16xi32>
          tpu.vector_store_idx %arg16[%broadcast_in_dim3A_316], %add3A_314 {add = true} : memref<14336xf32, #tpu.memory_space<vmem>>[vector<16xi32>], vector<16xf32>,
          %mul3A_317 = arith.constant 4 : i32
          %mul3A_318 = arith.muli %scan3A_110, %mul3A_317 : i32
          %add3A_319 = arith.constant 3 : i32
          %add3A_320 = arith.addi %mul3A_318, %add3A_319 : i32
          %get3A_321 = arith.index_cast %add3A_320 : i32 to index
          %get3A_322 = arith.constant 0 : index
          %get3A_323 = tpu.vector_load %arg8[%get3A_321, %get3A_322] {strides = array<i32>} : memref<128x128xf32, #tpu.memory_space<vmem>>, vector<16xf32>,
          %get3A_324 = arith.index_cast %add3A_320 : i32 to index
          %get3A_325 = arith.constant 0 : index
          %get3A_326 = tpu.vector_load %arg9[%get3A_324, %get3A_325] {strides = array<i32>} : memref<128x128xf32, #tpu.memory_space<vmem>>, vector<16xf32>,
          %mul3A_327 = arith.mulf %get3A_323, %get3A_326 : vector<16xf32>
          %get3A_328 = arith.index_cast %add3A_320 : i32 to index
          %get3A_329 = arith.constant 16 : index
          %get3A_330 = tpu.vector_load %arg8[%get3A_328, %get3A_329] {strides = array<i32>} : memref<128x128xf32, #tpu.memory_space<vmem>>, vector<16xf32>,
          %get3A_331 = arith.index_cast %add3A_320 : i32 to index
          %get3A_332 = arith.constant 16 : index
          %get3A_333 = tpu.vector_load %arg9[%get3A_331, %get3A_332] {strides = array<i32>} : memref<128x128xf32, #tpu.memory_space<vmem>>, vector<16xf32>,
          %mul3A_334 = arith.mulf %get3A_330, %get3A_333 : vector<16xf32>
          %get3A_335 = arith.index_cast %add3A_320 : i32 to index
          %get3A_336 = arith.constant 32 : index
          %get3A_337 = tpu.vector_load %arg8[%get3A_335, %get3A_336] {strides = array<i32>} : memref<128x128xf32, #tpu.memory_space<vmem>>, vector<16xf32>,
          %get3A_338 = arith.index_cast %add3A_320 : i32 to index
          %get3A_339 = arith.constant 32 : index
          %get3A_340 = tpu.vector_load %arg9[%get3A_338, %get3A_339] {strides = array<i32>} : memref<128x128xf32, #tpu.memory_space<vmem>>, vector<16xf32>,
          %mul3A_341 = arith.mulf %get3A_337, %get3A_340 : vector<16xf32>
          %get3A_342 = arith.index_cast %add3A_320 : i32 to index
          %get3A_343 = arith.constant 48 : index
          %get3A_344 = tpu.vector_load %arg8[%get3A_342, %get3A_343] {strides = array<i32>} : memref<128x128xf32, #tpu.memory_space<vmem>>, vector<16xf32>,
          %get3A_345 = arith.index_cast %add3A_320 : i32 to index
          %get3A_346 = arith.constant 48 : index
          %get3A_347 = tpu.vector_load %arg9[%get3A_345, %get3A_346] {strides = array<i32>} : memref<128x128xf32, #tpu.memory_space<vmem>>, vector<16xf32>,
          %mul3A_348 = arith.mulf %get3A_344, %get3A_347 : vector<16xf32>
          %get3A_349 = arith.index_cast %add3A_320 : i32 to index
          %get3A_350 = arith.constant 64 : index
          %get3A_351 = tpu.vector_load %arg8[%get3A_349, %get3A_350] {strides = array<i32>} : memref<128x128xf32, #tpu.memory_space<vmem>>, vector<16xf32>,
          %get3A_352 = arith.index_cast %add3A_320 : i32 to index
          %get3A_353 = arith.constant 64 : index
          %get3A_354 = tpu.vector_load %arg9[%get3A_352, %get3A_353] {strides = array<i32>} : memref<128x128xf32, #tpu.memory_space<vmem>>, vector<16xf32>,
          %mul3A_355 = arith.mulf %get3A_351, %get3A_354 : vector<16xf32>
          %get3A_356 = arith.index_cast %add3A_320 : i32 to index
          %get3A_357 = arith.constant 80 : index
          %get3A_358 = tpu.vector_load %arg8[%get3A_356, %get3A_357] {strides = array<i32>} : memref<128x128xf32, #tpu.memory_space<vmem>>, vector<16xf32>,
          %get3A_359 = arith.index_cast %add3A_320 : i32 to index
          %get3A_360 = arith.constant 80 : index
          %get3A_361 = tpu.vector_load %arg9[%get3A_359, %get3A_360] {strides = array<i32>} : memref<128x128xf32, #tpu.memory_space<vmem>>, vector<16xf32>,
          %mul3A_362 = arith.mulf %get3A_358, %get3A_361 : vector<16xf32>
          %get3A_363 = arith.index_cast %add3A_320 : i32 to index
          %get3A_364 = arith.constant 96 : index
          %get3A_365 = tpu.vector_load %arg8[%get3A_363, %get3A_364] {strides = array<i32>} : memref<128x128xf32, #tpu.memory_space<vmem>>, vector<16xf32>,
          %get3A_366 = arith.index_cast %add3A_320 : i32 to index
          %get3A_367 = arith.constant 96 : index
          %get3A_368 = tpu.vector_load %arg9[%get3A_366, %get3A_367] {strides = array<i32>} : memref<128x128xf32, #tpu.memory_space<vmem>>, vector<16xf32>,
          %mul3A_369 = arith.mulf %get3A_365, %get3A_368 : vector<16xf32>
          %get3A_370 = arith.index_cast %add3A_320 : i32 to index
          %get3A_371 = arith.constant 112 : index
          %get3A_372 = tpu.vector_load %arg8[%get3A_370, %get3A_371] {strides = array<i32>} : memref<128x128xf32, #tpu.memory_space<vmem>>, vector<16xf32>,
          %get3A_373 = arith.index_cast %add3A_320 : i32 to index
          %get3A_374 = arith.constant 112 : index
          %get3A_375 = tpu.vector_load %arg9[%get3A_373, %get3A_374] {strides = array<i32>} : memref<128x128xf32, #tpu.memory_space<vmem>>, vector<16xf32>,
          %mul3A_376 = arith.mulf %get3A_372, %get3A_375 : vector<16xf32>
          %add3A_377 = arith.addf %mul3A_327, %mul3A_334 : vector<16xf32>
          %add3A_378 = arith.addf %mul3A_341, %mul3A_348 : vector<16xf32>
          %add3A_379 = arith.addf %mul3A_355, %mul3A_362 : vector<16xf32>
          %add3A_380 = arith.addf %mul3A_369, %mul3A_376 : vector<16xf32>
          %add3A_381 = arith.addf %add3A_377, %add3A_378 : vector<16xf32>
          %add3A_382 = arith.addf %add3A_379, %add3A_380 : vector<16xf32>
          %add3A_383 = arith.addf %add3A_381, %add3A_382 : vector<16xf32>
          %add3A_384 = arith.addi %mul3A_70, %add3A_320 : i32
          %broadcast_in_dim3A_385 = vector.broadcast %add3A_384 : i32 to vector<16xi32>
          tpu.vector_store_idx %arg16[%broadcast_in_dim3A_385], %add3A_383 {add = true} : memref<14336xf32, #tpu.memory_space<vmem>>[vector<16xi32>], vector<16xf32>,
          %scan3A_386 = arith.constant 0 : i32
          scf.yield %scan3A_386 : i32
        }
        %scan3A_77 = arith.constant 32 : i32
        %add3A_78 = arith.constant 1 : i32
        %add3A_79 = arith.addi %scan3A_40, %add3A_78 : i32
        %lt3A = arith.constant 56 : i32
        %lt3A_80 = arith.cmpi slt, %add3A_79, %lt3A : i32
        %convert_element_type3A_81 = arith.extui %lt3A_80 : i1 to i32
        %cond3A_82 = arith.constant 0 : i32
        %cond3A_83 = arith.cmpi ne, %convert_element_type3A_81, %cond3A_82 : i32
        scf.if %cond3A_83 {
          %add3A_110 = arith.constant 2 : i32
          %add3A_111 = arith.addi %mul3A_43, %add3A_110 : i32
          %dma_start3A_112 = arith.constant 0 : i32
          %dma_start3A_113 = tpu.memref_slice %arg6[%add3A_111, %dma_start3A_112] : memref<112x128xi32, #tpu.memory_space<vmem>> -> memref<1x128xi32, #tpu.memory_space<vmem>>
          %dma_start3A_114 = tpu.memref_squeeze %dma_start3A_113 : memref<1x128xi32, #tpu.memory_space<vmem>> -> memref<128xi32, #tpu.memory_space<vmem>>
          %dma_start3A_115 = arith.constant 0 : i32
          %dma_start3A_116 = arith.constant 0 : i32
          %dma_start3A_117 = tpu.memref_slice %arg2[%dma_start3A_115, %dma_start3A_116] : memref<10240x128xf32, #tpu.memory_space<hbm>> -> memref<10240x128xf32, #tpu.memory_space<hbm>>
          tpu.enqueue_indirect_dma source(%dma_start3A_117 : memref<10240x128xf32, #tpu.memory_space<hbm>>) target(%arg8 : memref<128x128xf32, #tpu.memory_space<vmem>>) offsets(%dma_start3A_114 : memref<128xi32, #tpu.memory_space<vmem>>) semaphore(%arg12 : memref<!tpu.dma_semaphore, #tpu.memory_space<semaphore_mem>>)
          %dma_start3A_118 = arith.constant 0 : i32
          %dma_start3A_119 = tpu.memref_slice %arg7[%add3A_111, %dma_start3A_118] : memref<112x128xi32, #tpu.memory_space<vmem>> -> memref<1x128xi32, #tpu.memory_space<vmem>>
          %dma_start3A_120 = tpu.memref_squeeze %dma_start3A_119 : memref<1x128xi32, #tpu.memory_space<vmem>> -> memref<128xi32, #tpu.memory_space<vmem>>
          %dma_start3A_121 = arith.constant 0 : i32
          %dma_start3A_122 = arith.constant 0 : i32
          %dma_start3A_123 = tpu.memref_slice %arg2[%dma_start3A_121, %dma_start3A_122] : memref<10240x128xf32, #tpu.memory_space<hbm>> -> memref<10240x128xf32, #tpu.memory_space<hbm>>
          tpu.enqueue_indirect_dma source(%dma_start3A_123 : memref<10240x128xf32, #tpu.memory_space<hbm>>) target(%arg9 : memref<128x128xf32, #tpu.memory_space<vmem>>) offsets(%dma_start3A_120 : memref<128xi32, #tpu.memory_space<vmem>>) semaphore(%arg13 : memref<!tpu.dma_semaphore, #tpu.memory_space<semaphore_mem>>)
        } else {
        }
        %add3A_84 = arith.constant 1 : i32
        %add3A_85 = arith.addi %mul3A_43, %add3A_84 : i32
        %dma_wait3A_86 = arith.constant 0 : i32
        %dma_wait3A_87 = tpu.memref_slice %arg6[%add3A_85, %dma_wait3A_86] : memref<112x128xi32, #tpu.memory_space<vmem>> -> memref<1x128xi32, #tpu.memory_space<vmem>>
        %dma_wait3A_88 = tpu.memref_squeeze %dma_wait3A_87 : memref<1x128xi32, #tpu.memory_space<vmem>> -> memref<128xi32, #tpu.memory_space<vmem>>
        %dma_wait3A_89 = arith.constant 0 : i32
        %dma_wait3A_90 = arith.constant 0 : i32
        %dma_wait3A_91 = tpu.memref_slice %arg2[%dma_wait3A_89, %dma_wait3A_90] : memref<10240x128xf32, #tpu.memory_space<hbm>> -> memref<10240x128xf32, #tpu.memory_space<hbm>>
        tpu.wait_indirect_dma semaphore(%arg14 : memref<!tpu.dma_semaphore, #tpu.memory_space<semaphore_mem>>) src(%dma_wait3A_91 : memref<10240x128xf32, #tpu.memory_space<hbm>>) dst(%arg10 : memref<128x128xf32, #tpu.memory_space<vmem>>)
        %dma_wait3A_92 = arith.constant 0 : i32
        %dma_wait3A_93 = tpu.memref_slice %arg7[%add3A_85, %dma_wait3A_92] : memref<112x128xi32, #tpu.memory_space<vmem>> -> memref<1x128xi32, #tpu.memory_space<vmem>>
        %dma_wait3A_94 = tpu.memref_squeeze %dma_wait3A_93 : memref<1x128xi32, #tpu.memory_space<vmem>> -> memref<128xi32, #tpu.memory_space<vmem>>
        %dma_wait3A_95 = arith.constant 0 : i32
        %dma_wait3A_96 = arith.constant 0 : i32
        %dma_wait3A_97 = tpu.memref_slice %arg2[%dma_wait3A_95, %dma_wait3A_96] : memref<10240x128xf32, #tpu.memory_space<hbm>> -> memref<10240x128xf32, #tpu.memory_space<hbm>>
        tpu.wait_indirect_dma semaphore(%arg15 : memref<!tpu.dma_semaphore, #tpu.memory_space<semaphore_mem>>) src(%dma_wait3A_97 : memref<10240x128xf32, #tpu.memory_space<hbm>>) dst(%arg11 : memref<128x128xf32, #tpu.memory_space<vmem>>)
        %add3A_98 = arith.constant 1 : i32
        %add3A_99 = arith.addi %mul3A_43, %add3A_98 : i32
        %mul3A_100 = arith.constant 128 : i32
        %mul3A_101 = arith.muli %add3A_99, %mul3A_100 : i32
        %scan3A_102 = arith.constant 0 : i32
        %scan3A_103 = arith.constant 0 : i32
        %scan3A_104 = arith.constant 32 : i32
        %scan3A_105 = arith.addi %scan3A_103, %scan3A_104 : i32
        %scan3A_106 = arith.constant 1 : i32
        %scan3A_107 = scf.for %scan3A_110 = %scan3A_103 to %scan3A_105 step %scan3A_106 iter_args(%scan3A_111 = %scan3A_102) -> (i32)  : i32 {
          %mul3A_112 = arith.constant 4 : i32
          %mul3A_113 = arith.muli %scan3A_110, %mul3A_112 : i32
          %add3A_114 = arith.constant 0 : i32
          %add3A_115 = arith.addi %mul3A_113, %add3A_114 : i32
          %get3A = arith.index_cast %add3A_115 : i32 to index
          %get3A_116 = arith.constant 0 : index
          %get3A_117 = tpu.vector_load %arg10[%get3A, %get3A_116] {strides = array<i32>} : memref<128x128xf32, #tpu.memory_space<vmem>>, vector<16xf32>,
          %get3A_118 = arith.index_cast %add3A_115 : i32 to index
          %get3A_119 = arith.constant 0 : index
          %get3A_120 = tpu.vector_load %arg11[%get3A_118, %get3A_119] {strides = array<i32>} : memref<128x128xf32, #tpu.memory_space<vmem>>, vector<16xf32>,
          %mul3A_121 = arith.mulf %get3A_117, %get3A_120 : vector<16xf32>
          %get3A_122 = arith.index_cast %add3A_115 : i32 to index
          %get3A_123 = arith.constant 16 : index
          %get3A_124 = tpu.vector_load %arg10[%get3A_122, %get3A_123] {strides = array<i32>} : memref<128x128xf32, #tpu.memory_space<vmem>>, vector<16xf32>,
          %get3A_125 = arith.index_cast %add3A_115 : i32 to index
          %get3A_126 = arith.constant 16 : index
          %get3A_127 = tpu.vector_load %arg11[%get3A_125, %get3A_126] {strides = array<i32>} : memref<128x128xf32, #tpu.memory_space<vmem>>, vector<16xf32>,
          %mul3A_128 = arith.mulf %get3A_124, %get3A_127 : vector<16xf32>
          %get3A_129 = arith.index_cast %add3A_115 : i32 to index
          %get3A_130 = arith.constant 32 : index
          %get3A_131 = tpu.vector_load %arg10[%get3A_129, %get3A_130] {strides = array<i32>} : memref<128x128xf32, #tpu.memory_space<vmem>>, vector<16xf32>,
          %get3A_132 = arith.index_cast %add3A_115 : i32 to index
          %get3A_133 = arith.constant 32 : index
          %get3A_134 = tpu.vector_load %arg11[%get3A_132, %get3A_133] {strides = array<i32>} : memref<128x128xf32, #tpu.memory_space<vmem>>, vector<16xf32>,
          %mul3A_135 = arith.mulf %get3A_131, %get3A_134 : vector<16xf32>
          %get3A_136 = arith.index_cast %add3A_115 : i32 to index
          %get3A_137 = arith.constant 48 : index
          %get3A_138 = tpu.vector_load %arg10[%get3A_136, %get3A_137] {strides = array<i32>} : memref<128x128xf32, #tpu.memory_space<vmem>>, vector<16xf32>,
          %get3A_139 = arith.index_cast %add3A_115 : i32 to index
          %get3A_140 = arith.constant 48 : index
          %get3A_141 = tpu.vector_load %arg11[%get3A_139, %get3A_140] {strides = array<i32>} : memref<128x128xf32, #tpu.memory_space<vmem>>, vector<16xf32>,
          %mul3A_142 = arith.mulf %get3A_138, %get3A_141 : vector<16xf32>
          %get3A_143 = arith.index_cast %add3A_115 : i32 to index
          %get3A_144 = arith.constant 64 : index
          %get3A_145 = tpu.vector_load %arg10[%get3A_143, %get3A_144] {strides = array<i32>} : memref<128x128xf32, #tpu.memory_space<vmem>>, vector<16xf32>,
          %get3A_146 = arith.index_cast %add3A_115 : i32 to index
          %get3A_147 = arith.constant 64 : index
          %get3A_148 = tpu.vector_load %arg11[%get3A_146, %get3A_147] {strides = array<i32>} : memref<128x128xf32, #tpu.memory_space<vmem>>, vector<16xf32>,
          %mul3A_149 = arith.mulf %get3A_145, %get3A_148 : vector<16xf32>
          %get3A_150 = arith.index_cast %add3A_115 : i32 to index
          %get3A_151 = arith.constant 80 : index
          %get3A_152 = tpu.vector_load %arg10[%get3A_150, %get3A_151] {strides = array<i32>} : memref<128x128xf32, #tpu.memory_space<vmem>>, vector<16xf32>,
          %get3A_153 = arith.index_cast %add3A_115 : i32 to index
          %get3A_154 = arith.constant 80 : index
          %get3A_155 = tpu.vector_load %arg11[%get3A_153, %get3A_154] {strides = array<i32>} : memref<128x128xf32, #tpu.memory_space<vmem>>, vector<16xf32>,
          %mul3A_156 = arith.mulf %get3A_152, %get3A_155 : vector<16xf32>
          %get3A_157 = arith.index_cast %add3A_115 : i32 to index
          %get3A_158 = arith.constant 96 : index
          %get3A_159 = tpu.vector_load %arg10[%get3A_157, %get3A_158] {strides = array<i32>} : memref<128x128xf32, #tpu.memory_space<vmem>>, vector<16xf32>,
          %get3A_160 = arith.index_cast %add3A_115 : i32 to index
          %get3A_161 = arith.constant 96 : index
          %get3A_162 = tpu.vector_load %arg11[%get3A_160, %get3A_161] {strides = array<i32>} : memref<128x128xf32, #tpu.memory_space<vmem>>, vector<16xf32>,
          %mul3A_163 = arith.mulf %get3A_159, %get3A_162 : vector<16xf32>
          %get3A_164 = arith.index_cast %add3A_115 : i32 to index
          %get3A_165 = arith.constant 112 : index
          %get3A_166 = tpu.vector_load %arg10[%get3A_164, %get3A_165] {strides = array<i32>} : memref<128x128xf32, #tpu.memory_space<vmem>>, vector<16xf32>,
          %get3A_167 = arith.index_cast %add3A_115 : i32 to index
          %get3A_168 = arith.constant 112 : index
          %get3A_169 = tpu.vector_load %arg11[%get3A_167, %get3A_168] {strides = array<i32>} : memref<128x128xf32, #tpu.memory_space<vmem>>, vector<16xf32>,
          %mul3A_170 = arith.mulf %get3A_166, %get3A_169 : vector<16xf32>
          %add3A_171 = arith.addf %mul3A_121, %mul3A_128 : vector<16xf32>
          %add3A_172 = arith.addf %mul3A_135, %mul3A_142 : vector<16xf32>
          %add3A_173 = arith.addf %mul3A_149, %mul3A_156 : vector<16xf32>
          %add3A_174 = arith.addf %mul3A_163, %mul3A_170 : vector<16xf32>
          %add3A_175 = arith.addf %add3A_171, %add3A_172 : vector<16xf32>
          %add3A_176 = arith.addf %add3A_173, %add3A_174 : vector<16xf32>
          %add3A_177 = arith.addf %add3A_175, %add3A_176 : vector<16xf32>
          %add3A_178 = arith.addi %mul3A_101, %add3A_115 : i32
          %broadcast_in_dim3A = vector.broadcast %add3A_178 : i32 to vector<16xi32>
          tpu.vector_store_idx %arg16[%broadcast_in_dim3A], %add3A_177 {add = true} : memref<14336xf32, #tpu.memory_space<vmem>>[vector<16xi32>], vector<16xf32>,
          %mul3A_179 = arith.constant 4 : i32
          %mul3A_180 = arith.muli %scan3A_110, %mul3A_179 : i32
          %add3A_181 = arith.constant 1 : i32
          %add3A_182 = arith.addi %mul3A_180, %add3A_181 : i32
          %get3A_183 = arith.index_cast %add3A_182 : i32 to index
          %get3A_184 = arith.constant 0 : index
          %get3A_185 = tpu.vector_load %arg10[%get3A_183, %get3A_184] {strides = array<i32>} : memref<128x128xf32, #tpu.memory_space<vmem>>, vector<16xf32>,
          %get3A_186 = arith.index_cast %add3A_182 : i32 to index
          %get3A_187 = arith.constant 0 : index
          %get3A_188 = tpu.vector_load %arg11[%get3A_186, %get3A_187] {strides = array<i32>} : memref<128x128xf32, #tpu.memory_space<vmem>>, vector<16xf32>,
          %mul3A_189 = arith.mulf %get3A_185, %get3A_188 : vector<16xf32>
          %get3A_190 = arith.index_cast %add3A_182 : i32 to index
          %get3A_191 = arith.constant 16 : index
          %get3A_192 = tpu.vector_load %arg10[%get3A_190, %get3A_191] {strides = array<i32>} : memref<128x128xf32, #tpu.memory_space<vmem>>, vector<16xf32>,
          %get3A_193 = arith.index_cast %add3A_182 : i32 to index
          %get3A_194 = arith.constant 16 : index
          %get3A_195 = tpu.vector_load %arg11[%get3A_193, %get3A_194] {strides = array<i32>} : memref<128x128xf32, #tpu.memory_space<vmem>>, vector<16xf32>,
          %mul3A_196 = arith.mulf %get3A_192, %get3A_195 : vector<16xf32>
          %get3A_197 = arith.index_cast %add3A_182 : i32 to index
          %get3A_198 = arith.constant 32 : index
          %get3A_199 = tpu.vector_load %arg10[%get3A_197, %get3A_198] {strides = array<i32>} : memref<128x128xf32, #tpu.memory_space<vmem>>, vector<16xf32>,
          %get3A_200 = arith.index_cast %add3A_182 : i32 to index
          %get3A_201 = arith.constant 32 : index
          %get3A_202 = tpu.vector_load %arg11[%get3A_200, %get3A_201] {strides = array<i32>} : memref<128x128xf32, #tpu.memory_space<vmem>>, vector<16xf32>,
          %mul3A_203 = arith.mulf %get3A_199, %get3A_202 : vector<16xf32>
          %get3A_204 = arith.index_cast %add3A_182 : i32 to index
          %get3A_205 = arith.constant 48 : index
          %get3A_206 = tpu.vector_load %arg10[%get3A_204, %get3A_205] {strides = array<i32>} : memref<128x128xf32, #tpu.memory_space<vmem>>, vector<16xf32>,
          %get3A_207 = arith.index_cast %add3A_182 : i32 to index
          %get3A_208 = arith.constant 48 : index
          %get3A_209 = tpu.vector_load %arg11[%get3A_207, %get3A_208] {strides = array<i32>} : memref<128x128xf32, #tpu.memory_space<vmem>>, vector<16xf32>,
          %mul3A_210 = arith.mulf %get3A_206, %get3A_209 : vector<16xf32>
          %get3A_211 = arith.index_cast %add3A_182 : i32 to index
          %get3A_212 = arith.constant 64 : index
          %get3A_213 = tpu.vector_load %arg10[%get3A_211, %get3A_212] {strides = array<i32>} : memref<128x128xf32, #tpu.memory_space<vmem>>, vector<16xf32>,
          %get3A_214 = arith.index_cast %add3A_182 : i32 to index
          %get3A_215 = arith.constant 64 : index
          %get3A_216 = tpu.vector_load %arg11[%get3A_214, %get3A_215] {strides = array<i32>} : memref<128x128xf32, #tpu.memory_space<vmem>>, vector<16xf32>,
          %mul3A_217 = arith.mulf %get3A_213, %get3A_216 : vector<16xf32>
          %get3A_218 = arith.index_cast %add3A_182 : i32 to index
          %get3A_219 = arith.constant 80 : index
          %get3A_220 = tpu.vector_load %arg10[%get3A_218, %get3A_219] {strides = array<i32>} : memref<128x128xf32, #tpu.memory_space<vmem>>, vector<16xf32>,
          %get3A_221 = arith.index_cast %add3A_182 : i32 to index
          %get3A_222 = arith.constant 80 : index
          %get3A_223 = tpu.vector_load %arg11[%get3A_221, %get3A_222] {strides = array<i32>} : memref<128x128xf32, #tpu.memory_space<vmem>>, vector<16xf32>,
          %mul3A_224 = arith.mulf %get3A_220, %get3A_223 : vector<16xf32>
          %get3A_225 = arith.index_cast %add3A_182 : i32 to index
          %get3A_226 = arith.constant 96 : index
          %get3A_227 = tpu.vector_load %arg10[%get3A_225, %get3A_226] {strides = array<i32>} : memref<128x128xf32, #tpu.memory_space<vmem>>, vector<16xf32>,
          %get3A_228 = arith.index_cast %add3A_182 : i32 to index
          %get3A_229 = arith.constant 96 : index
          %get3A_230 = tpu.vector_load %arg11[%get3A_228, %get3A_229] {strides = array<i32>} : memref<128x128xf32, #tpu.memory_space<vmem>>, vector<16xf32>,
          %mul3A_231 = arith.mulf %get3A_227, %get3A_230 : vector<16xf32>
          %get3A_232 = arith.index_cast %add3A_182 : i32 to index
          %get3A_233 = arith.constant 112 : index
          %get3A_234 = tpu.vector_load %arg10[%get3A_232, %get3A_233] {strides = array<i32>} : memref<128x128xf32, #tpu.memory_space<vmem>>, vector<16xf32>,
          %get3A_235 = arith.index_cast %add3A_182 : i32 to index
          %get3A_236 = arith.constant 112 : index
          %get3A_237 = tpu.vector_load %arg11[%get3A_235, %get3A_236] {strides = array<i32>} : memref<128x128xf32, #tpu.memory_space<vmem>>, vector<16xf32>,
          %mul3A_238 = arith.mulf %get3A_234, %get3A_237 : vector<16xf32>
          %add3A_239 = arith.addf %mul3A_189, %mul3A_196 : vector<16xf32>
          %add3A_240 = arith.addf %mul3A_203, %mul3A_210 : vector<16xf32>
          %add3A_241 = arith.addf %mul3A_217, %mul3A_224 : vector<16xf32>
          %add3A_242 = arith.addf %mul3A_231, %mul3A_238 : vector<16xf32>
          %add3A_243 = arith.addf %add3A_239, %add3A_240 : vector<16xf32>
          %add3A_244 = arith.addf %add3A_241, %add3A_242 : vector<16xf32>
          %add3A_245 = arith.addf %add3A_243, %add3A_244 : vector<16xf32>
          %add3A_246 = arith.addi %mul3A_101, %add3A_182 : i32
          %broadcast_in_dim3A_247 = vector.broadcast %add3A_246 : i32 to vector<16xi32>
          tpu.vector_store_idx %arg16[%broadcast_in_dim3A_247], %add3A_245 {add = true} : memref<14336xf32, #tpu.memory_space<vmem>>[vector<16xi32>], vector<16xf32>,
          %mul3A_248 = arith.constant 4 : i32
          %mul3A_249 = arith.muli %scan3A_110, %mul3A_248 : i32
          %add3A_250 = arith.constant 2 : i32
          %add3A_251 = arith.addi %mul3A_249, %add3A_250 : i32
          %get3A_252 = arith.index_cast %add3A_251 : i32 to index
          %get3A_253 = arith.constant 0 : index
          %get3A_254 = tpu.vector_load %arg10[%get3A_252, %get3A_253] {strides = array<i32>} : memref<128x128xf32, #tpu.memory_space<vmem>>, vector<16xf32>,
          %get3A_255 = arith.index_cast %add3A_251 : i32 to index
          %get3A_256 = arith.constant 0 : index
          %get3A_257 = tpu.vector_load %arg11[%get3A_255, %get3A_256] {strides = array<i32>} : memref<128x128xf32, #tpu.memory_space<vmem>>, vector<16xf32>,
          %mul3A_258 = arith.mulf %get3A_254, %get3A_257 : vector<16xf32>
          %get3A_259 = arith.index_cast %add3A_251 : i32 to index
          %get3A_260 = arith.constant 16 : index
          %get3A_261 = tpu.vector_load %arg10[%get3A_259, %get3A_260] {strides = array<i32>} : memref<128x128xf32, #tpu.memory_space<vmem>>, vector<16xf32>,
          %get3A_262 = arith.index_cast %add3A_251 : i32 to index
          %get3A_263 = arith.constant 16 : index
          %get3A_264 = tpu.vector_load %arg11[%get3A_262, %get3A_263] {strides = array<i32>} : memref<128x128xf32, #tpu.memory_space<vmem>>, vector<16xf32>,
          %mul3A_265 = arith.mulf %get3A_261, %get3A_264 : vector<16xf32>
          %get3A_266 = arith.index_cast %add3A_251 : i32 to index
          %get3A_267 = arith.constant 32 : index
          %get3A_268 = tpu.vector_load %arg10[%get3A_266, %get3A_267] {strides = array<i32>} : memref<128x128xf32, #tpu.memory_space<vmem>>, vector<16xf32>,
          %get3A_269 = arith.index_cast %add3A_251 : i32 to index
          %get3A_270 = arith.constant 32 : index
          %get3A_271 = tpu.vector_load %arg11[%get3A_269, %get3A_270] {strides = array<i32>} : memref<128x128xf32, #tpu.memory_space<vmem>>, vector<16xf32>,
          %mul3A_272 = arith.mulf %get3A_268, %get3A_271 : vector<16xf32>
          %get3A_273 = arith.index_cast %add3A_251 : i32 to index
          %get3A_274 = arith.constant 48 : index
          %get3A_275 = tpu.vector_load %arg10[%get3A_273, %get3A_274] {strides = array<i32>} : memref<128x128xf32, #tpu.memory_space<vmem>>, vector<16xf32>,
          %get3A_276 = arith.index_cast %add3A_251 : i32 to index
          %get3A_277 = arith.constant 48 : index
          %get3A_278 = tpu.vector_load %arg11[%get3A_276, %get3A_277] {strides = array<i32>} : memref<128x128xf32, #tpu.memory_space<vmem>>, vector<16xf32>,
          %mul3A_279 = arith.mulf %get3A_275, %get3A_278 : vector<16xf32>
          %get3A_280 = arith.index_cast %add3A_251 : i32 to index
          %get3A_281 = arith.constant 64 : index
          %get3A_282 = tpu.vector_load %arg10[%get3A_280, %get3A_281] {strides = array<i32>} : memref<128x128xf32, #tpu.memory_space<vmem>>, vector<16xf32>,
          %get3A_283 = arith.index_cast %add3A_251 : i32 to index
          %get3A_284 = arith.constant 64 : index
          %get3A_285 = tpu.vector_load %arg11[%get3A_283, %get3A_284] {strides = array<i32>} : memref<128x128xf32, #tpu.memory_space<vmem>>, vector<16xf32>,
          %mul3A_286 = arith.mulf %get3A_282, %get3A_285 : vector<16xf32>
          %get3A_287 = arith.index_cast %add3A_251 : i32 to index
          %get3A_288 = arith.constant 80 : index
          %get3A_289 = tpu.vector_load %arg10[%get3A_287, %get3A_288] {strides = array<i32>} : memref<128x128xf32, #tpu.memory_space<vmem>>, vector<16xf32>,
          %get3A_290 = arith.index_cast %add3A_251 : i32 to index
          %get3A_291 = arith.constant 80 : index
          %get3A_292 = tpu.vector_load %arg11[%get3A_290, %get3A_291] {strides = array<i32>} : memref<128x128xf32, #tpu.memory_space<vmem>>, vector<16xf32>,
          %mul3A_293 = arith.mulf %get3A_289, %get3A_292 : vector<16xf32>
          %get3A_294 = arith.index_cast %add3A_251 : i32 to index
          %get3A_295 = arith.constant 96 : index
          %get3A_296 = tpu.vector_load %arg10[%get3A_294, %get3A_295] {strides = array<i32>} : memref<128x128xf32, #tpu.memory_space<vmem>>, vector<16xf32>,
          %get3A_297 = arith.index_cast %add3A_251 : i32 to index
          %get3A_298 = arith.constant 96 : index
          %get3A_299 = tpu.vector_load %arg11[%get3A_297, %get3A_298] {strides = array<i32>} : memref<128x128xf32, #tpu.memory_space<vmem>>, vector<16xf32>,
          %mul3A_300 = arith.mulf %get3A_296, %get3A_299 : vector<16xf32>
          %get3A_301 = arith.index_cast %add3A_251 : i32 to index
          %get3A_302 = arith.constant 112 : index
          %get3A_303 = tpu.vector_load %arg10[%get3A_301, %get3A_302] {strides = array<i32>} : memref<128x128xf32, #tpu.memory_space<vmem>>, vector<16xf32>,
          %get3A_304 = arith.index_cast %add3A_251 : i32 to index
          %get3A_305 = arith.constant 112 : index
          %get3A_306 = tpu.vector_load %arg11[%get3A_304, %get3A_305] {strides = array<i32>} : memref<128x128xf32, #tpu.memory_space<vmem>>, vector<16xf32>,
          %mul3A_307 = arith.mulf %get3A_303, %get3A_306 : vector<16xf32>
          %add3A_308 = arith.addf %mul3A_258, %mul3A_265 : vector<16xf32>
          %add3A_309 = arith.addf %mul3A_272, %mul3A_279 : vector<16xf32>
          %add3A_310 = arith.addf %mul3A_286, %mul3A_293 : vector<16xf32>
          %add3A_311 = arith.addf %mul3A_300, %mul3A_307 : vector<16xf32>
          %add3A_312 = arith.addf %add3A_308, %add3A_309 : vector<16xf32>
          %add3A_313 = arith.addf %add3A_310, %add3A_311 : vector<16xf32>
          %add3A_314 = arith.addf %add3A_312, %add3A_313 : vector<16xf32>
          %add3A_315 = arith.addi %mul3A_101, %add3A_251 : i32
          %broadcast_in_dim3A_316 = vector.broadcast %add3A_315 : i32 to vector<16xi32>
          tpu.vector_store_idx %arg16[%broadcast_in_dim3A_316], %add3A_314 {add = true} : memref<14336xf32, #tpu.memory_space<vmem>>[vector<16xi32>], vector<16xf32>,
          %mul3A_317 = arith.constant 4 : i32
          %mul3A_318 = arith.muli %scan3A_110, %mul3A_317 : i32
          %add3A_319 = arith.constant 3 : i32
          %add3A_320 = arith.addi %mul3A_318, %add3A_319 : i32
          %get3A_321 = arith.index_cast %add3A_320 : i32 to index
          %get3A_322 = arith.constant 0 : index
          %get3A_323 = tpu.vector_load %arg10[%get3A_321, %get3A_322] {strides = array<i32>} : memref<128x128xf32, #tpu.memory_space<vmem>>, vector<16xf32>,
          %get3A_324 = arith.index_cast %add3A_320 : i32 to index
          %get3A_325 = arith.constant 0 : index
          %get3A_326 = tpu.vector_load %arg11[%get3A_324, %get3A_325] {strides = array<i32>} : memref<128x128xf32, #tpu.memory_space<vmem>>, vector<16xf32>,
          %mul3A_327 = arith.mulf %get3A_323, %get3A_326 : vector<16xf32>
          %get3A_328 = arith.index_cast %add3A_320 : i32 to index
          %get3A_329 = arith.constant 16 : index
          %get3A_330 = tpu.vector_load %arg10[%get3A_328, %get3A_329] {strides = array<i32>} : memref<128x128xf32, #tpu.memory_space<vmem>>, vector<16xf32>,
          %get3A_331 = arith.index_cast %add3A_320 : i32 to index
          %get3A_332 = arith.constant 16 : index
          %get3A_333 = tpu.vector_load %arg11[%get3A_331, %get3A_332] {strides = array<i32>} : memref<128x128xf32, #tpu.memory_space<vmem>>, vector<16xf32>,
          %mul3A_334 = arith.mulf %get3A_330, %get3A_333 : vector<16xf32>
          %get3A_335 = arith.index_cast %add3A_320 : i32 to index
          %get3A_336 = arith.constant 32 : index
          %get3A_337 = tpu.vector_load %arg10[%get3A_335, %get3A_336] {strides = array<i32>} : memref<128x128xf32, #tpu.memory_space<vmem>>, vector<16xf32>,
          %get3A_338 = arith.index_cast %add3A_320 : i32 to index
          %get3A_339 = arith.constant 32 : index
          %get3A_340 = tpu.vector_load %arg11[%get3A_338, %get3A_339] {strides = array<i32>} : memref<128x128xf32, #tpu.memory_space<vmem>>, vector<16xf32>,
          %mul3A_341 = arith.mulf %get3A_337, %get3A_340 : vector<16xf32>
          %get3A_342 = arith.index_cast %add3A_320 : i32 to index
          %get3A_343 = arith.constant 48 : index
          %get3A_344 = tpu.vector_load %arg10[%get3A_342, %get3A_343] {strides = array<i32>} : memref<128x128xf32, #tpu.memory_space<vmem>>, vector<16xf32>,
          %get3A_345 = arith.index_cast %add3A_320 : i32 to index
          %get3A_346 = arith.constant 48 : index
          %get3A_347 = tpu.vector_load %arg11[%get3A_345, %get3A_346] {strides = array<i32>} : memref<128x128xf32, #tpu.memory_space<vmem>>, vector<16xf32>,
          %mul3A_348 = arith.mulf %get3A_344, %get3A_347 : vector<16xf32>
          %get3A_349 = arith.index_cast %add3A_320 : i32 to index
          %get3A_350 = arith.constant 64 : index
          %get3A_351 = tpu.vector_load %arg10[%get3A_349, %get3A_350] {strides = array<i32>} : memref<128x128xf32, #tpu.memory_space<vmem>>, vector<16xf32>,
          %get3A_352 = arith.index_cast %add3A_320 : i32 to index
          %get3A_353 = arith.constant 64 : index
          %get3A_354 = tpu.vector_load %arg11[%get3A_352, %get3A_353] {strides = array<i32>} : memref<128x128xf32, #tpu.memory_space<vmem>>, vector<16xf32>,
          %mul3A_355 = arith.mulf %get3A_351, %get3A_354 : vector<16xf32>
          %get3A_356 = arith.index_cast %add3A_320 : i32 to index
          %get3A_357 = arith.constant 80 : index
          %get3A_358 = tpu.vector_load %arg10[%get3A_356, %get3A_357] {strides = array<i32>} : memref<128x128xf32, #tpu.memory_space<vmem>>, vector<16xf32>,
          %get3A_359 = arith.index_cast %add3A_320 : i32 to index
          %get3A_360 = arith.constant 80 : index
          %get3A_361 = tpu.vector_load %arg11[%get3A_359, %get3A_360] {strides = array<i32>} : memref<128x128xf32, #tpu.memory_space<vmem>>, vector<16xf32>,
          %mul3A_362 = arith.mulf %get3A_358, %get3A_361 : vector<16xf32>
          %get3A_363 = arith.index_cast %add3A_320 : i32 to index
          %get3A_364 = arith.constant 96 : index
          %get3A_365 = tpu.vector_load %arg10[%get3A_363, %get3A_364] {strides = array<i32>} : memref<128x128xf32, #tpu.memory_space<vmem>>, vector<16xf32>,
          %get3A_366 = arith.index_cast %add3A_320 : i32 to index
          %get3A_367 = arith.constant 96 : index
          %get3A_368 = tpu.vector_load %arg11[%get3A_366, %get3A_367] {strides = array<i32>} : memref<128x128xf32, #tpu.memory_space<vmem>>, vector<16xf32>,
          %mul3A_369 = arith.mulf %get3A_365, %get3A_368 : vector<16xf32>
          %get3A_370 = arith.index_cast %add3A_320 : i32 to index
          %get3A_371 = arith.constant 112 : index
          %get3A_372 = tpu.vector_load %arg10[%get3A_370, %get3A_371] {strides = array<i32>} : memref<128x128xf32, #tpu.memory_space<vmem>>, vector<16xf32>,
          %get3A_373 = arith.index_cast %add3A_320 : i32 to index
          %get3A_374 = arith.constant 112 : index
          %get3A_375 = tpu.vector_load %arg11[%get3A_373, %get3A_374] {strides = array<i32>} : memref<128x128xf32, #tpu.memory_space<vmem>>, vector<16xf32>,
          %mul3A_376 = arith.mulf %get3A_372, %get3A_375 : vector<16xf32>
          %add3A_377 = arith.addf %mul3A_327, %mul3A_334 : vector<16xf32>
          %add3A_378 = arith.addf %mul3A_341, %mul3A_348 : vector<16xf32>
          %add3A_379 = arith.addf %mul3A_355, %mul3A_362 : vector<16xf32>
          %add3A_380 = arith.addf %mul3A_369, %mul3A_376 : vector<16xf32>
          %add3A_381 = arith.addf %add3A_377, %add3A_378 : vector<16xf32>
          %add3A_382 = arith.addf %add3A_379, %add3A_380 : vector<16xf32>
          %add3A_383 = arith.addf %add3A_381, %add3A_382 : vector<16xf32>
          %add3A_384 = arith.addi %mul3A_101, %add3A_320 : i32
          %broadcast_in_dim3A_385 = vector.broadcast %add3A_384 : i32 to vector<16xi32>
          tpu.vector_store_idx %arg16[%broadcast_in_dim3A_385], %add3A_383 {add = true} : memref<14336xf32, #tpu.memory_space<vmem>>[vector<16xi32>], vector<16xf32>,
          %scan3A_386 = arith.constant 0 : i32
          scf.yield %scan3A_386 : i32
        }
        %scan3A_108 = arith.constant 32 : i32
        %scan3A_109 = arith.constant 0 : i32
        scf.yield %scan3A_109 : i32
      }
      %scan3A_34 = arith.constant 56 : i32
      %mul3A = arith.constant 10240 : i32
      %mul3A_35 = arith.muli %add3A_2, %mul3A : i32
      "tpu.region"() ({
        %run_scoped3A = tpu.sem_alloc : memref<!tpu.dma_semaphore, #tpu.memory_space<semaphore_mem>>
        %dma_start3A_40 = arith.constant 0 : i32
        %dma_start3A_41 = tpu.memref_slice %arg16[%dma_start3A_40] : memref<14336xf32, #tpu.memory_space<vmem>> -> memref<10240xf32, #tpu.memory_space<vmem>>
        %dma_start3A_42 = tpu.memref_slice %arg5[%mul3A_35] : memref<327680xf32, #tpu.memory_space<hbm>> -> memref<10240xf32, #tpu.memory_space<hbm>>
        %dma_start3A_43 = tpu.memref_slice %arg5[%mul3A_35] : memref<327680xf32, #tpu.memory_space<hbm>> -> memref<10240xf32, #tpu.memory_space<hbm>>
        %dma_start3A_44 = arith.constant 0 : i32
        %dma_start3A_45 = tpu.memref_slice %arg16[%dma_start3A_44] : memref<14336xf32, #tpu.memory_space<vmem>> -> memref<10240xf32, #tpu.memory_space<vmem>>
        tpu.enqueue_dma source(%dma_start3A_45 : memref<10240xf32, #tpu.memory_space<vmem>>) target(%dma_start3A_43 : memref<10240xf32, #tpu.memory_space<hbm>>) target_semaphore(%run_scoped3A : memref<!tpu.dma_semaphore, #tpu.memory_space<semaphore_mem>>)
        %dma_wait3A = arith.constant 0 : i32
        %dma_wait3A_46 = tpu.memref_slice %arg16[%dma_wait3A] : memref<14336xf32, #tpu.memory_space<vmem>> -> memref<10240xf32, #tpu.memory_space<vmem>>
        %dma_wait3A_47 = tpu.memref_slice %arg5[%mul3A_35] : memref<327680xf32, #tpu.memory_space<hbm>> -> memref<10240xf32, #tpu.memory_space<hbm>>
        %dma_wait3A_48 = tpu.memref_slice %arg5[%mul3A_35] : memref<327680xf32, #tpu.memory_space<hbm>> -> memref<10240xf32, #tpu.memory_space<hbm>>
        %dma_wait3A_49 = arith.constant 0 : i32
        %dma_wait3A_50 = tpu.memref_slice %arg16[%dma_wait3A_49] : memref<14336xf32, #tpu.memory_space<vmem>> -> memref<10240xf32, #tpu.memory_space<vmem>>
        tpu.wait_dma2 semaphore(%run_scoped3A : memref<!tpu.dma_semaphore, #tpu.memory_space<semaphore_mem>>) src(%dma_wait3A_50 : memref<10240xf32, #tpu.memory_space<vmem>>) dst(%dma_wait3A_48 : memref<10240xf32, #tpu.memory_space<hbm>>)
        tpu.yield
      }) : () -> ()
      %mul3A_36 = arith.constant 10240 : i32
      %mul3A_37 = arith.muli %add3A_0, %mul3A_36 : i32
      %add3A_38 = arith.constant 6144 : i32
      %add3A_39 = arith.addi %mul3A_37, %add3A_38 : i32
      "tpu.region"() ({
        %run_scoped3A = tpu.sem_alloc : memref<!tpu.dma_semaphore, #tpu.memory_space<semaphore_mem>>
        %dma_start3A_40 = arith.constant 10240 : i32
        %dma_start3A_41 = tpu.memref_slice %arg16[%dma_start3A_40] : memref<14336xf32, #tpu.memory_space<vmem>> -> memref<4096xf32, #tpu.memory_space<vmem>>
        %dma_start3A_42 = tpu.memref_slice %arg5[%add3A_39] : memref<327680xf32, #tpu.memory_space<hbm>> -> memref<4096xf32, #tpu.memory_space<hbm>>
        %dma_start3A_43 = tpu.memref_slice %arg5[%add3A_39] : memref<327680xf32, #tpu.memory_space<hbm>> -> memref<4096xf32, #tpu.memory_space<hbm>>
        %dma_start3A_44 = arith.constant 10240 : i32
        %dma_start3A_45 = tpu.memref_slice %arg16[%dma_start3A_44] : memref<14336xf32, #tpu.memory_space<vmem>> -> memref<4096xf32, #tpu.memory_space<vmem>>
        tpu.enqueue_dma source(%dma_start3A_45 : memref<4096xf32, #tpu.memory_space<vmem>>) target(%dma_start3A_43 : memref<4096xf32, #tpu.memory_space<hbm>>) target_semaphore(%run_scoped3A : memref<!tpu.dma_semaphore, #tpu.memory_space<semaphore_mem>>)
        %dma_wait3A = arith.constant 10240 : i32
        %dma_wait3A_46 = tpu.memref_slice %arg16[%dma_wait3A] : memref<14336xf32, #tpu.memory_space<vmem>> -> memref<4096xf32, #tpu.memory_space<vmem>>
        %dma_wait3A_47 = tpu.memref_slice %arg5[%add3A_39] : memref<327680xf32, #tpu.memory_space<hbm>> -> memref<4096xf32, #tpu.memory_space<hbm>>
        %dma_wait3A_48 = tpu.memref_slice %arg5[%add3A_39] : memref<327680xf32, #tpu.memory_space<hbm>> -> memref<4096xf32, #tpu.memory_space<hbm>>
        %dma_wait3A_49 = arith.constant 10240 : i32
        %dma_wait3A_50 = tpu.memref_slice %arg16[%dma_wait3A_49] : memref<14336xf32, #tpu.memory_space<vmem>> -> memref<4096xf32, #tpu.memory_space<vmem>>
        tpu.wait_dma2 semaphore(%run_scoped3A : memref<!tpu.dma_semaphore, #tpu.memory_space<semaphore_mem>>) src(%dma_wait3A_50 : memref<4096xf32, #tpu.memory_space<vmem>>) dst(%dma_wait3A_48 : memref<4096xf32, #tpu.memory_space<hbm>>)
        tpu.yield
      }) : () -> ()
    } else {
    }
    return
  }
}

#map = affine_map<(d0, d1) -> (0, 0)>
#map1 = affine_map<(d0, d1) -> (0, 0, 0)>
module attributes {stable_mosaic.version = 14 : i64} {
  func.func @_agg_body(%arg0: i32, %arg1: i32, %arg2: memref<10240x128xf32, #tpu.memory_space<hbm>>, %arg3: memref<32x80x128xi32, #tpu.memory_space<hbm>>, %arg4: memref<32x80x128xi32, #tpu.memory_space<hbm>>, %arg5: memref<2x10240x128xf32, #tpu.memory_space<hbm>>, %arg6: memref<40x128xi32, #tpu.memory_space<vmem>>, %arg7: memref<40x128xi32, #tpu.memory_space<vmem>>, %arg8: memref<128x128xf32, #tpu.memory_space<vmem>>, %arg9: memref<128x128xf32, #tpu.memory_space<vmem>>, %arg10: memref<!tpu.dma_semaphore, #tpu.memory_space<semaphore_mem>>, %arg11: memref<!tpu.dma_semaphore, #tpu.memory_space<semaphore_mem>>, %arg12: memref<10240x128xf32, #tpu.memory_space<vmem_shared>>) attributes {dimension_semantics = [#tpu.dimension_semantics<core_parallel>, #tpu.dimension_semantics<subcore_parallel>], iteration_bounds = array<i64: 2, 16>, scalar_prefetch = 0 : i64, scratch_operands = 7 : i64, tpu.core_type = #tpu.core_type<sc_vector_subcore>, window_params = [{transform_indices = #map}, {transform_indices = #map1}, {transform_indices = #map1}, {transform_indices = #map1}]} {
    %mul3A = arith.constant 16 : i32
    %mul3A_0 = arith.muli %arg0, %mul3A : i32
    %add3A = arith.addi %mul3A_0, %arg1 : i32
    %scan3A = arith.constant 0 : i32
    %scan3A_1 = arith.constant 0 : i32
    %scan3A_2 = arith.constant 1024 : i32
    %scan3A_3 = arith.addi %scan3A_1, %scan3A_2 : i32
    %scan3A_4 = arith.constant 1 : i32
    %scan3A_5 = scf.for %scan3A_58 = %scan3A_1 to %scan3A_3 step %scan3A_4 iter_args(%scan3A_59 = %scan3A) -> (i32)  : i32 {
      %broadcast_in_dim3A = arith.constant 0.000000e+00 : f32
      %broadcast_in_dim3A_60 = vector.broadcast %broadcast_in_dim3A : f32 to vector<16xf32>
      %jit3A = arith.constant 8 : i32
      %div3A = arith.divsi %scan3A_58, %jit3A : i32
      %sign3A = arith.constant 0 : i32
      %sign3A_61 = arith.cmpi sgt, %scan3A_58, %sign3A : i32
      %sign3A_62 = arith.extui %sign3A_61 : i1 to i32
      %sign3A_63 = arith.constant 0 : i32
      %sign3A_64 = arith.cmpi slt, %scan3A_58, %sign3A_63 : i32
      %sign3A_65 = arith.extui %sign3A_64 : i1 to i32
      %sign3A_66 = arith.subi %sign3A_62, %sign3A_65 : i32
      %sign3A_67 = arith.constant 0 : i32
      %sign3A_68 = arith.cmpi sgt, %jit3A, %sign3A_67 : i32
      %sign3A_69 = arith.extui %sign3A_68 : i1 to i32
      %sign3A_70 = arith.constant 0 : i32
      %sign3A_71 = arith.cmpi slt, %jit3A, %sign3A_70 : i32
      %sign3A_72 = arith.extui %sign3A_71 : i1 to i32
      %sign3A_73 = arith.subi %sign3A_69, %sign3A_72 : i32
      %ne3A_74 = arith.cmpi ne, %sign3A_66, %sign3A_73 : i32
      %rem3A = arith.remsi %scan3A_58, %jit3A : i32
      %ne3A_75 = arith.constant 0 : i32
      %ne3A_76 = arith.cmpi ne, %rem3A, %ne3A_75 : i32
      %and3A = arith.andi %ne3A_74, %ne3A_76 : i1
      %sub3A = arith.constant 1 : i32
      %sub3A_77 = arith.subi %div3A, %sub3A : i32
      %select_n3A = arith.select %and3A, %sub3A_77, %div3A : i32
      %jit3A_78 = arith.constant 8 : i32
      %eq3A_79 = arith.constant 0 : i32
      %eq3A_80 = arith.cmpi eq, %jit3A_78, %eq3A_79 : i32
      %jit3A_81 = arith.constant 1 : i32
      %select_n3A_82 = arith.select %eq3A_80, %jit3A_81, %jit3A_78 : i32
      %rem3A_83 = arith.remsi %scan3A_58, %select_n3A_82 : i32
      %ne3A_84 = arith.constant 0 : i32
      %ne3A_85 = arith.cmpi ne, %rem3A_83, %ne3A_84 : i32
      %lt3A = arith.constant 0 : i32
      %lt3A_86 = arith.cmpi slt, %rem3A_83, %lt3A : i32
      %lt3A_87 = arith.constant 0 : i32
      %lt3A_88 = arith.cmpi slt, %select_n3A_82, %lt3A_87 : i32
      %ne3A_89 = arith.xori %lt3A_86, %lt3A_88 : i1
      %and3A_90 = arith.andi %ne3A_89, %ne3A_85 : i1
      %add3A_91 = arith.addi %rem3A_83, %select_n3A_82 : i32
      %select_n3A_92 = arith.select %and3A_90, %add3A_91, %rem3A_83 : i32
      %mul3A_93 = arith.constant 16 : i32
      %mul3A_94 = arith.muli %select_n3A_92, %mul3A_93 : i32
      %swap3A = arith.index_cast %select_n3A : i32 to index
      %swap3A_95 = arith.index_cast %mul3A_94 : i32 to index
      %swap3A_96 = tpu.vector_load %arg8[%swap3A, %swap3A_95] {strides = array<i32>} : memref<128x128xf32, #tpu.memory_space<vmem>>, vector<1x16xf32>,
      %swap3A_97 = vector.shape_cast %swap3A_96 : vector<1x16xf32> to vector<16xf32>
      %swap3A_98 = vector.shape_cast %broadcast_in_dim3A_60 : vector<16xf32> to vector<1x16xf32>
      tpu.vector_store %arg8[%swap3A, %swap3A_95], %swap3A_98 {strides = array<i32>} : memref<128x128xf32, #tpu.memory_space<vmem>>, vector<1x16xf32>,
      %scan3A_99 = arith.constant 0 : i32
      scf.yield %scan3A_99 : i32
    }
    %scan3A_6 = arith.constant 1024 : i32
    %mul3A_7 = arith.constant 640 : i32
    %mul3A_8 = arith.muli %arg1, %mul3A_7 : i32
    %add3A_9 = arith.constant 0 : i32
    %add3A_10 = arith.addi %mul3A_8, %add3A_9 : i32
    "tpu.region"() ({
      %run_scoped3A = tpu.sem_alloc : memref<!tpu.dma_semaphore, #tpu.memory_space<semaphore_mem>>
      %dma_start3A = arith.constant 0 : i32
      %dma_start3A_58 = tpu.memref_slice %arg12[%add3A_10, %dma_start3A] : memref<10240x128xf32, #tpu.memory_space<vmem_shared>> -> memref<128x128xf32, #tpu.memory_space<vmem_shared>>
      %dma_start3A_59 = arith.constant 0 : i32
      %dma_start3A_60 = tpu.memref_slice %arg12[%add3A_10, %dma_start3A_59] : memref<10240x128xf32, #tpu.memory_space<vmem_shared>> -> memref<128x128xf32, #tpu.memory_space<vmem_shared>>
      tpu.enqueue_dma source(%arg8 : memref<128x128xf32, #tpu.memory_space<vmem>>) target(%dma_start3A_60 : memref<128x128xf32, #tpu.memory_space<vmem_shared>>) target_semaphore(%run_scoped3A : memref<!tpu.dma_semaphore, #tpu.memory_space<semaphore_mem>>)
      %dma_wait3A = arith.constant 0 : i32
      %dma_wait3A_61 = tpu.memref_slice %arg12[%add3A_10, %dma_wait3A] : memref<10240x128xf32, #tpu.memory_space<vmem_shared>> -> memref<128x128xf32, #tpu.memory_space<vmem_shared>>
      %dma_wait3A_62 = arith.constant 0 : i32
      %dma_wait3A_63 = tpu.memref_slice %arg12[%add3A_10, %dma_wait3A_62] : memref<10240x128xf32, #tpu.memory_space<vmem_shared>> -> memref<128x128xf32, #tpu.memory_space<vmem_shared>>
      tpu.wait_dma2 semaphore(%run_scoped3A : memref<!tpu.dma_semaphore, #tpu.memory_space<semaphore_mem>>) src(%arg8 : memref<128x128xf32, #tpu.memory_space<vmem>>) dst(%dma_wait3A_63 : memref<128x128xf32, #tpu.memory_space<vmem_shared>>)
      tpu.yield
    }) : () -> ()
    %mul3A_11 = arith.constant 640 : i32
    %mul3A_12 = arith.muli %arg1, %mul3A_11 : i32
    %add3A_13 = arith.constant 128 : i32
    %add3A_14 = arith.addi %mul3A_12, %add3A_13 : i32
    "tpu.region"() ({
      %run_scoped3A = tpu.sem_alloc : memref<!tpu.dma_semaphore, #tpu.memory_space<semaphore_mem>>
      %dma_start3A = arith.constant 0 : i32
      %dma_start3A_58 = tpu.memref_slice %arg12[%add3A_14, %dma_start3A] : memref<10240x128xf32, #tpu.memory_space<vmem_shared>> -> memref<128x128xf32, #tpu.memory_space<vmem_shared>>
      %dma_start3A_59 = arith.constant 0 : i32
      %dma_start3A_60 = tpu.memref_slice %arg12[%add3A_14, %dma_start3A_59] : memref<10240x128xf32, #tpu.memory_space<vmem_shared>> -> memref<128x128xf32, #tpu.memory_space<vmem_shared>>
      tpu.enqueue_dma source(%arg8 : memref<128x128xf32, #tpu.memory_space<vmem>>) target(%dma_start3A_60 : memref<128x128xf32, #tpu.memory_space<vmem_shared>>) target_semaphore(%run_scoped3A : memref<!tpu.dma_semaphore, #tpu.memory_space<semaphore_mem>>)
      %dma_wait3A = arith.constant 0 : i32
      %dma_wait3A_61 = tpu.memref_slice %arg12[%add3A_14, %dma_wait3A] : memref<10240x128xf32, #tpu.memory_space<vmem_shared>> -> memref<128x128xf32, #tpu.memory_space<vmem_shared>>
      %dma_wait3A_62 = arith.constant 0 : i32
      %dma_wait3A_63 = tpu.memref_slice %arg12[%add3A_14, %dma_wait3A_62] : memref<10240x128xf32, #tpu.memory_space<vmem_shared>> -> memref<128x128xf32, #tpu.memory_space<vmem_shared>>
      tpu.wait_dma2 semaphore(%run_scoped3A : memref<!tpu.dma_semaphore, #tpu.memory_space<semaphore_mem>>) src(%arg8 : memref<128x128xf32, #tpu.memory_space<vmem>>) dst(%dma_wait3A_63 : memref<128x128xf32, #tpu.memory_space<vmem_shared>>)
      tpu.yield
    }) : () -> ()
    %mul3A_15 = arith.constant 640 : i32
    %mul3A_16 = arith.muli %arg1, %mul3A_15 : i32
    %add3A_17 = arith.constant 256 : i32
    %add3A_18 = arith.addi %mul3A_16, %add3A_17 : i32
    "tpu.region"() ({
      %run_scoped3A = tpu.sem_alloc : memref<!tpu.dma_semaphore, #tpu.memory_space<semaphore_mem>>
      %dma_start3A = arith.constant 0 : i32
      %dma_start3A_58 = tpu.memref_slice %arg12[%add3A_18, %dma_start3A] : memref<10240x128xf32, #tpu.memory_space<vmem_shared>> -> memref<128x128xf32, #tpu.memory_space<vmem_shared>>
      %dma_start3A_59 = arith.constant 0 : i32
      %dma_start3A_60 = tpu.memref_slice %arg12[%add3A_18, %dma_start3A_59] : memref<10240x128xf32, #tpu.memory_space<vmem_shared>> -> memref<128x128xf32, #tpu.memory_space<vmem_shared>>
      tpu.enqueue_dma source(%arg8 : memref<128x128xf32, #tpu.memory_space<vmem>>) target(%dma_start3A_60 : memref<128x128xf32, #tpu.memory_space<vmem_shared>>) target_semaphore(%run_scoped3A : memref<!tpu.dma_semaphore, #tpu.memory_space<semaphore_mem>>)
      %dma_wait3A = arith.constant 0 : i32
      %dma_wait3A_61 = tpu.memref_slice %arg12[%add3A_18, %dma_wait3A] : memref<10240x128xf32, #tpu.memory_space<vmem_shared>> -> memref<128x128xf32, #tpu.memory_space<vmem_shared>>
      %dma_wait3A_62 = arith.constant 0 : i32
      %dma_wait3A_63 = tpu.memref_slice %arg12[%add3A_18, %dma_wait3A_62] : memref<10240x128xf32, #tpu.memory_space<vmem_shared>> -> memref<128x128xf32, #tpu.memory_space<vmem_shared>>
      tpu.wait_dma2 semaphore(%run_scoped3A : memref<!tpu.dma_semaphore, #tpu.memory_space<semaphore_mem>>) src(%arg8 : memref<128x128xf32, #tpu.memory_space<vmem>>) dst(%dma_wait3A_63 : memref<128x128xf32, #tpu.memory_space<vmem_shared>>)
      tpu.yield
    }) : () -> ()
    %mul3A_19 = arith.constant 640 : i32
    %mul3A_20 = arith.muli %arg1, %mul3A_19 : i32
    %add3A_21 = arith.constant 384 : i32
    %add3A_22 = arith.addi %mul3A_20, %add3A_21 : i32
    "tpu.region"() ({
      %run_scoped3A = tpu.sem_alloc : memref<!tpu.dma_semaphore, #tpu.memory_space<semaphore_mem>>
      %dma_start3A = arith.constant 0 : i32
      %dma_start3A_58 = tpu.memref_slice %arg12[%add3A_22, %dma_start3A] : memref<10240x128xf32, #tpu.memory_space<vmem_shared>> -> memref<128x128xf32, #tpu.memory_space<vmem_shared>>
      %dma_start3A_59 = arith.constant 0 : i32
      %dma_start3A_60 = tpu.memref_slice %arg12[%add3A_22, %dma_start3A_59] : memref<10240x128xf32, #tpu.memory_space<vmem_shared>> -> memref<128x128xf32, #tpu.memory_space<vmem_shared>>
      tpu.enqueue_dma source(%arg8 : memref<128x128xf32, #tpu.memory_space<vmem>>) target(%dma_start3A_60 : memref<128x128xf32, #tpu.memory_space<vmem_shared>>) target_semaphore(%run_scoped3A : memref<!tpu.dma_semaphore, #tpu.memory_space<semaphore_mem>>)
      %dma_wait3A = arith.constant 0 : i32
      %dma_wait3A_61 = tpu.memref_slice %arg12[%add3A_22, %dma_wait3A] : memref<10240x128xf32, #tpu.memory_space<vmem_shared>> -> memref<128x128xf32, #tpu.memory_space<vmem_shared>>
      %dma_wait3A_62 = arith.constant 0 : i32
      %dma_wait3A_63 = tpu.memref_slice %arg12[%add3A_22, %dma_wait3A_62] : memref<10240x128xf32, #tpu.memory_space<vmem_shared>> -> memref<128x128xf32, #tpu.memory_space<vmem_shared>>
      tpu.wait_dma2 semaphore(%run_scoped3A : memref<!tpu.dma_semaphore, #tpu.memory_space<semaphore_mem>>) src(%arg8 : memref<128x128xf32, #tpu.memory_space<vmem>>) dst(%dma_wait3A_63 : memref<128x128xf32, #tpu.memory_space<vmem_shared>>)
      tpu.yield
    }) : () -> ()
    %mul3A_23 = arith.constant 640 : i32
    %mul3A_24 = arith.muli %arg1, %mul3A_23 : i32
    %add3A_25 = arith.constant 512 : i32
    %add3A_26 = arith.addi %mul3A_24, %add3A_25 : i32
    "tpu.region"() ({
      %run_scoped3A = tpu.sem_alloc : memref<!tpu.dma_semaphore, #tpu.memory_space<semaphore_mem>>
      %dma_start3A = arith.constant 0 : i32
      %dma_start3A_58 = tpu.memref_slice %arg12[%add3A_26, %dma_start3A] : memref<10240x128xf32, #tpu.memory_space<vmem_shared>> -> memref<128x128xf32, #tpu.memory_space<vmem_shared>>
      %dma_start3A_59 = arith.constant 0 : i32
      %dma_start3A_60 = tpu.memref_slice %arg12[%add3A_26, %dma_start3A_59] : memref<10240x128xf32, #tpu.memory_space<vmem_shared>> -> memref<128x128xf32, #tpu.memory_space<vmem_shared>>
      tpu.enqueue_dma source(%arg8 : memref<128x128xf32, #tpu.memory_space<vmem>>) target(%dma_start3A_60 : memref<128x128xf32, #tpu.memory_space<vmem_shared>>) target_semaphore(%run_scoped3A : memref<!tpu.dma_semaphore, #tpu.memory_space<semaphore_mem>>)
      %dma_wait3A = arith.constant 0 : i32
      %dma_wait3A_61 = tpu.memref_slice %arg12[%add3A_26, %dma_wait3A] : memref<10240x128xf32, #tpu.memory_space<vmem_shared>> -> memref<128x128xf32, #tpu.memory_space<vmem_shared>>
      %dma_wait3A_62 = arith.constant 0 : i32
      %dma_wait3A_63 = tpu.memref_slice %arg12[%add3A_26, %dma_wait3A_62] : memref<10240x128xf32, #tpu.memory_space<vmem_shared>> -> memref<128x128xf32, #tpu.memory_space<vmem_shared>>
      tpu.wait_dma2 semaphore(%run_scoped3A : memref<!tpu.dma_semaphore, #tpu.memory_space<semaphore_mem>>) src(%arg8 : memref<128x128xf32, #tpu.memory_space<vmem>>) dst(%dma_wait3A_63 : memref<128x128xf32, #tpu.memory_space<vmem_shared>>)
      tpu.yield
    }) : () -> ()
    %barrier3A = arith.constant 0 : index
    tpu.barrier barrier_id(%barrier3A)
    %add3A_27 = arith.constant 16 : i32
    %add3A_28 = arith.addi %add3A_27, %arg1 : i32
    %add3A_29 = arith.constant 0 : i32
    %add3A_30 = arith.addi %add3A_29, %arg1 : i32
    %eq3A = arith.constant 1 : i32
    %eq3A_31 = arith.cmpi eq, %arg0, %eq3A : i32
    %convert_element_type3A = arith.extui %eq3A_31 : i1 to i32
    %cond3A = arith.constant 0 : i32
    %cond3A_32 = arith.cmpi ne, %convert_element_type3A, %cond3A : i32
    scf.if %cond3A_32 {
      "tpu.region"() ({
        %run_scoped3A = tpu.sem_alloc : memref<!tpu.dma_semaphore, #tpu.memory_space<semaphore_mem>>
        %dma_start3A_71 = arith.constant 0 : i32
        %dma_start3A_72 = arith.constant 0 : i32
        %dma_start3A_73 = tpu.memref_slice %arg3[%add3A_28, %dma_start3A_71, %dma_start3A_72] : memref<32x80x128xi32, #tpu.memory_space<hbm>> -> memref<1x40x128xi32, #tpu.memory_space<hbm>>
        %dma_start3A_74 = tpu.memref_squeeze %dma_start3A_73 : memref<1x40x128xi32, #tpu.memory_space<hbm>> -> memref<40x128xi32, #tpu.memory_space<hbm>>
        %dma_start3A_75 = arith.constant 0 : i32
        %dma_start3A_76 = arith.constant 0 : i32
        %dma_start3A_77 = tpu.memref_slice %arg3[%add3A_28, %dma_start3A_75, %dma_start3A_76] : memref<32x80x128xi32, #tpu.memory_space<hbm>> -> memref<1x40x128xi32, #tpu.memory_space<hbm>>
        %dma_start3A_78 = tpu.memref_squeeze %dma_start3A_77 : memref<1x40x128xi32, #tpu.memory_space<hbm>> -> memref<40x128xi32, #tpu.memory_space<hbm>>
        tpu.enqueue_dma source(%dma_start3A_78 : memref<40x128xi32, #tpu.memory_space<hbm>>) target(%arg6 : memref<40x128xi32, #tpu.memory_space<vmem>>) target_semaphore(%run_scoped3A : memref<!tpu.dma_semaphore, #tpu.memory_space<semaphore_mem>>)
        %dma_wait3A = arith.constant 0 : i32
        %dma_wait3A_79 = arith.constant 0 : i32
        %dma_wait3A_80 = tpu.memref_slice %arg3[%add3A_28, %dma_wait3A, %dma_wait3A_79] : memref<32x80x128xi32, #tpu.memory_space<hbm>> -> memref<1x40x128xi32, #tpu.memory_space<hbm>>
        %dma_wait3A_81 = tpu.memref_squeeze %dma_wait3A_80 : memref<1x40x128xi32, #tpu.memory_space<hbm>> -> memref<40x128xi32, #tpu.memory_space<hbm>>
        %dma_wait3A_82 = arith.constant 0 : i32
        %dma_wait3A_83 = arith.constant 0 : i32
        %dma_wait3A_84 = tpu.memref_slice %arg3[%add3A_28, %dma_wait3A_82, %dma_wait3A_83] : memref<32x80x128xi32, #tpu.memory_space<hbm>> -> memref<1x40x128xi32, #tpu.memory_space<hbm>>
        %dma_wait3A_85 = tpu.memref_squeeze %dma_wait3A_84 : memref<1x40x128xi32, #tpu.memory_space<hbm>> -> memref<40x128xi32, #tpu.memory_space<hbm>>
        tpu.wait_dma2 semaphore(%run_scoped3A : memref<!tpu.dma_semaphore, #tpu.memory_space<semaphore_mem>>) src(%dma_wait3A_85 : memref<40x128xi32, #tpu.memory_space<hbm>>) dst(%arg6 : memref<40x128xi32, #tpu.memory_space<vmem>>)
        tpu.yield
      }) : () -> ()
      "tpu.region"() ({
        %run_scoped3A = tpu.sem_alloc : memref<!tpu.dma_semaphore, #tpu.memory_space<semaphore_mem>>
        %dma_start3A_71 = arith.constant 0 : i32
        %dma_start3A_72 = arith.constant 0 : i32
        %dma_start3A_73 = tpu.memref_slice %arg4[%add3A_28, %dma_start3A_71, %dma_start3A_72] : memref<32x80x128xi32, #tpu.memory_space<hbm>> -> memref<1x40x128xi32, #tpu.memory_space<hbm>>
        %dma_start3A_74 = tpu.memref_squeeze %dma_start3A_73 : memref<1x40x128xi32, #tpu.memory_space<hbm>> -> memref<40x128xi32, #tpu.memory_space<hbm>>
        %dma_start3A_75 = arith.constant 0 : i32
        %dma_start3A_76 = arith.constant 0 : i32
        %dma_start3A_77 = tpu.memref_slice %arg4[%add3A_28, %dma_start3A_75, %dma_start3A_76] : memref<32x80x128xi32, #tpu.memory_space<hbm>> -> memref<1x40x128xi32, #tpu.memory_space<hbm>>
        %dma_start3A_78 = tpu.memref_squeeze %dma_start3A_77 : memref<1x40x128xi32, #tpu.memory_space<hbm>> -> memref<40x128xi32, #tpu.memory_space<hbm>>
        tpu.enqueue_dma source(%dma_start3A_78 : memref<40x128xi32, #tpu.memory_space<hbm>>) target(%arg7 : memref<40x128xi32, #tpu.memory_space<vmem>>) target_semaphore(%run_scoped3A : memref<!tpu.dma_semaphore, #tpu.memory_space<semaphore_mem>>)
        %dma_wait3A = arith.constant 0 : i32
        %dma_wait3A_79 = arith.constant 0 : i32
        %dma_wait3A_80 = tpu.memref_slice %arg4[%add3A_28, %dma_wait3A, %dma_wait3A_79] : memref<32x80x128xi32, #tpu.memory_space<hbm>> -> memref<1x40x128xi32, #tpu.memory_space<hbm>>
        %dma_wait3A_81 = tpu.memref_squeeze %dma_wait3A_80 : memref<1x40x128xi32, #tpu.memory_space<hbm>> -> memref<40x128xi32, #tpu.memory_space<hbm>>
        %dma_wait3A_82 = arith.constant 0 : i32
        %dma_wait3A_83 = arith.constant 0 : i32
        %dma_wait3A_84 = tpu.memref_slice %arg4[%add3A_28, %dma_wait3A_82, %dma_wait3A_83] : memref<32x80x128xi32, #tpu.memory_space<hbm>> -> memref<1x40x128xi32, #tpu.memory_space<hbm>>
        %dma_wait3A_85 = tpu.memref_squeeze %dma_wait3A_84 : memref<1x40x128xi32, #tpu.memory_space<hbm>> -> memref<40x128xi32, #tpu.memory_space<hbm>>
        tpu.wait_dma2 semaphore(%run_scoped3A : memref<!tpu.dma_semaphore, #tpu.memory_space<semaphore_mem>>) src(%dma_wait3A_85 : memref<40x128xi32, #tpu.memory_space<hbm>>) dst(%arg7 : memref<40x128xi32, #tpu.memory_space<vmem>>)
        tpu.yield
      }) : () -> ()
      %dma_start3A = arith.constant 0 : i32
      %dma_start3A_58 = arith.constant 0 : i32
      %dma_start3A_59 = tpu.memref_slice %arg6[%dma_start3A, %dma_start3A_58] : memref<40x128xi32, #tpu.memory_space<vmem>> -> memref<1x128xi32, #tpu.memory_space<vmem>>
      %dma_start3A_60 = tpu.memref_squeeze %dma_start3A_59 : memref<1x128xi32, #tpu.memory_space<vmem>> -> memref<128xi32, #tpu.memory_space<vmem>>
      %dma_start3A_61 = arith.constant 0 : i32
      %dma_start3A_62 = arith.constant 0 : i32
      %dma_start3A_63 = tpu.memref_slice %arg2[%dma_start3A_61, %dma_start3A_62] : memref<10240x128xf32, #tpu.memory_space<hbm>> -> memref<10240x128xf32, #tpu.memory_space<hbm>>
      tpu.enqueue_indirect_dma source(%dma_start3A_63 : memref<10240x128xf32, #tpu.memory_space<hbm>>) target(%arg8 : memref<128x128xf32, #tpu.memory_space<vmem>>) offsets(%dma_start3A_60 : memref<128xi32, #tpu.memory_space<vmem>>) semaphore(%arg10 : memref<!tpu.dma_semaphore, #tpu.memory_space<semaphore_mem>>)
      %scan3A_64 = arith.constant 0 : i32
      %scan3A_65 = arith.constant 0 : i32
      %scan3A_66 = arith.constant 20 : i32
      %scan3A_67 = arith.addi %scan3A_65, %scan3A_66 : i32
      %scan3A_68 = arith.constant 1 : i32
      %scan3A_69 = scf.for %scan3A_71 = %scan3A_65 to %scan3A_67 step %scan3A_68 iter_args(%scan3A_72 = %scan3A_64) -> (i32)  : i32 {
        %mul3A_73 = arith.constant 2 : i32
        %mul3A_74 = arith.muli %mul3A_73, %scan3A_71 : i32
        %add3A_75 = arith.constant 1 : i32
        %add3A_76 = arith.addi %mul3A_74, %add3A_75 : i32
        %dma_start3A_77 = arith.constant 0 : i32
        %dma_start3A_78 = tpu.memref_slice %arg6[%add3A_76, %dma_start3A_77] : memref<40x128xi32, #tpu.memory_space<vmem>> -> memref<1x128xi32, #tpu.memory_space<vmem>>
        %dma_start3A_79 = tpu.memref_squeeze %dma_start3A_78 : memref<1x128xi32, #tpu.memory_space<vmem>> -> memref<128xi32, #tpu.memory_space<vmem>>
        %dma_start3A_80 = arith.constant 0 : i32
        %dma_start3A_81 = arith.constant 0 : i32
        %dma_start3A_82 = tpu.memref_slice %arg2[%dma_start3A_80, %dma_start3A_81] : memref<10240x128xf32, #tpu.memory_space<hbm>> -> memref<10240x128xf32, #tpu.memory_space<hbm>>
        tpu.enqueue_indirect_dma source(%dma_start3A_82 : memref<10240x128xf32, #tpu.memory_space<hbm>>) target(%arg9 : memref<128x128xf32, #tpu.memory_space<vmem>>) offsets(%dma_start3A_79 : memref<128xi32, #tpu.memory_space<vmem>>) semaphore(%arg11 : memref<!tpu.dma_semaphore, #tpu.memory_space<semaphore_mem>>)
        %dma_wait3A = arith.constant 0 : i32
        %dma_wait3A_83 = tpu.memref_slice %arg6[%mul3A_74, %dma_wait3A] : memref<40x128xi32, #tpu.memory_space<vmem>> -> memref<1x128xi32, #tpu.memory_space<vmem>>
        %dma_wait3A_84 = tpu.memref_squeeze %dma_wait3A_83 : memref<1x128xi32, #tpu.memory_space<vmem>> -> memref<128xi32, #tpu.memory_space<vmem>>
        %dma_wait3A_85 = arith.constant 0 : i32
        %dma_wait3A_86 = arith.constant 0 : i32
        %dma_wait3A_87 = tpu.memref_slice %arg2[%dma_wait3A_85, %dma_wait3A_86] : memref<10240x128xf32, #tpu.memory_space<hbm>> -> memref<10240x128xf32, #tpu.memory_space<hbm>>
        tpu.wait_indirect_dma semaphore(%arg10 : memref<!tpu.dma_semaphore, #tpu.memory_space<semaphore_mem>>) src(%dma_wait3A_87 : memref<10240x128xf32, #tpu.memory_space<hbm>>) dst(%arg8 : memref<128x128xf32, #tpu.memory_space<vmem>>)
        "tpu.region"() ({
          %run_scoped3A = tpu.sem_alloc : memref<!tpu.dma_semaphore, #tpu.memory_space<semaphore_mem>>
          %dma_start3A_105 = arith.constant 0 : i32
          %dma_start3A_106 = tpu.memref_slice %arg7[%mul3A_74, %dma_start3A_105] : memref<40x128xi32, #tpu.memory_space<vmem>> -> memref<1x128xi32, #tpu.memory_space<vmem>>
          %dma_start3A_107 = tpu.memref_squeeze %dma_start3A_106 : memref<1x128xi32, #tpu.memory_space<vmem>> -> memref<128xi32, #tpu.memory_space<vmem>>
          %dma_start3A_108 = arith.constant 0 : i32
          %dma_start3A_109 = arith.constant 0 : i32
          %dma_start3A_110 = tpu.memref_slice %arg12[%dma_start3A_108, %dma_start3A_109] : memref<10240x128xf32, #tpu.memory_space<vmem_shared>> -> memref<10240x128xf32, #tpu.memory_space<vmem_shared>>
          tpu.enqueue_indirect_dma source(%arg8 : memref<128x128xf32, #tpu.memory_space<vmem>>) target(%dma_start3A_110 : memref<10240x128xf32, #tpu.memory_space<vmem_shared>>) offsets(%dma_start3A_107 : memref<128xi32, #tpu.memory_space<vmem>>) semaphore(%run_scoped3A : memref<!tpu.dma_semaphore, #tpu.memory_space<semaphore_mem>>) {add = true}
          %dma_wait3A_111 = arith.constant 0 : i32
          %dma_wait3A_112 = tpu.memref_slice %arg7[%mul3A_74, %dma_wait3A_111] : memref<40x128xi32, #tpu.memory_space<vmem>> -> memref<1x128xi32, #tpu.memory_space<vmem>>
          %dma_wait3A_113 = tpu.memref_squeeze %dma_wait3A_112 : memref<1x128xi32, #tpu.memory_space<vmem>> -> memref<128xi32, #tpu.memory_space<vmem>>
          %dma_wait3A_114 = arith.constant 0 : i32
          %dma_wait3A_115 = arith.constant 0 : i32
          %dma_wait3A_116 = tpu.memref_slice %arg12[%dma_wait3A_114, %dma_wait3A_115] : memref<10240x128xf32, #tpu.memory_space<vmem_shared>> -> memref<10240x128xf32, #tpu.memory_space<vmem_shared>>
          tpu.wait_indirect_dma semaphore(%run_scoped3A : memref<!tpu.dma_semaphore, #tpu.memory_space<semaphore_mem>>) src(%arg8 : memref<128x128xf32, #tpu.memory_space<vmem>>) dst(%dma_wait3A_116 : memref<10240x128xf32, #tpu.memory_space<vmem_shared>>)
          tpu.yield
        }) : () -> ()
        %add3A_88 = arith.constant 1 : i32
        %add3A_89 = arith.addi %scan3A_71, %add3A_88 : i32
        %lt3A = arith.constant 20 : i32
        %lt3A_90 = arith.cmpi slt, %add3A_89, %lt3A : i32
        %convert_element_type3A_91 = arith.extui %lt3A_90 : i1 to i32
        %cond3A_92 = arith.constant 0 : i32
        %cond3A_93 = arith.cmpi ne, %convert_element_type3A_91, %cond3A_92 : i32
        scf.if %cond3A_93 {
          %add3A_105 = arith.constant 2 : i32
          %add3A_106 = arith.addi %mul3A_74, %add3A_105 : i32
          %dma_start3A_107 = arith.constant 0 : i32
          %dma_start3A_108 = tpu.memref_slice %arg6[%add3A_106, %dma_start3A_107] : memref<40x128xi32, #tpu.memory_space<vmem>> -> memref<1x128xi32, #tpu.memory_space<vmem>>
          %dma_start3A_109 = tpu.memref_squeeze %dma_start3A_108 : memref<1x128xi32, #tpu.memory_space<vmem>> -> memref<128xi32, #tpu.memory_space<vmem>>
          %dma_start3A_110 = arith.constant 0 : i32
          %dma_start3A_111 = arith.constant 0 : i32
          %dma_start3A_112 = tpu.memref_slice %arg2[%dma_start3A_110, %dma_start3A_111] : memref<10240x128xf32, #tpu.memory_space<hbm>> -> memref<10240x128xf32, #tpu.memory_space<hbm>>
          tpu.enqueue_indirect_dma source(%dma_start3A_112 : memref<10240x128xf32, #tpu.memory_space<hbm>>) target(%arg8 : memref<128x128xf32, #tpu.memory_space<vmem>>) offsets(%dma_start3A_109 : memref<128xi32, #tpu.memory_space<vmem>>) semaphore(%arg10 : memref<!tpu.dma_semaphore, #tpu.memory_space<semaphore_mem>>)
        } else {
        }
        %add3A_94 = arith.constant 1 : i32
        %add3A_95 = arith.addi %mul3A_74, %add3A_94 : i32
        %dma_wait3A_96 = arith.constant 0 : i32
        %dma_wait3A_97 = tpu.memref_slice %arg6[%add3A_95, %dma_wait3A_96] : memref<40x128xi32, #tpu.memory_space<vmem>> -> memref<1x128xi32, #tpu.memory_space<vmem>>
        %dma_wait3A_98 = tpu.memref_squeeze %dma_wait3A_97 : memref<1x128xi32, #tpu.memory_space<vmem>> -> memref<128xi32, #tpu.memory_space<vmem>>
        %dma_wait3A_99 = arith.constant 0 : i32
        %dma_wait3A_100 = arith.constant 0 : i32
        %dma_wait3A_101 = tpu.memref_slice %arg2[%dma_wait3A_99, %dma_wait3A_100] : memref<10240x128xf32, #tpu.memory_space<hbm>> -> memref<10240x128xf32, #tpu.memory_space<hbm>>
        tpu.wait_indirect_dma semaphore(%arg11 : memref<!tpu.dma_semaphore, #tpu.memory_space<semaphore_mem>>) src(%dma_wait3A_101 : memref<10240x128xf32, #tpu.memory_space<hbm>>) dst(%arg9 : memref<128x128xf32, #tpu.memory_space<vmem>>)
        %add3A_102 = arith.constant 1 : i32
        %add3A_103 = arith.addi %mul3A_74, %add3A_102 : i32
        "tpu.region"() ({
          %run_scoped3A = tpu.sem_alloc : memref<!tpu.dma_semaphore, #tpu.memory_space<semaphore_mem>>
          %dma_start3A_105 = arith.constant 0 : i32
          %dma_start3A_106 = tpu.memref_slice %arg7[%add3A_103, %dma_start3A_105] : memref<40x128xi32, #tpu.memory_space<vmem>> -> memref<1x128xi32, #tpu.memory_space<vmem>>
          %dma_start3A_107 = tpu.memref_squeeze %dma_start3A_106 : memref<1x128xi32, #tpu.memory_space<vmem>> -> memref<128xi32, #tpu.memory_space<vmem>>
          %dma_start3A_108 = arith.constant 0 : i32
          %dma_start3A_109 = arith.constant 0 : i32
          %dma_start3A_110 = tpu.memref_slice %arg12[%dma_start3A_108, %dma_start3A_109] : memref<10240x128xf32, #tpu.memory_space<vmem_shared>> -> memref<10240x128xf32, #tpu.memory_space<vmem_shared>>
          tpu.enqueue_indirect_dma source(%arg9 : memref<128x128xf32, #tpu.memory_space<vmem>>) target(%dma_start3A_110 : memref<10240x128xf32, #tpu.memory_space<vmem_shared>>) offsets(%dma_start3A_107 : memref<128xi32, #tpu.memory_space<vmem>>) semaphore(%run_scoped3A : memref<!tpu.dma_semaphore, #tpu.memory_space<semaphore_mem>>) {add = true}
          %dma_wait3A_111 = arith.constant 0 : i32
          %dma_wait3A_112 = tpu.memref_slice %arg7[%add3A_103, %dma_wait3A_111] : memref<40x128xi32, #tpu.memory_space<vmem>> -> memref<1x128xi32, #tpu.memory_space<vmem>>
          %dma_wait3A_113 = tpu.memref_squeeze %dma_wait3A_112 : memref<1x128xi32, #tpu.memory_space<vmem>> -> memref<128xi32, #tpu.memory_space<vmem>>
          %dma_wait3A_114 = arith.constant 0 : i32
          %dma_wait3A_115 = arith.constant 0 : i32
          %dma_wait3A_116 = tpu.memref_slice %arg12[%dma_wait3A_114, %dma_wait3A_115] : memref<10240x128xf32, #tpu.memory_space<vmem_shared>> -> memref<10240x128xf32, #tpu.memory_space<vmem_shared>>
          tpu.wait_indirect_dma semaphore(%run_scoped3A : memref<!tpu.dma_semaphore, #tpu.memory_space<semaphore_mem>>) src(%arg9 : memref<128x128xf32, #tpu.memory_space<vmem>>) dst(%dma_wait3A_116 : memref<10240x128xf32, #tpu.memory_space<vmem_shared>>)
          tpu.yield
        }) : () -> ()
        %scan3A_104 = arith.constant 0 : i32
        scf.yield %scan3A_104 : i32
      }
      %scan3A_70 = arith.constant 20 : i32
    } else {
    }
    %ne3A = arith.constant 1 : i32
    %ne3A_33 = arith.cmpi ne, %arg0, %ne3A : i32
    %convert_element_type3A_34 = arith.extui %ne3A_33 : i1 to i32
    %cond3A_35 = arith.constant 0 : i32
    %cond3A_36 = arith.cmpi ne, %convert_element_type3A_34, %cond3A_35 : i32
    scf.if %cond3A_36 {
      "tpu.region"() ({
        %run_scoped3A = tpu.sem_alloc : memref<!tpu.dma_semaphore, #tpu.memory_space<semaphore_mem>>
        %dma_start3A_99 = arith.constant 0 : i32
        %dma_start3A_100 = arith.constant 0 : i32
        %dma_start3A_101 = tpu.memref_slice %arg3[%add3A_30, %dma_start3A_99, %dma_start3A_100] : memref<32x80x128xi32, #tpu.memory_space<hbm>> -> memref<1x40x128xi32, #tpu.memory_space<hbm>>
        %dma_start3A_102 = tpu.memref_squeeze %dma_start3A_101 : memref<1x40x128xi32, #tpu.memory_space<hbm>> -> memref<40x128xi32, #tpu.memory_space<hbm>>
        %dma_start3A_103 = arith.constant 0 : i32
        %dma_start3A_104 = arith.constant 0 : i32
        %dma_start3A_105 = tpu.memref_slice %arg3[%add3A_30, %dma_start3A_103, %dma_start3A_104] : memref<32x80x128xi32, #tpu.memory_space<hbm>> -> memref<1x40x128xi32, #tpu.memory_space<hbm>>
        %dma_start3A_106 = tpu.memref_squeeze %dma_start3A_105 : memref<1x40x128xi32, #tpu.memory_space<hbm>> -> memref<40x128xi32, #tpu.memory_space<hbm>>
        tpu.enqueue_dma source(%dma_start3A_106 : memref<40x128xi32, #tpu.memory_space<hbm>>) target(%arg6 : memref<40x128xi32, #tpu.memory_space<vmem>>) target_semaphore(%run_scoped3A : memref<!tpu.dma_semaphore, #tpu.memory_space<semaphore_mem>>)
        %dma_wait3A = arith.constant 0 : i32
        %dma_wait3A_107 = arith.constant 0 : i32
        %dma_wait3A_108 = tpu.memref_slice %arg3[%add3A_30, %dma_wait3A, %dma_wait3A_107] : memref<32x80x128xi32, #tpu.memory_space<hbm>> -> memref<1x40x128xi32, #tpu.memory_space<hbm>>
        %dma_wait3A_109 = tpu.memref_squeeze %dma_wait3A_108 : memref<1x40x128xi32, #tpu.memory_space<hbm>> -> memref<40x128xi32, #tpu.memory_space<hbm>>
        %dma_wait3A_110 = arith.constant 0 : i32
        %dma_wait3A_111 = arith.constant 0 : i32
        %dma_wait3A_112 = tpu.memref_slice %arg3[%add3A_30, %dma_wait3A_110, %dma_wait3A_111] : memref<32x80x128xi32, #tpu.memory_space<hbm>> -> memref<1x40x128xi32, #tpu.memory_space<hbm>>
        %dma_wait3A_113 = tpu.memref_squeeze %dma_wait3A_112 : memref<1x40x128xi32, #tpu.memory_space<hbm>> -> memref<40x128xi32, #tpu.memory_space<hbm>>
        tpu.wait_dma2 semaphore(%run_scoped3A : memref<!tpu.dma_semaphore, #tpu.memory_space<semaphore_mem>>) src(%dma_wait3A_113 : memref<40x128xi32, #tpu.memory_space<hbm>>) dst(%arg6 : memref<40x128xi32, #tpu.memory_space<vmem>>)
        tpu.yield
      }) : () -> ()
      "tpu.region"() ({
        %run_scoped3A = tpu.sem_alloc : memref<!tpu.dma_semaphore, #tpu.memory_space<semaphore_mem>>
        %dma_start3A_99 = arith.constant 0 : i32
        %dma_start3A_100 = arith.constant 0 : i32
        %dma_start3A_101 = tpu.memref_slice %arg4[%add3A_30, %dma_start3A_99, %dma_start3A_100] : memref<32x80x128xi32, #tpu.memory_space<hbm>> -> memref<1x40x128xi32, #tpu.memory_space<hbm>>
        %dma_start3A_102 = tpu.memref_squeeze %dma_start3A_101 : memref<1x40x128xi32, #tpu.memory_space<hbm>> -> memref<40x128xi32, #tpu.memory_space<hbm>>
        %dma_start3A_103 = arith.constant 0 : i32
        %dma_start3A_104 = arith.constant 0 : i32
        %dma_start3A_105 = tpu.memref_slice %arg4[%add3A_30, %dma_start3A_103, %dma_start3A_104] : memref<32x80x128xi32, #tpu.memory_space<hbm>> -> memref<1x40x128xi32, #tpu.memory_space<hbm>>
        %dma_start3A_106 = tpu.memref_squeeze %dma_start3A_105 : memref<1x40x128xi32, #tpu.memory_space<hbm>> -> memref<40x128xi32, #tpu.memory_space<hbm>>
        tpu.enqueue_dma source(%dma_start3A_106 : memref<40x128xi32, #tpu.memory_space<hbm>>) target(%arg7 : memref<40x128xi32, #tpu.memory_space<vmem>>) target_semaphore(%run_scoped3A : memref<!tpu.dma_semaphore, #tpu.memory_space<semaphore_mem>>)
        %dma_wait3A = arith.constant 0 : i32
        %dma_wait3A_107 = arith.constant 0 : i32
        %dma_wait3A_108 = tpu.memref_slice %arg4[%add3A_30, %dma_wait3A, %dma_wait3A_107] : memref<32x80x128xi32, #tpu.memory_space<hbm>> -> memref<1x40x128xi32, #tpu.memory_space<hbm>>
        %dma_wait3A_109 = tpu.memref_squeeze %dma_wait3A_108 : memref<1x40x128xi32, #tpu.memory_space<hbm>> -> memref<40x128xi32, #tpu.memory_space<hbm>>
        %dma_wait3A_110 = arith.constant 0 : i32
        %dma_wait3A_111 = arith.constant 0 : i32
        %dma_wait3A_112 = tpu.memref_slice %arg4[%add3A_30, %dma_wait3A_110, %dma_wait3A_111] : memref<32x80x128xi32, #tpu.memory_space<hbm>> -> memref<1x40x128xi32, #tpu.memory_space<hbm>>
        %dma_wait3A_113 = tpu.memref_squeeze %dma_wait3A_112 : memref<1x40x128xi32, #tpu.memory_space<hbm>> -> memref<40x128xi32, #tpu.memory_space<hbm>>
        tpu.wait_dma2 semaphore(%run_scoped3A : memref<!tpu.dma_semaphore, #tpu.memory_space<semaphore_mem>>) src(%dma_wait3A_113 : memref<40x128xi32, #tpu.memory_space<hbm>>) dst(%arg7 : memref<40x128xi32, #tpu.memory_space<vmem>>)
        tpu.yield
      }) : () -> ()
      %dma_start3A = arith.constant 0 : i32
      %dma_start3A_58 = arith.constant 0 : i32
      %dma_start3A_59 = tpu.memref_slice %arg6[%dma_start3A, %dma_start3A_58] : memref<40x128xi32, #tpu.memory_space<vmem>> -> memref<1x128xi32, #tpu.memory_space<vmem>>
      %dma_start3A_60 = tpu.memref_squeeze %dma_start3A_59 : memref<1x128xi32, #tpu.memory_space<vmem>> -> memref<128xi32, #tpu.memory_space<vmem>>
      %dma_start3A_61 = arith.constant 0 : i32
      %dma_start3A_62 = arith.constant 0 : i32
      %dma_start3A_63 = tpu.memref_slice %arg2[%dma_start3A_61, %dma_start3A_62] : memref<10240x128xf32, #tpu.memory_space<hbm>> -> memref<10240x128xf32, #tpu.memory_space<hbm>>
      tpu.enqueue_indirect_dma source(%dma_start3A_63 : memref<10240x128xf32, #tpu.memory_space<hbm>>) target(%arg8 : memref<128x128xf32, #tpu.memory_space<vmem>>) offsets(%dma_start3A_60 : memref<128xi32, #tpu.memory_space<vmem>>) semaphore(%arg10 : memref<!tpu.dma_semaphore, #tpu.memory_space<semaphore_mem>>)
      %scan3A_64 = arith.constant 0 : i32
      %scan3A_65 = arith.constant 0 : i32
      %scan3A_66 = arith.constant 20 : i32
      %scan3A_67 = arith.addi %scan3A_65, %scan3A_66 : i32
      %scan3A_68 = arith.constant 1 : i32
      %scan3A_69 = scf.for %scan3A_99 = %scan3A_65 to %scan3A_67 step %scan3A_68 iter_args(%scan3A_100 = %scan3A_64) -> (i32)  : i32 {
        %mul3A_101 = arith.constant 2 : i32
        %mul3A_102 = arith.muli %mul3A_101, %scan3A_99 : i32
        %add3A_103 = arith.constant 1 : i32
        %add3A_104 = arith.addi %mul3A_102, %add3A_103 : i32
        %dma_start3A_105 = arith.constant 0 : i32
        %dma_start3A_106 = tpu.memref_slice %arg6[%add3A_104, %dma_start3A_105] : memref<40x128xi32, #tpu.memory_space<vmem>> -> memref<1x128xi32, #tpu.memory_space<vmem>>
        %dma_start3A_107 = tpu.memref_squeeze %dma_start3A_106 : memref<1x128xi32, #tpu.memory_space<vmem>> -> memref<128xi32, #tpu.memory_space<vmem>>
        %dma_start3A_108 = arith.constant 0 : i32
        %dma_start3A_109 = arith.constant 0 : i32
        %dma_start3A_110 = tpu.memref_slice %arg2[%dma_start3A_108, %dma_start3A_109] : memref<10240x128xf32, #tpu.memory_space<hbm>> -> memref<10240x128xf32, #tpu.memory_space<hbm>>
        tpu.enqueue_indirect_dma source(%dma_start3A_110 : memref<10240x128xf32, #tpu.memory_space<hbm>>) target(%arg9 : memref<128x128xf32, #tpu.memory_space<vmem>>) offsets(%dma_start3A_107 : memref<128xi32, #tpu.memory_space<vmem>>) semaphore(%arg11 : memref<!tpu.dma_semaphore, #tpu.memory_space<semaphore_mem>>)
        %dma_wait3A = arith.constant 0 : i32
        %dma_wait3A_111 = tpu.memref_slice %arg6[%mul3A_102, %dma_wait3A] : memref<40x128xi32, #tpu.memory_space<vmem>> -> memref<1x128xi32, #tpu.memory_space<vmem>>
        %dma_wait3A_112 = tpu.memref_squeeze %dma_wait3A_111 : memref<1x128xi32, #tpu.memory_space<vmem>> -> memref<128xi32, #tpu.memory_space<vmem>>
        %dma_wait3A_113 = arith.constant 0 : i32
        %dma_wait3A_114 = arith.constant 0 : i32
        %dma_wait3A_115 = tpu.memref_slice %arg2[%dma_wait3A_113, %dma_wait3A_114] : memref<10240x128xf32, #tpu.memory_space<hbm>> -> memref<10240x128xf32, #tpu.memory_space<hbm>>
        tpu.wait_indirect_dma semaphore(%arg10 : memref<!tpu.dma_semaphore, #tpu.memory_space<semaphore_mem>>) src(%dma_wait3A_115 : memref<10240x128xf32, #tpu.memory_space<hbm>>) dst(%arg8 : memref<128x128xf32, #tpu.memory_space<vmem>>)
        "tpu.region"() ({
          %run_scoped3A = tpu.sem_alloc : memref<!tpu.dma_semaphore, #tpu.memory_space<semaphore_mem>>
          %dma_start3A_133 = arith.constant 0 : i32
          %dma_start3A_134 = tpu.memref_slice %arg7[%mul3A_102, %dma_start3A_133] : memref<40x128xi32, #tpu.memory_space<vmem>> -> memref<1x128xi32, #tpu.memory_space<vmem>>
          %dma_start3A_135 = tpu.memref_squeeze %dma_start3A_134 : memref<1x128xi32, #tpu.memory_space<vmem>> -> memref<128xi32, #tpu.memory_space<vmem>>
          %dma_start3A_136 = arith.constant 0 : i32
          %dma_start3A_137 = arith.constant 0 : i32
          %dma_start3A_138 = tpu.memref_slice %arg12[%dma_start3A_136, %dma_start3A_137] : memref<10240x128xf32, #tpu.memory_space<vmem_shared>> -> memref<10240x128xf32, #tpu.memory_space<vmem_shared>>
          tpu.enqueue_indirect_dma source(%arg8 : memref<128x128xf32, #tpu.memory_space<vmem>>) target(%dma_start3A_138 : memref<10240x128xf32, #tpu.memory_space<vmem_shared>>) offsets(%dma_start3A_135 : memref<128xi32, #tpu.memory_space<vmem>>) semaphore(%run_scoped3A : memref<!tpu.dma_semaphore, #tpu.memory_space<semaphore_mem>>) {add = true}
          %dma_wait3A_139 = arith.constant 0 : i32
          %dma_wait3A_140 = tpu.memref_slice %arg7[%mul3A_102, %dma_wait3A_139] : memref<40x128xi32, #tpu.memory_space<vmem>> -> memref<1x128xi32, #tpu.memory_space<vmem>>
          %dma_wait3A_141 = tpu.memref_squeeze %dma_wait3A_140 : memref<1x128xi32, #tpu.memory_space<vmem>> -> memref<128xi32, #tpu.memory_space<vmem>>
          %dma_wait3A_142 = arith.constant 0 : i32
          %dma_wait3A_143 = arith.constant 0 : i32
          %dma_wait3A_144 = tpu.memref_slice %arg12[%dma_wait3A_142, %dma_wait3A_143] : memref<10240x128xf32, #tpu.memory_space<vmem_shared>> -> memref<10240x128xf32, #tpu.memory_space<vmem_shared>>
          tpu.wait_indirect_dma semaphore(%run_scoped3A : memref<!tpu.dma_semaphore, #tpu.memory_space<semaphore_mem>>) src(%arg8 : memref<128x128xf32, #tpu.memory_space<vmem>>) dst(%dma_wait3A_144 : memref<10240x128xf32, #tpu.memory_space<vmem_shared>>)
          tpu.yield
        }) : () -> ()
        %add3A_116 = arith.constant 1 : i32
        %add3A_117 = arith.addi %scan3A_99, %add3A_116 : i32
        %lt3A = arith.constant 20 : i32
        %lt3A_118 = arith.cmpi slt, %add3A_117, %lt3A : i32
        %convert_element_type3A_119 = arith.extui %lt3A_118 : i1 to i32
        %cond3A_120 = arith.constant 0 : i32
        %cond3A_121 = arith.cmpi ne, %convert_element_type3A_119, %cond3A_120 : i32
        scf.if %cond3A_121 {
          %add3A_133 = arith.constant 2 : i32
          %add3A_134 = arith.addi %mul3A_102, %add3A_133 : i32
          %dma_start3A_135 = arith.constant 0 : i32
          %dma_start3A_136 = tpu.memref_slice %arg6[%add3A_134, %dma_start3A_135] : memref<40x128xi32, #tpu.memory_space<vmem>> -> memref<1x128xi32, #tpu.memory_space<vmem>>
          %dma_start3A_137 = tpu.memref_squeeze %dma_start3A_136 : memref<1x128xi32, #tpu.memory_space<vmem>> -> memref<128xi32, #tpu.memory_space<vmem>>
          %dma_start3A_138 = arith.constant 0 : i32
          %dma_start3A_139 = arith.constant 0 : i32
          %dma_start3A_140 = tpu.memref_slice %arg2[%dma_start3A_138, %dma_start3A_139] : memref<10240x128xf32, #tpu.memory_space<hbm>> -> memref<10240x128xf32, #tpu.memory_space<hbm>>
          tpu.enqueue_indirect_dma source(%dma_start3A_140 : memref<10240x128xf32, #tpu.memory_space<hbm>>) target(%arg8 : memref<128x128xf32, #tpu.memory_space<vmem>>) offsets(%dma_start3A_137 : memref<128xi32, #tpu.memory_space<vmem>>) semaphore(%arg10 : memref<!tpu.dma_semaphore, #tpu.memory_space<semaphore_mem>>)
        } else {
        }
        %add3A_122 = arith.constant 1 : i32
        %add3A_123 = arith.addi %mul3A_102, %add3A_122 : i32
        %dma_wait3A_124 = arith.constant 0 : i32
        %dma_wait3A_125 = tpu.memref_slice %arg6[%add3A_123, %dma_wait3A_124] : memref<40x128xi32, #tpu.memory_space<vmem>> -> memref<1x128xi32, #tpu.memory_space<vmem>>
        %dma_wait3A_126 = tpu.memref_squeeze %dma_wait3A_125 : memref<1x128xi32, #tpu.memory_space<vmem>> -> memref<128xi32, #tpu.memory_space<vmem>>
        %dma_wait3A_127 = arith.constant 0 : i32
        %dma_wait3A_128 = arith.constant 0 : i32
        %dma_wait3A_129 = tpu.memref_slice %arg2[%dma_wait3A_127, %dma_wait3A_128] : memref<10240x128xf32, #tpu.memory_space<hbm>> -> memref<10240x128xf32, #tpu.memory_space<hbm>>
        tpu.wait_indirect_dma semaphore(%arg11 : memref<!tpu.dma_semaphore, #tpu.memory_space<semaphore_mem>>) src(%dma_wait3A_129 : memref<10240x128xf32, #tpu.memory_space<hbm>>) dst(%arg9 : memref<128x128xf32, #tpu.memory_space<vmem>>)
        %add3A_130 = arith.constant 1 : i32
        %add3A_131 = arith.addi %mul3A_102, %add3A_130 : i32
        "tpu.region"() ({
          %run_scoped3A = tpu.sem_alloc : memref<!tpu.dma_semaphore, #tpu.memory_space<semaphore_mem>>
          %dma_start3A_133 = arith.constant 0 : i32
          %dma_start3A_134 = tpu.memref_slice %arg7[%add3A_131, %dma_start3A_133] : memref<40x128xi32, #tpu.memory_space<vmem>> -> memref<1x128xi32, #tpu.memory_space<vmem>>
          %dma_start3A_135 = tpu.memref_squeeze %dma_start3A_134 : memref<1x128xi32, #tpu.memory_space<vmem>> -> memref<128xi32, #tpu.memory_space<vmem>>
          %dma_start3A_136 = arith.constant 0 : i32
          %dma_start3A_137 = arith.constant 0 : i32
          %dma_start3A_138 = tpu.memref_slice %arg12[%dma_start3A_136, %dma_start3A_137] : memref<10240x128xf32, #tpu.memory_space<vmem_shared>> -> memref<10240x128xf32, #tpu.memory_space<vmem_shared>>
          tpu.enqueue_indirect_dma source(%arg9 : memref<128x128xf32, #tpu.memory_space<vmem>>) target(%dma_start3A_138 : memref<10240x128xf32, #tpu.memory_space<vmem_shared>>) offsets(%dma_start3A_135 : memref<128xi32, #tpu.memory_space<vmem>>) semaphore(%run_scoped3A : memref<!tpu.dma_semaphore, #tpu.memory_space<semaphore_mem>>) {add = true}
          %dma_wait3A_139 = arith.constant 0 : i32
          %dma_wait3A_140 = tpu.memref_slice %arg7[%add3A_131, %dma_wait3A_139] : memref<40x128xi32, #tpu.memory_space<vmem>> -> memref<1x128xi32, #tpu.memory_space<vmem>>
          %dma_wait3A_141 = tpu.memref_squeeze %dma_wait3A_140 : memref<1x128xi32, #tpu.memory_space<vmem>> -> memref<128xi32, #tpu.memory_space<vmem>>
          %dma_wait3A_142 = arith.constant 0 : i32
          %dma_wait3A_143 = arith.constant 0 : i32
          %dma_wait3A_144 = tpu.memref_slice %arg12[%dma_wait3A_142, %dma_wait3A_143] : memref<10240x128xf32, #tpu.memory_space<vmem_shared>> -> memref<10240x128xf32, #tpu.memory_space<vmem_shared>>
          tpu.wait_indirect_dma semaphore(%run_scoped3A : memref<!tpu.dma_semaphore, #tpu.memory_space<semaphore_mem>>) src(%arg9 : memref<128x128xf32, #tpu.memory_space<vmem>>) dst(%dma_wait3A_144 : memref<10240x128xf32, #tpu.memory_space<vmem_shared>>)
          tpu.yield
        }) : () -> ()
        %scan3A_132 = arith.constant 0 : i32
        scf.yield %scan3A_132 : i32
      }
      %scan3A_70 = arith.constant 20 : i32
      "tpu.region"() ({
        %run_scoped3A = tpu.sem_alloc : memref<!tpu.dma_semaphore, #tpu.memory_space<semaphore_mem>>
        %dma_start3A_99 = arith.constant 40 : i32
        %dma_start3A_100 = arith.constant 0 : i32
        %dma_start3A_101 = tpu.memref_slice %arg3[%add3A_30, %dma_start3A_99, %dma_start3A_100] : memref<32x80x128xi32, #tpu.memory_space<hbm>> -> memref<1x40x128xi32, #tpu.memory_space<hbm>>
        %dma_start3A_102 = tpu.memref_squeeze %dma_start3A_101 : memref<1x40x128xi32, #tpu.memory_space<hbm>> -> memref<40x128xi32, #tpu.memory_space<hbm>>
        %dma_start3A_103 = arith.constant 40 : i32
        %dma_start3A_104 = arith.constant 0 : i32
        %dma_start3A_105 = tpu.memref_slice %arg3[%add3A_30, %dma_start3A_103, %dma_start3A_104] : memref<32x80x128xi32, #tpu.memory_space<hbm>> -> memref<1x40x128xi32, #tpu.memory_space<hbm>>
        %dma_start3A_106 = tpu.memref_squeeze %dma_start3A_105 : memref<1x40x128xi32, #tpu.memory_space<hbm>> -> memref<40x128xi32, #tpu.memory_space<hbm>>
        tpu.enqueue_dma source(%dma_start3A_106 : memref<40x128xi32, #tpu.memory_space<hbm>>) target(%arg6 : memref<40x128xi32, #tpu.memory_space<vmem>>) target_semaphore(%run_scoped3A : memref<!tpu.dma_semaphore, #tpu.memory_space<semaphore_mem>>)
        %dma_wait3A = arith.constant 40 : i32
        %dma_wait3A_107 = arith.constant 0 : i32
        %dma_wait3A_108 = tpu.memref_slice %arg3[%add3A_30, %dma_wait3A, %dma_wait3A_107] : memref<32x80x128xi32, #tpu.memory_space<hbm>> -> memref<1x40x128xi32, #tpu.memory_space<hbm>>
        %dma_wait3A_109 = tpu.memref_squeeze %dma_wait3A_108 : memref<1x40x128xi32, #tpu.memory_space<hbm>> -> memref<40x128xi32, #tpu.memory_space<hbm>>
        %dma_wait3A_110 = arith.constant 40 : i32
        %dma_wait3A_111 = arith.constant 0 : i32
        %dma_wait3A_112 = tpu.memref_slice %arg3[%add3A_30, %dma_wait3A_110, %dma_wait3A_111] : memref<32x80x128xi32, #tpu.memory_space<hbm>> -> memref<1x40x128xi32, #tpu.memory_space<hbm>>
        %dma_wait3A_113 = tpu.memref_squeeze %dma_wait3A_112 : memref<1x40x128xi32, #tpu.memory_space<hbm>> -> memref<40x128xi32, #tpu.memory_space<hbm>>
        tpu.wait_dma2 semaphore(%run_scoped3A : memref<!tpu.dma_semaphore, #tpu.memory_space<semaphore_mem>>) src(%dma_wait3A_113 : memref<40x128xi32, #tpu.memory_space<hbm>>) dst(%arg6 : memref<40x128xi32, #tpu.memory_space<vmem>>)
        tpu.yield
      }) : () -> ()
      "tpu.region"() ({
        %run_scoped3A = tpu.sem_alloc : memref<!tpu.dma_semaphore, #tpu.memory_space<semaphore_mem>>
        %dma_start3A_99 = arith.constant 40 : i32
        %dma_start3A_100 = arith.constant 0 : i32
        %dma_start3A_101 = tpu.memref_slice %arg4[%add3A_30, %dma_start3A_99, %dma_start3A_100] : memref<32x80x128xi32, #tpu.memory_space<hbm>> -> memref<1x40x128xi32, #tpu.memory_space<hbm>>
        %dma_start3A_102 = tpu.memref_squeeze %dma_start3A_101 : memref<1x40x128xi32, #tpu.memory_space<hbm>> -> memref<40x128xi32, #tpu.memory_space<hbm>>
        %dma_start3A_103 = arith.constant 40 : i32
        %dma_start3A_104 = arith.constant 0 : i32
        %dma_start3A_105 = tpu.memref_slice %arg4[%add3A_30, %dma_start3A_103, %dma_start3A_104] : memref<32x80x128xi32, #tpu.memory_space<hbm>> -> memref<1x40x128xi32, #tpu.memory_space<hbm>>
        %dma_start3A_106 = tpu.memref_squeeze %dma_start3A_105 : memref<1x40x128xi32, #tpu.memory_space<hbm>> -> memref<40x128xi32, #tpu.memory_space<hbm>>
        tpu.enqueue_dma source(%dma_start3A_106 : memref<40x128xi32, #tpu.memory_space<hbm>>) target(%arg7 : memref<40x128xi32, #tpu.memory_space<vmem>>) target_semaphore(%run_scoped3A : memref<!tpu.dma_semaphore, #tpu.memory_space<semaphore_mem>>)
        %dma_wait3A = arith.constant 40 : i32
        %dma_wait3A_107 = arith.constant 0 : i32
        %dma_wait3A_108 = tpu.memref_slice %arg4[%add3A_30, %dma_wait3A, %dma_wait3A_107] : memref<32x80x128xi32, #tpu.memory_space<hbm>> -> memref<1x40x128xi32, #tpu.memory_space<hbm>>
        %dma_wait3A_109 = tpu.memref_squeeze %dma_wait3A_108 : memref<1x40x128xi32, #tpu.memory_space<hbm>> -> memref<40x128xi32, #tpu.memory_space<hbm>>
        %dma_wait3A_110 = arith.constant 40 : i32
        %dma_wait3A_111 = arith.constant 0 : i32
        %dma_wait3A_112 = tpu.memref_slice %arg4[%add3A_30, %dma_wait3A_110, %dma_wait3A_111] : memref<32x80x128xi32, #tpu.memory_space<hbm>> -> memref<1x40x128xi32, #tpu.memory_space<hbm>>
        %dma_wait3A_113 = tpu.memref_squeeze %dma_wait3A_112 : memref<1x40x128xi32, #tpu.memory_space<hbm>> -> memref<40x128xi32, #tpu.memory_space<hbm>>
        tpu.wait_dma2 semaphore(%run_scoped3A : memref<!tpu.dma_semaphore, #tpu.memory_space<semaphore_mem>>) src(%dma_wait3A_113 : memref<40x128xi32, #tpu.memory_space<hbm>>) dst(%arg7 : memref<40x128xi32, #tpu.memory_space<vmem>>)
        tpu.yield
      }) : () -> ()
      %dma_start3A_71 = arith.constant 0 : i32
      %dma_start3A_72 = arith.constant 0 : i32
      %dma_start3A_73 = tpu.memref_slice %arg6[%dma_start3A_71, %dma_start3A_72] : memref<40x128xi32, #tpu.memory_space<vmem>> -> memref<1x128xi32, #tpu.memory_space<vmem>>
      %dma_start3A_74 = tpu.memref_squeeze %dma_start3A_73 : memref<1x128xi32, #tpu.memory_space<vmem>> -> memref<128xi32, #tpu.memory_space<vmem>>
      %dma_start3A_75 = arith.constant 0 : i32
      %dma_start3A_76 = arith.constant 0 : i32
      %dma_start3A_77 = tpu.memref_slice %arg2[%dma_start3A_75, %dma_start3A_76] : memref<10240x128xf32, #tpu.memory_space<hbm>> -> memref<10240x128xf32, #tpu.memory_space<hbm>>
      tpu.enqueue_indirect_dma source(%dma_start3A_77 : memref<10240x128xf32, #tpu.memory_space<hbm>>) target(%arg8 : memref<128x128xf32, #tpu.memory_space<vmem>>) offsets(%dma_start3A_74 : memref<128xi32, #tpu.memory_space<vmem>>) semaphore(%arg10 : memref<!tpu.dma_semaphore, #tpu.memory_space<semaphore_mem>>)
      %scan3A_78 = arith.constant 0 : i32
      %scan3A_79 = arith.constant 0 : i32
      %scan3A_80 = arith.constant 20 : i32
      %scan3A_81 = arith.addi %scan3A_79, %scan3A_80 : i32
      %scan3A_82 = arith.constant 1 : i32
      %scan3A_83 = scf.for %scan3A_99 = %scan3A_79 to %scan3A_81 step %scan3A_82 iter_args(%scan3A_100 = %scan3A_78) -> (i32)  : i32 {
        %mul3A_101 = arith.constant 2 : i32
        %mul3A_102 = arith.muli %mul3A_101, %scan3A_99 : i32
        %add3A_103 = arith.constant 1 : i32
        %add3A_104 = arith.addi %mul3A_102, %add3A_103 : i32
        %dma_start3A_105 = arith.constant 0 : i32
        %dma_start3A_106 = tpu.memref_slice %arg6[%add3A_104, %dma_start3A_105] : memref<40x128xi32, #tpu.memory_space<vmem>> -> memref<1x128xi32, #tpu.memory_space<vmem>>
        %dma_start3A_107 = tpu.memref_squeeze %dma_start3A_106 : memref<1x128xi32, #tpu.memory_space<vmem>> -> memref<128xi32, #tpu.memory_space<vmem>>
        %dma_start3A_108 = arith.constant 0 : i32
        %dma_start3A_109 = arith.constant 0 : i32
        %dma_start3A_110 = tpu.memref_slice %arg2[%dma_start3A_108, %dma_start3A_109] : memref<10240x128xf32, #tpu.memory_space<hbm>> -> memref<10240x128xf32, #tpu.memory_space<hbm>>
        tpu.enqueue_indirect_dma source(%dma_start3A_110 : memref<10240x128xf32, #tpu.memory_space<hbm>>) target(%arg9 : memref<128x128xf32, #tpu.memory_space<vmem>>) offsets(%dma_start3A_107 : memref<128xi32, #tpu.memory_space<vmem>>) semaphore(%arg11 : memref<!tpu.dma_semaphore, #tpu.memory_space<semaphore_mem>>)
        %dma_wait3A = arith.constant 0 : i32
        %dma_wait3A_111 = tpu.memref_slice %arg6[%mul3A_102, %dma_wait3A] : memref<40x128xi32, #tpu.memory_space<vmem>> -> memref<1x128xi32, #tpu.memory_space<vmem>>
        %dma_wait3A_112 = tpu.memref_squeeze %dma_wait3A_111 : memref<1x128xi32, #tpu.memory_space<vmem>> -> memref<128xi32, #tpu.memory_space<vmem>>
        %dma_wait3A_113 = arith.constant 0 : i32
        %dma_wait3A_114 = arith.constant 0 : i32
        %dma_wait3A_115 = tpu.memref_slice %arg2[%dma_wait3A_113, %dma_wait3A_114] : memref<10240x128xf32, #tpu.memory_space<hbm>> -> memref<10240x128xf32, #tpu.memory_space<hbm>>
        tpu.wait_indirect_dma semaphore(%arg10 : memref<!tpu.dma_semaphore, #tpu.memory_space<semaphore_mem>>) src(%dma_wait3A_115 : memref<10240x128xf32, #tpu.memory_space<hbm>>) dst(%arg8 : memref<128x128xf32, #tpu.memory_space<vmem>>)
        "tpu.region"() ({
          %run_scoped3A = tpu.sem_alloc : memref<!tpu.dma_semaphore, #tpu.memory_space<semaphore_mem>>
          %dma_start3A_133 = arith.constant 0 : i32
          %dma_start3A_134 = tpu.memref_slice %arg7[%mul3A_102, %dma_start3A_133] : memref<40x128xi32, #tpu.memory_space<vmem>> -> memref<1x128xi32, #tpu.memory_space<vmem>>
          %dma_start3A_135 = tpu.memref_squeeze %dma_start3A_134 : memref<1x128xi32, #tpu.memory_space<vmem>> -> memref<128xi32, #tpu.memory_space<vmem>>
          %dma_start3A_136 = arith.constant 0 : i32
          %dma_start3A_137 = arith.constant 0 : i32
          %dma_start3A_138 = tpu.memref_slice %arg12[%dma_start3A_136, %dma_start3A_137] : memref<10240x128xf32, #tpu.memory_space<vmem_shared>> -> memref<10240x128xf32, #tpu.memory_space<vmem_shared>>
          tpu.enqueue_indirect_dma source(%arg8 : memref<128x128xf32, #tpu.memory_space<vmem>>) target(%dma_start3A_138 : memref<10240x128xf32, #tpu.memory_space<vmem_shared>>) offsets(%dma_start3A_135 : memref<128xi32, #tpu.memory_space<vmem>>) semaphore(%run_scoped3A : memref<!tpu.dma_semaphore, #tpu.memory_space<semaphore_mem>>) {add = true}
          %dma_wait3A_139 = arith.constant 0 : i32
          %dma_wait3A_140 = tpu.memref_slice %arg7[%mul3A_102, %dma_wait3A_139] : memref<40x128xi32, #tpu.memory_space<vmem>> -> memref<1x128xi32, #tpu.memory_space<vmem>>
          %dma_wait3A_141 = tpu.memref_squeeze %dma_wait3A_140 : memref<1x128xi32, #tpu.memory_space<vmem>> -> memref<128xi32, #tpu.memory_space<vmem>>
          %dma_wait3A_142 = arith.constant 0 : i32
          %dma_wait3A_143 = arith.constant 0 : i32
          %dma_wait3A_144 = tpu.memref_slice %arg12[%dma_wait3A_142, %dma_wait3A_143] : memref<10240x128xf32, #tpu.memory_space<vmem_shared>> -> memref<10240x128xf32, #tpu.memory_space<vmem_shared>>
          tpu.wait_indirect_dma semaphore(%run_scoped3A : memref<!tpu.dma_semaphore, #tpu.memory_space<semaphore_mem>>) src(%arg8 : memref<128x128xf32, #tpu.memory_space<vmem>>) dst(%dma_wait3A_144 : memref<10240x128xf32, #tpu.memory_space<vmem_shared>>)
          tpu.yield
        }) : () -> ()
        %add3A_116 = arith.constant 1 : i32
        %add3A_117 = arith.addi %scan3A_99, %add3A_116 : i32
        %lt3A = arith.constant 20 : i32
        %lt3A_118 = arith.cmpi slt, %add3A_117, %lt3A : i32
        %convert_element_type3A_119 = arith.extui %lt3A_118 : i1 to i32
        %cond3A_120 = arith.constant 0 : i32
        %cond3A_121 = arith.cmpi ne, %convert_element_type3A_119, %cond3A_120 : i32
        scf.if %cond3A_121 {
          %add3A_133 = arith.constant 2 : i32
          %add3A_134 = arith.addi %mul3A_102, %add3A_133 : i32
          %dma_start3A_135 = arith.constant 0 : i32
          %dma_start3A_136 = tpu.memref_slice %arg6[%add3A_134, %dma_start3A_135] : memref<40x128xi32, #tpu.memory_space<vmem>> -> memref<1x128xi32, #tpu.memory_space<vmem>>
          %dma_start3A_137 = tpu.memref_squeeze %dma_start3A_136 : memref<1x128xi32, #tpu.memory_space<vmem>> -> memref<128xi32, #tpu.memory_space<vmem>>
          %dma_start3A_138 = arith.constant 0 : i32
          %dma_start3A_139 = arith.constant 0 : i32
          %dma_start3A_140 = tpu.memref_slice %arg2[%dma_start3A_138, %dma_start3A_139] : memref<10240x128xf32, #tpu.memory_space<hbm>> -> memref<10240x128xf32, #tpu.memory_space<hbm>>
          tpu.enqueue_indirect_dma source(%dma_start3A_140 : memref<10240x128xf32, #tpu.memory_space<hbm>>) target(%arg8 : memref<128x128xf32, #tpu.memory_space<vmem>>) offsets(%dma_start3A_137 : memref<128xi32, #tpu.memory_space<vmem>>) semaphore(%arg10 : memref<!tpu.dma_semaphore, #tpu.memory_space<semaphore_mem>>)
        } else {
        }
        %add3A_122 = arith.constant 1 : i32
        %add3A_123 = arith.addi %mul3A_102, %add3A_122 : i32
        %dma_wait3A_124 = arith.constant 0 : i32
        %dma_wait3A_125 = tpu.memref_slice %arg6[%add3A_123, %dma_wait3A_124] : memref<40x128xi32, #tpu.memory_space<vmem>> -> memref<1x128xi32, #tpu.memory_space<vmem>>
        %dma_wait3A_126 = tpu.memref_squeeze %dma_wait3A_125 : memref<1x128xi32, #tpu.memory_space<vmem>> -> memref<128xi32, #tpu.memory_space<vmem>>
        %dma_wait3A_127 = arith.constant 0 : i32
        %dma_wait3A_128 = arith.constant 0 : i32
        %dma_wait3A_129 = tpu.memref_slice %arg2[%dma_wait3A_127, %dma_wait3A_128] : memref<10240x128xf32, #tpu.memory_space<hbm>> -> memref<10240x128xf32, #tpu.memory_space<hbm>>
        tpu.wait_indirect_dma semaphore(%arg11 : memref<!tpu.dma_semaphore, #tpu.memory_space<semaphore_mem>>) src(%dma_wait3A_129 : memref<10240x128xf32, #tpu.memory_space<hbm>>) dst(%arg9 : memref<128x128xf32, #tpu.memory_space<vmem>>)
        %add3A_130 = arith.constant 1 : i32
        %add3A_131 = arith.addi %mul3A_102, %add3A_130 : i32
        "tpu.region"() ({
          %run_scoped3A = tpu.sem_alloc : memref<!tpu.dma_semaphore, #tpu.memory_space<semaphore_mem>>
          %dma_start3A_133 = arith.constant 0 : i32
          %dma_start3A_134 = tpu.memref_slice %arg7[%add3A_131, %dma_start3A_133] : memref<40x128xi32, #tpu.memory_space<vmem>> -> memref<1x128xi32, #tpu.memory_space<vmem>>
          %dma_start3A_135 = tpu.memref_squeeze %dma_start3A_134 : memref<1x128xi32, #tpu.memory_space<vmem>> -> memref<128xi32, #tpu.memory_space<vmem>>
          %dma_start3A_136 = arith.constant 0 : i32
          %dma_start3A_137 = arith.constant 0 : i32
          %dma_start3A_138 = tpu.memref_slice %arg12[%dma_start3A_136, %dma_start3A_137] : memref<10240x128xf32, #tpu.memory_space<vmem_shared>> -> memref<10240x128xf32, #tpu.memory_space<vmem_shared>>
          tpu.enqueue_indirect_dma source(%arg9 : memref<128x128xf32, #tpu.memory_space<vmem>>) target(%dma_start3A_138 : memref<10240x128xf32, #tpu.memory_space<vmem_shared>>) offsets(%dma_start3A_135 : memref<128xi32, #tpu.memory_space<vmem>>) semaphore(%run_scoped3A : memref<!tpu.dma_semaphore, #tpu.memory_space<semaphore_mem>>) {add = true}
          %dma_wait3A_139 = arith.constant 0 : i32
          %dma_wait3A_140 = tpu.memref_slice %arg7[%add3A_131, %dma_wait3A_139] : memref<40x128xi32, #tpu.memory_space<vmem>> -> memref<1x128xi32, #tpu.memory_space<vmem>>
          %dma_wait3A_141 = tpu.memref_squeeze %dma_wait3A_140 : memref<1x128xi32, #tpu.memory_space<vmem>> -> memref<128xi32, #tpu.memory_space<vmem>>
          %dma_wait3A_142 = arith.constant 0 : i32
          %dma_wait3A_143 = arith.constant 0 : i32
          %dma_wait3A_144 = tpu.memref_slice %arg12[%dma_wait3A_142, %dma_wait3A_143] : memref<10240x128xf32, #tpu.memory_space<vmem_shared>> -> memref<10240x128xf32, #tpu.memory_space<vmem_shared>>
          tpu.wait_indirect_dma semaphore(%run_scoped3A : memref<!tpu.dma_semaphore, #tpu.memory_space<semaphore_mem>>) src(%arg9 : memref<128x128xf32, #tpu.memory_space<vmem>>) dst(%dma_wait3A_144 : memref<10240x128xf32, #tpu.memory_space<vmem_shared>>)
          tpu.yield
        }) : () -> ()
        %scan3A_132 = arith.constant 0 : i32
        scf.yield %scan3A_132 : i32
      }
      %scan3A_84 = arith.constant 20 : i32
      "tpu.region"() ({
        %run_scoped3A = tpu.sem_alloc : memref<!tpu.dma_semaphore, #tpu.memory_space<semaphore_mem>>
        %dma_start3A_99 = arith.constant 40 : i32
        %dma_start3A_100 = arith.constant 0 : i32
        %dma_start3A_101 = tpu.memref_slice %arg3[%add3A_28, %dma_start3A_99, %dma_start3A_100] : memref<32x80x128xi32, #tpu.memory_space<hbm>> -> memref<1x40x128xi32, #tpu.memory_space<hbm>>
        %dma_start3A_102 = tpu.memref_squeeze %dma_start3A_101 : memref<1x40x128xi32, #tpu.memory_space<hbm>> -> memref<40x128xi32, #tpu.memory_space<hbm>>
        %dma_start3A_103 = arith.constant 40 : i32
        %dma_start3A_104 = arith.constant 0 : i32
        %dma_start3A_105 = tpu.memref_slice %arg3[%add3A_28, %dma_start3A_103, %dma_start3A_104] : memref<32x80x128xi32, #tpu.memory_space<hbm>> -> memref<1x40x128xi32, #tpu.memory_space<hbm>>
        %dma_start3A_106 = tpu.memref_squeeze %dma_start3A_105 : memref<1x40x128xi32, #tpu.memory_space<hbm>> -> memref<40x128xi32, #tpu.memory_space<hbm>>
        tpu.enqueue_dma source(%dma_start3A_106 : memref<40x128xi32, #tpu.memory_space<hbm>>) target(%arg6 : memref<40x128xi32, #tpu.memory_space<vmem>>) target_semaphore(%run_scoped3A : memref<!tpu.dma_semaphore, #tpu.memory_space<semaphore_mem>>)
        %dma_wait3A = arith.constant 40 : i32
        %dma_wait3A_107 = arith.constant 0 : i32
        %dma_wait3A_108 = tpu.memref_slice %arg3[%add3A_28, %dma_wait3A, %dma_wait3A_107] : memref<32x80x128xi32, #tpu.memory_space<hbm>> -> memref<1x40x128xi32, #tpu.memory_space<hbm>>
        %dma_wait3A_109 = tpu.memref_squeeze %dma_wait3A_108 : memref<1x40x128xi32, #tpu.memory_space<hbm>> -> memref<40x128xi32, #tpu.memory_space<hbm>>
        %dma_wait3A_110 = arith.constant 40 : i32
        %dma_wait3A_111 = arith.constant 0 : i32
        %dma_wait3A_112 = tpu.memref_slice %arg3[%add3A_28, %dma_wait3A_110, %dma_wait3A_111] : memref<32x80x128xi32, #tpu.memory_space<hbm>> -> memref<1x40x128xi32, #tpu.memory_space<hbm>>
        %dma_wait3A_113 = tpu.memref_squeeze %dma_wait3A_112 : memref<1x40x128xi32, #tpu.memory_space<hbm>> -> memref<40x128xi32, #tpu.memory_space<hbm>>
        tpu.wait_dma2 semaphore(%run_scoped3A : memref<!tpu.dma_semaphore, #tpu.memory_space<semaphore_mem>>) src(%dma_wait3A_113 : memref<40x128xi32, #tpu.memory_space<hbm>>) dst(%arg6 : memref<40x128xi32, #tpu.memory_space<vmem>>)
        tpu.yield
      }) : () -> ()
      "tpu.region"() ({
        %run_scoped3A = tpu.sem_alloc : memref<!tpu.dma_semaphore, #tpu.memory_space<semaphore_mem>>
        %dma_start3A_99 = arith.constant 40 : i32
        %dma_start3A_100 = arith.constant 0 : i32
        %dma_start3A_101 = tpu.memref_slice %arg4[%add3A_28, %dma_start3A_99, %dma_start3A_100] : memref<32x80x128xi32, #tpu.memory_space<hbm>> -> memref<1x40x128xi32, #tpu.memory_space<hbm>>
        %dma_start3A_102 = tpu.memref_squeeze %dma_start3A_101 : memref<1x40x128xi32, #tpu.memory_space<hbm>> -> memref<40x128xi32, #tpu.memory_space<hbm>>
        %dma_start3A_103 = arith.constant 40 : i32
        %dma_start3A_104 = arith.constant 0 : i32
        %dma_start3A_105 = tpu.memref_slice %arg4[%add3A_28, %dma_start3A_103, %dma_start3A_104] : memref<32x80x128xi32, #tpu.memory_space<hbm>> -> memref<1x40x128xi32, #tpu.memory_space<hbm>>
        %dma_start3A_106 = tpu.memref_squeeze %dma_start3A_105 : memref<1x40x128xi32, #tpu.memory_space<hbm>> -> memref<40x128xi32, #tpu.memory_space<hbm>>
        tpu.enqueue_dma source(%dma_start3A_106 : memref<40x128xi32, #tpu.memory_space<hbm>>) target(%arg7 : memref<40x128xi32, #tpu.memory_space<vmem>>) target_semaphore(%run_scoped3A : memref<!tpu.dma_semaphore, #tpu.memory_space<semaphore_mem>>)
        %dma_wait3A = arith.constant 40 : i32
        %dma_wait3A_107 = arith.constant 0 : i32
        %dma_wait3A_108 = tpu.memref_slice %arg4[%add3A_28, %dma_wait3A, %dma_wait3A_107] : memref<32x80x128xi32, #tpu.memory_space<hbm>> -> memref<1x40x128xi32, #tpu.memory_space<hbm>>
        %dma_wait3A_109 = tpu.memref_squeeze %dma_wait3A_108 : memref<1x40x128xi32, #tpu.memory_space<hbm>> -> memref<40x128xi32, #tpu.memory_space<hbm>>
        %dma_wait3A_110 = arith.constant 40 : i32
        %dma_wait3A_111 = arith.constant 0 : i32
        %dma_wait3A_112 = tpu.memref_slice %arg4[%add3A_28, %dma_wait3A_110, %dma_wait3A_111] : memref<32x80x128xi32, #tpu.memory_space<hbm>> -> memref<1x40x128xi32, #tpu.memory_space<hbm>>
        %dma_wait3A_113 = tpu.memref_squeeze %dma_wait3A_112 : memref<1x40x128xi32, #tpu.memory_space<hbm>> -> memref<40x128xi32, #tpu.memory_space<hbm>>
        tpu.wait_dma2 semaphore(%run_scoped3A : memref<!tpu.dma_semaphore, #tpu.memory_space<semaphore_mem>>) src(%dma_wait3A_113 : memref<40x128xi32, #tpu.memory_space<hbm>>) dst(%arg7 : memref<40x128xi32, #tpu.memory_space<vmem>>)
        tpu.yield
      }) : () -> ()
      %dma_start3A_85 = arith.constant 0 : i32
      %dma_start3A_86 = arith.constant 0 : i32
      %dma_start3A_87 = tpu.memref_slice %arg6[%dma_start3A_85, %dma_start3A_86] : memref<40x128xi32, #tpu.memory_space<vmem>> -> memref<1x128xi32, #tpu.memory_space<vmem>>
      %dma_start3A_88 = tpu.memref_squeeze %dma_start3A_87 : memref<1x128xi32, #tpu.memory_space<vmem>> -> memref<128xi32, #tpu.memory_space<vmem>>
      %dma_start3A_89 = arith.constant 0 : i32
      %dma_start3A_90 = arith.constant 0 : i32
      %dma_start3A_91 = tpu.memref_slice %arg2[%dma_start3A_89, %dma_start3A_90] : memref<10240x128xf32, #tpu.memory_space<hbm>> -> memref<10240x128xf32, #tpu.memory_space<hbm>>
      tpu.enqueue_indirect_dma source(%dma_start3A_91 : memref<10240x128xf32, #tpu.memory_space<hbm>>) target(%arg8 : memref<128x128xf32, #tpu.memory_space<vmem>>) offsets(%dma_start3A_88 : memref<128xi32, #tpu.memory_space<vmem>>) semaphore(%arg10 : memref<!tpu.dma_semaphore, #tpu.memory_space<semaphore_mem>>)
      %scan3A_92 = arith.constant 0 : i32
      %scan3A_93 = arith.constant 0 : i32
      %scan3A_94 = arith.constant 20 : i32
      %scan3A_95 = arith.addi %scan3A_93, %scan3A_94 : i32
      %scan3A_96 = arith.constant 1 : i32
      %scan3A_97 = scf.for %scan3A_99 = %scan3A_93 to %scan3A_95 step %scan3A_96 iter_args(%scan3A_100 = %scan3A_92) -> (i32)  : i32 {
        %mul3A_101 = arith.constant 2 : i32
        %mul3A_102 = arith.muli %mul3A_101, %scan3A_99 : i32
        %add3A_103 = arith.constant 1 : i32
        %add3A_104 = arith.addi %mul3A_102, %add3A_103 : i32
        %dma_start3A_105 = arith.constant 0 : i32
        %dma_start3A_106 = tpu.memref_slice %arg6[%add3A_104, %dma_start3A_105] : memref<40x128xi32, #tpu.memory_space<vmem>> -> memref<1x128xi32, #tpu.memory_space<vmem>>
        %dma_start3A_107 = tpu.memref_squeeze %dma_start3A_106 : memref<1x128xi32, #tpu.memory_space<vmem>> -> memref<128xi32, #tpu.memory_space<vmem>>
        %dma_start3A_108 = arith.constant 0 : i32
        %dma_start3A_109 = arith.constant 0 : i32
        %dma_start3A_110 = tpu.memref_slice %arg2[%dma_start3A_108, %dma_start3A_109] : memref<10240x128xf32, #tpu.memory_space<hbm>> -> memref<10240x128xf32, #tpu.memory_space<hbm>>
        tpu.enqueue_indirect_dma source(%dma_start3A_110 : memref<10240x128xf32, #tpu.memory_space<hbm>>) target(%arg9 : memref<128x128xf32, #tpu.memory_space<vmem>>) offsets(%dma_start3A_107 : memref<128xi32, #tpu.memory_space<vmem>>) semaphore(%arg11 : memref<!tpu.dma_semaphore, #tpu.memory_space<semaphore_mem>>)
        %dma_wait3A = arith.constant 0 : i32
        %dma_wait3A_111 = tpu.memref_slice %arg6[%mul3A_102, %dma_wait3A] : memref<40x128xi32, #tpu.memory_space<vmem>> -> memref<1x128xi32, #tpu.memory_space<vmem>>
        %dma_wait3A_112 = tpu.memref_squeeze %dma_wait3A_111 : memref<1x128xi32, #tpu.memory_space<vmem>> -> memref<128xi32, #tpu.memory_space<vmem>>
        %dma_wait3A_113 = arith.constant 0 : i32
        %dma_wait3A_114 = arith.constant 0 : i32
        %dma_wait3A_115 = tpu.memref_slice %arg2[%dma_wait3A_113, %dma_wait3A_114] : memref<10240x128xf32, #tpu.memory_space<hbm>> -> memref<10240x128xf32, #tpu.memory_space<hbm>>
        tpu.wait_indirect_dma semaphore(%arg10 : memref<!tpu.dma_semaphore, #tpu.memory_space<semaphore_mem>>) src(%dma_wait3A_115 : memref<10240x128xf32, #tpu.memory_space<hbm>>) dst(%arg8 : memref<128x128xf32, #tpu.memory_space<vmem>>)
        "tpu.region"() ({
          %run_scoped3A = tpu.sem_alloc : memref<!tpu.dma_semaphore, #tpu.memory_space<semaphore_mem>>
          %dma_start3A_133 = arith.constant 0 : i32
          %dma_start3A_134 = tpu.memref_slice %arg7[%mul3A_102, %dma_start3A_133] : memref<40x128xi32, #tpu.memory_space<vmem>> -> memref<1x128xi32, #tpu.memory_space<vmem>>
          %dma_start3A_135 = tpu.memref_squeeze %dma_start3A_134 : memref<1x128xi32, #tpu.memory_space<vmem>> -> memref<128xi32, #tpu.memory_space<vmem>>
          %dma_start3A_136 = arith.constant 0 : i32
          %dma_start3A_137 = arith.constant 0 : i32
          %dma_start3A_138 = tpu.memref_slice %arg12[%dma_start3A_136, %dma_start3A_137] : memref<10240x128xf32, #tpu.memory_space<vmem_shared>> -> memref<10240x128xf32, #tpu.memory_space<vmem_shared>>
          tpu.enqueue_indirect_dma source(%arg8 : memref<128x128xf32, #tpu.memory_space<vmem>>) target(%dma_start3A_138 : memref<10240x128xf32, #tpu.memory_space<vmem_shared>>) offsets(%dma_start3A_135 : memref<128xi32, #tpu.memory_space<vmem>>) semaphore(%run_scoped3A : memref<!tpu.dma_semaphore, #tpu.memory_space<semaphore_mem>>) {add = true}
          %dma_wait3A_139 = arith.constant 0 : i32
          %dma_wait3A_140 = tpu.memref_slice %arg7[%mul3A_102, %dma_wait3A_139] : memref<40x128xi32, #tpu.memory_space<vmem>> -> memref<1x128xi32, #tpu.memory_space<vmem>>
          %dma_wait3A_141 = tpu.memref_squeeze %dma_wait3A_140 : memref<1x128xi32, #tpu.memory_space<vmem>> -> memref<128xi32, #tpu.memory_space<vmem>>
          %dma_wait3A_142 = arith.constant 0 : i32
          %dma_wait3A_143 = arith.constant 0 : i32
          %dma_wait3A_144 = tpu.memref_slice %arg12[%dma_wait3A_142, %dma_wait3A_143] : memref<10240x128xf32, #tpu.memory_space<vmem_shared>> -> memref<10240x128xf32, #tpu.memory_space<vmem_shared>>
          tpu.wait_indirect_dma semaphore(%run_scoped3A : memref<!tpu.dma_semaphore, #tpu.memory_space<semaphore_mem>>) src(%arg8 : memref<128x128xf32, #tpu.memory_space<vmem>>) dst(%dma_wait3A_144 : memref<10240x128xf32, #tpu.memory_space<vmem_shared>>)
          tpu.yield
        }) : () -> ()
        %add3A_116 = arith.constant 1 : i32
        %add3A_117 = arith.addi %scan3A_99, %add3A_116 : i32
        %lt3A = arith.constant 20 : i32
        %lt3A_118 = arith.cmpi slt, %add3A_117, %lt3A : i32
        %convert_element_type3A_119 = arith.extui %lt3A_118 : i1 to i32
        %cond3A_120 = arith.constant 0 : i32
        %cond3A_121 = arith.cmpi ne, %convert_element_type3A_119, %cond3A_120 : i32
        scf.if %cond3A_121 {
          %add3A_133 = arith.constant 2 : i32
          %add3A_134 = arith.addi %mul3A_102, %add3A_133 : i32
          %dma_start3A_135 = arith.constant 0 : i32
          %dma_start3A_136 = tpu.memref_slice %arg6[%add3A_134, %dma_start3A_135] : memref<40x128xi32, #tpu.memory_space<vmem>> -> memref<1x128xi32, #tpu.memory_space<vmem>>
          %dma_start3A_137 = tpu.memref_squeeze %dma_start3A_136 : memref<1x128xi32, #tpu.memory_space<vmem>> -> memref<128xi32, #tpu.memory_space<vmem>>
          %dma_start3A_138 = arith.constant 0 : i32
          %dma_start3A_139 = arith.constant 0 : i32
          %dma_start3A_140 = tpu.memref_slice %arg2[%dma_start3A_138, %dma_start3A_139] : memref<10240x128xf32, #tpu.memory_space<hbm>> -> memref<10240x128xf32, #tpu.memory_space<hbm>>
          tpu.enqueue_indirect_dma source(%dma_start3A_140 : memref<10240x128xf32, #tpu.memory_space<hbm>>) target(%arg8 : memref<128x128xf32, #tpu.memory_space<vmem>>) offsets(%dma_start3A_137 : memref<128xi32, #tpu.memory_space<vmem>>) semaphore(%arg10 : memref<!tpu.dma_semaphore, #tpu.memory_space<semaphore_mem>>)
        } else {
        }
        %add3A_122 = arith.constant 1 : i32
        %add3A_123 = arith.addi %mul3A_102, %add3A_122 : i32
        %dma_wait3A_124 = arith.constant 0 : i32
        %dma_wait3A_125 = tpu.memref_slice %arg6[%add3A_123, %dma_wait3A_124] : memref<40x128xi32, #tpu.memory_space<vmem>> -> memref<1x128xi32, #tpu.memory_space<vmem>>
        %dma_wait3A_126 = tpu.memref_squeeze %dma_wait3A_125 : memref<1x128xi32, #tpu.memory_space<vmem>> -> memref<128xi32, #tpu.memory_space<vmem>>
        %dma_wait3A_127 = arith.constant 0 : i32
        %dma_wait3A_128 = arith.constant 0 : i32
        %dma_wait3A_129 = tpu.memref_slice %arg2[%dma_wait3A_127, %dma_wait3A_128] : memref<10240x128xf32, #tpu.memory_space<hbm>> -> memref<10240x128xf32, #tpu.memory_space<hbm>>
        tpu.wait_indirect_dma semaphore(%arg11 : memref<!tpu.dma_semaphore, #tpu.memory_space<semaphore_mem>>) src(%dma_wait3A_129 : memref<10240x128xf32, #tpu.memory_space<hbm>>) dst(%arg9 : memref<128x128xf32, #tpu.memory_space<vmem>>)
        %add3A_130 = arith.constant 1 : i32
        %add3A_131 = arith.addi %mul3A_102, %add3A_130 : i32
        "tpu.region"() ({
          %run_scoped3A = tpu.sem_alloc : memref<!tpu.dma_semaphore, #tpu.memory_space<semaphore_mem>>
          %dma_start3A_133 = arith.constant 0 : i32
          %dma_start3A_134 = tpu.memref_slice %arg7[%add3A_131, %dma_start3A_133] : memref<40x128xi32, #tpu.memory_space<vmem>> -> memref<1x128xi32, #tpu.memory_space<vmem>>
          %dma_start3A_135 = tpu.memref_squeeze %dma_start3A_134 : memref<1x128xi32, #tpu.memory_space<vmem>> -> memref<128xi32, #tpu.memory_space<vmem>>
          %dma_start3A_136 = arith.constant 0 : i32
          %dma_start3A_137 = arith.constant 0 : i32
          %dma_start3A_138 = tpu.memref_slice %arg12[%dma_start3A_136, %dma_start3A_137] : memref<10240x128xf32, #tpu.memory_space<vmem_shared>> -> memref<10240x128xf32, #tpu.memory_space<vmem_shared>>
          tpu.enqueue_indirect_dma source(%arg9 : memref<128x128xf32, #tpu.memory_space<vmem>>) target(%dma_start3A_138 : memref<10240x128xf32, #tpu.memory_space<vmem_shared>>) offsets(%dma_start3A_135 : memref<128xi32, #tpu.memory_space<vmem>>) semaphore(%run_scoped3A : memref<!tpu.dma_semaphore, #tpu.memory_space<semaphore_mem>>) {add = true}
          %dma_wait3A_139 = arith.constant 0 : i32
          %dma_wait3A_140 = tpu.memref_slice %arg7[%add3A_131, %dma_wait3A_139] : memref<40x128xi32, #tpu.memory_space<vmem>> -> memref<1x128xi32, #tpu.memory_space<vmem>>
          %dma_wait3A_141 = tpu.memref_squeeze %dma_wait3A_140 : memref<1x128xi32, #tpu.memory_space<vmem>> -> memref<128xi32, #tpu.memory_space<vmem>>
          %dma_wait3A_142 = arith.constant 0 : i32
          %dma_wait3A_143 = arith.constant 0 : i32
          %dma_wait3A_144 = tpu.memref_slice %arg12[%dma_wait3A_142, %dma_wait3A_143] : memref<10240x128xf32, #tpu.memory_space<vmem_shared>> -> memref<10240x128xf32, #tpu.memory_space<vmem_shared>>
          tpu.wait_indirect_dma semaphore(%run_scoped3A : memref<!tpu.dma_semaphore, #tpu.memory_space<semaphore_mem>>) src(%arg9 : memref<128x128xf32, #tpu.memory_space<vmem>>) dst(%dma_wait3A_144 : memref<10240x128xf32, #tpu.memory_space<vmem_shared>>)
          tpu.yield
        }) : () -> ()
        %scan3A_132 = arith.constant 0 : i32
        scf.yield %scan3A_132 : i32
      }
      %scan3A_98 = arith.constant 20 : i32
    } else {
    }
    %barrier3A_37 = arith.constant 0 : index
    tpu.barrier barrier_id(%barrier3A_37)
    %mul3A_38 = arith.constant 640 : i32
    %mul3A_39 = arith.muli %arg1, %mul3A_38 : i32
    %add3A_40 = arith.constant 0 : i32
    %add3A_41 = arith.addi %mul3A_39, %add3A_40 : i32
    "tpu.region"() ({
      %run_scoped3A = tpu.sem_alloc : memref<!tpu.dma_semaphore, #tpu.memory_space<semaphore_mem>>
      %dma_start3A = arith.constant 0 : i32
      %dma_start3A_58 = tpu.memref_slice %arg5[%arg0, %add3A_41, %dma_start3A] : memref<2x10240x128xf32, #tpu.memory_space<hbm>> -> memref<1x128x128xf32, #tpu.memory_space<hbm>>
      %dma_start3A_59 = tpu.memref_squeeze %dma_start3A_58 : memref<1x128x128xf32, #tpu.memory_space<hbm>> -> memref<128x128xf32, #tpu.memory_space<hbm>>
      %dma_start3A_60 = arith.constant 0 : i32
      %dma_start3A_61 = tpu.memref_slice %arg12[%add3A_41, %dma_start3A_60] : memref<10240x128xf32, #tpu.memory_space<vmem_shared>> -> memref<128x128xf32, #tpu.memory_space<vmem_shared>>
      tpu.enqueue_dma source(%dma_start3A_61 : memref<128x128xf32, #tpu.memory_space<vmem_shared>>) target(%dma_start3A_59 : memref<128x128xf32, #tpu.memory_space<hbm>>) target_semaphore(%run_scoped3A : memref<!tpu.dma_semaphore, #tpu.memory_space<semaphore_mem>>)
      %dma_wait3A = arith.constant 0 : i32
      %dma_wait3A_62 = tpu.memref_slice %arg5[%arg0, %add3A_41, %dma_wait3A] : memref<2x10240x128xf32, #tpu.memory_space<hbm>> -> memref<1x128x128xf32, #tpu.memory_space<hbm>>
      %dma_wait3A_63 = tpu.memref_squeeze %dma_wait3A_62 : memref<1x128x128xf32, #tpu.memory_space<hbm>> -> memref<128x128xf32, #tpu.memory_space<hbm>>
      %dma_wait3A_64 = arith.constant 0 : i32
      %dma_wait3A_65 = tpu.memref_slice %arg12[%add3A_41, %dma_wait3A_64] : memref<10240x128xf32, #tpu.memory_space<vmem_shared>> -> memref<128x128xf32, #tpu.memory_space<vmem_shared>>
      tpu.wait_dma2 semaphore(%run_scoped3A : memref<!tpu.dma_semaphore, #tpu.memory_space<semaphore_mem>>) src(%dma_wait3A_65 : memref<128x128xf32, #tpu.memory_space<vmem_shared>>) dst(%dma_wait3A_63 : memref<128x128xf32, #tpu.memory_space<hbm>>)
      tpu.yield
    }) : () -> ()
    %mul3A_42 = arith.constant 640 : i32
    %mul3A_43 = arith.muli %arg1, %mul3A_42 : i32
    %add3A_44 = arith.constant 128 : i32
    %add3A_45 = arith.addi %mul3A_43, %add3A_44 : i32
    "tpu.region"() ({
      %run_scoped3A = tpu.sem_alloc : memref<!tpu.dma_semaphore, #tpu.memory_space<semaphore_mem>>
      %dma_start3A = arith.constant 0 : i32
      %dma_start3A_58 = tpu.memref_slice %arg5[%arg0, %add3A_45, %dma_start3A] : memref<2x10240x128xf32, #tpu.memory_space<hbm>> -> memref<1x128x128xf32, #tpu.memory_space<hbm>>
      %dma_start3A_59 = tpu.memref_squeeze %dma_start3A_58 : memref<1x128x128xf32, #tpu.memory_space<hbm>> -> memref<128x128xf32, #tpu.memory_space<hbm>>
      %dma_start3A_60 = arith.constant 0 : i32
      %dma_start3A_61 = tpu.memref_slice %arg12[%add3A_45, %dma_start3A_60] : memref<10240x128xf32, #tpu.memory_space<vmem_shared>> -> memref<128x128xf32, #tpu.memory_space<vmem_shared>>
      tpu.enqueue_dma source(%dma_start3A_61 : memref<128x128xf32, #tpu.memory_space<vmem_shared>>) target(%dma_start3A_59 : memref<128x128xf32, #tpu.memory_space<hbm>>) target_semaphore(%run_scoped3A : memref<!tpu.dma_semaphore, #tpu.memory_space<semaphore_mem>>)
      %dma_wait3A = arith.constant 0 : i32
      %dma_wait3A_62 = tpu.memref_slice %arg5[%arg0, %add3A_45, %dma_wait3A] : memref<2x10240x128xf32, #tpu.memory_space<hbm>> -> memref<1x128x128xf32, #tpu.memory_space<hbm>>
      %dma_wait3A_63 = tpu.memref_squeeze %dma_wait3A_62 : memref<1x128x128xf32, #tpu.memory_space<hbm>> -> memref<128x128xf32, #tpu.memory_space<hbm>>
      %dma_wait3A_64 = arith.constant 0 : i32
      %dma_wait3A_65 = tpu.memref_slice %arg12[%add3A_45, %dma_wait3A_64] : memref<10240x128xf32, #tpu.memory_space<vmem_shared>> -> memref<128x128xf32, #tpu.memory_space<vmem_shared>>
      tpu.wait_dma2 semaphore(%run_scoped3A : memref<!tpu.dma_semaphore, #tpu.memory_space<semaphore_mem>>) src(%dma_wait3A_65 : memref<128x128xf32, #tpu.memory_space<vmem_shared>>) dst(%dma_wait3A_63 : memref<128x128xf32, #tpu.memory_space<hbm>>)
      tpu.yield
    }) : () -> ()
    %mul3A_46 = arith.constant 640 : i32
    %mul3A_47 = arith.muli %arg1, %mul3A_46 : i32
    %add3A_48 = arith.constant 256 : i32
    %add3A_49 = arith.addi %mul3A_47, %add3A_48 : i32
    "tpu.region"() ({
      %run_scoped3A = tpu.sem_alloc : memref<!tpu.dma_semaphore, #tpu.memory_space<semaphore_mem>>
      %dma_start3A = arith.constant 0 : i32
      %dma_start3A_58 = tpu.memref_slice %arg5[%arg0, %add3A_49, %dma_start3A] : memref<2x10240x128xf32, #tpu.memory_space<hbm>> -> memref<1x128x128xf32, #tpu.memory_space<hbm>>
      %dma_start3A_59 = tpu.memref_squeeze %dma_start3A_58 : memref<1x128x128xf32, #tpu.memory_space<hbm>> -> memref<128x128xf32, #tpu.memory_space<hbm>>
      %dma_start3A_60 = arith.constant 0 : i32
      %dma_start3A_61 = tpu.memref_slice %arg12[%add3A_49, %dma_start3A_60] : memref<10240x128xf32, #tpu.memory_space<vmem_shared>> -> memref<128x128xf32, #tpu.memory_space<vmem_shared>>
      tpu.enqueue_dma source(%dma_start3A_61 : memref<128x128xf32, #tpu.memory_space<vmem_shared>>) target(%dma_start3A_59 : memref<128x128xf32, #tpu.memory_space<hbm>>) target_semaphore(%run_scoped3A : memref<!tpu.dma_semaphore, #tpu.memory_space<semaphore_mem>>)
      %dma_wait3A = arith.constant 0 : i32
      %dma_wait3A_62 = tpu.memref_slice %arg5[%arg0, %add3A_49, %dma_wait3A] : memref<2x10240x128xf32, #tpu.memory_space<hbm>> -> memref<1x128x128xf32, #tpu.memory_space<hbm>>
      %dma_wait3A_63 = tpu.memref_squeeze %dma_wait3A_62 : memref<1x128x128xf32, #tpu.memory_space<hbm>> -> memref<128x128xf32, #tpu.memory_space<hbm>>
      %dma_wait3A_64 = arith.constant 0 : i32
      %dma_wait3A_65 = tpu.memref_slice %arg12[%add3A_49, %dma_wait3A_64] : memref<10240x128xf32, #tpu.memory_space<vmem_shared>> -> memref<128x128xf32, #tpu.memory_space<vmem_shared>>
      tpu.wait_dma2 semaphore(%run_scoped3A : memref<!tpu.dma_semaphore, #tpu.memory_space<semaphore_mem>>) src(%dma_wait3A_65 : memref<128x128xf32, #tpu.memory_space<vmem_shared>>) dst(%dma_wait3A_63 : memref<128x128xf32, #tpu.memory_space<hbm>>)
      tpu.yield
    }) : () -> ()
    %mul3A_50 = arith.constant 640 : i32
    %mul3A_51 = arith.muli %arg1, %mul3A_50 : i32
    %add3A_52 = arith.constant 384 : i32
    %add3A_53 = arith.addi %mul3A_51, %add3A_52 : i32
    "tpu.region"() ({
      %run_scoped3A = tpu.sem_alloc : memref<!tpu.dma_semaphore, #tpu.memory_space<semaphore_mem>>
      %dma_start3A = arith.constant 0 : i32
      %dma_start3A_58 = tpu.memref_slice %arg5[%arg0, %add3A_53, %dma_start3A] : memref<2x10240x128xf32, #tpu.memory_space<hbm>> -> memref<1x128x128xf32, #tpu.memory_space<hbm>>
      %dma_start3A_59 = tpu.memref_squeeze %dma_start3A_58 : memref<1x128x128xf32, #tpu.memory_space<hbm>> -> memref<128x128xf32, #tpu.memory_space<hbm>>
      %dma_start3A_60 = arith.constant 0 : i32
      %dma_start3A_61 = tpu.memref_slice %arg12[%add3A_53, %dma_start3A_60] : memref<10240x128xf32, #tpu.memory_space<vmem_shared>> -> memref<128x128xf32, #tpu.memory_space<vmem_shared>>
      tpu.enqueue_dma source(%dma_start3A_61 : memref<128x128xf32, #tpu.memory_space<vmem_shared>>) target(%dma_start3A_59 : memref<128x128xf32, #tpu.memory_space<hbm>>) target_semaphore(%run_scoped3A : memref<!tpu.dma_semaphore, #tpu.memory_space<semaphore_mem>>)
      %dma_wait3A = arith.constant 0 : i32
      %dma_wait3A_62 = tpu.memref_slice %arg5[%arg0, %add3A_53, %dma_wait3A] : memref<2x10240x128xf32, #tpu.memory_space<hbm>> -> memref<1x128x128xf32, #tpu.memory_space<hbm>>
      %dma_wait3A_63 = tpu.memref_squeeze %dma_wait3A_62 : memref<1x128x128xf32, #tpu.memory_space<hbm>> -> memref<128x128xf32, #tpu.memory_space<hbm>>
      %dma_wait3A_64 = arith.constant 0 : i32
      %dma_wait3A_65 = tpu.memref_slice %arg12[%add3A_53, %dma_wait3A_64] : memref<10240x128xf32, #tpu.memory_space<vmem_shared>> -> memref<128x128xf32, #tpu.memory_space<vmem_shared>>
      tpu.wait_dma2 semaphore(%run_scoped3A : memref<!tpu.dma_semaphore, #tpu.memory_space<semaphore_mem>>) src(%dma_wait3A_65 : memref<128x128xf32, #tpu.memory_space<vmem_shared>>) dst(%dma_wait3A_63 : memref<128x128xf32, #tpu.memory_space<hbm>>)
      tpu.yield
    }) : () -> ()
    %mul3A_54 = arith.constant 640 : i32
    %mul3A_55 = arith.muli %arg1, %mul3A_54 : i32
    %add3A_56 = arith.constant 512 : i32
    %add3A_57 = arith.addi %mul3A_55, %add3A_56 : i32
    "tpu.region"() ({
      %run_scoped3A = tpu.sem_alloc : memref<!tpu.dma_semaphore, #tpu.memory_space<semaphore_mem>>
      %dma_start3A = arith.constant 0 : i32
      %dma_start3A_58 = tpu.memref_slice %arg5[%arg0, %add3A_57, %dma_start3A] : memref<2x10240x128xf32, #tpu.memory_space<hbm>> -> memref<1x128x128xf32, #tpu.memory_space<hbm>>
      %dma_start3A_59 = tpu.memref_squeeze %dma_start3A_58 : memref<1x128x128xf32, #tpu.memory_space<hbm>> -> memref<128x128xf32, #tpu.memory_space<hbm>>
      %dma_start3A_60 = arith.constant 0 : i32
      %dma_start3A_61 = tpu.memref_slice %arg12[%add3A_57, %dma_start3A_60] : memref<10240x128xf32, #tpu.memory_space<vmem_shared>> -> memref<128x128xf32, #tpu.memory_space<vmem_shared>>
      tpu.enqueue_dma source(%dma_start3A_61 : memref<128x128xf32, #tpu.memory_space<vmem_shared>>) target(%dma_start3A_59 : memref<128x128xf32, #tpu.memory_space<hbm>>) target_semaphore(%run_scoped3A : memref<!tpu.dma_semaphore, #tpu.memory_space<semaphore_mem>>)
      %dma_wait3A = arith.constant 0 : i32
      %dma_wait3A_62 = tpu.memref_slice %arg5[%arg0, %add3A_57, %dma_wait3A] : memref<2x10240x128xf32, #tpu.memory_space<hbm>> -> memref<1x128x128xf32, #tpu.memory_space<hbm>>
      %dma_wait3A_63 = tpu.memref_squeeze %dma_wait3A_62 : memref<1x128x128xf32, #tpu.memory_space<hbm>> -> memref<128x128xf32, #tpu.memory_space<hbm>>
      %dma_wait3A_64 = arith.constant 0 : i32
      %dma_wait3A_65 = tpu.memref_slice %arg12[%add3A_57, %dma_wait3A_64] : memref<10240x128xf32, #tpu.memory_space<vmem_shared>> -> memref<128x128xf32, #tpu.memory_space<vmem_shared>>
      tpu.wait_dma2 semaphore(%run_scoped3A : memref<!tpu.dma_semaphore, #tpu.memory_space<semaphore_mem>>) src(%dma_wait3A_65 : memref<128x128xf32, #tpu.memory_space<vmem_shared>>) dst(%dma_wait3A_63 : memref<128x128xf32, #tpu.memory_space<hbm>>)
      tpu.yield
    }) : () -> ()
    return
  }
}

module attributes {stable_mosaic.version = 14 : i64} {
  func.func @_tc1_body(%arg0: i32, %arg1: memref<512x128xf32, #tpu.memory_space<vmem>>, %arg2: memref<128x128xf32, #tpu.memory_space<vmem>>, %arg3: memref<32x512xf32, #tpu.memory_space<vmem>>, %arg4: memref<512x128xf32, #tpu.memory_space<vmem>>) attributes {dimension_semantics = [#tpu.dimension_semantics<arbitrary>], iteration_bounds = array<i64: 20>, scalar_prefetch = 0 : i64, scratch_operands = 0 : i64, tpu.core_type = #tpu.core_type<tc>, window_params = [{transform_indices = @transform_0, window_bounds = array<i64: 512, 128>}, {pipeline_mode = #tpu.pipeline_mode<synchronous>, transform_indices = @transform_1, window_bounds = array<i64: 128, 128>}, {transform_indices = @transform_2, window_bounds = array<i64: 32, 512>}, {transform_indices = @transform_3, window_bounds = array<i64: 512, 128>}]} {
    %get3A = arith.constant 0 : index
    %get3A_0 = arith.constant 0 : index
    %get3A_1 = vector.load %arg3[%get3A, %get3A_0] : memref<32x512xf32, #tpu.memory_space<vmem>>, vector<32x512xf32>
    %broadcast_in_dim3A = arith.constant 1.000000e+00 : f32
    %broadcast_in_dim3A_2 = vector.broadcast %broadcast_in_dim3A : f32 to vector<32x128xf32>
    %dot_general3A = arith.constant dense<0.000000e+00> : vector<512x128xf32>
    %dot_general3A_3 = tpu.matmul %get3A_1, %broadcast_in_dim3A_2, %dot_general3A {dimension_numbers = #tpu.dot_dimension_numbers<[0], [0], [1], [1], [0, 1, 1, 1], [], []>, transpose_lhs_hint = false} : vector<32x512xf32>, vector<32x128xf32>, vector<512x128xf32> -> vector<512x128xf32>
    %add3A = arith.constant 1.000000e+00 : f32
    %add3A_4 = vector.broadcast %add3A : f32 to vector<512x128xf32>
    %add3A_5 = arith.addf %dot_general3A_3, %add3A_4 : vector<512x128xf32>
    %rsqrt3A = math.rsqrt %add3A_5 : vector<512x128xf32>
    %get3A_6 = arith.constant 0 : index
    %get3A_7 = arith.constant 0 : index
    %get3A_8 = vector.load %arg1[%get3A_6, %get3A_7] : memref<512x128xf32, #tpu.memory_space<vmem>>, vector<512x128xf32>
    %get3A_9 = arith.constant 0 : index
    %get3A_10 = arith.constant 0 : index
    %get3A_11 = vector.load %arg2[%get3A_9, %get3A_10] : memref<128x128xf32, #tpu.memory_space<vmem>>, vector<128x128xf32>
    %dot_general3A_12 = arith.constant dense<0.000000e+00> : vector<512x128xf32>
    %dot_general3A_13 = tpu.matmul %get3A_8, %get3A_11, %dot_general3A_12 {dimension_numbers = #tpu.dot_dimension_numbers<[1], [0], [0], [1], [0, 0, 1, 1], [], []>, transpose_lhs_hint = false} : vector<512x128xf32>, vector<128x128xf32>, vector<512x128xf32> -> vector<512x128xf32>
    %mul3A = arith.mulf %dot_general3A_13, %rsqrt3A : vector<512x128xf32>
    %swap3A = arith.constant 0 : index
    %swap3A_14 = arith.constant 0 : index
    %swap3A_15 = vector.load %arg4[%swap3A, %swap3A_14] : memref<512x128xf32, #tpu.memory_space<vmem>>, vector<512x128xf32>
    tpu.vector_store %arg4[%swap3A, %swap3A_14], %mul3A {strides = array<i32>} : memref<512x128xf32, #tpu.memory_space<vmem>>, vector<512x128xf32>,
    return
  }
  func.func @transform_0(%arg0: i32) -> (i32, i32) {
    %c0_i32 = arith.constant 0 : i32
    %c0_i32_0 = arith.constant 0 : i32
    return %arg0, %c0_i32 : i32, i32
  }
  func.func @transform_1(%arg0: i32) -> (i32, i32) {
    %c0_i32 = arith.constant 0 : i32
    %c0_i32_0 = arith.constant 0 : i32
    %c0_i32_1 = arith.constant 0 : i32
    return %c0_i32, %c0_i32_0 : i32, i32
  }
  func.func @transform_2(%arg0: i32) -> (i32, i32) {
    %c0_i32 = arith.constant 0 : i32
    %c0_i32_0 = arith.constant 0 : i32
    return %c0_i32, %arg0 : i32, i32
  }
  func.func @transform_3(%arg0: i32) -> (i32, i32) {
    %c0_i32 = arith.constant 0 : i32
    %c0_i32_0 = arith.constant 0 : i32
    return %arg0, %c0_i32 : i32, i32
  }
}

module attributes {stable_mosaic.version = 14 : i64} {
  func.func @_tc2_body(%arg0: i32, %arg1: memref<512x128xf32, #tpu.memory_space<vmem>>, %arg2: memref<2x512x128xf32, #tpu.memory_space<vmem>>, %arg3: memref<32x512xf32, #tpu.memory_space<vmem>>, %arg4: memref<1x128xf32, #tpu.memory_space<vmem>>, %arg5: memref<128x128xf32, #tpu.memory_space<vmem>>, %arg6: memref<512x128xf32, #tpu.memory_space<vmem>>) attributes {dimension_semantics = [#tpu.dimension_semantics<arbitrary>], iteration_bounds = array<i64: 20>, scalar_prefetch = 0 : i64, scratch_operands = 0 : i64, tpu.core_type = #tpu.core_type<tc>, window_params = [{transform_indices = @transform_0, window_bounds = array<i64: 512, 128>}, {transform_indices = @transform_1, window_bounds = array<i64: 2, 512, 128>}, {transform_indices = @transform_2, window_bounds = array<i64: 32, 512>}, {pipeline_mode = #tpu.pipeline_mode<synchronous>, transform_indices = @transform_3, window_bounds = array<i64: 1, 128>}, {pipeline_mode = #tpu.pipeline_mode<synchronous>, transform_indices = @transform_4, window_bounds = array<i64: 128, 128>}, {transform_indices = @transform_5, window_bounds = array<i64: 512, 128>}]} {
    %get3A = arith.constant 0 : index
    %get3A_0 = arith.constant 0 : index
    %get3A_1 = vector.load %arg3[%get3A, %get3A_0] : memref<32x512xf32, #tpu.memory_space<vmem>>, vector<32x512xf32>
    %broadcast_in_dim3A = arith.constant 1.000000e+00 : f32
    %broadcast_in_dim3A_2 = vector.broadcast %broadcast_in_dim3A : f32 to vector<32x128xf32>
    %dot_general3A = arith.constant dense<0.000000e+00> : vector<512x128xf32>
    %dot_general3A_3 = tpu.matmul %get3A_1, %broadcast_in_dim3A_2, %dot_general3A {dimension_numbers = #tpu.dot_dimension_numbers<[0], [0], [1], [1], [0, 1, 1, 1], [], []>, transpose_lhs_hint = false} : vector<32x512xf32>, vector<32x128xf32>, vector<512x128xf32> -> vector<512x128xf32>
    %add3A = arith.constant 1.000000e+00 : f32
    %add3A_4 = vector.broadcast %add3A : f32 to vector<512x128xf32>
    %add3A_5 = arith.addf %dot_general3A_3, %add3A_4 : vector<512x128xf32>
    %rsqrt3A = math.rsqrt %add3A_5 : vector<512x128xf32>
    %get3A_6 = arith.constant 0 : index
    %get3A_7 = arith.constant 0 : index
    %get3A_8 = arith.constant 0 : index
    %get3A_9 = vector.load %arg2[%get3A_6, %get3A_7, %get3A_8] : memref<2x512x128xf32, #tpu.memory_space<vmem>>, vector<1x512x128xf32>
    %get3A_10 = vector.shape_cast %get3A_9 : vector<1x512x128xf32> to vector<512x128xf32>
    %get3A_11 = arith.constant 1 : index
    %get3A_12 = arith.constant 0 : index
    %get3A_13 = arith.constant 0 : index
    %get3A_14 = vector.load %arg2[%get3A_11, %get3A_12, %get3A_13] : memref<2x512x128xf32, #tpu.memory_space<vmem>>, vector<1x512x128xf32>
    %get3A_15 = vector.shape_cast %get3A_14 : vector<1x512x128xf32> to vector<512x128xf32>
    %add3A_16 = arith.addf %get3A_10, %get3A_15 : vector<512x128xf32>
    %get3A_17 = arith.constant 0 : index
    %get3A_18 = arith.constant 0 : index
    %get3A_19 = vector.load %arg1[%get3A_17, %get3A_18] : memref<512x128xf32, #tpu.memory_space<vmem>>, vector<512x128xf32>
    %add3A_20 = arith.addf %add3A_16, %get3A_19 : vector<512x128xf32>
    %mul3A = arith.mulf %rsqrt3A, %add3A_20 : vector<512x128xf32>
    %get3A_21 = arith.constant 0 : index
    %get3A_22 = arith.constant 0 : index
    %get3A_23 = vector.load %arg4[%get3A_21, %get3A_22] : memref<1x128xf32, #tpu.memory_space<vmem>>, vector<1x128xf32>
    %add3A_24 = vector.broadcast %get3A_23 : vector<1x128xf32> to vector<512x128xf32>
    %add3A_25 = arith.addf %mul3A, %add3A_24 : vector<512x128xf32>
    %max3A = arith.constant 0.000000e+00 : f32
    %max3A_26 = vector.broadcast %max3A : f32 to vector<512x128xf32>
    %max3A_27 = arith.maximumf %add3A_25, %max3A_26 : vector<512x128xf32>
    %get3A_28 = arith.constant 0 : index
    %get3A_29 = arith.constant 0 : index
    %get3A_30 = vector.load %arg5[%get3A_28, %get3A_29] : memref<128x128xf32, #tpu.memory_space<vmem>>, vector<128x128xf32>
    %dot_general3A_31 = arith.constant dense<0.000000e+00> : vector<512x128xf32>
    %dot_general3A_32 = tpu.matmul %max3A_27, %get3A_30, %dot_general3A_31 {dimension_numbers = #tpu.dot_dimension_numbers<[1], [0], [0], [1], [0, 0, 1, 1], [], []>, transpose_lhs_hint = false} : vector<512x128xf32>, vector<128x128xf32>, vector<512x128xf32> -> vector<512x128xf32>
    %mul3A_33 = arith.mulf %dot_general3A_32, %rsqrt3A : vector<512x128xf32>
    %swap3A = arith.constant 0 : index
    %swap3A_34 = arith.constant 0 : index
    %swap3A_35 = vector.load %arg6[%swap3A, %swap3A_34] : memref<512x128xf32, #tpu.memory_space<vmem>>, vector<512x128xf32>
    tpu.vector_store %arg6[%swap3A, %swap3A_34], %mul3A_33 {strides = array<i32>} : memref<512x128xf32, #tpu.memory_space<vmem>>, vector<512x128xf32>,
    return
  }
  func.func @transform_0(%arg0: i32) -> (i32, i32) {
    %c0_i32 = arith.constant 0 : i32
    %c0_i32_0 = arith.constant 0 : i32
    return %arg0, %c0_i32 : i32, i32
  }
  func.func @transform_1(%arg0: i32) -> (i32, i32, i32) {
    %c0_i32 = arith.constant 0 : i32
    %c0_i32_0 = arith.constant 0 : i32
    %c0_i32_1 = arith.constant 0 : i32
    return %c0_i32, %arg0, %c0_i32_0 : i32, i32, i32
  }
  func.func @transform_2(%arg0: i32) -> (i32, i32) {
    %c0_i32 = arith.constant 0 : i32
    %c0_i32_0 = arith.constant 0 : i32
    return %c0_i32, %arg0 : i32, i32
  }
  func.func @transform_3(%arg0: i32) -> (i32, i32) {
    %c0_i32 = arith.constant 0 : i32
    %c0_i32_0 = arith.constant 0 : i32
    %c0_i32_1 = arith.constant 0 : i32
    return %c0_i32, %c0_i32_0 : i32, i32
  }
  func.func @transform_4(%arg0: i32) -> (i32, i32) {
    %c0_i32 = arith.constant 0 : i32
    %c0_i32_0 = arith.constant 0 : i32
    %c0_i32_1 = arith.constant 0 : i32
    return %c0_i32, %c0_i32_0 : i32, i32
  }
  func.func @transform_5(%arg0: i32) -> (i32, i32) {
    %c0_i32 = arith.constant 0 : i32
    %c0_i32_0 = arith.constant 0 : i32
    return %arg0, %c0_i32 : i32, i32
  }
}

module attributes {stable_mosaic.version = 14 : i64} {
  func.func @_tc3_body(%arg0: i32, %arg1: memref<512x128xf32, #tpu.memory_space<vmem>>, %arg2: memref<2x512x128xf32, #tpu.memory_space<vmem>>, %arg3: memref<32x512xf32, #tpu.memory_space<vmem>>, %arg4: memref<1x128xf32, #tpu.memory_space<vmem>>, %arg5: memref<512x128xf32, #tpu.memory_space<vmem>>) attributes {dimension_semantics = [#tpu.dimension_semantics<arbitrary>], iteration_bounds = array<i64: 20>, scalar_prefetch = 0 : i64, scratch_operands = 0 : i64, tpu.core_type = #tpu.core_type<tc>, window_params = [{transform_indices = @transform_0, window_bounds = array<i64: 512, 128>}, {transform_indices = @transform_1, window_bounds = array<i64: 2, 512, 128>}, {transform_indices = @transform_2, window_bounds = array<i64: 32, 512>}, {pipeline_mode = #tpu.pipeline_mode<synchronous>, transform_indices = @transform_3, window_bounds = array<i64: 1, 128>}, {transform_indices = @transform_4, window_bounds = array<i64: 512, 128>}]} {
    %get3A = arith.constant 0 : index
    %get3A_0 = arith.constant 0 : index
    %get3A_1 = vector.load %arg3[%get3A, %get3A_0] : memref<32x512xf32, #tpu.memory_space<vmem>>, vector<32x512xf32>
    %broadcast_in_dim3A = arith.constant 1.000000e+00 : f32
    %broadcast_in_dim3A_2 = vector.broadcast %broadcast_in_dim3A : f32 to vector<32x128xf32>
    %dot_general3A = arith.constant dense<0.000000e+00> : vector<512x128xf32>
    %dot_general3A_3 = tpu.matmul %get3A_1, %broadcast_in_dim3A_2, %dot_general3A {dimension_numbers = #tpu.dot_dimension_numbers<[0], [0], [1], [1], [0, 1, 1, 1], [], []>, transpose_lhs_hint = false} : vector<32x512xf32>, vector<32x128xf32>, vector<512x128xf32> -> vector<512x128xf32>
    %add3A = arith.constant 1.000000e+00 : f32
    %add3A_4 = vector.broadcast %add3A : f32 to vector<512x128xf32>
    %add3A_5 = arith.addf %dot_general3A_3, %add3A_4 : vector<512x128xf32>
    %rsqrt3A = math.rsqrt %add3A_5 : vector<512x128xf32>
    %get3A_6 = arith.constant 0 : index
    %get3A_7 = arith.constant 0 : index
    %get3A_8 = arith.constant 0 : index
    %get3A_9 = vector.load %arg2[%get3A_6, %get3A_7, %get3A_8] : memref<2x512x128xf32, #tpu.memory_space<vmem>>, vector<1x512x128xf32>
    %get3A_10 = vector.shape_cast %get3A_9 : vector<1x512x128xf32> to vector<512x128xf32>
    %get3A_11 = arith.constant 1 : index
    %get3A_12 = arith.constant 0 : index
    %get3A_13 = arith.constant 0 : index
    %get3A_14 = vector.load %arg2[%get3A_11, %get3A_12, %get3A_13] : memref<2x512x128xf32, #tpu.memory_space<vmem>>, vector<1x512x128xf32>
    %get3A_15 = vector.shape_cast %get3A_14 : vector<1x512x128xf32> to vector<512x128xf32>
    %add3A_16 = arith.addf %get3A_10, %get3A_15 : vector<512x128xf32>
    %get3A_17 = arith.constant 0 : index
    %get3A_18 = arith.constant 0 : index
    %get3A_19 = vector.load %arg1[%get3A_17, %get3A_18] : memref<512x128xf32, #tpu.memory_space<vmem>>, vector<512x128xf32>
    %add3A_20 = arith.addf %add3A_16, %get3A_19 : vector<512x128xf32>
    %mul3A = arith.mulf %rsqrt3A, %add3A_20 : vector<512x128xf32>
    %get3A_21 = arith.constant 0 : index
    %get3A_22 = arith.constant 0 : index
    %get3A_23 = vector.load %arg4[%get3A_21, %get3A_22] : memref<1x128xf32, #tpu.memory_space<vmem>>, vector<1x128xf32>
    %add3A_24 = vector.broadcast %get3A_23 : vector<1x128xf32> to vector<512x128xf32>
    %add3A_25 = arith.addf %mul3A, %add3A_24 : vector<512x128xf32>
    %swap3A = arith.constant 0 : index
    %swap3A_26 = arith.constant 0 : index
    %swap3A_27 = vector.load %arg5[%swap3A, %swap3A_26] : memref<512x128xf32, #tpu.memory_space<vmem>>, vector<512x128xf32>
    tpu.vector_store %arg5[%swap3A, %swap3A_26], %add3A_25 {strides = array<i32>} : memref<512x128xf32, #tpu.memory_space<vmem>>, vector<512x128xf32>,
    return
  }
  func.func @transform_0(%arg0: i32) -> (i32, i32) {
    %c0_i32 = arith.constant 0 : i32
    %c0_i32_0 = arith.constant 0 : i32
    return %arg0, %c0_i32 : i32, i32
  }
  func.func @transform_1(%arg0: i32) -> (i32, i32, i32) {
    %c0_i32 = arith.constant 0 : i32
    %c0_i32_0 = arith.constant 0 : i32
    %c0_i32_1 = arith.constant 0 : i32
    return %c0_i32, %arg0, %c0_i32_0 : i32, i32, i32
  }
  func.func @transform_2(%arg0: i32) -> (i32, i32) {
    %c0_i32 = arith.constant 0 : i32
    %c0_i32_0 = arith.constant 0 : i32
    return %c0_i32, %arg0 : i32, i32
  }
  func.func @transform_3(%arg0: i32) -> (i32, i32) {
    %c0_i32 = arith.constant 0 : i32
    %c0_i32_0 = arith.constant 0 : i32
    %c0_i32_1 = arith.constant 0 : i32
    return %c0_i32, %c0_i32_0 : i32, i32
  }
  func.func @transform_4(%arg0: i32) -> (i32, i32) {
    %c0_i32 = arith.constant 0 : i32
    %c0_i32_0 = arith.constant 0 : i32
    return %arg0, %c0_i32 : i32, i32
  }
}

</mosaic_0001>

<sc_bundles>
// kernel: kernel.12.cloned.1.call-start
scs
__scs_entry_jumppad:
0x0: {  	(pc) =	sbr.rel $0x88, $3  }
0x1: {  	(tag) =	ssettag $0x0;
	lr =	simm.s32 $0x1  }
0x2: {  	[smem:$0x3F9A] =	sst lr;
	_ =	strace $0xD0000000  }
0x3: {  	_ = 	snop  }
0x4: {  	_ = 	snop  }
0x5: {  	_ = 	snop  }
0x6: {  	_ = 	snop  }
0x7: {  	_ = 	snop  }
__scs_overlays_trampoline_lowered:
0x8: {  	[smem:$0x3FA9] =	sst s0  }
0x9: {  	[smem:$0x3FAA] =	sst s1  }
0xa: {  	[smem:$0x3FAB] =	sst s2  }
0xb: {  	[smem:$0x3FAC] =	sst s3  }
0xc: {  	[smem:$0x3FAD] =	sst s4  }
0xd: {  	[smem:$0x3FAE] =	sst s5  }
0xe: {  	[smem:$0x3FAF] =	sst s6  }
0xf: {  	[smem:$0x3FB0] =	sst s7  }
0x10: {  	[smem:$0x3FB1] =	sst s8  }
0x11: {  	[smem:$0x3FB2] =	sst s9;
	s0 =	simm.s32 @!p0 $0x0  }
0x12: {  	s1 =	sld [smem:$0x3F98];
	s0 =	simm.s32 @p0 $0x1  }
0x13: {  	[smem:$0x3FB3] =	sst s0;
	s0 =	simm.s32 @!p1 $0x0  }
0x14: {  	s2 =	sld [smem:$0x3F97];
	s0 =	simm.s32 @p1 $0x1  }
0x15: {  	[smem:$0x3FB4] =	sst s0;
	s0 =	simm.s32 @!p2 $0x0  }
0x16: {  	s3 =	sld [smem:$0x3FDB];
	s0 =	simm.s32 @p2 $0x1  }
0x17: {  	s4 =	simm.s32 $0x1BF5;
	[smem:$0x3FB6] =	sst s0  }
0x18: {  	s0 =	sld [smem:$0x3F99];
	_ =	swait.ge [sflag:s4], $0x0  }
0x19: {  	s7 =	sld [smem:$0x3F9A]  }
0x1a: {  	s8 =	sadd.s32 $0xFFFFE003, lr  }
0x1b: {  	s9 =	sadd.s32 $0xFFFFFEF7, lr;
	s5 =	simm.s32 $0xFFFFFFFF;
	p2 =	slt.u32 s8, $0xFFFFF086  }
0x1c: {  	p1 =	slt.u32 s9, $0xF7A;
	s5 =	simm.s32 @!p2 $0x0  }
0x1d: {  	s5 =	simm.s32 @p1 $0x1;
	p0 =	seq.s32 s7, s2  }
0x1e: {  	s7 =	smul.u32 @!p0 $0xF7A, s2;
	p2 =	seq.s32 @!p0 s5, $0x0  }
0x1f: {  	s9 =	smul.u32 $0xF7A, s1;
	s8 =	simm.s32 @!p0 $0x1BF5;
	p2 =	por !p2, p0  }
0x20: {  	[sflag:s8] =	ssyncset.s32 @!p0 $0xFFFFF086;
	s6 =	sadd.s32 @!p0 s3, s7;
	s7 =	simm.s32 @!p0 $0x108  }
0x21: {  	s3 =	sadd.s32 s3, s9;
	s6 =	sadd.s32 @!p0 $0x88, s6;
	s7 =	simm.s32 @p2 $0x1082  }
0x22: {  	[simem:s7], [sflag:s8] =	dma.local @!p0 [hbm:s6], $0xF7A  }
0x23: {  	s9 =	sor.u32 $0xD0000000, s2;
	s6 =	simm.s32 $0x108;
	_ =	swait.ge @!p0 [sflag:s8], $0x0  }
0x24: {  	s3 =	sadd.s32 $0x88, s3;
	s6 =	simm.s32 @!p1 $0x1082;
	[sflag:s4] =	ssyncset.s32 $0xFFFFF086  }
0x25: {  	[simem:s6], [sflag:s4] =	dma.local [hbm:s3], $0xF7A  }
0x26: {  	[smem:$0x3F9A] =	sst s1;
	(tag) =	ssettag s2;
	_ =	strace s9  }
0x27: {  	s1 =	sld [smem:$0x3FAA]  }
0x28: {  	s2 =	sld [smem:$0x3FAB]  }
0x29: {  	s4 =	sld [smem:$0x3FAD]  }
0x2a: {  	p0 =	seq.s32 s5, $0x0;
	s5 =	sld [smem:$0x3FAE]  }
0x2b: {  	s6 =	sld [smem:$0x3FAF]  }
0x2c: {  	s7 =	sld [smem:$0x3FB0]  }
0x2d: {  	s3 =	simm.s32 $0x108;
	s8 =	sld [smem:$0x3FB1]  }
0x2e: {  	s3 =	simm.s32 @!p0 $0x1082;
	s9 =	sld [smem:$0x3FB2]  }
0x2f: {  	lr =	sadd.s32 s0, s3;
	s0 =	sld [smem:$0x3FA9]  }
0x30: {  	s3 =	sld [smem:$0x3FAC]  }
0x31: {  	[smem:$0x3FB5] =	sst s10  }
0x32: {  	s10 =	sld [smem:$0x3FB3];
	_ =	sdelay $0x3  }
0x33: {  	p0 =	seq.s32 s10, $0x1;
	s10 =	sld [smem:$0x3FB5];
	_ =	sdelay $0x3  }
0x34: {  	[smem:$0x3FB5] =	sst s10  }
0x35: {  	s10 =	sld [smem:$0x3FB4];
	_ =	sdelay $0x3  }
0x36: {  	p1 =	seq.s32 s10, $0x1;
	s10 =	sld [smem:$0x3FB5];
	_ =	sdelay $0x3  }
0x37: {  	[smem:$0x3FB5] =	sst s10  }
0x38: {  	s10 =	sld [smem:$0x3FB6]  }
0x39: {  	_ = 	snop;
	(pc) =	sbr.ind lr, $3  }
0x3a: {  	_ = 	snop  }
0x3b: {  	_ = 	snop  }
0x3c: {  	p2 =	seq.s32 s10, $0x1;
	s10 =	sld [smem:$0x3FB5]  }
0x3d: {  	_ =	shalt  }
0x3e: {  	_ =	shalt  }
0x3f: {  	_ =	shalt  }
0x40: {  	_ =	shalt  }
0x41: {  	_ =	shalt  }
0x42: {  	_ =	shalt  }
0x43: {  	_ =	shalt  }
0x44: {  	_ =	shalt  }
0x45: {  	_ =	shalt  }
0x46: {  	_ =	shalt  }
0x47: {  	_ =	shalt  }
0x48: {  	_ =	shalt  }
0x49: {  	_ =	shalt  }
0x4a: {  	_ =	shalt  }
0x4b: {  	_ =	shalt  }
0x4c: {  	_ =	shalt  }
0x4d: {  	_ =	shalt  }
0x4e: {  	_ =	shalt  }
0x4f: {  	_ =	shalt  }
0x50: {  	_ =	shalt  }
0x51: {  	_ =	shalt  }
0x52: {  	_ =	shalt  }
0x53: {  	_ =	shalt  }
0x54: {  	_ =	shalt  }
0x55: {  	_ =	shalt  }
0x56: {  	_ =	shalt  }
0x57: {  	_ =	shalt  }
0x58: {  	_ =	shalt  }
0x59: {  	_ =	shalt  }
0x5a: {  	_ =	shalt  }
0x5b: {  	_ =	shalt  }
0x5c: {  	_ =	shalt  }
0x5d: {  	_ =	shalt  }
0x5e: {  	_ =	shalt  }
0x5f: {  	_ =	shalt  }
0x60: {  	_ =	shalt  }
0x61: {  	_ =	shalt  }
0x62: {  	_ =	shalt  }
0x63: {  	_ =	shalt  }
0x64: {  	_ =	shalt  }
0x65: {  	_ =	shalt  }
0x66: {  	_ =	shalt  }
0x67: {  	_ =	shalt  }
0x68: {  	_ =	shalt  }
0x69: {  	_ =	shalt  }
0x6a: {  	_ =	shalt  }
0x6b: {  	_ =	shalt  }
0x6c: {  	_ =	shalt  }
0x6d: {  	_ =	shalt  }
0x6e: {  	_ =	shalt  }
0x6f: {  	_ =	shalt  }
0x70: {  	_ =	shalt  }
0x71: {  	_ =	shalt  }
0x72: {  	_ =	shalt  }
0x73: {  	_ =	shalt  }
0x74: {  	_ =	shalt  }
0x75: {  	_ =	shalt  }
0x76: {  	_ =	shalt  }
0x77: {  	_ =	shalt  }
0x78: {  	_ =	shalt  }
0x79: {  	_ =	shalt  }
0x7a: {  	_ =	shalt  }
0x7b: {  	_ =	shalt  }
0x7c: {  	_ =	shalt  }
0x7d: {  	_ =	shalt  }
0x7e: {  	_ =	shalt  }
0x7f: {  	_ =	shalt  }
0x80: {  	_ =	shalt  }
0x81: {  	_ =	shalt  }
0x82: {  	_ =	shalt  }
0x83: {  	_ =	shalt  }
0x84: {  	_ =	shalt  }
0x85: {  	_ =	shalt  }
0x86: {  	_ =	shalt  }
0x87: {  	_ =	shalt  }
.Lfunc_end0:
.L_simem_size_0:
called_computation.1_lowered:
.L_overlay_start_0:
0x88: {  	s2 =	sld [smem:$0x3FD9]  }
0x89: {  	s3 =	sld [smem:$0x3FFE];
	_ =	sdelay $0x1  }
0x8a: {  	s1 =	srdreg.scid  }
0x8b: {  	s0 =	sand.u32 $0x1, s1  }
0x8c: {  	s16 =	sshll.u32 s0, $0xA;
	s2 =	sadd.s32 s3, s2  }
0x8d: {  	s2 =	sadd.s32 s2, s16  }
0x8e: {  	[smem:$0x3FC1] =	sst s2  }
0x8f: {  	_ = 	snop  }
0x90: {  	(tm) =	ssettm $0x1  }
0x91: {  	s17 =	sld [smem:$0x3FFB];
	_ =	sdelay $0x3  }
0x92: {  	_ =	strace s17  }
0x93: {  	s2 =	sld [smem:$0x3FFC];
	_ =	sdelay $0x3  }
0x94: {  	_ =	strace s2  }
0x95: {  	s2 =	sld [smem:$0x3FFD];
	_ =	sdelay $0x3  }
0x96: {  	_ =	strace s2  }
0x97: {  	_ =	strace $0x8FFFFFFF  }
0x98: {  	s18 =	sld [smem:$0x3FDB];
	_ =	sdelay $0x1  }
0x99: {  	s19 =	simm.s32 $_scs_section_size  }
0x9a: {  	s4 =	simm.s32 $_size__tile_overlayer_lowered;
	s5 =	simm.s32 $_tile_overlayer_lowered  }
0x9b: {  	s22 =	simm.s32 $0x1BFF;
	s21 =	sshll.u32 s5, $0x1;
	s2 =	sadd.s32 s19, s18  }
0x9c: {  	s6 =	simm.s32 $0x0;
	s20 =	sshll.u32 s4, $0x1;
	s4 =	sadd.s32 s21, s2  }
0x9d: {  	[timem:s6], [sflag:s22] =	dma.local [hbm:s4], s20  }
0x9e: {  	_ =	swait.ge [sflag:s22], s20  }
0x9f: {  	s3 =	ssub.s32 $0x0, s20;
	[sflag:s22] =	ssyncset.done $0x0  }
0xa0: {  	[sflag:s22] =	ssyncadd.s32 s3;
	_ =	sdelay $0x1  }
0xa1: {  	s23 =	simm.s32 $0x1B8B  }
0xa2: {  	_ =	swait.ge [sflag:s23], $0x1  }
0xa3: {  	[sflag:s23] =	ssyncset.done $0x0  }
0xa4: {  	s25 =	simm.s32 $0x1B8E;
	s24 =	sld [smem:$0x3FFE];
	[sflag:s23] =	ssyncadd.s32 $0xFFFFFFFF  }
0xa5: {  	s26 =	simm.s32 $execute0_lowered;
	[smem:$0x3FD2] =	sst s25  }
0xa6: {  	s4 =	sshll.u32 s26, $0x1;
	_ =	strace $0x80000049;
	[dreg:$0x1] =	wrdreg $0xFFFFFFFF  }
0xa7: {  	s28 =	simm.s32 $_size_execute0_lowered;
	s2 =	sadd.s32 s2, s4;
	[dreg:$0x0] =	wrdreg $0x0  }
0xa8: {  	s4 =	sshll.u32 s28, $0x1;
	[dreg:$0x2] =	wrdreg s2  }
0xa9: {  	[dreg:$0x3] =	wrdreg s4  }
0xaa: {  	[dreg:$0x4] =	wrdreg $0xC0  }
0xab: {  	_ =	task [dreg:s6], $0x5FFFF  }
0xac: {  	[dreg:$0x1] =	wrdreg $0xFFFFFFFF  }
0xad: {  	[dreg:$0x0] =	wrdreg $0x60  }
0xae: {  	[dreg:$0x2] =	wrdreg s24  }
0xaf: {  	[dreg:$0x3] =	wrdreg $0xA8000  }
0xb0: {  	[dreg:$0x4] =	wrdreg $0x9  }
0xb1: {  	_ =	task.clear_ibuf [dreg:s6], $0x5FFFF;
	_ =	strace $0x90000049  }
0xb2: {  	s29 =	simm.s32 $0x9;
	_ =	strace $0x8000004B  }
0xb3: {  	_ =	swait.ge [sflag:s29], $0x1  }
0xb4: {  	[sflag:s29] =	ssyncadd.s32 $0xFFFFFFFF  }
0xb5: {  	_ =	strace $0x9000004B  }
0xb6: {  	_ =	sfence  }
0xb7: {  	s30 =	sld [smem:$0x0];
	_ =	sdelay $0x2  }
0xb8: {  	s31 =	sshll.u32 s1, $0xD;
	s1 =	sshrl.u32 s1, $0x2  }
0xb9: {  	s3 =	sand.u32 $0x4000, s31;
	s1 =	sadd.s32 s1, s30  }
0xba: {  	s0 =	sor.u32 s3, s0;
	s1 =	sshll.u32 s1, $0x11  }
0xbb: {  	s0 =	sor.u32 s1, s0  }
0xbc: {  	s0 =	sadd.s32 $0x8F2B, s0  }
0xbd: {  	[sflag:s0] =	ssyncadd.remote.s32 $0x1  }
0xbe: {  	_ =	sfence.sel $0xFFFF  }
0xbf: {  	[dreg:$0x0] =	wrdreg $0xFFFFFFFF;
	(pc) =	sbr.abs _section_cstart, $3  }
0xc0: {  	[dreg:$0x1] =	wrdreg $0xFFFFFFFF  }
0xc1: {  	_ =	task.clear_ibuf [dreg:s6], $0x2FFFF;
	_ =	strace $0x9FFFFFFF  }
0xc2: {  	(tm) =	ssettm $0x7FFFFFFF  }
0xc3: {  	_ =	shalt  }
tec
execute0_lowered:
.L_overlay_start_1:
0x0: {  	(tag) =	ssettag $0x1  }
0x1: {  	s0 =	rddreg [dreg:$0x0]  }
0x2: {  	s1 =	rddreg [dreg:$0x1];
	s3 =	simm.s32 $0x0  }
0x3: {  	s2 =	stileid.u32;
	s5 =	srdreg.scid;
	s28 =	simm.s32 $0x80  }
0x4: {  	s29 =	simm.s32 $0x6800;
	s30 =	simm.s32 $0x1;
	s6 =	smul.u32 $0x50000, s2  }
0x5: {  	s31 =	simm.s32 $0x2;
	[smem:$0x7FF] =	sst s3;
	s11 =	smul.u32 $0x14000, s2  }
0x6: {  	s4 =	sadd.s32 $0x20600, s0;
	s15 =	sor.u32 $0x10, s2;
	s16 =	smul.u32 $0x2800, s2  }
0x7: {  	s9 =	sadd.s32 $0x16600, s0;
	s10 =	sand.u32 $0x1, s5;
	s19 =	smul.u32 $0x500, s15  }
0x8: {  	s12 =	sadd.s32 $0x2600, s0;
	s0 =	sadd.s32 $0x48600, s0;
	s15 =	smul.u32 $0x2800, s15  }
0x9: {  	_ =	strace $0x8000004A;
	s5 =	ssub.s32 $0x2, s10;
	s24 =	smul.u32 $0x140000, s10  }
0xa: {  	p0 =	seq.s32 s10, $0x0;
	s10 =	simm.s32 $0x2780;
	s7 =	sshrl.u32 s5, $0x1  }
0xb: {  	s6 =	sshrl.u32 s6, $0x2;
	s13 =	sadd.s32 $0x4000, s11;
	s17 =	sadd.s32 $0x8000, s11  }
0xc: {  	s18 =	sadd.s32 $0xC000, s11;
	s16 =	sshrl.u32 s16, $0x3;
	s14 =	ssub.s32 s5, s7  }
0xd: {  	s5 =	sadd.s32 s6, s1;
	s6 =	sadd.s32 s13, s1;
	s20 =	sadd.s32 s9, s19  }
0xe: {  	s7 =	sadd.s32 s17, s1;
	s19 =	sadd.s32 s12, s19;
	[dreg:$0x3] =	wrdreg s20  }
0xf: {  	s8 =	sadd.s32 s18, s1;
	s21 =	sadd.s32 s12, s16;
	[dreg:$0x4] =	wrdreg s19  }
0x10: {  	s15 =	sshrl.u32 s15, $0x3;
	s20 =	sadd.s32 s9, s16;
	[dreg:$0x6] =	wrdreg s21  }
0x11: {  	s16 =	sadd.s32 $0x280, s16;
	s23 =	sadd.s32 $0x280, s15;
	s15 =	sadd.s32 s24, s13  }
0x12: {  	s21 =	sadd.s32 s24, s18;
	[dreg:$0x5] =	wrdreg s20;
	s22 =	sadd.s32 s9, s16  }
0x13: {  	s25 =	sadd.s32 s12, s16;
	s9 =	sadd.s32 s9, s23;
	[dreg:$0x7] =	wrdreg s22  }
0x14: {  	s26 =	sadd.s32 s12, s23;
	s12 =	sadd.s32 $0x10000, s11;
	[dreg:$0x8] =	wrdreg s25  }
0x15: {  	s11 =	sadd.s32 s11, s24;
	s16 =	sadd.s32 s24, s17;
	[dreg:$0x9] =	wrdreg s9  }
0x16: {  	s23 =	sshrl.u32 s15, $0x3;
	[dreg:$0xa] =	wrdreg s26;
	s22 =	sadd.s32 s24, s12  }
0x17: {  	s17 =	sadd.s32 s12, s1;
	s20 =	sshrl.u32 s11, $0x3;
	s19 =	sadd.s32 s0, s23  }
.Ltmp0:
0x18: {  	s24 =	sshrl.u32 s16, $0x3;
	s25 =	sshrl.u32 s21, $0x3;
	(pc) =	sbr.rel .LBB2_1-.Ltmp0, $4  }
0x19: {  	s23 =	smax.u32 s14, $0x1;
	s9 =	simm.s32 $0x2700;
	s11 =	simm.s32 $0x0  }
0x1a: {  	s18 =	sadd.s32 s0, s20;
	s20 =	sadd.s32 s0, s24;
	s26 =	sshrl.u32 s22, $0x3  }
0x1b: {  	s21 =	sadd.s32 s0, s25;
	s24 =	simm.s32 $0x2800;
	s25 =	simm.s32 $0x3  }
0x1c: {  	v0 =	vimm.f32 $0.0e+00;
	s22 =	sadd.s32 s0, s26;
	s26 =	simm.s32 $0x1400;
	s0 =	simm.s32 $0x1380  }
.LBB2_6:
0x1d: {  	s13 =	sadd.s32 $0x80, s12;
	[sflag:s25] =	ssyncadd.s32 $0xFFFFC000  }
0x1e: {  	[tilespmem:s29], [sflag:$0x2] =	stream.indirect.gather [hbm4b:s4+s28], $0x80, s13, s28, $0xb8;
	[tilespmem:$0x1E800] =	vst v63  }
0x1f: {  	_ =	swait.ge [sflag:s30], $0x4000  }
0x20: {  	[sflag:s30] =	ssyncset.done $0x0  }
0x21: {  	s14 =	sadd.s32 $0x1400, s12;
	[sflag:s30] =	ssyncadd.s32 $0xFFFFC000  }
0x22: {  	[spmem:s1] =	stream.indirect.scatter.add.f32 [tilespmem:s24], [sflag:$0x3], $0x80, s14, s28, $0xb8;
	[tilespmem:$0x1E800] =	vst v63  }
0x23: {  	_ =	swait.ge [sflag:s25], $0x4000  }
0x24: {  	[sflag:s25] =	ssyncset.done $0x0  }
0x25: {  	s15 =	sadd.s32 $0x100, s12;
	[sflag:s25] =	ssyncadd.s32 $0xFFFFC000  }
0x26: {  	[tilespmem:s24], [sflag:$0x1] =	stream.indirect.gather [hbm4b:s4+s28], $0x80, s15, s28, $0xb8;
	[tilespmem:$0x1E800] =	vst v63  }
0x27: {  	_ =	swait.ge [sflag:s31], $0x4000  }
0x28: {  	[sflag:s31] =	ssyncset.done $0x0  }
0x29: {  	s16 =	sadd.s32 $0x1480, s12;
	[sflag:s31] =	ssyncadd.s32 $0xFFFFC000  }
0x2a: {  	[spmem:s1] =	stream.indirect.scatter.add.f32 [tilespmem:s29], [sflag:$0x3], $0x80, s16, s28, $0xb8;
	[tilespmem:$0x1E800] =	vst v63  }
0x2b: {  	_ =	swait.ge [sflag:s25], $0x4000  }
0x2c: {  	[sflag:s25] =	ssyncset.done $0x0  }
0x2d: {  	[sflag:s25] =	ssyncadd.s32 $0xFFFFC000  }
.LBB2_14:
0x2e: {  	[tilespmem:s29], [sflag:$0x2] =	stream.indirect.gather [hbm4b:s4+s28], $0x80, s0, s28, $0xb8;
	[tilespmem:$0x1E800] =	vst v63  }
0x2f: {  	_ =	swait.ge [sflag:s30], $0x4000  }
0x30: {  	[sflag:s30] =	ssyncset.done $0x0  }
0x31: {  	[sflag:s30] =	ssyncadd.s32 $0xFFFFC000  }
0x32: {  	[spmem:s1] =	stream.indirect.scatter.add.f32 [tilespmem:s24], [sflag:$0x3], $0x80, s9, s28, $0xb8;
	[tilespmem:$0x1E800] =	vst v63  }
0x33: {  	_ =	swait.ge [sflag:s25], $0x4000  }
0x34: {  	[sflag:s25] =	ssyncset.done $0x0  }
0x35: {  	[sflag:s25] =	ssyncadd.s32 $0xFFFFC000  }
0x36: {  	_ =	swait.ge [sflag:s31], $0x4000  }
0x37: {  	[sflag:s31] =	ssyncset.done $0x0  }
0x38: {  	[sflag:s31] =	ssyncadd.s32 $0xFFFFC000  }
0x39: {  	[spmem:s1] =	stream.indirect.scatter.add.f32 [tilespmem:s29], [sflag:$0x3], $0x80, s10, s28, $0xb8;
	[tilespmem:$0x1E800] =	vst v63  }
0x3a: {  	_ =	swait.ge [sflag:s25], $0x4000  }
0x3b: {  	[sflag:s25] =	ssyncset.done $0x0  }
0x3c: {  	s12 =	sshll.u32 s2, $0x6;
	[sflag:s25] =	ssyncadd.s32 $0xFFFFC000  }
0x3d: {  	s13 =	sshrl.u32 s5, $0x3;
	s12 =	sor.u32 $0x1C03, s12;
	[bflag:$0x0] =	sbarrier.arrive $0xFFFF  }
0x3e: {  	[hbm:s18], [sflag:s12] =	dma.local [spmem:s13], $0x800  }
0x3f: {  	_ =	swait.ge [sflag:s25], $0x800  }
0x40: {  	[sflag:s25] =	ssyncset.done $0x0  }
0x41: {  	s16 =	sshrl.u32 s6, $0x3;
	[sflag:s25] =	ssyncadd.s32 $0xFFFFF800  }
0x42: {  	[hbm:s19], [sflag:s12] =	dma.local [spmem:s16], $0x800  }
0x43: {  	_ =	swait.ge [sflag:s25], $0x800  }
0x44: {  	[sflag:s25] =	ssyncset.done $0x0  }
0x45: {  	s14 =	sshrl.u32 s7, $0x3;
	[sflag:s25] =	ssyncadd.s32 $0xFFFFF800  }
0x46: {  	[hbm:s20], [sflag:s12] =	dma.local [spmem:s14], $0x800  }
0x47: {  	_ =	swait.ge [sflag:s25], $0x800  }
0x48: {  	[sflag:s25] =	ssyncset.done $0x0  }
0x49: {  	s15 =	sshrl.u32 s8, $0x3;
	[sflag:s25] =	ssyncadd.s32 $0xFFFFF800  }
0x4a: {  	[hbm:s21], [sflag:s12] =	dma.local [spmem:s15], $0x800  }
0x4b: {  	s11 =	sadd.s32 $0x1, s11;
	_ =	swait.ge [sflag:s25], $0x800  }
0x4c: {  	p1 =	sne.s32 s11, s23;
	[sflag:s25] =	ssyncset.done $0x0  }
.Ltmp1:
0x4d: {  	s16 =	sshrl.u32 s17, $0x3;
	[sflag:s25] =	ssyncadd.s32 $0xFFFFF800;
	(pc) =	sbr.rel @!p1 .LBB2_15-.Ltmp1, $4  }
0x4e: {  	[hbm:s22], [sflag:s12] =	dma.local [spmem:s16], $0x800  }
0x4f: {  	_ =	swait.ge [sflag:s25], $0x800  }
0x50: {  	[sflag:s25] =	ssyncset.done $0x0  }
0x51: {  	[sflag:s25] =	ssyncadd.s32 $0xFFFFF800  }
.LBB2_1:
0x52: {  	s12 =	sand.u32 $0xFE00, s3  }
0x53: {  	s13 =	sand.u32 $0x70, s3;
	s14 =	sshrl.u32 s12, $0x2  }
0x54: {  	s12 =	simm.s32 $0x40;
	s14 =	sor.u32 s13, s14;
	s13 =	simm.s32 $0x0  }
.LBB2_2:
0x55: {  	p1 =	sne.s32 s12, $0xFFC0  }
0x56: {  	[tilespmem:s14+$0x2800] =	vst v0;
	s13 =	sadd.s32 $0x10, s13;
	s14 =	smov.u32 s12;
	s12 =	sadd.s32 $0x40, s12  }
.Ltmp2:
0x57: {  	(pc) =	sbr.rel @p1 .LBB2_2-.Ltmp2, $4  }
0x58: {  	_ = 	snop  }
0x59: {  	s14 =	sand.u32 $0xFE00, s14  }
0x5a: {  	s15 =	sand.u32 $0x70, s13;
	s14 =	sshrl.u32 s14, $0x2  }
0x5b: {  	s14 =	sor.u32 s15, s14  }
0x5c: {  	[tilespmem:s14+$0x2800] =	vst v0  }
0x5d: {  	[spmem:s5] =	stream.linear.scatter [tilespmem:s24], [sflag:$0x3], $0x4000, $0x38;
	[tilespmem:$0x1E800] =	vst v63  }
0x5e: {  	_ =	swait.ge [sflag:s25], $0x4000  }
0x5f: {  	[sflag:s25] =	ssyncset.done $0x0  }
0x60: {  	[sflag:s25] =	ssyncadd.s32 $0xFFFFC000  }
0x61: {  	[spmem:s6] =	stream.linear.scatter [tilespmem:s24], [sflag:$0x3], $0x4000, $0x38;
	[tilespmem:$0x1E800] =	vst v63  }
0x62: {  	_ =	swait.ge [sflag:s25], $0x4000  }
0x63: {  	[sflag:s25] =	ssyncset.done $0x0  }
0x64: {  	[sflag:s25] =	ssyncadd.s32 $0xFFFFC000  }
0x65: {  	[spmem:s7] =	stream.linear.scatter [tilespmem:s24], [sflag:$0x3], $0x4000, $0x38;
	[tilespmem:$0x1E800] =	vst v63  }
0x66: {  	_ =	swait.ge [sflag:s25], $0x4000  }
0x67: {  	[sflag:s25] =	ssyncset.done $0x0  }
0x68: {  	[sflag:s25] =	ssyncadd.s32 $0xFFFFC000  }
0x69: {  	[spmem:s8] =	stream.linear.scatter [tilespmem:s24], [sflag:$0x3], $0x4000, $0x38;
	[tilespmem:$0x1E800] =	vst v63  }
0x6a: {  	_ =	swait.ge [sflag:s25], $0x4000  }
0x6b: {  	[sflag:s25] =	ssyncset.done $0x0  }
0x6c: {  	[sflag:s25] =	ssyncadd.s32 $0xFFFFC000  }
0x6d: {  	[spmem:s17] =	stream.linear.scatter [tilespmem:s24], [sflag:$0x3], $0x4000, $0x38;
	[tilespmem:$0x1E800] =	vst v63  }
.Ltmp3:
0x6e: {  	_ =	swait.ge [sflag:s25], $0x4000;
	(pc) =	sbr.rel @!p0 .LBB2_4-.Ltmp3, $4  }
0x6f: {  	[sflag:s25] =	ssyncset.done $0x0  }
0x70: {  	[sflag:s25] =	ssyncadd.s32 $0xFFFFC000  }
0x71: {  	[bflag:$0x0] =	sbarrier.arrive $0xFFFF  }
0x72: {  	s12 =	simm.s32 $0x0  }
0x73: {  	s13 =	rddreg [dreg:$0x5]  }
0x74: {  	[tilespmem:s12], [sflag:$0x3] =	stream.linear.gather [hbm4b:s13+s12], $0x1400, $0x38;
	[tilespmem:$0x1E800] =	vst v63  }
0x75: {  	_ =	swait.ge [sflag:s25], $0x1400  }
0x76: {  	[sflag:s25] =	ssyncset.done $0x0  }
0x77: {  	s16 =	rddreg [dreg:$0x6];
	[sflag:s25] =	ssyncadd.s32 $0xFFFFEC00  }
0x78: {  	[tilespmem:s26], [sflag:$0x3] =	stream.linear.gather [hbm4b:s16+s12], $0x1400, $0x38;
	[tilespmem:$0x1E800] =	vst v63  }
0x79: {  	_ =	swait.ge [sflag:s25], $0x1400  }
0x7a: {  	[sflag:s25] =	ssyncset.done $0x0  }
0x7b: {  	[sflag:s25] =	ssyncadd.s32 $0xFFFFEC00  }
0x7c: {  	[tilespmem:s24], [sflag:$0x1] =	stream.indirect.gather [hbm4b:s4+s28], $0x80, s12, s28, $0xb8;
	[tilespmem:$0x1E800] =	vst v63  }
0x7d: {  	s13 =	simm.s32 $0x80  }
0x7e: {  	[tilespmem:s29], [sflag:$0x2] =	stream.indirect.gather [hbm4b:s4+s28], $0x80, s13, s28, $0xb8;
	[tilespmem:$0x1E800] =	vst v63  }
0x7f: {  	_ =	swait.ge [sflag:s30], $0x4000  }
0x80: {  	[sflag:s30] =	ssyncset.done $0x0  }
0x81: {  	s14 =	simm.s32 $0x1400;
	[sflag:s30] =	ssyncadd.s32 $0xFFFFC000  }
0x82: {  	[spmem:s1] =	stream.indirect.scatter.add.f32 [tilespmem:s24], [sflag:$0x3], $0x80, s14, s28, $0xb8;
	[tilespmem:$0x1E800] =	vst v63  }
0x83: {  	_ =	swait.ge [sflag:s25], $0x4000  }
0x84: {  	[sflag:s25] =	ssyncset.done $0x0  }
0x85: {  	s15 =	simm.s32 $0x100;
	[sflag:s25] =	ssyncadd.s32 $0xFFFFC000  }
0x86: {  	[tilespmem:s24], [sflag:$0x1] =	stream.indirect.gather [hbm4b:s4+s28], $0x80, s15, s28, $0xb8;
	[tilespmem:$0x1E800] =	vst v63  }
0x87: {  	_ =	swait.ge [sflag:s31], $0x4000  }
0x88: {  	[sflag:s31] =	ssyncset.done $0x0  }
0x89: {  	s16 =	simm.s32 $0x1480;
	[sflag:s31] =	ssyncadd.s32 $0xFFFFC000  }
0x8a: {  	[spmem:s1] =	stream.indirect.scatter.add.f32 [tilespmem:s29], [sflag:$0x3], $0x80, s16, s28, $0xb8;
	[tilespmem:$0x1E800] =	vst v63  }
0x8b: {  	_ =	swait.ge [sflag:s25], $0x4000  }
0x8c: {  	s12 =	simm.s32 $0x100;
	s13 =	simm.s32 $0x800;
	[sflag:s25] =	ssyncset.done $0x0  }
.LBB2_8:
0x8d: {  	s14 =	sadd.s32 $0x80, s12  }
0x8e: {  	[sflag:s25] =	ssyncadd.s32 $0xFFFFC000;
	s15 =	smov.u32 s13;
	s16 =	sadd.s32 $0x400, s13  }
0x8f: {  	[tilespmem:s29], [sflag:$0x2] =	stream.indirect.gather [hbm4b:s4+s28], $0x80, s14, s28, $0xb8;
	[tilespmem:$0x1E800] =	vst v63  }
0x90: {  	p1 =	sne.s32 s13, $0x4800;
	_ =	swait.ge [sflag:s30], $0x4000  }
0x91: {  	[sflag:s30] =	ssyncset.done $0x0  }
0x92: {  	s13 =	sadd.s32 $0x1400, s12;
	[sflag:s30] =	ssyncadd.s32 $0xFFFFC000  }
0x93: {  	[spmem:s1] =	stream.indirect.scatter.add.f32 [tilespmem:s24], [sflag:$0x3], $0x80, s13, s28, $0xb8;
	[tilespmem:$0x1E800] =	vst v63  }
0x94: {  	_ =	swait.ge [sflag:s25], $0x4000  }
0x95: {  	[sflag:s25] =	ssyncset.done $0x0  }
0x96: {  	s13 =	sadd.s32 $0x100, s12;
	[sflag:s25] =	ssyncadd.s32 $0xFFFFC000  }
0x97: {  	[tilespmem:s24], [sflag:$0x1] =	stream.indirect.gather [hbm4b:s4+s28], $0x80, s13, s28, $0xb8;
	[tilespmem:$0x1E800] =	vst v63  }
0x98: {  	_ =	swait.ge [sflag:s31], $0x4000  }
.Ltmp4:
0x99: {  	[sflag:s31] =	ssyncset.done $0x0;
	(pc) =	sbr.rel @p1 .LBB2_8-.Ltmp4, $4  }
0x9a: {  	s12 =	sadd.s32 $0x1480, s12;
	[sflag:s31] =	ssyncadd.s32 $0xFFFFC000  }
0x9b: {  	[spmem:s1] =	stream.indirect.scatter.add.f32 [tilespmem:s29], [sflag:$0x3], $0x80, s12, s28, $0xb8;
	[tilespmem:$0x1E800] =	vst v63  }
0x9c: {  	_ =	swait.ge [sflag:s25], $0x4000  }
0x9d: {  	s13 =	smov.u32 s16;
	s12 =	sshra.s32 s15, $0x2;
	[sflag:s25] =	ssyncset.done $0x0  }
0x9e: {  	s13 =	sadd.s32 $0x80, s12;
	[sflag:s25] =	ssyncadd.s32 $0xFFFFC000  }
0x9f: {  	[tilespmem:s29], [sflag:$0x2] =	stream.indirect.gather [hbm4b:s4+s28], $0x80, s13, s28, $0xb8;
	[tilespmem:$0x1E800] =	vst v63  }
0xa0: {  	_ =	swait.ge [sflag:s30], $0x4000  }
0xa1: {  	[sflag:s30] =	ssyncset.done $0x0  }
0xa2: {  	s15 =	sadd.s32 $0x1400, s12;
	[sflag:s30] =	ssyncadd.s32 $0xFFFFC000  }
0xa3: {  	[spmem:s1] =	stream.indirect.scatter.add.f32 [tilespmem:s24], [sflag:$0x3], $0x80, s15, s28, $0xb8;
	[tilespmem:$0x1E800] =	vst v63  }
0xa4: {  	_ =	swait.ge [sflag:s25], $0x4000  }
0xa5: {  	[sflag:s25] =	ssyncset.done $0x0  }
0xa6: {  	s16 =	sadd.s32 $0x100, s12;
	[sflag:s25] =	ssyncadd.s32 $0xFFFFC000  }
0xa7: {  	[tilespmem:s24], [sflag:$0x1] =	stream.indirect.gather [hbm4b:s4+s28], $0x80, s16, s28, $0xb8;
	[tilespmem:$0x1E800] =	vst v63  }
0xa8: {  	_ =	swait.ge [sflag:s31], $0x4000  }
0xa9: {  	[sflag:s31] =	ssyncset.done $0x0  }
0xaa: {  	s13 =	sadd.s32 $0x1480, s12;
	[sflag:s31] =	ssyncadd.s32 $0xFFFFC000  }
0xab: {  	[spmem:s1] =	stream.indirect.scatter.add.f32 [tilespmem:s29], [sflag:$0x3], $0x80, s13, s28, $0xb8;
	[tilespmem:$0x1E800] =	vst v63  }
0xac: {  	_ =	swait.ge [sflag:s25], $0x4000  }
0xad: {  	[sflag:s25] =	ssyncset.done $0x0  }
0xae: {  	[sflag:s25] =	ssyncadd.s32 $0xFFFFC000  }
0xaf: {  	[tilespmem:s29], [sflag:$0x2] =	stream.indirect.gather [hbm4b:s4+s28], $0x80, s0, s28, $0xb8;
	[tilespmem:$0x1E800] =	vst v63  }
0xb0: {  	_ =	swait.ge [sflag:s30], $0x4000  }
0xb1: {  	[sflag:s30] =	ssyncset.done $0x0  }
0xb2: {  	[sflag:s30] =	ssyncadd.s32 $0xFFFFC000  }
0xb3: {  	[spmem:s1] =	stream.indirect.scatter.add.f32 [tilespmem:s24], [sflag:$0x3], $0x80, s9, s28, $0xb8;
	[tilespmem:$0x1E800] =	vst v63  }
0xb4: {  	_ =	swait.ge [sflag:s25], $0x4000  }
0xb5: {  	[sflag:s25] =	ssyncset.done $0x0  }
0xb6: {  	[sflag:s25] =	ssyncadd.s32 $0xFFFFC000  }
0xb7: {  	_ =	swait.ge [sflag:s31], $0x4000  }
0xb8: {  	[sflag:s31] =	ssyncset.done $0x0  }
0xb9: {  	[sflag:s31] =	ssyncadd.s32 $0xFFFFC000  }
0xba: {  	[spmem:s1] =	stream.indirect.scatter.add.f32 [tilespmem:s29], [sflag:$0x3], $0x80, s10, s28, $0xb8;
	[tilespmem:$0x1E800] =	vst v63  }
0xbb: {  	_ =	swait.ge [sflag:s25], $0x4000  }
0xbc: {  	[sflag:s25] =	ssyncset.done $0x0  }
0xbd: {  	s14 =	simm.s32 $0x0;
	s15 =	rddreg [dreg:$0x7];
	[sflag:s25] =	ssyncadd.s32 $0xFFFFC000  }
0xbe: {  	[tilespmem:s14], [sflag:$0x3] =	stream.linear.gather [hbm4b:s15+s14], $0x1400, $0x38;
	[tilespmem:$0x1E800] =	vst v63  }
0xbf: {  	_ =	swait.ge [sflag:s25], $0x1400  }
0xc0: {  	[sflag:s25] =	ssyncset.done $0x0  }
0xc1: {  	s16 =	rddreg [dreg:$0x8];
	[sflag:s25] =	ssyncadd.s32 $0xFFFFEC00  }
0xc2: {  	[tilespmem:s26], [sflag:$0x3] =	stream.linear.gather [hbm4b:s16+s14], $0x1400, $0x38;
	[tilespmem:$0x1E800] =	vst v63  }
0xc3: {  	_ =	swait.ge [sflag:s25], $0x1400  }
0xc4: {  	[sflag:s25] =	ssyncset.done $0x0  }
0xc5: {  	[sflag:s25] =	ssyncadd.s32 $0xFFFFEC00  }
0xc6: {  	[tilespmem:s24], [sflag:$0x1] =	stream.indirect.gather [hbm4b:s4+s28], $0x80, s14, s28, $0xb8;
	[tilespmem:$0x1E800] =	vst v63  }
0xc7: {  	s13 =	simm.s32 $0x80  }
0xc8: {  	[tilespmem:s29], [sflag:$0x2] =	stream.indirect.gather [hbm4b:s4+s28], $0x80, s13, s28, $0xb8;
	[tilespmem:$0x1E800] =	vst v63  }
0xc9: {  	_ =	swait.ge [sflag:s30], $0x4000  }
0xca: {  	[sflag:s30] =	ssyncset.done $0x0  }
0xcb: {  	s14 =	simm.s32 $0x1400;
	[sflag:s30] =	ssyncadd.s32 $0xFFFFC000  }
0xcc: {  	[spmem:s1] =	stream.indirect.scatter.add.f32 [tilespmem:s24], [sflag:$0x3], $0x80, s14, s28, $0xb8;
	[tilespmem:$0x1E800] =	vst v63  }
0xcd: {  	_ =	swait.ge [sflag:s25], $0x4000  }
0xce: {  	[sflag:s25] =	ssyncset.done $0x0  }
0xcf: {  	s15 =	simm.s32 $0x100;
	[sflag:s25] =	ssyncadd.s32 $0xFFFFC000  }
0xd0: {  	[tilespmem:s24], [sflag:$0x1] =	stream.indirect.gather [hbm4b:s4+s28], $0x80, s15, s28, $0xb8;
	[tilespmem:$0x1E800] =	vst v63  }
0xd1: {  	_ =	swait.ge [sflag:s31], $0x4000  }
0xd2: {  	[sflag:s31] =	ssyncset.done $0x0  }
0xd3: {  	s16 =	simm.s32 $0x1480;
	[sflag:s31] =	ssyncadd.s32 $0xFFFFC000  }
0xd4: {  	[spmem:s1] =	stream.indirect.scatter.add.f32 [tilespmem:s29], [sflag:$0x3], $0x80, s16, s28, $0xb8;
	[tilespmem:$0x1E800] =	vst v63  }
0xd5: {  	_ =	swait.ge [sflag:s25], $0x4000  }
0xd6: {  	s12 =	simm.s32 $0x100;
	s13 =	simm.s32 $0x800;
	[sflag:s25] =	ssyncset.done $0x0  }
.LBB2_10:
0xd7: {  	s14 =	sadd.s32 $0x80, s12  }
0xd8: {  	[sflag:s25] =	ssyncadd.s32 $0xFFFFC000;
	s15 =	smov.u32 s13;
	s16 =	sadd.s32 $0x400, s13  }
0xd9: {  	[tilespmem:s29], [sflag:$0x2] =	stream.indirect.gather [hbm4b:s4+s28], $0x80, s14, s28, $0xb8;
	[tilespmem:$0x1E800] =	vst v63  }
0xda: {  	p1 =	sne.s32 s13, $0x4800;
	_ =	swait.ge [sflag:s30], $0x4000  }
0xdb: {  	[sflag:s30] =	ssyncset.done $0x0  }
0xdc: {  	s13 =	sadd.s32 $0x1400, s12;
	[sflag:s30] =	ssyncadd.s32 $0xFFFFC000  }
0xdd: {  	[spmem:s1] =	stream.indirect.scatter.add.f32 [tilespmem:s24], [sflag:$0x3], $0x80, s13, s28, $0xb8;
	[tilespmem:$0x1E800] =	vst v63  }
0xde: {  	_ =	swait.ge [sflag:s25], $0x4000  }
0xdf: {  	[sflag:s25] =	ssyncset.done $0x0  }
0xe0: {  	s13 =	sadd.s32 $0x100, s12;
	[sflag:s25] =	ssyncadd.s32 $0xFFFFC000  }
0xe1: {  	[tilespmem:s24], [sflag:$0x1] =	stream.indirect.gather [hbm4b:s4+s28], $0x80, s13, s28, $0xb8;
	[tilespmem:$0x1E800] =	vst v63  }
0xe2: {  	_ =	swait.ge [sflag:s31], $0x4000  }
.Ltmp5:
0xe3: {  	[sflag:s31] =	ssyncset.done $0x0;
	(pc) =	sbr.rel @p1 .LBB2_10-.Ltmp5, $4  }
0xe4: {  	s12 =	sadd.s32 $0x1480, s12;
	[sflag:s31] =	ssyncadd.s32 $0xFFFFC000  }
0xe5: {  	[spmem:s1] =	stream.indirect.scatter.add.f32 [tilespmem:s29], [sflag:$0x3], $0x80, s12, s28, $0xb8;
	[tilespmem:$0x1E800] =	vst v63  }
0xe6: {  	_ =	swait.ge [sflag:s25], $0x4000  }
0xe7: {  	s13 =	smov.u32 s16;
	s12 =	sshra.s32 s15, $0x2;
	[sflag:s25] =	ssyncset.done $0x0  }
0xe8: {  	s13 =	sadd.s32 $0x80, s12;
	[sflag:s25] =	ssyncadd.s32 $0xFFFFC000  }
0xe9: {  	[tilespmem:s29], [sflag:$0x2] =	stream.indirect.gather [hbm4b:s4+s28], $0x80, s13, s28, $0xb8;
	[tilespmem:$0x1E800] =	vst v63  }
0xea: {  	_ =	swait.ge [sflag:s30], $0x4000  }
0xeb: {  	[sflag:s30] =	ssyncset.done $0x0  }
0xec: {  	s15 =	sadd.s32 $0x1400, s12;
	[sflag:s30] =	ssyncadd.s32 $0xFFFFC000  }
0xed: {  	[spmem:s1] =	stream.indirect.scatter.add.f32 [tilespmem:s24], [sflag:$0x3], $0x80, s15, s28, $0xb8;
	[tilespmem:$0x1E800] =	vst v63  }
0xee: {  	_ =	swait.ge [sflag:s25], $0x4000  }
0xef: {  	[sflag:s25] =	ssyncset.done $0x0  }
0xf0: {  	s16 =	sadd.s32 $0x100, s12;
	[sflag:s25] =	ssyncadd.s32 $0xFFFFC000  }
0xf1: {  	[tilespmem:s24], [sflag:$0x1] =	stream.indirect.gather [hbm4b:s4+s28], $0x80, s16, s28, $0xb8;
	[tilespmem:$0x1E800] =	vst v63  }
0xf2: {  	_ =	swait.ge [sflag:s31], $0x4000  }
0xf3: {  	[sflag:s31] =	ssyncset.done $0x0  }
0xf4: {  	s13 =	sadd.s32 $0x1480, s12;
	[sflag:s31] =	ssyncadd.s32 $0xFFFFC000  }
0xf5: {  	[spmem:s1] =	stream.indirect.scatter.add.f32 [tilespmem:s29], [sflag:$0x3], $0x80, s13, s28, $0xb8;
	[tilespmem:$0x1E800] =	vst v63  }
0xf6: {  	_ =	swait.ge [sflag:s25], $0x4000  }
0xf7: {  	[sflag:s25] =	ssyncset.done $0x0  }
0xf8: {  	[sflag:s25] =	ssyncadd.s32 $0xFFFFC000  }
0xf9: {  	[tilespmem:s29], [sflag:$0x2] =	stream.indirect.gather [hbm4b:s4+s28], $0x80, s0, s28, $0xb8;
	[tilespmem:$0x1E800] =	vst v63  }
0xfa: {  	_ =	swait.ge [sflag:s30], $0x4000  }
0xfb: {  	[sflag:s30] =	ssyncset.done $0x0  }
0xfc: {  	[sflag:s30] =	ssyncadd.s32 $0xFFFFC000  }
0xfd: {  	[spmem:s1] =	stream.indirect.scatter.add.f32 [tilespmem:s24], [sflag:$0x3], $0x80, s9, s28, $0xb8;
	[tilespmem:$0x1E800] =	vst v63  }
0xfe: {  	_ =	swait.ge [sflag:s25], $0x4000  }
0xff: {  	[sflag:s25] =	ssyncset.done $0x0  }
0x100: {  	[sflag:s25] =	ssyncadd.s32 $0xFFFFC000  }
0x101: {  	_ =	swait.ge [sflag:s31], $0x4000  }
0x102: {  	[sflag:s31] =	ssyncset.done $0x0  }
0x103: {  	[sflag:s31] =	ssyncadd.s32 $0xFFFFC000  }
0x104: {  	[spmem:s1] =	stream.indirect.scatter.add.f32 [tilespmem:s29], [sflag:$0x3], $0x80, s10, s28, $0xb8;
	[tilespmem:$0x1E800] =	vst v63  }
0x105: {  	_ =	swait.ge [sflag:s25], $0x4000  }
0x106: {  	[sflag:s25] =	ssyncset.done $0x0  }
0x107: {  	s14 =	simm.s32 $0x0;
	s15 =	rddreg [dreg:$0x9];
	[sflag:s25] =	ssyncadd.s32 $0xFFFFC000  }
0x108: {  	[tilespmem:s14], [sflag:$0x3] =	stream.linear.gather [hbm4b:s15+s14], $0x1400, $0x38;
	[tilespmem:$0x1E800] =	vst v63  }
0x109: {  	_ =	swait.ge [sflag:s25], $0x1400  }
0x10a: {  	[sflag:s25] =	ssyncset.done $0x0  }
0x10b: {  	s16 =	rddreg [dreg:$0xa];
	[sflag:s25] =	ssyncadd.s32 $0xFFFFEC00  }
0x10c: {  	[tilespmem:s26], [sflag:$0x3] =	stream.linear.gather [hbm4b:s16+s14], $0x1400, $0x38;
	[tilespmem:$0x1E800] =	vst v63  }
0x10d: {  	_ =	swait.ge [sflag:s25], $0x1400  }
0x10e: {  	[sflag:s25] =	ssyncset.done $0x0  }
0x10f: {  	[sflag:s25] =	ssyncadd.s32 $0xFFFFEC00  }
0x110: {  	[tilespmem:s24], [sflag:$0x1] =	stream.indirect.gather [hbm4b:s4+s28], $0x80, s14, s28, $0xb8;
	[tilespmem:$0x1E800] =	vst v63  }
0x111: {  	s13 =	simm.s32 $0x80  }
0x112: {  	[tilespmem:s29], [sflag:$0x2] =	stream.indirect.gather [hbm4b:s4+s28], $0x80, s13, s28, $0xb8;
	[tilespmem:$0x1E800] =	vst v63  }
0x113: {  	_ =	swait.ge [sflag:s30], $0x4000  }
0x114: {  	[sflag:s30] =	ssyncset.done $0x0  }
0x115: {  	s14 =	simm.s32 $0x1400;
	[sflag:s30] =	ssyncadd.s32 $0xFFFFC000  }
0x116: {  	[spmem:s1] =	stream.indirect.scatter.add.f32 [tilespmem:s24], [sflag:$0x3], $0x80, s14, s28, $0xb8;
	[tilespmem:$0x1E800] =	vst v63  }
0x117: {  	_ =	swait.ge [sflag:s25], $0x4000  }
0x118: {  	[sflag:s25] =	ssyncset.done $0x0  }
0x119: {  	s15 =	simm.s32 $0x100;
	[sflag:s25] =	ssyncadd.s32 $0xFFFFC000  }
0x11a: {  	[tilespmem:s24], [sflag:$0x1] =	stream.indirect.gather [hbm4b:s4+s28], $0x80, s15, s28, $0xb8;
	[tilespmem:$0x1E800] =	vst v63  }
0x11b: {  	_ =	swait.ge [sflag:s31], $0x4000  }
0x11c: {  	[sflag:s31] =	ssyncset.done $0x0  }
0x11d: {  	s16 =	simm.s32 $0x1480;
	[sflag:s31] =	ssyncadd.s32 $0xFFFFC000  }
0x11e: {  	[spmem:s1] =	stream.indirect.scatter.add.f32 [tilespmem:s29], [sflag:$0x3], $0x80, s16, s28, $0xb8;
	[tilespmem:$0x1E800] =	vst v63  }
0x11f: {  	_ =	swait.ge [sflag:s25], $0x4000  }
0x120: {  	s12 =	simm.s32 $0x100;
	s13 =	simm.s32 $0x800;
	[sflag:s25] =	ssyncset.done $0x0  }
.LBB2_12:
0x121: {  	s14 =	sadd.s32 $0x80, s12  }
0x122: {  	[sflag:s25] =	ssyncadd.s32 $0xFFFFC000;
	s15 =	smov.u32 s13;
	s16 =	sadd.s32 $0x400, s13  }
0x123: {  	[tilespmem:s29], [sflag:$0x2] =	stream.indirect.gather [hbm4b:s4+s28], $0x80, s14, s28, $0xb8;
	[tilespmem:$0x1E800] =	vst v63  }
0x124: {  	p1 =	sne.s32 s13, $0x4800;
	_ =	swait.ge [sflag:s30], $0x4000  }
0x125: {  	[sflag:s30] =	ssyncset.done $0x0  }
0x126: {  	s13 =	sadd.s32 $0x1400, s12;
	[sflag:s30] =	ssyncadd.s32 $0xFFFFC000  }
0x127: {  	[spmem:s1] =	stream.indirect.scatter.add.f32 [tilespmem:s24], [sflag:$0x3], $0x80, s13, s28, $0xb8;
	[tilespmem:$0x1E800] =	vst v63  }
0x128: {  	_ =	swait.ge [sflag:s25], $0x4000  }
0x129: {  	[sflag:s25] =	ssyncset.done $0x0  }
0x12a: {  	s13 =	sadd.s32 $0x100, s12;
	[sflag:s25] =	ssyncadd.s32 $0xFFFFC000  }
0x12b: {  	[tilespmem:s24], [sflag:$0x1] =	stream.indirect.gather [hbm4b:s4+s28], $0x80, s13, s28, $0xb8;
	[tilespmem:$0x1E800] =	vst v63  }
0x12c: {  	_ =	swait.ge [sflag:s31], $0x4000  }
.Ltmp6:
0x12d: {  	[sflag:s31] =	ssyncset.done $0x0;
	(pc) =	sbr.rel @p1 .LBB2_12-.Ltmp6, $4  }
0x12e: {  	s12 =	sadd.s32 $0x1480, s12;
	[sflag:s31] =	ssyncadd.s32 $0xFFFFC000  }
0x12f: {  	[spmem:s1] =	stream.indirect.scatter.add.f32 [tilespmem:s29], [sflag:$0x3], $0x80, s12, s28, $0xb8;
	[tilespmem:$0x1E800] =	vst v63  }
0x130: {  	_ =	swait.ge [sflag:s25], $0x4000  }
0x131: {  	s13 =	smov.u32 s16;
	s12 =	sshra.s32 s15, $0x2;
	[sflag:s25] =	ssyncset.done $0x0  }
0x132: {  	s13 =	sadd.s32 $0x80, s12;
	[sflag:s25] =	ssyncadd.s32 $0xFFFFC000  }
0x133: {  	[tilespmem:s29], [sflag:$0x2] =	stream.indirect.gather [hbm4b:s4+s28], $0x80, s13, s28, $0xb8;
	[tilespmem:$0x1E800] =	vst v63  }
0x134: {  	_ =	swait.ge [sflag:s30], $0x4000  }
0x135: {  	[sflag:s30] =	ssyncset.done $0x0  }
0x136: {  	s14 =	sadd.s32 $0x1400, s12;
	[sflag:s30] =	ssyncadd.s32 $0xFFFFC000  }
0x137: {  	[spmem:s1] =	stream.indirect.scatter.add.f32 [tilespmem:s24], [sflag:$0x3], $0x80, s14, s28, $0xb8;
	[tilespmem:$0x1E800] =	vst v63  }
0x138: {  	_ =	swait.ge [sflag:s25], $0x4000  }
0x139: {  	[sflag:s25] =	ssyncset.done $0x0  }
0x13a: {  	s15 =	sadd.s32 $0x100, s12;
	[sflag:s25] =	ssyncadd.s32 $0xFFFFC000  }
0x13b: {  	[tilespmem:s24], [sflag:$0x1] =	stream.indirect.gather [hbm4b:s4+s28], $0x80, s15, s28, $0xb8;
	[tilespmem:$0x1E800] =	vst v63  }
0x13c: {  	_ =	swait.ge [sflag:s31], $0x4000  }
0x13d: {  	[sflag:s31] =	ssyncset.done $0x0  }
.Ltmp7:
0x13e: {  	s16 =	sadd.s32 $0x1480, s12;
	[sflag:s31] =	ssyncadd.s32 $0xFFFFC000;
	(pc) =	sbr.rel .LBB2_14-.Ltmp7, $4  }
0x13f: {  	[spmem:s1] =	stream.indirect.scatter.add.f32 [tilespmem:s29], [sflag:$0x3], $0x80, s16, s28, $0xb8;
	[tilespmem:$0x1E800] =	vst v63  }
0x140: {  	_ =	swait.ge [sflag:s25], $0x4000  }
0x141: {  	[sflag:s25] =	ssyncset.done $0x0  }
0x142: {  	[sflag:s25] =	ssyncadd.s32 $0xFFFFC000  }
.LBB2_4:
0x143: {  	s13 =	rddreg [dreg:$0x3]  }
0x144: {  	[tilespmem:s12], [sflag:$0x3] =	stream.linear.gather [hbm4b:s13+s12], $0x1400, $0x38;
	[tilespmem:$0x1E800] =	vst v63  }
0x145: {  	_ =	swait.ge [sflag:s25], $0x1400  }
0x146: {  	[sflag:s25] =	ssyncset.done $0x0  }
0x147: {  	s16 =	rddreg [dreg:$0x4];
	[sflag:s25] =	ssyncadd.s32 $0xFFFFEC00  }
0x148: {  	[tilespmem:s26], [sflag:$0x3] =	stream.linear.gather [hbm4b:s16+s12], $0x1400, $0x38;
	[tilespmem:$0x1E800] =	vst v63  }
0x149: {  	_ =	swait.ge [sflag:s25], $0x1400  }
0x14a: {  	[sflag:s25] =	ssyncset.done $0x0  }
0x14b: {  	[sflag:s25] =	ssyncadd.s32 $0xFFFFEC00  }
0x14c: {  	[tilespmem:s24], [sflag:$0x1] =	stream.indirect.gather [hbm4b:s4+s28], $0x80, s12, s28, $0xb8;
	[tilespmem:$0x1E800] =	vst v63  }
0x14d: {  	s13 =	simm.s32 $0x80  }
0x14e: {  	[tilespmem:s29], [sflag:$0x2] =	stream.indirect.gather [hbm4b:s4+s28], $0x80, s13, s28, $0xb8;
	[tilespmem:$0x1E800] =	vst v63  }
0x14f: {  	_ =	swait.ge [sflag:s30], $0x4000  }
0x150: {  	[sflag:s30] =	ssyncset.done $0x0  }
0x151: {  	s14 =	simm.s32 $0x1400;
	[sflag:s30] =	ssyncadd.s32 $0xFFFFC000  }
0x152: {  	[spmem:s1] =	stream.indirect.scatter.add.f32 [tilespmem:s24], [sflag:$0x3], $0x80, s14, s28, $0xb8;
	[tilespmem:$0x1E800] =	vst v63  }
0x153: {  	_ =	swait.ge [sflag:s25], $0x4000  }
0x154: {  	[sflag:s25] =	ssyncset.done $0x0  }
0x155: {  	s15 =	simm.s32 $0x100;
	[sflag:s25] =	ssyncadd.s32 $0xFFFFC000  }
0x156: {  	[tilespmem:s24], [sflag:$0x1] =	stream.indirect.gather [hbm4b:s4+s28], $0x80, s15, s28, $0xb8;
	[tilespmem:$0x1E800] =	vst v63  }
0x157: {  	_ =	swait.ge [sflag:s31], $0x4000  }
0x158: {  	[sflag:s31] =	ssyncset.done $0x0  }
0x159: {  	s16 =	simm.s32 $0x1480;
	[sflag:s31] =	ssyncadd.s32 $0xFFFFC000  }
0x15a: {  	[spmem:s1] =	stream.indirect.scatter.add.f32 [tilespmem:s29], [sflag:$0x3], $0x80, s16, s28, $0xb8;
	[tilespmem:$0x1E800] =	vst v63  }
0x15b: {  	_ =	swait.ge [sflag:s25], $0x4000  }
0x15c: {  	s12 =	simm.s32 $0x100;
	s13 =	simm.s32 $0x800;
	[sflag:s25] =	ssyncset.done $0x0  }
.LBB2_5:
0x15d: {  	s14 =	sadd.s32 $0x80, s12  }
0x15e: {  	[sflag:s25] =	ssyncadd.s32 $0xFFFFC000;
	s15 =	smov.u32 s13;
	s16 =	sadd.s32 $0x400, s13  }
0x15f: {  	[tilespmem:s29], [sflag:$0x2] =	stream.indirect.gather [hbm4b:s4+s28], $0x80, s14, s28, $0xb8;
	[tilespmem:$0x1E800] =	vst v63  }
0x160: {  	p1 =	seq.s32 s13, $0x4800;
	_ =	swait.ge [sflag:s30], $0x4000  }
0x161: {  	[sflag:s30] =	ssyncset.done $0x0  }
0x162: {  	s13 =	sadd.s32 $0x1400, s12;
	[sflag:s30] =	ssyncadd.s32 $0xFFFFC000  }
0x163: {  	[spmem:s1] =	stream.indirect.scatter.add.f32 [tilespmem:s24], [sflag:$0x3], $0x80, s13, s28, $0xb8;
	[tilespmem:$0x1E800] =	vst v63  }
0x164: {  	_ =	swait.ge [sflag:s25], $0x4000  }
0x165: {  	[sflag:s25] =	ssyncset.done $0x0  }
0x166: {  	s13 =	sadd.s32 $0x100, s12;
	[sflag:s25] =	ssyncadd.s32 $0xFFFFC000  }
0x167: {  	[tilespmem:s24], [sflag:$0x1] =	stream.indirect.gather [hbm4b:s4+s28], $0x80, s13, s28, $0xb8;
	[tilespmem:$0x1E800] =	vst v63  }
0x168: {  	_ =	swait.ge [sflag:s31], $0x4000  }
.Ltmp8:
0x169: {  	[sflag:s31] =	ssyncset.done $0x0;
	(pc) =	sbr.rel @!p1 .LBB2_5-.Ltmp8, $4  }
0x16a: {  	s12 =	sadd.s32 $0x1480, s12;
	[sflag:s31] =	ssyncadd.s32 $0xFFFFC000  }
0x16b: {  	[spmem:s1] =	stream.indirect.scatter.add.f32 [tilespmem:s29], [sflag:$0x3], $0x80, s12, s28, $0xb8;
	[tilespmem:$0x1E800] =	vst v63  }
0x16c: {  	_ =	swait.ge [sflag:s25], $0x4000  }
0x16d: {  	s13 =	smov.u32 s16;
	s12 =	sshra.s32 s15, $0x2;
	[sflag:s25] =	ssyncset.done $0x0  }
.Ltmp9:
0x16e: {  	_ = 	snop;
	(pc) =	sbr.rel .LBB2_6-.Ltmp9, $1  }
0x16f: {  	_ =	sdelay $0x3  }
.LBB2_15:
0x170: {  	_ =	sfence.sel $0x180000  }
0x171: {  	[bflag:$0x0] =	sbarrier.arrive $0xFFFF  }
0x172: {  	_ =	strace $0x9000004A  }
0x173: {  	[bflag:$0x2] =	sbarrier.arrive $0xFFFF  }
0x174: {  	p0 =	sne.s32 s2, $0x0;
	s0 =	rddreg [dreg:$0x2]  }
0x175: {  	s0 =	sadd.s32 @!p0 $0x100000, s0  }
0x176: {  	[sflag:s0] =	ssyncadd.tile.s32 @!p0 $0x1;
	_ =	shalt  }
.Lfunc_end2:
_tile_overlayer_lowered:
.L_overlay_start_2:
0x177: {  	(tag) =	ssettag $0x2  }
0x178: {  	s0 =	rddreg [dreg:$0x0];
	s2 =	stileid.u32  }
0x179: {  	s1 =	rddreg [dreg:$0x1];
	p0 =	sne.s32 s2, $0x0  }
0x17a: {  	s3 =	rddreg [dreg:$0x2];
	[bflag:$0x3] =	sbarrier.arrive $0xFFFF;
	s2 =	simm.s32 @!p0 $0x1C03  }
0x17b: {  	[timem:s3], [sflag:s2] =	dma.local @!p0 [hbm:s0], s1  }
0x17c: {  	s0 =	simm.s32 @!p0 $0x3  }
0x17d: {  	_ =	swait.ge @!p0 [sflag:s0], s1  }
0x17e: {  	s1 =	ssub.s32 @!p0 $0x0, s1;
	[sflag:s0] =	ssyncset.done @!p0 $0x0  }
0x17f: {  	[sflag:s0] =	ssyncadd.s32 @!p0 s1  }
0x180: {  	[bflag:$0x3] =	sbarrier.arrive $0xFFFF  }
0x181: {  	_ =	shalt  }

// kernel: kernel.15.cloned.1.call-start
scs
__scs_entry_jumppad:
0x0: {  	(pc) =	sbr.rel $0x88, $3  }
0x1: {  	(tag) =	ssettag $0x0;
	lr =	simm.s32 $0x1  }
0x2: {  	[smem:$0x3F9A] =	sst lr;
	_ =	strace $0xD0000000  }
0x3: {  	_ = 	snop  }
0x4: {  	_ = 	snop  }
0x5: {  	_ = 	snop  }
0x6: {  	_ = 	snop  }
0x7: {  	_ = 	snop  }
__scs_overlays_trampoline_lowered:
0x8: {  	[smem:$0x3FA9] =	sst s0  }
0x9: {  	[smem:$0x3FAA] =	sst s1  }
0xa: {  	[smem:$0x3FAB] =	sst s2  }
0xb: {  	[smem:$0x3FAC] =	sst s3  }
0xc: {  	[smem:$0x3FAD] =	sst s4  }
0xd: {  	[smem:$0x3FAE] =	sst s5  }
0xe: {  	[smem:$0x3FAF] =	sst s6  }
0xf: {  	[smem:$0x3FB0] =	sst s7  }
0x10: {  	[smem:$0x3FB1] =	sst s8  }
0x11: {  	[smem:$0x3FB2] =	sst s9;
	s0 =	simm.s32 @!p0 $0x0  }
0x12: {  	s1 =	sld [smem:$0x3F98];
	s0 =	simm.s32 @p0 $0x1  }
0x13: {  	[smem:$0x3FB3] =	sst s0;
	s0 =	simm.s32 @!p1 $0x0  }
0x14: {  	s2 =	sld [smem:$0x3F97];
	s0 =	simm.s32 @p1 $0x1  }
0x15: {  	[smem:$0x3FB4] =	sst s0;
	s0 =	simm.s32 @!p2 $0x0  }
0x16: {  	s3 =	sld [smem:$0x3FDB];
	s0 =	simm.s32 @p2 $0x1  }
0x17: {  	s4 =	simm.s32 $0x1BF5;
	[smem:$0x3FB6] =	sst s0  }
0x18: {  	s0 =	sld [smem:$0x3F99];
	_ =	swait.ge [sflag:s4], $0x0  }
0x19: {  	s7 =	sld [smem:$0x3F9A]  }
0x1a: {  	s8 =	sadd.s32 $0xFFFFE003, lr  }
0x1b: {  	s9 =	sadd.s32 $0xFFFFFEF7, lr;
	s5 =	simm.s32 $0xFFFFFFFF;
	p2 =	slt.u32 s8, $0xFFFFF086  }
0x1c: {  	p1 =	slt.u32 s9, $0xF7A;
	s5 =	simm.s32 @!p2 $0x0  }
0x1d: {  	s5 =	simm.s32 @p1 $0x1;
	p0 =	seq.s32 s7, s2  }
0x1e: {  	s7 =	smul.u32 @!p0 $0xF7A, s2;
	p2 =	seq.s32 @!p0 s5, $0x0  }
0x1f: {  	s9 =	smul.u32 $0xF7A, s1;
	s8 =	simm.s32 @!p0 $0x1BF5;
	p2 =	por !p2, p0  }
0x20: {  	[sflag:s8] =	ssyncset.s32 @!p0 $0xFFFFF086;
	s6 =	sadd.s32 @!p0 s3, s7;
	s7 =	simm.s32 @!p0 $0x108  }
0x21: {  	s3 =	sadd.s32 s3, s9;
	s6 =	sadd.s32 @!p0 $0x88, s6;
	s7 =	simm.s32 @p2 $0x1082  }
0x22: {  	[simem:s7], [sflag:s8] =	dma.local @!p0 [hbm:s6], $0xF7A  }
0x23: {  	s9 =	sor.u32 $0xD0000000, s2;
	s6 =	simm.s32 $0x108;
	_ =	swait.ge @!p0 [sflag:s8], $0x0  }
0x24: {  	s3 =	sadd.s32 $0x88, s3;
	s6 =	simm.s32 @!p1 $0x1082;
	[sflag:s4] =	ssyncset.s32 $0xFFFFF086  }
0x25: {  	[simem:s6], [sflag:s4] =	dma.local [hbm:s3], $0xF7A  }
0x26: {  	[smem:$0x3F9A] =	sst s1;
	(tag) =	ssettag s2;
	_ =	strace s9  }
0x27: {  	s1 =	sld [smem:$0x3FAA]  }
0x28: {  	s2 =	sld [smem:$0x3FAB]  }
0x29: {  	s4 =	sld [smem:$0x3FAD]  }
0x2a: {  	p0 =	seq.s32 s5, $0x0;
	s5 =	sld [smem:$0x3FAE]  }
0x2b: {  	s6 =	sld [smem:$0x3FAF]  }
0x2c: {  	s7 =	sld [smem:$0x3FB0]  }
0x2d: {  	s3 =	simm.s32 $0x108;
	s8 =	sld [smem:$0x3FB1]  }
0x2e: {  	s3 =	simm.s32 @!p0 $0x1082;
	s9 =	sld [smem:$0x3FB2]  }
0x2f: {  	lr =	sadd.s32 s0, s3;
	s0 =	sld [smem:$0x3FA9]  }
0x30: {  	s3 =	sld [smem:$0x3FAC]  }
0x31: {  	[smem:$0x3FB5] =	sst s10  }
0x32: {  	s10 =	sld [smem:$0x3FB3];
	_ =	sdelay $0x3  }
0x33: {  	p0 =	seq.s32 s10, $0x1;
	s10 =	sld [smem:$0x3FB5];
	_ =	sdelay $0x3  }
0x34: {  	[smem:$0x3FB5] =	sst s10  }
0x35: {  	s10 =	sld [smem:$0x3FB4];
	_ =	sdelay $0x3  }
0x36: {  	p1 =	seq.s32 s10, $0x1;
	s10 =	sld [smem:$0x3FB5];
	_ =	sdelay $0x3  }
0x37: {  	[smem:$0x3FB5] =	sst s10  }
0x38: {  	s10 =	sld [smem:$0x3FB6]  }
0x39: {  	_ = 	snop;
	(pc) =	sbr.ind lr, $3  }
0x3a: {  	_ = 	snop  }
0x3b: {  	_ = 	snop  }
0x3c: {  	p2 =	seq.s32 s10, $0x1;
	s10 =	sld [smem:$0x3FB5]  }
0x3d: {  	_ =	shalt  }
0x3e: {  	_ =	shalt  }
0x3f: {  	_ =	shalt  }
0x40: {  	_ =	shalt  }
0x41: {  	_ =	shalt  }
0x42: {  	_ =	shalt  }
0x43: {  	_ =	shalt  }
0x44: {  	_ =	shalt  }
0x45: {  	_ =	shalt  }
0x46: {  	_ =	shalt  }
0x47: {  	_ =	shalt  }
0x48: {  	_ =	shalt  }
0x49: {  	_ =	shalt  }
0x4a: {  	_ =	shalt  }
0x4b: {  	_ =	shalt  }
0x4c: {  	_ =	shalt  }
0x4d: {  	_ =	shalt  }
0x4e: {  	_ =	shalt  }
0x4f: {  	_ =	shalt  }
0x50: {  	_ =	shalt  }
0x51: {  	_ =	shalt  }
0x52: {  	_ =	shalt  }
0x53: {  	_ =	shalt  }
0x54: {  	_ =	shalt  }
0x55: {  	_ =	shalt  }
0x56: {  	_ =	shalt  }
0x57: {  	_ =	shalt  }
0x58: {  	_ =	shalt  }
0x59: {  	_ =	shalt  }
0x5a: {  	_ =	shalt  }
0x5b: {  	_ =	shalt  }
0x5c: {  	_ =	shalt  }
0x5d: {  	_ =	shalt  }
0x5e: {  	_ =	shalt  }
0x5f: {  	_ =	shalt  }
0x60: {  	_ =	shalt  }
0x61: {  	_ =	shalt  }
0x62: {  	_ =	shalt  }
0x63: {  	_ =	shalt  }
0x64: {  	_ =	shalt  }
0x65: {  	_ =	shalt  }
0x66: {  	_ =	shalt  }
0x67: {  	_ =	shalt  }
0x68: {  	_ =	shalt  }
0x69: {  	_ =	shalt  }
0x6a: {  	_ =	shalt  }
0x6b: {  	_ =	shalt  }
0x6c: {  	_ =	shalt  }
0x6d: {  	_ =	shalt  }
0x6e: {  	_ =	shalt  }
0x6f: {  	_ =	shalt  }
0x70: {  	_ =	shalt  }
0x71: {  	_ =	shalt  }
0x72: {  	_ =	shalt  }
0x73: {  	_ =	shalt  }
0x74: {  	_ =	shalt  }
0x75: {  	_ =	shalt  }
0x76: {  	_ =	shalt  }
0x77: {  	_ =	shalt  }
0x78: {  	_ =	shalt  }
0x79: {  	_ =	shalt  }
0x7a: {  	_ =	shalt  }
0x7b: {  	_ =	shalt  }
0x7c: {  	_ =	shalt  }
0x7d: {  	_ =	shalt  }
0x7e: {  	_ =	shalt  }
0x7f: {  	_ =	shalt  }
0x80: {  	_ =	shalt  }
0x81: {  	_ =	shalt  }
0x82: {  	_ =	shalt  }
0x83: {  	_ =	shalt  }
0x84: {  	_ =	shalt  }
0x85: {  	_ =	shalt  }
0x86: {  	_ =	shalt  }
0x87: {  	_ =	shalt  }
.Lfunc_end0:
.L_simem_size_0:
called_computation.2_lowered:
.L_overlay_start_0:
0x88: {  	s2 =	sld [smem:$0x3FD9]  }
0x89: {  	s3 =	sld [smem:$0x3FFE];
	_ =	sdelay $0x1  }
0x8a: {  	s1 =	srdreg.scid  }
0x8b: {  	s0 =	sand.u32 $0x1, s1  }
0x8c: {  	s16 =	sshll.u32 s0, $0xA;
	s2 =	sadd.s32 s3, s2  }
0x8d: {  	s2 =	sadd.s32 s2, s16  }
0x8e: {  	[smem:$0x3FC1] =	sst s2  }
0x8f: {  	_ = 	snop  }
0x90: {  	(tm) =	ssettm $0x1  }
0x91: {  	s17 =	sld [smem:$0x3FFB];
	_ =	sdelay $0x3  }
0x92: {  	_ =	strace s17  }
0x93: {  	s2 =	sld [smem:$0x3FFC];
	_ =	sdelay $0x3  }
0x94: {  	_ =	strace s2  }
0x95: {  	s2 =	sld [smem:$0x3FFD];
	_ =	sdelay $0x3  }
0x96: {  	_ =	strace s2  }
0x97: {  	_ =	strace $0x8FFFFFFF  }
0x98: {  	s18 =	sld [smem:$0x3FDB];
	_ =	sdelay $0x1  }
0x99: {  	s19 =	simm.s32 $_scs_section_size  }
0x9a: {  	s4 =	simm.s32 $_size__tile_overlayer_lowered;
	s5 =	simm.s32 $_tile_overlayer_lowered  }
0x9b: {  	s22 =	simm.s32 $0x1BFF;
	s21 =	sshll.u32 s5, $0x1;
	s2 =	sadd.s32 s19, s18  }
0x9c: {  	s6 =	simm.s32 $0x0;
	s20 =	sshll.u32 s4, $0x1;
	s4 =	sadd.s32 s21, s2  }
0x9d: {  	[timem:s6], [sflag:s22] =	dma.local [hbm:s4], s20  }
0x9e: {  	_ =	swait.ge [sflag:s22], s20  }
0x9f: {  	s3 =	ssub.s32 $0x0, s20;
	[sflag:s22] =	ssyncset.done $0x0  }
0xa0: {  	[sflag:s22] =	ssyncadd.s32 s3;
	_ =	sdelay $0x1  }
0xa1: {  	s23 =	simm.s32 $0x1B8B  }
0xa2: {  	_ =	swait.ge [sflag:s23], $0x1  }
0xa3: {  	[sflag:s23] =	ssyncset.done $0x0  }
0xa4: {  	s25 =	simm.s32 $0x1B8E;
	s24 =	sld [smem:$0x3FFE];
	[sflag:s23] =	ssyncadd.s32 $0xFFFFFFFF  }
0xa5: {  	s26 =	simm.s32 $execute0_lowered;
	[smem:$0x3FD2] =	sst s25  }
0xa6: {  	s4 =	sshll.u32 s26, $0x1;
	_ =	strace $0x8000004C;
	[dreg:$0x1] =	wrdreg $0xFFFFFFFF  }
0xa7: {  	s28 =	simm.s32 $_size_execute0_lowered;
	s2 =	sadd.s32 s2, s4;
	[dreg:$0x0] =	wrdreg $0x0  }
0xa8: {  	s4 =	sshll.u32 s28, $0x1;
	[dreg:$0x2] =	wrdreg s2  }
0xa9: {  	[dreg:$0x3] =	wrdreg s4  }
0xaa: {  	[dreg:$0x4] =	wrdreg $0xC0  }
0xab: {  	_ =	task [dreg:s6], $0x5FFFF  }
0xac: {  	[dreg:$0x1] =	wrdreg $0xFFFFFFFF  }
0xad: {  	[dreg:$0x0] =	wrdreg $0x60  }
0xae: {  	[dreg:$0x2] =	wrdreg s24  }
0xaf: {  	[dreg:$0x3] =	wrdreg $0xA8000  }
0xb0: {  	[dreg:$0x4] =	wrdreg $0x9  }
0xb1: {  	_ =	task.clear_ibuf [dreg:s6], $0x5FFFF;
	_ =	strace $0x9000004C  }
0xb2: {  	s29 =	simm.s32 $0x9;
	_ =	strace $0x8000004E  }
0xb3: {  	_ =	swait.ge [sflag:s29], $0x1  }
0xb4: {  	[sflag:s29] =	ssyncadd.s32 $0xFFFFFFFF  }
0xb5: {  	_ =	strace $0x9000004E  }
0xb6: {  	_ =	sfence  }
0xb7: {  	s30 =	sld [smem:$0x0];
	_ =	sdelay $0x2  }
0xb8: {  	s31 =	sshll.u32 s1, $0xD;
	s1 =	sshrl.u32 s1, $0x2  }
0xb9: {  	s3 =	sand.u32 $0x4000, s31;
	s1 =	sadd.s32 s1, s30  }
0xba: {  	s0 =	sor.u32 s3, s0;
	s1 =	sshll.u32 s1, $0x11  }
0xbb: {  	s0 =	sor.u32 s1, s0  }
0xbc: {  	s0 =	sadd.s32 $0x8F2B, s0  }
0xbd: {  	[sflag:s0] =	ssyncadd.remote.s32 $0x1  }
0xbe: {  	_ =	sfence.sel $0xFFFF  }
0xbf: {  	[dreg:$0x0] =	wrdreg $0xFFFFFFFF;
	(pc) =	sbr.abs _section_cstart, $3  }
0xc0: {  	[dreg:$0x1] =	wrdreg $0xFFFFFFFF  }
0xc1: {  	_ =	task.clear_ibuf [dreg:s6], $0x2FFFF;
	_ =	strace $0x9FFFFFFF  }
0xc2: {  	(tm) =	ssettm $0x7FFFFFFF  }
0xc3: {  	_ =	shalt  }
tec
execute0_lowered:
.L_overlay_start_1:
0x0: {  	(tag) =	ssettag $0x1  }
0x1: {  	s0 =	rddreg [dreg:$0x0]  }
0x2: {  	s1 =	rddreg [dreg:$0x1];
	s3 =	simm.s32 $0x0  }
0x3: {  	s2 =	stileid.u32;
	s5 =	srdreg.scid;
	s28 =	simm.s32 $0x80  }
0x4: {  	s29 =	simm.s32 $0x6800;
	s30 =	simm.s32 $0x1;
	s6 =	smul.u32 $0x50000, s2  }
0x5: {  	s31 =	simm.s32 $0x2;
	[smem:$0x7FF] =	sst s3;
	s11 =	smul.u32 $0x14000, s2  }
0x6: {  	s4 =	sadd.s32 $0x20600, s0;
	s15 =	sor.u32 $0x10, s2;
	s16 =	smul.u32 $0x2800, s2  }
0x7: {  	s9 =	sadd.s32 $0x16600, s0;
	s10 =	sand.u32 $0x1, s5;
	s19 =	smul.u32 $0x500, s15  }
0x8: {  	s12 =	sadd.s32 $0x2600, s0;
	s0 =	sadd.s32 $0x48600, s0;
	s15 =	smul.u32 $0x2800, s15  }
0x9: {  	_ =	strace $0x8000004D;
	s5 =	ssub.s32 $0x2, s10;
	s24 =	smul.u32 $0x140000, s10  }
0xa: {  	p0 =	seq.s32 s10, $0x0;
	s10 =	simm.s32 $0x2780;
	s7 =	sshrl.u32 s5, $0x1  }
0xb: {  	s6 =	sshrl.u32 s6, $0x2;
	s13 =	sadd.s32 $0x4000, s11;
	s17 =	sadd.s32 $0x8000, s11  }
0xc: {  	s18 =	sadd.s32 $0xC000, s11;
	s16 =	sshrl.u32 s16, $0x3;
	s14 =	ssub.s32 s5, s7  }
0xd: {  	s5 =	sadd.s32 s6, s1;
	s6 =	sadd.s32 s13, s1;
	s20 =	sadd.s32 s9, s19  }
0xe: {  	s7 =	sadd.s32 s17, s1;
	s19 =	sadd.s32 s12, s19;
	[dreg:$0x3] =	wrdreg s20  }
0xf: {  	s8 =	sadd.s32 s18, s1;
	s21 =	sadd.s32 s12, s16;
	[dreg:$0x4] =	wrdreg s19  }
0x10: {  	s15 =	sshrl.u32 s15, $0x3;
	s20 =	sadd.s32 s9, s16;
	[dreg:$0x6] =	wrdreg s21  }
0x11: {  	s16 =	sadd.s32 $0x280, s16;
	s23 =	sadd.s32 $0x280, s15;
	s15 =	sadd.s32 s24, s13  }
0x12: {  	s21 =	sadd.s32 s24, s18;
	[dreg:$0x5] =	wrdreg s20;
	s22 =	sadd.s32 s9, s16  }
0x13: {  	s25 =	sadd.s32 s12, s16;
	s9 =	sadd.s32 s9, s23;
	[dreg:$0x7] =	wrdreg s22  }
0x14: {  	s26 =	sadd.s32 s12, s23;
	s12 =	sadd.s32 $0x10000, s11;
	[dreg:$0x8] =	wrdreg s25  }
0x15: {  	s11 =	sadd.s32 s11, s24;
	s16 =	sadd.s32 s24, s17;
	[dreg:$0x9] =	wrdreg s9  }
0x16: {  	s23 =	sshrl.u32 s15, $0x3;
	[dreg:$0xa] =	wrdreg s26;
	s22 =	sadd.s32 s24, s12  }
0x17: {  	s17 =	sadd.s32 s12, s1;
	s20 =	sshrl.u32 s11, $0x3;
	s19 =	sadd.s32 s0, s23  }
.Ltmp0:
0x18: {  	s24 =	sshrl.u32 s16, $0x3;
	s25 =	sshrl.u32 s21, $0x3;
	(pc) =	sbr.rel .LBB2_1-.Ltmp0, $4  }
0x19: {  	s23 =	smax.u32 s14, $0x1;
	s9 =	simm.s32 $0x2700;
	s11 =	simm.s32 $0x0  }
0x1a: {  	s18 =	sadd.s32 s0, s20;
	s20 =	sadd.s32 s0, s24;
	s26 =	sshrl.u32 s22, $0x3  }
0x1b: {  	s21 =	sadd.s32 s0, s25;
	s24 =	simm.s32 $0x2800;
	s25 =	simm.s32 $0x3  }
0x1c: {  	v0 =	vimm.f32 $0.0e+00;
	s22 =	sadd.s32 s0, s26;
	s26 =	simm.s32 $0x1400;
	s0 =	simm.s32 $0x1380  }
.LBB2_6:
0x1d: {  	s13 =	sadd.s32 $0x80, s12;
	[sflag:s25] =	ssyncadd.s32 $0xFFFFC000  }
0x1e: {  	[tilespmem:s29], [sflag:$0x2] =	stream.indirect.gather [hbm4b:s4+s28], $0x80, s13, s28, $0xb8;
	[tilespmem:$0x1E800] =	vst v63  }
0x1f: {  	_ =	swait.ge [sflag:s30], $0x4000  }
0x20: {  	[sflag:s30] =	ssyncset.done $0x0  }
0x21: {  	s14 =	sadd.s32 $0x1400, s12;
	[sflag:s30] =	ssyncadd.s32 $0xFFFFC000  }
0x22: {  	[spmem:s1] =	stream.indirect.scatter.add.f32 [tilespmem:s24], [sflag:$0x3], $0x80, s14, s28, $0xb8;
	[tilespmem:$0x1E800] =	vst v63  }
0x23: {  	_ =	swait.ge [sflag:s25], $0x4000  }
0x24: {  	[sflag:s25] =	ssyncset.done $0x0  }
0x25: {  	s15 =	sadd.s32 $0x100, s12;
	[sflag:s25] =	ssyncadd.s32 $0xFFFFC000  }
0x26: {  	[tilespmem:s24], [sflag:$0x1] =	stream.indirect.gather [hbm4b:s4+s28], $0x80, s15, s28, $0xb8;
	[tilespmem:$0x1E800] =	vst v63  }
0x27: {  	_ =	swait.ge [sflag:s31], $0x4000  }
0x28: {  	[sflag:s31] =	ssyncset.done $0x0  }
0x29: {  	s16 =	sadd.s32 $0x1480, s12;
	[sflag:s31] =	ssyncadd.s32 $0xFFFFC000  }
0x2a: {  	[spmem:s1] =	stream.indirect.scatter.add.f32 [tilespmem:s29], [sflag:$0x3], $0x80, s16, s28, $0xb8;
	[tilespmem:$0x1E800] =	vst v63  }
0x2b: {  	_ =	swait.ge [sflag:s25], $0x4000  }
0x2c: {  	[sflag:s25] =	ssyncset.done $0x0  }
0x2d: {  	[sflag:s25] =	ssyncadd.s32 $0xFFFFC000  }
.LBB2_14:
0x2e: {  	[tilespmem:s29], [sflag:$0x2] =	stream.indirect.gather [hbm4b:s4+s28], $0x80, s0, s28, $0xb8;
	[tilespmem:$0x1E800] =	vst v63  }
0x2f: {  	_ =	swait.ge [sflag:s30], $0x4000  }
0x30: {  	[sflag:s30] =	ssyncset.done $0x0  }
0x31: {  	[sflag:s30] =	ssyncadd.s32 $0xFFFFC000  }
0x32: {  	[spmem:s1] =	stream.indirect.scatter.add.f32 [tilespmem:s24], [sflag:$0x3], $0x80, s9, s28, $0xb8;
	[tilespmem:$0x1E800] =	vst v63  }
0x33: {  	_ =	swait.ge [sflag:s25], $0x4000  }
0x34: {  	[sflag:s25] =	ssyncset.done $0x0  }
0x35: {  	[sflag:s25] =	ssyncadd.s32 $0xFFFFC000  }
0x36: {  	_ =	swait.ge [sflag:s31], $0x4000  }
0x37: {  	[sflag:s31] =	ssyncset.done $0x0  }
0x38: {  	[sflag:s31] =	ssyncadd.s32 $0xFFFFC000  }
0x39: {  	[spmem:s1] =	stream.indirect.scatter.add.f32 [tilespmem:s29], [sflag:$0x3], $0x80, s10, s28, $0xb8;
	[tilespmem:$0x1E800] =	vst v63  }
0x3a: {  	_ =	swait.ge [sflag:s25], $0x4000  }
0x3b: {  	[sflag:s25] =	ssyncset.done $0x0  }
0x3c: {  	s12 =	sshll.u32 s2, $0x6;
	[sflag:s25] =	ssyncadd.s32 $0xFFFFC000  }
0x3d: {  	s13 =	sshrl.u32 s5, $0x3;
	s12 =	sor.u32 $0x1C03, s12;
	[bflag:$0x0] =	sbarrier.arrive $0xFFFF  }
0x3e: {  	[hbm:s18], [sflag:s12] =	dma.local [spmem:s13], $0x800  }
0x3f: {  	_ =	swait.ge [sflag:s25], $0x800  }
0x40: {  	[sflag:s25] =	ssyncset.done $0x0  }
0x41: {  	s16 =	sshrl.u32 s6, $0x3;
	[sflag:s25] =	ssyncadd.s32 $0xFFFFF800  }
0x42: {  	[hbm:s19], [sflag:s12] =	dma.local [spmem:s16], $0x800  }
0x43: {  	_ =	swait.ge [sflag:s25], $0x800  }
0x44: {  	[sflag:s25] =	ssyncset.done $0x0  }
0x45: {  	s14 =	sshrl.u32 s7, $0x3;
	[sflag:s25] =	ssyncadd.s32 $0xFFFFF800  }
0x46: {  	[hbm:s20], [sflag:s12] =	dma.local [spmem:s14], $0x800  }
0x47: {  	_ =	swait.ge [sflag:s25], $0x800  }
0x48: {  	[sflag:s25] =	ssyncset.done $0x0  }
0x49: {  	s15 =	sshrl.u32 s8, $0x3;
	[sflag:s25] =	ssyncadd.s32 $0xFFFFF800  }
0x4a: {  	[hbm:s21], [sflag:s12] =	dma.local [spmem:s15], $0x800  }
0x4b: {  	s11 =	sadd.s32 $0x1, s11;
	_ =	swait.ge [sflag:s25], $0x800  }
0x4c: {  	p1 =	sne.s32 s11, s23;
	[sflag:s25] =	ssyncset.done $0x0  }
.Ltmp1:
0x4d: {  	s16 =	sshrl.u32 s17, $0x3;
	[sflag:s25] =	ssyncadd.s32 $0xFFFFF800;
	(pc) =	sbr.rel @!p1 .LBB2_15-.Ltmp1, $4  }
0x4e: {  	[hbm:s22], [sflag:s12] =	dma.local [spmem:s16], $0x800  }
0x4f: {  	_ =	swait.ge [sflag:s25], $0x800  }
0x50: {  	[sflag:s25] =	ssyncset.done $0x0  }
0x51: {  	[sflag:s25] =	ssyncadd.s32 $0xFFFFF800  }
.LBB2_1:
0x52: {  	s12 =	sand.u32 $0xFE00, s3  }
0x53: {  	s13 =	sand.u32 $0x70, s3;
	s14 =	sshrl.u32 s12, $0x2  }
0x54: {  	s12 =	simm.s32 $0x40;
	s14 =	sor.u32 s13, s14;
	s13 =	simm.s32 $0x0  }
.LBB2_2:
0x55: {  	p1 =	sne.s32 s12, $0xFFC0  }
0x56: {  	[tilespmem:s14+$0x2800] =	vst v0;
	s13 =	sadd.s32 $0x10, s13;
	s14 =	smov.u32 s12;
	s12 =	sadd.s32 $0x40, s12  }
.Ltmp2:
0x57: {  	(pc) =	sbr.rel @p1 .LBB2_2-.Ltmp2, $4  }
0x58: {  	_ = 	snop  }
0x59: {  	s14 =	sand.u32 $0xFE00, s14  }
0x5a: {  	s15 =	sand.u32 $0x70, s13;
	s14 =	sshrl.u32 s14, $0x2  }
0x5b: {  	s14 =	sor.u32 s15, s14  }
0x5c: {  	[tilespmem:s14+$0x2800] =	vst v0  }
0x5d: {  	[spmem:s5] =	stream.linear.scatter [tilespmem:s24], [sflag:$0x3], $0x4000, $0x38;
	[tilespmem:$0x1E800] =	vst v63  }
0x5e: {  	_ =	swait.ge [sflag:s25], $0x4000  }
0x5f: {  	[sflag:s25] =	ssyncset.done $0x0  }
0x60: {  	[sflag:s25] =	ssyncadd.s32 $0xFFFFC000  }
0x61: {  	[spmem:s6] =	stream.linear.scatter [tilespmem:s24], [sflag:$0x3], $0x4000, $0x38;
	[tilespmem:$0x1E800] =	vst v63  }
0x62: {  	_ =	swait.ge [sflag:s25], $0x4000  }
0x63: {  	[sflag:s25] =	ssyncset.done $0x0  }
0x64: {  	[sflag:s25] =	ssyncadd.s32 $0xFFFFC000  }
0x65: {  	[spmem:s7] =	stream.linear.scatter [tilespmem:s24], [sflag:$0x3], $0x4000, $0x38;
	[tilespmem:$0x1E800] =	vst v63  }
0x66: {  	_ =	swait.ge [sflag:s25], $0x4000  }
0x67: {  	[sflag:s25] =	ssyncset.done $0x0  }
0x68: {  	[sflag:s25] =	ssyncadd.s32 $0xFFFFC000  }
0x69: {  	[spmem:s8] =	stream.linear.scatter [tilespmem:s24], [sflag:$0x3], $0x4000, $0x38;
	[tilespmem:$0x1E800] =	vst v63  }
0x6a: {  	_ =	swait.ge [sflag:s25], $0x4000  }
0x6b: {  	[sflag:s25] =	ssyncset.done $0x0  }
0x6c: {  	[sflag:s25] =	ssyncadd.s32 $0xFFFFC000  }
0x6d: {  	[spmem:s17] =	stream.linear.scatter [tilespmem:s24], [sflag:$0x3], $0x4000, $0x38;
	[tilespmem:$0x1E800] =	vst v63  }
.Ltmp3:
0x6e: {  	_ =	swait.ge [sflag:s25], $0x4000;
	(pc) =	sbr.rel @!p0 .LBB2_4-.Ltmp3, $4  }
0x6f: {  	[sflag:s25] =	ssyncset.done $0x0  }
0x70: {  	[sflag:s25] =	ssyncadd.s32 $0xFFFFC000  }
0x71: {  	[bflag:$0x0] =	sbarrier.arrive $0xFFFF  }
0x72: {  	s12 =	simm.s32 $0x0  }
0x73: {  	s13 =	rddreg [dreg:$0x5]  }
0x74: {  	[tilespmem:s12], [sflag:$0x3] =	stream.linear.gather [hbm4b:s13+s12], $0x1400, $0x38;
	[tilespmem:$0x1E800] =	vst v63  }
0x75: {  	_ =	swait.ge [sflag:s25], $0x1400  }
0x76: {  	[sflag:s25] =	ssyncset.done $0x0  }
0x77: {  	s16 =	rddreg [dreg:$0x6];
	[sflag:s25] =	ssyncadd.s32 $0xFFFFEC00  }
0x78: {  	[tilespmem:s26], [sflag:$0x3] =	stream.linear.gather [hbm4b:s16+s12], $0x1400, $0x38;
	[tilespmem:$0x1E800] =	vst v63  }
0x79: {  	_ =	swait.ge [sflag:s25], $0x1400  }
0x7a: {  	[sflag:s25] =	ssyncset.done $0x0  }
0x7b: {  	[sflag:s25] =	ssyncadd.s32 $0xFFFFEC00  }
0x7c: {  	[tilespmem:s24], [sflag:$0x1] =	stream.indirect.gather [hbm4b:s4+s28], $0x80, s12, s28, $0xb8;
	[tilespmem:$0x1E800] =	vst v63  }
0x7d: {  	s13 =	simm.s32 $0x80  }
0x7e: {  	[tilespmem:s29], [sflag:$0x2] =	stream.indirect.gather [hbm4b:s4+s28], $0x80, s13, s28, $0xb8;
	[tilespmem:$0x1E800] =	vst v63  }
0x7f: {  	_ =	swait.ge [sflag:s30], $0x4000  }
0x80: {  	[sflag:s30] =	ssyncset.done $0x0  }
0x81: {  	s14 =	simm.s32 $0x1400;
	[sflag:s30] =	ssyncadd.s32 $0xFFFFC000  }
0x82: {  	[spmem:s1] =	stream.indirect.scatter.add.f32 [tilespmem:s24], [sflag:$0x3], $0x80, s14, s28, $0xb8;
	[tilespmem:$0x1E800] =	vst v63  }
0x83: {  	_ =	swait.ge [sflag:s25], $0x4000  }
0x84: {  	[sflag:s25] =	ssyncset.done $0x0  }
0x85: {  	s15 =	simm.s32 $0x100;
	[sflag:s25] =	ssyncadd.s32 $0xFFFFC000  }
0x86: {  	[tilespmem:s24], [sflag:$0x1] =	stream.indirect.gather [hbm4b:s4+s28], $0x80, s15, s28, $0xb8;
	[tilespmem:$0x1E800] =	vst v63  }
0x87: {  	_ =	swait.ge [sflag:s31], $0x4000  }
0x88: {  	[sflag:s31] =	ssyncset.done $0x0  }
0x89: {  	s16 =	simm.s32 $0x1480;
	[sflag:s31] =	ssyncadd.s32 $0xFFFFC000  }
0x8a: {  	[spmem:s1] =	stream.indirect.scatter.add.f32 [tilespmem:s29], [sflag:$0x3], $0x80, s16, s28, $0xb8;
	[tilespmem:$0x1E800] =	vst v63  }
0x8b: {  	_ =	swait.ge [sflag:s25], $0x4000  }
0x8c: {  	s12 =	simm.s32 $0x100;
	s13 =	simm.s32 $0x800;
	[sflag:s25] =	ssyncset.done $0x0  }
.LBB2_8:
0x8d: {  	s14 =	sadd.s32 $0x80, s12  }
0x8e: {  	[sflag:s25] =	ssyncadd.s32 $0xFFFFC000;
	s15 =	smov.u32 s13;
	s16 =	sadd.s32 $0x400, s13  }
0x8f: {  	[tilespmem:s29], [sflag:$0x2] =	stream.indirect.gather [hbm4b:s4+s28], $0x80, s14, s28, $0xb8;
	[tilespmem:$0x1E800] =	vst v63  }
0x90: {  	p1 =	sne.s32 s13, $0x4800;
	_ =	swait.ge [sflag:s30], $0x4000  }
0x91: {  	[sflag:s30] =	ssyncset.done $0x0  }
0x92: {  	s13 =	sadd.s32 $0x1400, s12;
	[sflag:s30] =	ssyncadd.s32 $0xFFFFC000  }
0x93: {  	[spmem:s1] =	stream.indirect.scatter.add.f32 [tilespmem:s24], [sflag:$0x3], $0x80, s13, s28, $0xb8;
	[tilespmem:$0x1E800] =	vst v63  }
0x94: {  	_ =	swait.ge [sflag:s25], $0x4000  }
0x95: {  	[sflag:s25] =	ssyncset.done $0x0  }
0x96: {  	s13 =	sadd.s32 $0x100, s12;
	[sflag:s25] =	ssyncadd.s32 $0xFFFFC000  }
0x97: {  	[tilespmem:s24], [sflag:$0x1] =	stream.indirect.gather [hbm4b:s4+s28], $0x80, s13, s28, $0xb8;
	[tilespmem:$0x1E800] =	vst v63  }
0x98: {  	_ =	swait.ge [sflag:s31], $0x4000  }
.Ltmp4:
0x99: {  	[sflag:s31] =	ssyncset.done $0x0;
	(pc) =	sbr.rel @p1 .LBB2_8-.Ltmp4, $4  }
0x9a: {  	s12 =	sadd.s32 $0x1480, s12;
	[sflag:s31] =	ssyncadd.s32 $0xFFFFC000  }
0x9b: {  	[spmem:s1] =	stream.indirect.scatter.add.f32 [tilespmem:s29], [sflag:$0x3], $0x80, s12, s28, $0xb8;
	[tilespmem:$0x1E800] =	vst v63  }
0x9c: {  	_ =	swait.ge [sflag:s25], $0x4000  }
0x9d: {  	s13 =	smov.u32 s16;
	s12 =	sshra.s32 s15, $0x2;
	[sflag:s25] =	ssyncset.done $0x0  }
0x9e: {  	s13 =	sadd.s32 $0x80, s12;
	[sflag:s25] =	ssyncadd.s32 $0xFFFFC000  }
0x9f: {  	[tilespmem:s29], [sflag:$0x2] =	stream.indirect.gather [hbm4b:s4+s28], $0x80, s13, s28, $0xb8;
	[tilespmem:$0x1E800] =	vst v63  }
0xa0: {  	_ =	swait.ge [sflag:s30], $0x4000  }
0xa1: {  	[sflag:s30] =	ssyncset.done $0x0  }
0xa2: {  	s15 =	sadd.s32 $0x1400, s12;
	[sflag:s30] =	ssyncadd.s32 $0xFFFFC000  }
0xa3: {  	[spmem:s1] =	stream.indirect.scatter.add.f32 [tilespmem:s24], [sflag:$0x3], $0x80, s15, s28, $0xb8;
	[tilespmem:$0x1E800] =	vst v63  }
0xa4: {  	_ =	swait.ge [sflag:s25], $0x4000  }
0xa5: {  	[sflag:s25] =	ssyncset.done $0x0  }
0xa6: {  	s16 =	sadd.s32 $0x100, s12;
	[sflag:s25] =	ssyncadd.s32 $0xFFFFC000  }
0xa7: {  	[tilespmem:s24], [sflag:$0x1] =	stream.indirect.gather [hbm4b:s4+s28], $0x80, s16, s28, $0xb8;
	[tilespmem:$0x1E800] =	vst v63  }
0xa8: {  	_ =	swait.ge [sflag:s31], $0x4000  }
0xa9: {  	[sflag:s31] =	ssyncset.done $0x0  }
0xaa: {  	s13 =	sadd.s32 $0x1480, s12;
	[sflag:s31] =	ssyncadd.s32 $0xFFFFC000  }
0xab: {  	[spmem:s1] =	stream.indirect.scatter.add.f32 [tilespmem:s29], [sflag:$0x3], $0x80, s13, s28, $0xb8;
	[tilespmem:$0x1E800] =	vst v63  }
0xac: {  	_ =	swait.ge [sflag:s25], $0x4000  }
0xad: {  	[sflag:s25] =	ssyncset.done $0x0  }
0xae: {  	[sflag:s25] =	ssyncadd.s32 $0xFFFFC000  }
0xaf: {  	[tilespmem:s29], [sflag:$0x2] =	stream.indirect.gather [hbm4b:s4+s28], $0x80, s0, s28, $0xb8;
	[tilespmem:$0x1E800] =	vst v63  }
0xb0: {  	_ =	swait.ge [sflag:s30], $0x4000  }
0xb1: {  	[sflag:s30] =	ssyncset.done $0x0  }
0xb2: {  	[sflag:s30] =	ssyncadd.s32 $0xFFFFC000  }
0xb3: {  	[spmem:s1] =	stream.indirect.scatter.add.f32 [tilespmem:s24], [sflag:$0x3], $0x80, s9, s28, $0xb8;
	[tilespmem:$0x1E800] =	vst v63  }
0xb4: {  	_ =	swait.ge [sflag:s25], $0x4000  }
0xb5: {  	[sflag:s25] =	ssyncset.done $0x0  }
0xb6: {  	[sflag:s25] =	ssyncadd.s32 $0xFFFFC000  }
0xb7: {  	_ =	swait.ge [sflag:s31], $0x4000  }
0xb8: {  	[sflag:s31] =	ssyncset.done $0x0  }
0xb9: {  	[sflag:s31] =	ssyncadd.s32 $0xFFFFC000  }
0xba: {  	[spmem:s1] =	stream.indirect.scatter.add.f32 [tilespmem:s29], [sflag:$0x3], $0x80, s10, s28, $0xb8;
	[tilespmem:$0x1E800] =	vst v63  }
0xbb: {  	_ =	swait.ge [sflag:s25], $0x4000  }
0xbc: {  	[sflag:s25] =	ssyncset.done $0x0  }
0xbd: {  	s14 =	simm.s32 $0x0;
	s15 =	rddreg [dreg:$0x7];
	[sflag:s25] =	ssyncadd.s32 $0xFFFFC000  }
0xbe: {  	[tilespmem:s14], [sflag:$0x3] =	stream.linear.gather [hbm4b:s15+s14], $0x1400, $0x38;
	[tilespmem:$0x1E800] =	vst v63  }
0xbf: {  	_ =	swait.ge [sflag:s25], $0x1400  }
0xc0: {  	[sflag:s25] =	ssyncset.done $0x0  }
0xc1: {  	s16 =	rddreg [dreg:$0x8];
	[sflag:s25] =	ssyncadd.s32 $0xFFFFEC00  }
0xc2: {  	[tilespmem:s26], [sflag:$0x3] =	stream.linear.gather [hbm4b:s16+s14], $0x1400, $0x38;
	[tilespmem:$0x1E800] =	vst v63  }
0xc3: {  	_ =	swait.ge [sflag:s25], $0x1400  }
0xc4: {  	[sflag:s25] =	ssyncset.done $0x0  }
0xc5: {  	[sflag:s25] =	ssyncadd.s32 $0xFFFFEC00  }
0xc6: {  	[tilespmem:s24], [sflag:$0x1] =	stream.indirect.gather [hbm4b:s4+s28], $0x80, s14, s28, $0xb8;
	[tilespmem:$0x1E800] =	vst v63  }
0xc7: {  	s13 =	simm.s32 $0x80  }
0xc8: {  	[tilespmem:s29], [sflag:$0x2] =	stream.indirect.gather [hbm4b:s4+s28], $0x80, s13, s28, $0xb8;
	[tilespmem:$0x1E800] =	vst v63  }
0xc9: {  	_ =	swait.ge [sflag:s30], $0x4000  }
0xca: {  	[sflag:s30] =	ssyncset.done $0x0  }
0xcb: {  	s14 =	simm.s32 $0x1400;
	[sflag:s30] =	ssyncadd.s32 $0xFFFFC000  }
0xcc: {  	[spmem:s1] =	stream.indirect.scatter.add.f32 [tilespmem:s24], [sflag:$0x3], $0x80, s14, s28, $0xb8;
	[tilespmem:$0x1E800] =	vst v63  }
0xcd: {  	_ =	swait.ge [sflag:s25], $0x4000  }
0xce: {  	[sflag:s25] =	ssyncset.done $0x0  }
0xcf: {  	s15 =	simm.s32 $0x100;
	[sflag:s25] =	ssyncadd.s32 $0xFFFFC000  }
0xd0: {  	[tilespmem:s24], [sflag:$0x1] =	stream.indirect.gather [hbm4b:s4+s28], $0x80, s15, s28, $0xb8;
	[tilespmem:$0x1E800] =	vst v63  }
0xd1: {  	_ =	swait.ge [sflag:s31], $0x4000  }
0xd2: {  	[sflag:s31] =	ssyncset.done $0x0  }
0xd3: {  	s16 =	simm.s32 $0x1480;
	[sflag:s31] =	ssyncadd.s32 $0xFFFFC000  }
0xd4: {  	[spmem:s1] =	stream.indirect.scatter.add.f32 [tilespmem:s29], [sflag:$0x3], $0x80, s16, s28, $0xb8;
	[tilespmem:$0x1E800] =	vst v63  }
0xd5: {  	_ =	swait.ge [sflag:s25], $0x4000  }
0xd6: {  	s12 =	simm.s32 $0x100;
	s13 =	simm.s32 $0x800;
	[sflag:s25] =	ssyncset.done $0x0  }
.LBB2_10:
0xd7: {  	s14 =	sadd.s32 $0x80, s12  }
0xd8: {  	[sflag:s25] =	ssyncadd.s32 $0xFFFFC000;
	s15 =	smov.u32 s13;
	s16 =	sadd.s32 $0x400, s13  }
0xd9: {  	[tilespmem:s29], [sflag:$0x2] =	stream.indirect.gather [hbm4b:s4+s28], $0x80, s14, s28, $0xb8;
	[tilespmem:$0x1E800] =	vst v63  }
0xda: {  	p1 =	sne.s32 s13, $0x4800;
	_ =	swait.ge [sflag:s30], $0x4000  }
0xdb: {  	[sflag:s30] =	ssyncset.done $0x0  }
0xdc: {  	s13 =	sadd.s32 $0x1400, s12;
	[sflag:s30] =	ssyncadd.s32 $0xFFFFC000  }
0xdd: {  	[spmem:s1] =	stream.indirect.scatter.add.f32 [tilespmem:s24], [sflag:$0x3], $0x80, s13, s28, $0xb8;
	[tilespmem:$0x1E800] =	vst v63  }
0xde: {  	_ =	swait.ge [sflag:s25], $0x4000  }
0xdf: {  	[sflag:s25] =	ssyncset.done $0x0  }
0xe0: {  	s13 =	sadd.s32 $0x100, s12;
	[sflag:s25] =	ssyncadd.s32 $0xFFFFC000  }
0xe1: {  	[tilespmem:s24], [sflag:$0x1] =	stream.indirect.gather [hbm4b:s4+s28], $0x80, s13, s28, $0xb8;
	[tilespmem:$0x1E800] =	vst v63  }
0xe2: {  	_ =	swait.ge [sflag:s31], $0x4000  }
.Ltmp5:
0xe3: {  	[sflag:s31] =	ssyncset.done $0x0;
	(pc) =	sbr.rel @p1 .LBB2_10-.Ltmp5, $4  }
0xe4: {  	s12 =	sadd.s32 $0x1480, s12;
	[sflag:s31] =	ssyncadd.s32 $0xFFFFC000  }
0xe5: {  	[spmem:s1] =	stream.indirect.scatter.add.f32 [tilespmem:s29], [sflag:$0x3], $0x80, s12, s28, $0xb8;
	[tilespmem:$0x1E800] =	vst v63  }
0xe6: {  	_ =	swait.ge [sflag:s25], $0x4000  }
0xe7: {  	s13 =	smov.u32 s16;
	s12 =	sshra.s32 s15, $0x2;
	[sflag:s25] =	ssyncset.done $0x0  }
0xe8: {  	s13 =	sadd.s32 $0x80, s12;
	[sflag:s25] =	ssyncadd.s32 $0xFFFFC000  }
0xe9: {  	[tilespmem:s29], [sflag:$0x2] =	stream.indirect.gather [hbm4b:s4+s28], $0x80, s13, s28, $0xb8;
	[tilespmem:$0x1E800] =	vst v63  }
0xea: {  	_ =	swait.ge [sflag:s30], $0x4000  }
0xeb: {  	[sflag:s30] =	ssyncset.done $0x0  }
0xec: {  	s15 =	sadd.s32 $0x1400, s12;
	[sflag:s30] =	ssyncadd.s32 $0xFFFFC000  }
0xed: {  	[spmem:s1] =	stream.indirect.scatter.add.f32 [tilespmem:s24], [sflag:$0x3], $0x80, s15, s28, $0xb8;
	[tilespmem:$0x1E800] =	vst v63  }
0xee: {  	_ =	swait.ge [sflag:s25], $0x4000  }
0xef: {  	[sflag:s25] =	ssyncset.done $0x0  }
0xf0: {  	s16 =	sadd.s32 $0x100, s12;
	[sflag:s25] =	ssyncadd.s32 $0xFFFFC000  }
0xf1: {  	[tilespmem:s24], [sflag:$0x1] =	stream.indirect.gather [hbm4b:s4+s28], $0x80, s16, s28, $0xb8;
	[tilespmem:$0x1E800] =	vst v63  }
0xf2: {  	_ =	swait.ge [sflag:s31], $0x4000  }
0xf3: {  	[sflag:s31] =	ssyncset.done $0x0  }
0xf4: {  	s13 =	sadd.s32 $0x1480, s12;
	[sflag:s31] =	ssyncadd.s32 $0xFFFFC000  }
0xf5: {  	[spmem:s1] =	stream.indirect.scatter.add.f32 [tilespmem:s29], [sflag:$0x3], $0x80, s13, s28, $0xb8;
	[tilespmem:$0x1E800] =	vst v63  }
0xf6: {  	_ =	swait.ge [sflag:s25], $0x4000  }
0xf7: {  	[sflag:s25] =	ssyncset.done $0x0  }
0xf8: {  	[sflag:s25] =	ssyncadd.s32 $0xFFFFC000  }
0xf9: {  	[tilespmem:s29], [sflag:$0x2] =	stream.indirect.gather [hbm4b:s4+s28], $0x80, s0, s28, $0xb8;
	[tilespmem:$0x1E800] =	vst v63  }
0xfa: {  	_ =	swait.ge [sflag:s30], $0x4000  }
0xfb: {  	[sflag:s30] =	ssyncset.done $0x0  }
0xfc: {  	[sflag:s30] =	ssyncadd.s32 $0xFFFFC000  }
0xfd: {  	[spmem:s1] =	stream.indirect.scatter.add.f32 [tilespmem:s24], [sflag:$0x3], $0x80, s9, s28, $0xb8;
	[tilespmem:$0x1E800] =	vst v63  }
0xfe: {  	_ =	swait.ge [sflag:s25], $0x4000  }
0xff: {  	[sflag:s25] =	ssyncset.done $0x0  }
0x100: {  	[sflag:s25] =	ssyncadd.s32 $0xFFFFC000  }
0x101: {  	_ =	swait.ge [sflag:s31], $0x4000  }
0x102: {  	[sflag:s31] =	ssyncset.done $0x0  }
0x103: {  	[sflag:s31] =	ssyncadd.s32 $0xFFFFC000  }
0x104: {  	[spmem:s1] =	stream.indirect.scatter.add.f32 [tilespmem:s29], [sflag:$0x3], $0x80, s10, s28, $0xb8;
	[tilespmem:$0x1E800] =	vst v63  }
0x105: {  	_ =	swait.ge [sflag:s25], $0x4000  }
0x106: {  	[sflag:s25] =	ssyncset.done $0x0  }
0x107: {  	s14 =	simm.s32 $0x0;
	s15 =	rddreg [dreg:$0x9];
	[sflag:s25] =	ssyncadd.s32 $0xFFFFC000  }
0x108: {  	[tilespmem:s14], [sflag:$0x3] =	stream.linear.gather [hbm4b:s15+s14], $0x1400, $0x38;
	[tilespmem:$0x1E800] =	vst v63  }
0x109: {  	_ =	swait.ge [sflag:s25], $0x1400  }
0x10a: {  	[sflag:s25] =	ssyncset.done $0x0  }
0x10b: {  	s16 =	rddreg [dreg:$0xa];
	[sflag:s25] =	ssyncadd.s32 $0xFFFFEC00  }
0x10c: {  	[tilespmem:s26], [sflag:$0x3] =	stream.linear.gather [hbm4b:s16+s14], $0x1400, $0x38;
	[tilespmem:$0x1E800] =	vst v63  }
0x10d: {  	_ =	swait.ge [sflag:s25], $0x1400  }
0x10e: {  	[sflag:s25] =	ssyncset.done $0x0  }
0x10f: {  	[sflag:s25] =	ssyncadd.s32 $0xFFFFEC00  }
0x110: {  	[tilespmem:s24], [sflag:$0x1] =	stream.indirect.gather [hbm4b:s4+s28], $0x80, s14, s28, $0xb8;
	[tilespmem:$0x1E800] =	vst v63  }
0x111: {  	s13 =	simm.s32 $0x80  }
0x112: {  	[tilespmem:s29], [sflag:$0x2] =	stream.indirect.gather [hbm4b:s4+s28], $0x80, s13, s28, $0xb8;
	[tilespmem:$0x1E800] =	vst v63  }
0x113: {  	_ =	swait.ge [sflag:s30], $0x4000  }
0x114: {  	[sflag:s30] =	ssyncset.done $0x0  }
0x115: {  	s14 =	simm.s32 $0x1400;
	[sflag:s30] =	ssyncadd.s32 $0xFFFFC000  }
0x116: {  	[spmem:s1] =	stream.indirect.scatter.add.f32 [tilespmem:s24], [sflag:$0x3], $0x80, s14, s28, $0xb8;
	[tilespmem:$0x1E800] =	vst v63  }
0x117: {  	_ =	swait.ge [sflag:s25], $0x4000  }
0x118: {  	[sflag:s25] =	ssyncset.done $0x0  }
0x119: {  	s15 =	simm.s32 $0x100;
	[sflag:s25] =	ssyncadd.s32 $0xFFFFC000  }
0x11a: {  	[tilespmem:s24], [sflag:$0x1] =	stream.indirect.gather [hbm4b:s4+s28], $0x80, s15, s28, $0xb8;
	[tilespmem:$0x1E800] =	vst v63  }
0x11b: {  	_ =	swait.ge [sflag:s31], $0x4000  }
0x11c: {  	[sflag:s31] =	ssyncset.done $0x0  }
0x11d: {  	s16 =	simm.s32 $0x1480;
	[sflag:s31] =	ssyncadd.s32 $0xFFFFC000  }
0x11e: {  	[spmem:s1] =	stream.indirect.scatter.add.f32 [tilespmem:s29], [sflag:$0x3], $0x80, s16, s28, $0xb8;
	[tilespmem:$0x1E800] =	vst v63  }
0x11f: {  	_ =	swait.ge [sflag:s25], $0x4000  }
0x120: {  	s12 =	simm.s32 $0x100;
	s13 =	simm.s32 $0x800;
	[sflag:s25] =	ssyncset.done $0x0  }
.LBB2_12:
0x121: {  	s14 =	sadd.s32 $0x80, s12  }
0x122: {  	[sflag:s25] =	ssyncadd.s32 $0xFFFFC000;
	s15 =	smov.u32 s13;
	s16 =	sadd.s32 $0x400, s13  }
0x123: {  	[tilespmem:s29], [sflag:$0x2] =	stream.indirect.gather [hbm4b:s4+s28], $0x80, s14, s28, $0xb8;
	[tilespmem:$0x1E800] =	vst v63  }
0x124: {  	p1 =	sne.s32 s13, $0x4800;
	_ =	swait.ge [sflag:s30], $0x4000  }
0x125: {  	[sflag:s30] =	ssyncset.done $0x0  }
0x126: {  	s13 =	sadd.s32 $0x1400, s12;
	[sflag:s30] =	ssyncadd.s32 $0xFFFFC000  }
0x127: {  	[spmem:s1] =	stream.indirect.scatter.add.f32 [tilespmem:s24], [sflag:$0x3], $0x80, s13, s28, $0xb8;
	[tilespmem:$0x1E800] =	vst v63  }
0x128: {  	_ =	swait.ge [sflag:s25], $0x4000  }
0x129: {  	[sflag:s25] =	ssyncset.done $0x0  }
0x12a: {  	s13 =	sadd.s32 $0x100, s12;
	[sflag:s25] =	ssyncadd.s32 $0xFFFFC000  }
0x12b: {  	[tilespmem:s24], [sflag:$0x1] =	stream.indirect.gather [hbm4b:s4+s28], $0x80, s13, s28, $0xb8;
	[tilespmem:$0x1E800] =	vst v63  }
0x12c: {  	_ =	swait.ge [sflag:s31], $0x4000  }
.Ltmp6:
0x12d: {  	[sflag:s31] =	ssyncset.done $0x0;
	(pc) =	sbr.rel @p1 .LBB2_12-.Ltmp6, $4  }
0x12e: {  	s12 =	sadd.s32 $0x1480, s12;
	[sflag:s31] =	ssyncadd.s32 $0xFFFFC000  }
0x12f: {  	[spmem:s1] =	stream.indirect.scatter.add.f32 [tilespmem:s29], [sflag:$0x3], $0x80, s12, s28, $0xb8;
	[tilespmem:$0x1E800] =	vst v63  }
0x130: {  	_ =	swait.ge [sflag:s25], $0x4000  }
0x131: {  	s13 =	smov.u32 s16;
	s12 =	sshra.s32 s15, $0x2;
	[sflag:s25] =	ssyncset.done $0x0  }
0x132: {  	s13 =	sadd.s32 $0x80, s12;
	[sflag:s25] =	ssyncadd.s32 $0xFFFFC000  }
0x133: {  	[tilespmem:s29], [sflag:$0x2] =	stream.indirect.gather [hbm4b:s4+s28], $0x80, s13, s28, $0xb8;
	[tilespmem:$0x1E800] =	vst v63  }
0x134: {  	_ =	swait.ge [sflag:s30], $0x4000  }
0x135: {  	[sflag:s30] =	ssyncset.done $0x0  }
0x136: {  	s14 =	sadd.s32 $0x1400, s12;
	[sflag:s30] =	ssyncadd.s32 $0xFFFFC000  }
0x137: {  	[spmem:s1] =	stream.indirect.scatter.add.f32 [tilespmem:s24], [sflag:$0x3], $0x80, s14, s28, $0xb8;
	[tilespmem:$0x1E800] =	vst v63  }
0x138: {  	_ =	swait.ge [sflag:s25], $0x4000  }
0x139: {  	[sflag:s25] =	ssyncset.done $0x0  }
0x13a: {  	s15 =	sadd.s32 $0x100, s12;
	[sflag:s25] =	ssyncadd.s32 $0xFFFFC000  }
0x13b: {  	[tilespmem:s24], [sflag:$0x1] =	stream.indirect.gather [hbm4b:s4+s28], $0x80, s15, s28, $0xb8;
	[tilespmem:$0x1E800] =	vst v63  }
0x13c: {  	_ =	swait.ge [sflag:s31], $0x4000  }
0x13d: {  	[sflag:s31] =	ssyncset.done $0x0  }
.Ltmp7:
0x13e: {  	s16 =	sadd.s32 $0x1480, s12;
	[sflag:s31] =	ssyncadd.s32 $0xFFFFC000;
	(pc) =	sbr.rel .LBB2_14-.Ltmp7, $4  }
0x13f: {  	[spmem:s1] =	stream.indirect.scatter.add.f32 [tilespmem:s29], [sflag:$0x3], $0x80, s16, s28, $0xb8;
	[tilespmem:$0x1E800] =	vst v63  }
0x140: {  	_ =	swait.ge [sflag:s25], $0x4000  }
0x141: {  	[sflag:s25] =	ssyncset.done $0x0  }
0x142: {  	[sflag:s25] =	ssyncadd.s32 $0xFFFFC000  }
.LBB2_4:
0x143: {  	s13 =	rddreg [dreg:$0x3]  }
0x144: {  	[tilespmem:s12], [sflag:$0x3] =	stream.linear.gather [hbm4b:s13+s12], $0x1400, $0x38;
	[tilespmem:$0x1E800] =	vst v63  }
0x145: {  	_ =	swait.ge [sflag:s25], $0x1400  }
0x146: {  	[sflag:s25] =	ssyncset.done $0x0  }
0x147: {  	s16 =	rddreg [dreg:$0x4];
	[sflag:s25] =	ssyncadd.s32 $0xFFFFEC00  }
0x148: {  	[tilespmem:s26], [sflag:$0x3] =	stream.linear.gather [hbm4b:s16+s12], $0x1400, $0x38;
	[tilespmem:$0x1E800] =	vst v63  }
0x149: {  	_ =	swait.ge [sflag:s25], $0x1400  }
0x14a: {  	[sflag:s25] =	ssyncset.done $0x0  }
0x14b: {  	[sflag:s25] =	ssyncadd.s32 $0xFFFFEC00  }
0x14c: {  	[tilespmem:s24], [sflag:$0x1] =	stream.indirect.gather [hbm4b:s4+s28], $0x80, s12, s28, $0xb8;
	[tilespmem:$0x1E800] =	vst v63  }
0x14d: {  	s13 =	simm.s32 $0x80  }
0x14e: {  	[tilespmem:s29], [sflag:$0x2] =	stream.indirect.gather [hbm4b:s4+s28], $0x80, s13, s28, $0xb8;
	[tilespmem:$0x1E800] =	vst v63  }
0x14f: {  	_ =	swait.ge [sflag:s30], $0x4000  }
0x150: {  	[sflag:s30] =	ssyncset.done $0x0  }
0x151: {  	s14 =	simm.s32 $0x1400;
	[sflag:s30] =	ssyncadd.s32 $0xFFFFC000  }
0x152: {  	[spmem:s1] =	stream.indirect.scatter.add.f32 [tilespmem:s24], [sflag:$0x3], $0x80, s14, s28, $0xb8;
	[tilespmem:$0x1E800] =	vst v63  }
0x153: {  	_ =	swait.ge [sflag:s25], $0x4000  }
0x154: {  	[sflag:s25] =	ssyncset.done $0x0  }
0x155: {  	s15 =	simm.s32 $0x100;
	[sflag:s25] =	ssyncadd.s32 $0xFFFFC000  }
0x156: {  	[tilespmem:s24], [sflag:$0x1] =	stream.indirect.gather [hbm4b:s4+s28], $0x80, s15, s28, $0xb8;
	[tilespmem:$0x1E800] =	vst v63  }
0x157: {  	_ =	swait.ge [sflag:s31], $0x4000  }
0x158: {  	[sflag:s31] =	ssyncset.done $0x0  }
0x159: {  	s16 =	simm.s32 $0x1480;
	[sflag:s31] =	ssyncadd.s32 $0xFFFFC000  }
0x15a: {  	[spmem:s1] =	stream.indirect.scatter.add.f32 [tilespmem:s29], [sflag:$0x3], $0x80, s16, s28, $0xb8;
	[tilespmem:$0x1E800] =	vst v63  }
0x15b: {  	_ =	swait.ge [sflag:s25], $0x4000  }
0x15c: {  	s12 =	simm.s32 $0x100;
	s13 =	simm.s32 $0x800;
	[sflag:s25] =	ssyncset.done $0x0  }
.LBB2_5:
0x15d: {  	s14 =	sadd.s32 $0x80, s12  }
0x15e: {  	[sflag:s25] =	ssyncadd.s32 $0xFFFFC000;
	s15 =	smov.u32 s13;
	s16 =	sadd.s32 $0x400, s13  }
0x15f: {  	[tilespmem:s29], [sflag:$0x2] =	stream.indirect.gather [hbm4b:s4+s28], $0x80, s14, s28, $0xb8;
	[tilespmem:$0x1E800] =	vst v63  }
0x160: {  	p1 =	seq.s32 s13, $0x4800;
	_ =	swait.ge [sflag:s30], $0x4000  }
0x161: {  	[sflag:s30] =	ssyncset.done $0x0  }
0x162: {  	s13 =	sadd.s32 $0x1400, s12;
	[sflag:s30] =	ssyncadd.s32 $0xFFFFC000  }
0x163: {  	[spmem:s1] =	stream.indirect.scatter.add.f32 [tilespmem:s24], [sflag:$0x3], $0x80, s13, s28, $0xb8;
	[tilespmem:$0x1E800] =	vst v63  }
0x164: {  	_ =	swait.ge [sflag:s25], $0x4000  }
0x165: {  	[sflag:s25] =	ssyncset.done $0x0  }
0x166: {  	s13 =	sadd.s32 $0x100, s12;
	[sflag:s25] =	ssyncadd.s32 $0xFFFFC000  }
0x167: {  	[tilespmem:s24], [sflag:$0x1] =	stream.indirect.gather [hbm4b:s4+s28], $0x80, s13, s28, $0xb8;
	[tilespmem:$0x1E800] =	vst v63  }
0x168: {  	_ =	swait.ge [sflag:s31], $0x4000  }
.Ltmp8:
0x169: {  	[sflag:s31] =	ssyncset.done $0x0;
	(pc) =	sbr.rel @!p1 .LBB2_5-.Ltmp8, $4  }
0x16a: {  	s12 =	sadd.s32 $0x1480, s12;
	[sflag:s31] =	ssyncadd.s32 $0xFFFFC000  }
0x16b: {  	[spmem:s1] =	stream.indirect.scatter.add.f32 [tilespmem:s29], [sflag:$0x3], $0x80, s12, s28, $0xb8;
	[tilespmem:$0x1E800] =	vst v63  }
0x16c: {  	_ =	swait.ge [sflag:s25], $0x4000  }
0x16d: {  	s13 =	smov.u32 s16;
	s12 =	sshra.s32 s15, $0x2;
	[sflag:s25] =	ssyncset.done $0x0  }
.Ltmp9:
0x16e: {  	_ = 	snop;
	(pc) =	sbr.rel .LBB2_6-.Ltmp9, $1  }
0x16f: {  	_ =	sdelay $0x3  }
.LBB2_15:
0x170: {  	_ =	sfence.sel $0x180000  }
0x171: {  	[bflag:$0x0] =	sbarrier.arrive $0xFFFF  }
0x172: {  	_ =	strace $0x9000004D  }
0x173: {  	[bflag:$0x2] =	sbarrier.arrive $0xFFFF  }
0x174: {  	p0 =	sne.s32 s2, $0x0;
	s0 =	rddreg [dreg:$0x2]  }
0x175: {  	s0 =	sadd.s32 @!p0 $0x100000, s0  }
0x176: {  	[sflag:s0] =	ssyncadd.tile.s32 @!p0 $0x1;
	_ =	shalt  }
.Lfunc_end2:
_tile_overlayer_lowered:
.L_overlay_start_2:
0x177: {  	(tag) =	ssettag $0x2  }
0x178: {  	s0 =	rddreg [dreg:$0x0];
	s2 =	stileid.u32  }
0x179: {  	s1 =	rddreg [dreg:$0x1];
	p0 =	sne.s32 s2, $0x0  }
0x17a: {  	s3 =	rddreg [dreg:$0x2];
	[bflag:$0x3] =	sbarrier.arrive $0xFFFF;
	s2 =	simm.s32 @!p0 $0x1C03  }
0x17b: {  	[timem:s3], [sflag:s2] =	dma.local @!p0 [hbm:s0], s1  }
0x17c: {  	s0 =	simm.s32 @!p0 $0x3  }
0x17d: {  	_ =	swait.ge @!p0 [sflag:s0], s1  }
0x17e: {  	s1 =	ssub.s32 @!p0 $0x0, s1;
	[sflag:s0] =	ssyncset.done @!p0 $0x0  }
0x17f: {  	[sflag:s0] =	ssyncadd.s32 @!p0 s1  }
0x180: {  	[bflag:$0x3] =	sbarrier.arrive $0xFFFF  }
0x181: {  	_ =	shalt  }

// kernel: kernel.18.cloned.1.call-start
scs
__scs_entry_jumppad:
0x0: {  	(pc) =	sbr.rel $0x88, $3  }
0x1: {  	(tag) =	ssettag $0x0;
	lr =	simm.s32 $0x1  }
0x2: {  	[smem:$0x3F9A] =	sst lr;
	_ =	strace $0xD0000000  }
0x3: {  	_ = 	snop  }
0x4: {  	_ = 	snop  }
0x5: {  	_ = 	snop  }
0x6: {  	_ = 	snop  }
0x7: {  	_ = 	snop  }
__scs_overlays_trampoline_lowered:
0x8: {  	[smem:$0x3FA9] =	sst s0  }
0x9: {  	[smem:$0x3FAA] =	sst s1  }
0xa: {  	[smem:$0x3FAB] =	sst s2  }
0xb: {  	[smem:$0x3FAC] =	sst s3  }
0xc: {  	[smem:$0x3FAD] =	sst s4  }
0xd: {  	[smem:$0x3FAE] =	sst s5  }
0xe: {  	[smem:$0x3FAF] =	sst s6  }
0xf: {  	[smem:$0x3FB0] =	sst s7  }
0x10: {  	[smem:$0x3FB1] =	sst s8  }
0x11: {  	[smem:$0x3FB2] =	sst s9;
	s0 =	simm.s32 @!p0 $0x0  }
0x12: {  	s1 =	sld [smem:$0x3F98];
	s0 =	simm.s32 @p0 $0x1  }
0x13: {  	[smem:$0x3FB3] =	sst s0;
	s0 =	simm.s32 @!p1 $0x0  }
0x14: {  	s2 =	sld [smem:$0x3F97];
	s0 =	simm.s32 @p1 $0x1  }
0x15: {  	[smem:$0x3FB4] =	sst s0;
	s0 =	simm.s32 @!p2 $0x0  }
0x16: {  	s3 =	sld [smem:$0x3FDB];
	s0 =	simm.s32 @p2 $0x1  }
0x17: {  	s4 =	simm.s32 $0x1BF5;
	[smem:$0x3FB6] =	sst s0  }
0x18: {  	s0 =	sld [smem:$0x3F99];
	_ =	swait.ge [sflag:s4], $0x0  }
0x19: {  	s7 =	sld [smem:$0x3F9A]  }
0x1a: {  	s8 =	sadd.s32 $0xFFFFE003, lr  }
0x1b: {  	s9 =	sadd.s32 $0xFFFFFEF7, lr;
	s5 =	simm.s32 $0xFFFFFFFF;
	p2 =	slt.u32 s8, $0xFFFFF086  }
0x1c: {  	p1 =	slt.u32 s9, $0xF7A;
	s5 =	simm.s32 @!p2 $0x0  }
0x1d: {  	s5 =	simm.s32 @p1 $0x1;
	p0 =	seq.s32 s7, s2  }
0x1e: {  	s7 =	smul.u32 @!p0 $0xF7A, s2;
	p2 =	seq.s32 @!p0 s5, $0x0  }
0x1f: {  	s9 =	smul.u32 $0xF7A, s1;
	s8 =	simm.s32 @!p0 $0x1BF5;
	p2 =	por !p2, p0  }
0x20: {  	[sflag:s8] =	ssyncset.s32 @!p0 $0xFFFFF086;
	s6 =	sadd.s32 @!p0 s3, s7;
	s7 =	simm.s32 @!p0 $0x108  }
0x21: {  	s3 =	sadd.s32 s3, s9;
	s6 =	sadd.s32 @!p0 $0x88, s6;
	s7 =	simm.s32 @p2 $0x1082  }
0x22: {  	[simem:s7], [sflag:s8] =	dma.local @!p0 [hbm:s6], $0xF7A  }
0x23: {  	s9 =	sor.u32 $0xD0000000, s2;
	s6 =	simm.s32 $0x108;
	_ =	swait.ge @!p0 [sflag:s8], $0x0  }
0x24: {  	s3 =	sadd.s32 $0x88, s3;
	s6 =	simm.s32 @!p1 $0x1082;
	[sflag:s4] =	ssyncset.s32 $0xFFFFF086  }
0x25: {  	[simem:s6], [sflag:s4] =	dma.local [hbm:s3], $0xF7A  }
0x26: {  	[smem:$0x3F9A] =	sst s1;
	(tag) =	ssettag s2;
	_ =	strace s9  }
0x27: {  	s1 =	sld [smem:$0x3FAA]  }
0x28: {  	s2 =	sld [smem:$0x3FAB]  }
0x29: {  	s4 =	sld [smem:$0x3FAD]  }
0x2a: {  	p0 =	seq.s32 s5, $0x0;
	s5 =	sld [smem:$0x3FAE]  }
0x2b: {  	s6 =	sld [smem:$0x3FAF]  }
0x2c: {  	s7 =	sld [smem:$0x3FB0]  }
0x2d: {  	s3 =	simm.s32 $0x108;
	s8 =	sld [smem:$0x3FB1]  }
0x2e: {  	s3 =	simm.s32 @!p0 $0x1082;
	s9 =	sld [smem:$0x3FB2]  }
0x2f: {  	lr =	sadd.s32 s0, s3;
	s0 =	sld [smem:$0x3FA9]  }
0x30: {  	s3 =	sld [smem:$0x3FAC]  }
0x31: {  	[smem:$0x3FB5] =	sst s10  }
0x32: {  	s10 =	sld [smem:$0x3FB3];
	_ =	sdelay $0x3  }
0x33: {  	p0 =	seq.s32 s10, $0x1;
	s10 =	sld [smem:$0x3FB5];
	_ =	sdelay $0x3  }
0x34: {  	[smem:$0x3FB5] =	sst s10  }
0x35: {  	s10 =	sld [smem:$0x3FB4];
	_ =	sdelay $0x3  }
0x36: {  	p1 =	seq.s32 s10, $0x1;
	s10 =	sld [smem:$0x3FB5];
	_ =	sdelay $0x3  }
0x37: {  	[smem:$0x3FB5] =	sst s10  }
0x38: {  	s10 =	sld [smem:$0x3FB6]  }
0x39: {  	_ = 	snop;
	(pc) =	sbr.ind lr, $3  }
0x3a: {  	_ = 	snop  }
0x3b: {  	_ = 	snop  }
0x3c: {  	p2 =	seq.s32 s10, $0x1;
	s10 =	sld [smem:$0x3FB5]  }
0x3d: {  	_ =	shalt  }
0x3e: {  	_ =	shalt  }
0x3f: {  	_ =	shalt  }
0x40: {  	_ =	shalt  }
0x41: {  	_ =	shalt  }
0x42: {  	_ =	shalt  }
0x43: {  	_ =	shalt  }
0x44: {  	_ =	shalt  }
0x45: {  	_ =	shalt  }
0x46: {  	_ =	shalt  }
0x47: {  	_ =	shalt  }
0x48: {  	_ =	shalt  }
0x49: {  	_ =	shalt  }
0x4a: {  	_ =	shalt  }
0x4b: {  	_ =	shalt  }
0x4c: {  	_ =	shalt  }
0x4d: {  	_ =	shalt  }
0x4e: {  	_ =	shalt  }
0x4f: {  	_ =	shalt  }
0x50: {  	_ =	shalt  }
0x51: {  	_ =	shalt  }
0x52: {  	_ =	shalt  }
0x53: {  	_ =	shalt  }
0x54: {  	_ =	shalt  }
0x55: {  	_ =	shalt  }
0x56: {  	_ =	shalt  }
0x57: {  	_ =	shalt  }
0x58: {  	_ =	shalt  }
0x59: {  	_ =	shalt  }
0x5a: {  	_ =	shalt  }
0x5b: {  	_ =	shalt  }
0x5c: {  	_ =	shalt  }
0x5d: {  	_ =	shalt  }
0x5e: {  	_ =	shalt  }
0x5f: {  	_ =	shalt  }
0x60: {  	_ =	shalt  }
0x61: {  	_ =	shalt  }
0x62: {  	_ =	shalt  }
0x63: {  	_ =	shalt  }
0x64: {  	_ =	shalt  }
0x65: {  	_ =	shalt  }
0x66: {  	_ =	shalt  }
0x67: {  	_ =	shalt  }
0x68: {  	_ =	shalt  }
0x69: {  	_ =	shalt  }
0x6a: {  	_ =	shalt  }
0x6b: {  	_ =	shalt  }
0x6c: {  	_ =	shalt  }
0x6d: {  	_ =	shalt  }
0x6e: {  	_ =	shalt  }
0x6f: {  	_ =	shalt  }
0x70: {  	_ =	shalt  }
0x71: {  	_ =	shalt  }
0x72: {  	_ =	shalt  }
0x73: {  	_ =	shalt  }
0x74: {  	_ =	shalt  }
0x75: {  	_ =	shalt  }
0x76: {  	_ =	shalt  }
0x77: {  	_ =	shalt  }
0x78: {  	_ =	shalt  }
0x79: {  	_ =	shalt  }
0x7a: {  	_ =	shalt  }
0x7b: {  	_ =	shalt  }
0x7c: {  	_ =	shalt  }
0x7d: {  	_ =	shalt  }
0x7e: {  	_ =	shalt  }
0x7f: {  	_ =	shalt  }
0x80: {  	_ =	shalt  }
0x81: {  	_ =	shalt  }
0x82: {  	_ =	shalt  }
0x83: {  	_ =	shalt  }
0x84: {  	_ =	shalt  }
0x85: {  	_ =	shalt  }
0x86: {  	_ =	shalt  }
0x87: {  	_ =	shalt  }
.Lfunc_end0:
.L_simem_size_0:
called_computation.3_lowered:
.L_overlay_start_0:
0x88: {  	s2 =	sld [smem:$0x3FD9]  }
0x89: {  	s3 =	sld [smem:$0x3FFE];
	_ =	sdelay $0x1  }
0x8a: {  	s1 =	srdreg.scid  }
0x8b: {  	s0 =	sand.u32 $0x1, s1  }
0x8c: {  	s16 =	sshll.u32 s0, $0xA;
	s2 =	sadd.s32 s3, s2  }
0x8d: {  	s2 =	sadd.s32 s2, s16  }
0x8e: {  	[smem:$0x3FC1] =	sst s2  }
0x8f: {  	_ = 	snop  }
0x90: {  	(tm) =	ssettm $0x1  }
0x91: {  	s17 =	sld [smem:$0x3FFB];
	_ =	sdelay $0x3  }
0x92: {  	_ =	strace s17  }
0x93: {  	s2 =	sld [smem:$0x3FFC];
	_ =	sdelay $0x3  }
0x94: {  	_ =	strace s2  }
0x95: {  	s2 =	sld [smem:$0x3FFD];
	_ =	sdelay $0x3  }
0x96: {  	_ =	strace s2  }
0x97: {  	_ =	strace $0x8FFFFFFF  }
0x98: {  	s18 =	sld [smem:$0x3FDB];
	_ =	sdelay $0x1  }
0x99: {  	s19 =	simm.s32 $_scs_section_size  }
0x9a: {  	s4 =	simm.s32 $_size__tile_overlayer_lowered;
	s5 =	simm.s32 $_tile_overlayer_lowered  }
0x9b: {  	s22 =	simm.s32 $0x1BFF;
	s21 =	sshll.u32 s5, $0x1;
	s2 =	sadd.s32 s19, s18  }
0x9c: {  	s6 =	simm.s32 $0x0;
	s20 =	sshll.u32 s4, $0x1;
	s4 =	sadd.s32 s21, s2  }
0x9d: {  	[timem:s6], [sflag:s22] =	dma.local [hbm:s4], s20  }
0x9e: {  	_ =	swait.ge [sflag:s22], s20  }
0x9f: {  	s3 =	ssub.s32 $0x0, s20;
	[sflag:s22] =	ssyncset.done $0x0  }
0xa0: {  	[sflag:s22] =	ssyncadd.s32 s3;
	_ =	sdelay $0x1  }
0xa1: {  	s23 =	simm.s32 $0x1B8B  }
0xa2: {  	_ =	swait.ge [sflag:s23], $0x1  }
0xa3: {  	[sflag:s23] =	ssyncset.done $0x0  }
0xa4: {  	s25 =	simm.s32 $0x1B8E;
	s24 =	sld [smem:$0x3FFE];
	[sflag:s23] =	ssyncadd.s32 $0xFFFFFFFF  }
0xa5: {  	s26 =	simm.s32 $execute0_lowered;
	[smem:$0x3FD2] =	sst s25  }
0xa6: {  	s4 =	sshll.u32 s26, $0x1;
	_ =	strace $0x8000004F;
	[dreg:$0x1] =	wrdreg $0xFFFFFFFF  }
0xa7: {  	s28 =	simm.s32 $_size_execute0_lowered;
	s2 =	sadd.s32 s2, s4;
	[dreg:$0x0] =	wrdreg $0x0  }
0xa8: {  	s4 =	sshll.u32 s28, $0x1;
	[dreg:$0x2] =	wrdreg s2  }
0xa9: {  	[dreg:$0x3] =	wrdreg s4  }
0xaa: {  	[dreg:$0x4] =	wrdreg $0xC0  }
0xab: {  	_ =	task [dreg:s6], $0x5FFFF  }
0xac: {  	[dreg:$0x1] =	wrdreg $0xFFFFFFFF  }
0xad: {  	[dreg:$0x0] =	wrdreg $0x60  }
0xae: {  	[dreg:$0x2] =	wrdreg s24  }
0xaf: {  	[dreg:$0x3] =	wrdreg $0x9  }
0xb0: {  	_ =	task.clear_ibuf [dreg:s6], $0x4FFFF;
	_ =	strace $0x9000004F  }
0xb1: {  	s29 =	simm.s32 $0x9;
	_ =	strace $0x80000051  }
0xb2: {  	_ =	swait.ge [sflag:s29], $0x1  }
0xb3: {  	[sflag:s29] =	ssyncadd.s32 $0xFFFFFFFF  }
0xb4: {  	_ =	strace $0x90000051  }
0xb5: {  	_ =	sfence  }
0xb6: {  	s30 =	sld [smem:$0x0];
	_ =	sdelay $0x2  }
0xb7: {  	s31 =	sshll.u32 s1, $0xD;
	s1 =	sshrl.u32 s1, $0x2  }
0xb8: {  	s3 =	sand.u32 $0x4000, s31;
	s1 =	sadd.s32 s1, s30  }
0xb9: {  	s0 =	sor.u32 s3, s0;
	s1 =	sshll.u32 s1, $0x11  }
0xba: {  	s0 =	sor.u32 s1, s0  }
0xbb: {  	s0 =	sadd.s32 $0x8F2B, s0  }
0xbc: {  	[sflag:s0] =	ssyncadd.remote.s32 $0x1  }
0xbd: {  	_ =	sfence.sel $0xFFFF  }
0xbe: {  	[dreg:$0x0] =	wrdreg $0xFFFFFFFF;
	(pc) =	sbr.abs _section_cstart, $3  }
0xbf: {  	[dreg:$0x1] =	wrdreg $0xFFFFFFFF  }
0xc0: {  	_ =	task.clear_ibuf [dreg:s6], $0x2FFFF;
	_ =	strace $0x9FFFFFFF  }
0xc1: {  	(tm) =	ssettm $0x7FFFFFFF  }
tec
execute0_lowered:
.L_overlay_start_1:
0x0: {  	(tag) =	ssettag $0x1  }
0x1: {  	s0 =	rddreg [dreg:$0x0]  }
0x2: {  	s2 =	simm.s32 $0x0;
	s1 =	srdreg.scid;
	s11 =	stileid.u32  }
0x3: {  	s14 =	simm.s32 $0x5;
	s16 =	simm.s32 $0x3800;
	s18 =	simm.s32 $0x80  }
0x4: {  	s21 =	simm.s32 $0xF000;
	s22 =	simm.s32 $0x13000;
	s23 =	simm.s32 $0x1  }
0x5: {  	s24 =	simm.s32 $0x2;
	s25 =	simm.s32 $0x17000;
	s26 =	simm.s32 $0x3  }
0x6: {  	s28 =	simm.s32 $0x4;
	s30 =	simm.s32 $0x0;
	[smem:$0x7FF] =	sst s2  }
0x7: {  	s1 =	sand.u32 $0x1, s1;
	s4 =	sor.u32 $0x10, s11;
	s3 =	sadd.s32 $0x16600, s0  }
0x8: {  	s8 =	sadd.s32 $0xC600, s0;
	s10 =	sadd.s32 $0x98600, s0;
	s11 =	smul.u32 $0x500, s11  }
0x9: {  	s0 =	sadd.s32 $0x2600, s0;
	s5 =	ssub.s32 $0x2, s1;
	s6 =	smul.u32 $0x500, s4  }
0xa: {  	_ =	strace $0x80000050;
	s9 =	smul.u32 $0x2800, s4;
	s7 =	sshrl.u32 s5, $0x1  }
.Ltmp0:
0xb: {  	p0 =	seq.s32 s1, $0x0;
	s13 =	ssub.s32 s5, s7;
	(pc) =	sbr.rel .LBB2_1-.Ltmp0, $4  }
0xc: {  	s4 =	sadd.s32 s8, s6;
	s31 =	sshrl.u32 s9, $0x3;
	s5 =	sadd.s32 s10, s6  }
0xd: {  	s6 =	sadd.s32 s0, s6;
	s7 =	sadd.s32 s8, s11;
	s9 =	sadd.s32 s10, s11  }
0xe: {  	s11 =	sadd.s32 s0, s11;
	s12 =	sadd.s32 $0x300, s31;
	s13 =	smax.u32 s13, $0x1  }
0xf: {  	v0 =	vimm.f32 $0.0e+00;
	s8 =	sadd.s32 s8, s12;
	s10 =	sadd.s32 s10, s12;
	s12 =	sadd.s32 s0, s12  }
.LBB2_20:
0x10: {  	s30 =	sadd.s32 $0x1, s30  }
0x11: {  	p1 =	sne.s32 s30, s13  }
.Ltmp1:
0x12: {  	_ = 	snop;
	(pc) =	sbr.rel @!p1 .LBB2_21-.Ltmp1, $1  }
0x13: {  	_ =	sdelay $0x3  }
.LBB2_1:
.Ltmp2:
0x14: {  	(pc) =	sbr.rel @!p0 .LBB2_2-.Ltmp2, $2  }
0x15: {  	_ =	sdelay $0x2  }
0x16: {  	s0 =	simm.s32 $0x0  }
0x17: {  	[tilespmem:s0], [sflag:$0x5] =	stream.linear.gather [hbm4b:s7+s0], $0x2800, $0x38;
	[tilespmem:$0x1A800] =	vst v63  }
0x18: {  	_ =	swait.ge [sflag:s14], $0x2800  }
0x19: {  	[sflag:s14] =	ssyncset.done $0x0  }
0x1a: {  	s1 =	simm.s32 $0x2800;
	[sflag:s14] =	ssyncadd.s32 $0xFFFFD800  }
0x1b: {  	[tilespmem:s1], [sflag:$0x5] =	stream.linear.gather [hbm4b:s8+s0], $0x1000, $0x38;
	[tilespmem:$0x1A800] =	vst v63  }
0x1c: {  	_ =	swait.ge [sflag:s14], $0x1000  }
0x1d: {  	[sflag:s14] =	ssyncset.done $0x0  }
0x1e: {  	[sflag:s14] =	ssyncadd.s32 $0xFFFFF000  }
0x1f: {  	[tilespmem:s16], [sflag:$0x5] =	stream.linear.gather [hbm4b:s9+s0], $0x2800, $0x38;
	[tilespmem:$0x1A800] =	vst v63  }
0x20: {  	_ =	swait.ge [sflag:s14], $0x2800  }
0x21: {  	[sflag:s14] =	ssyncset.done $0x0  }
0x22: {  	s31 =	simm.s32 $0x6000;
	[sflag:s14] =	ssyncadd.s32 $0xFFFFD800  }
0x23: {  	[tilespmem:s31], [sflag:$0x5] =	stream.linear.gather [hbm4b:s10+s0], $0x1000, $0x38;
	[tilespmem:$0x1A800] =	vst v63  }
0x24: {  	_ =	swait.ge [sflag:s14], $0x1000  }
0x25: {  	[sflag:s14] =	ssyncset.done $0x0  }
0x26: {  	s1 =	simm.s32 $0x0;
	s0 =	simm.s32 $0x40;
	[sflag:s14] =	ssyncadd.s32 $0xFFFFF000  }
.LBB2_12:
0x27: {  	p1 =	sne.s32 s0, $0xDFC0;
	[tilespmem:s1+$0x17000] =	vst v0;
	s1 =	smov.u32 s0;
	s0 =	sadd.s32 $0x40, s0  }
.Ltmp3:
0x28: {  	(pc) =	sbr.rel @p1 .LBB2_12-.Ltmp3, $2  }
0x29: {  	_ =	sdelay $0x2  }
0x2a: {  	s1 =	sshra.s32 s1, $0x2  }
0x2b: {  	[tilespmem:s1+$0x17000] =	vst v0;
	s0 =	simm.s32 $0x0;
	s20 =	simm.s32 $0x7000  }
0x2c: {  	[tilespmem:s20], [sflag:$0x1] =	stream.indirect.gather [hbm4b:s3+s18], $0x80, s0, s18, $0xb8;
	[tilespmem:$0x1A800] =	vst v63  }
0x2d: {  	s29 =	simm.s32 $0xB000;
	s31 =	simm.s32 $0x0  }
0x2e: {  	[tilespmem:s29], [sflag:$0x2] =	stream.indirect.gather [hbm4b:s3+s18], $0x80, s16, s18, $0xb8;
	[tilespmem:$0x1A800] =	vst v63  }
.LBB2_15:
0x2f: {  	s1 =	sshll.u32 s0, $0x8  }
0x30: {  	s15 =	sor.u32 $0x80, s1  }
0x31: {  	[tilespmem:s21], [sflag:$0x3] =	stream.indirect.gather [hbm4b:s3+s18], $0x80, s15, s18, $0xb8;
	[tilespmem:$0x1A800] =	vst v63  }
0x32: {  	s20 =	sadd.s32 $0x3880, s1  }
0x33: {  	[tilespmem:s22], [sflag:$0x4] =	stream.indirect.gather [hbm4b:s3+s18], $0x80, s20, s18, $0xb8;
	[tilespmem:$0x1A800] =	vst v63  }
0x34: {  	_ =	swait.ge [sflag:s23], $0x4000  }
0x35: {  	[sflag:s23] =	ssyncset.done $0x0  }
0x36: {  	[sflag:s23] =	ssyncadd.s32 $0xFFFFC000  }
0x37: {  	_ =	swait.ge [sflag:s24], $0x4000  }
0x38: {  	s17 =	simm.s32 $0xB100;
	[sflag:s24] =	ssyncset.done $0x0  }
0x39: {  	s29 =	simm.s32 $0x0;
	s15 =	simm.s32 $0x7100;
	[sflag:s24] =	ssyncadd.s32 $0xFFFFC000  }
.LBB2_16:
0x3a: {  	v1 =	vld [tilespmem:s15+$0xFFFFFF00]  }
0x3b: {  	v2 =	vld [tilespmem:s17+$0xFFFFFF00]  }
0x3c: {  	v3 =	vld [tilespmem:s15+$0xFFFFFF10]  }
0x3d: {  	v4 =	vld [tilespmem:s17+$0xFFFFFF10]  }
0x3e: {  	v5 =	vld [tilespmem:s15+$0xFFFFFF20]  }
0x3f: {  	v6 =	vld [tilespmem:s17+$0xFFFFFF20]  }
0x40: {  	v7 =	vld [tilespmem:s15+$0xFFFFFF30]  }
0x41: {  	v8 =	vld [tilespmem:s17+$0xFFFFFF30]  }
0x42: {  	v9 =	vld [tilespmem:s15+$0xFFFFFF40]  }
0x43: {  	v10 =	vld [tilespmem:s17+$0xFFFFFF40]  }
0x44: {  	v11 =	vld [tilespmem:s15+$0xFFFFFF50]  }
0x45: {  	v12 =	vld [tilespmem:s17+$0xFFFFFF50]  }
0x46: {  	v13 =	vld [tilespmem:s15+$0xFFFFFF60]  }
0x47: {  	v14 =	vld [tilespmem:s17+$0xFFFFFF60]  }
0x48: {  	v15 =	vld [tilespmem:s15+$0xFFFFFF70]  }
0x49: {  	v16 =	vld [tilespmem:s17+$0xFFFFFF70];
	_ =	sdelay $0x1  }
0x4a: {  	v1 =	vmul.f32 v2, v1;
	v2 =	vmul.f32 v4, v3  }
0x4b: {  	v3 =	vmul.f32 v6, v5;
	v41 =	vmul.f32 v8, v7  }
0x4c: {  	s19 =	sadd.s32 s29, s31;
	v42 =	vmul.f32 v10, v9;
	v43 =	vmul.f32 v12, v11  }
0x4d: {  	v46 =	vmov s19;
	v44 =	vmul.f32 v14, v13;
	v45 =	vmul.f32 v16, v15  }
0x4e: {  	v1 =	vadd.f32 v2, v1;
	v2 =	vadd.f32 v41, v3;
	v3 =	vand.u32 $0xFFFFFFFC, v46  }
0x4f: {  	v47 =	vadd.f32 v43, v42;
	v48 =	vadd.f32 v45, v44;
	v3 =	vbroadcast v3, $0x0;
	_ =	sdelay $0x1  }
0x50: {  	v1 =	vadd.f32 v2, v1;
	v2 =	vadd.f32 v48, v47;
	_ =	sdelay $0x1  }
0x51: {  	v1 =	vadd.f32 v2, v1;
	_ =	sdelay $0x1  }
0x52: {  	[tilespmem:v3+s25+$0x0] =	vst.idx.add.f32.msk $0xffff, v1  }
0x53: {  	v1 =	vld [tilespmem:s15+$0xFFFFFF80]  }
0x54: {  	v2 =	vld [tilespmem:s17+$0xFFFFFF80]  }
0x55: {  	v3 =	vld [tilespmem:s15+$0xFFFFFF90]  }
0x56: {  	v49 =	vld [tilespmem:s17+$0xFFFFFF90]  }
0x57: {  	v50 =	vld [tilespmem:s15+$0xFFFFFFA0]  }
0x58: {  	v51 =	vld [tilespmem:s17+$0xFFFFFFA0]  }
0x59: {  	v52 =	vld [tilespmem:s15+$0xFFFFFFB0]  }
0x5a: {  	v53 =	vld [tilespmem:s17+$0xFFFFFFB0]  }
0x5b: {  	v54 =	vld [tilespmem:s15+$0xFFFFFFC0]  }
0x5c: {  	v55 =	vld [tilespmem:s17+$0xFFFFFFC0]  }
0x5d: {  	v56 =	vld [tilespmem:s15+$0xFFFFFFD0]  }
0x5e: {  	v57 =	vld [tilespmem:s17+$0xFFFFFFD0]  }
0x5f: {  	v58 =	vld [tilespmem:s15+$0xFFFFFFE0]  }
0x60: {  	v59 =	vld [tilespmem:s17+$0xFFFFFFE0]  }
0x61: {  	v60 =	vld [tilespmem:s15+$0xFFFFFFF0]  }
0x62: {  	v61 =	vld [tilespmem:s17+$0xFFFFFFF0];
	_ =	sdelay $0x1  }
0x63: {  	v1 =	vmul.f32 v2, v1;
	v2 =	vmul.f32 v49, v3  }
0x64: {  	v3 =	vmul.f32 v51, v50;
	v62 =	vmul.f32 v53, v52  }
0x65: {  	s20 =	sadd.s32 $0x1, s19;
	v63 =	vmul.f32 v55, v54;
	v17 =	vmul.f32 v57, v56  }
0x66: {  	v20 =	vmov s20;
	v18 =	vmul.f32 v59, v58;
	v19 =	vmul.f32 v61, v60  }
0x67: {  	v1 =	vadd.f32 v2, v1;
	v2 =	vadd.f32 v62, v3;
	v3 =	vand.u32 $0xFFFFFFFD, v20  }
0x68: {  	v21 =	vadd.f32 v17, v63;
	v22 =	vadd.f32 v19, v18;
	v3 =	vbroadcast v3, $0x0;
	_ =	sdelay $0x1  }
0x69: {  	v1 =	vadd.f32 v2, v1;
	v2 =	vadd.f32 v22, v21;
	_ =	sdelay $0x1  }
0x6a: {  	v1 =	vadd.f32 v2, v1;
	_ =	sdelay $0x1  }
0x6b: {  	[tilespmem:v3+s25+$0x0] =	vst.idx.add.f32.msk $0xffff, v1  }
0x6c: {  	v1 =	vld [tilespmem:s15+$0x0]  }
0x6d: {  	v2 =	vld [tilespmem:s17+$0x0]  }
0x6e: {  	v3 =	vld [tilespmem:s15+$0x10]  }
0x6f: {  	v23 =	vld [tilespmem:s17+$0x10]  }
0x70: {  	v24 =	vld [tilespmem:s15+$0x20]  }
0x71: {  	v25 =	vld [tilespmem:s17+$0x20]  }
0x72: {  	v26 =	vld [tilespmem:s15+$0x30]  }
0x73: {  	v27 =	vld [tilespmem:s17+$0x30]  }
0x74: {  	v28 =	vld [tilespmem:s15+$0x40]  }
0x75: {  	v29 =	vld [tilespmem:s17+$0x40]  }
0x76: {  	v30 =	vld [tilespmem:s15+$0x50]  }
0x77: {  	v31 =	vld [tilespmem:s17+$0x50]  }
0x78: {  	v32 =	vld [tilespmem:s15+$0x60]  }
0x79: {  	v33 =	vld [tilespmem:s17+$0x60]  }
0x7a: {  	v34 =	vld [tilespmem:s15+$0x70]  }
0x7b: {  	v35 =	vld [tilespmem:s17+$0x70];
	_ =	sdelay $0x1  }
0x7c: {  	v1 =	vmul.f32 v2, v1;
	v2 =	vmul.f32 v23, v3  }
0x7d: {  	v3 =	vmul.f32 v25, v24;
	v36 =	vmul.f32 v27, v26  }
0x7e: {  	s20 =	sadd.s32 $0x2, s19;
	v37 =	vmul.f32 v29, v28;
	v38 =	vmul.f32 v31, v30  }
0x7f: {  	v41 =	vmov s20;
	v39 =	vmul.f32 v33, v32;
	v40 =	vmul.f32 v35, v34  }
0x80: {  	v1 =	vadd.f32 v2, v1;
	v2 =	vadd.f32 v36, v3;
	v3 =	vand.u32 $0xFFFFFFFE, v41  }
0x81: {  	v42 =	vadd.f32 v38, v37;
	v43 =	vadd.f32 v40, v39;
	v3 =	vbroadcast v3, $0x0;
	_ =	sdelay $0x1  }
0x82: {  	v1 =	vadd.f32 v2, v1;
	v2 =	vadd.f32 v43, v42;
	_ =	sdelay $0x1  }
0x83: {  	v1 =	vadd.f32 v2, v1;
	_ =	sdelay $0x1  }
0x84: {  	[tilespmem:v3+s25+$0x0] =	vst.idx.add.f32.msk $0xffff, v1  }
0x85: {  	v1 =	vld [tilespmem:s15+$0x80]  }
0x86: {  	v2 =	vld [tilespmem:s17+$0x80]  }
0x87: {  	v3 =	vld [tilespmem:s15+$0x90]  }
0x88: {  	v44 =	vld [tilespmem:s17+$0x90]  }
0x89: {  	v45 =	vld [tilespmem:s15+$0xA0]  }
0x8a: {  	v46 =	vld [tilespmem:s17+$0xA0]  }
0x8b: {  	v47 =	vld [tilespmem:s15+$0xB0]  }
0x8c: {  	v48 =	vld [tilespmem:s17+$0xB0]  }
0x8d: {  	v49 =	vld [tilespmem:s15+$0xC0]  }
0x8e: {  	v50 =	vld [tilespmem:s17+$0xC0]  }
0x8f: {  	v51 =	vld [tilespmem:s15+$0xD0]  }
0x90: {  	v52 =	vld [tilespmem:s17+$0xD0]  }
0x91: {  	v53 =	vld [tilespmem:s15+$0xE0]  }
0x92: {  	v54 =	vld [tilespmem:s17+$0xE0]  }
0x93: {  	v55 =	vld [tilespmem:s15+$0xF0]  }
0x94: {  	v56 =	vld [tilespmem:s17+$0xF0];
	_ =	sdelay $0x1  }
0x95: {  	v1 =	vmul.f32 v2, v1;
	v2 =	vmul.f32 v44, v3  }
0x96: {  	v3 =	vmul.f32 v46, v45;
	v57 =	vmul.f32 v48, v47  }
0x97: {  	v58 =	vmul.f32 v50, v49;
	v59 =	vmul.f32 v52, v51  }
0x98: {  	v60 =	vmul.f32 v54, v53;
	v61 =	vmul.f32 v56, v55  }
0x99: {  	v1 =	vadd.f32 v2, v1;
	v2 =	vadd.f32 v57, v3  }
0x9a: {  	s19 =	sadd.s32 $0x3, s19;
	v3 =	vadd.f32 v59, v58;
	v62 =	vadd.f32 v61, v60  }
0x9b: {  	p1 =	sne.s32 s29, $0x7C;
	v63 =	vmov s19  }
.Ltmp4:
0x9c: {  	v1 =	vadd.f32 v2, v1;
	v2 =	vadd.f32 v62, v3;
	(pc) =	sbr.rel @p1 .LBB2_16-.Ltmp4, $3  }
0x9d: {  	_ = 	snop  }
0x9e: {  	v1 =	vadd.f32 v2, v1;
	_ =	sdelay $0x1  }
0x9f: {  	s29 =	sadd.s32 $0x4, s29;
	s15 =	sadd.s32 $0x200, s15;
	s17 =	sadd.s32 $0x200, s17;
	[tilespmem:v63+s25+$0x0] =	vst.idx.add.f32.msk $0xffff, v1  }
0xa0: {  	p1 =	seq.s32 s0, $0x37  }
0xa1: {  	s15 =	sadd.s32 @!p1 $0x100, s1;
	s17 =	simm.s32 @!p1 $0x80;
	s19 =	simm.s32 @!p1 $0x7000  }
0xa2: {  	[tilespmem:s19], [sflag:$0x1] =	stream.indirect.gather @!p1 [hbm4b:s3+s17], $0x80, s15, s17, $0xb8;
	[tilespmem:$0x1A800] =	vst v63  }
0xa3: {  	s1 =	sadd.s32 @!p1 $0x3900, s1;
	s15 =	simm.s32 @!p1 $0xB000  }
0xa4: {  	[tilespmem:s15], [sflag:$0x2] =	stream.indirect.gather @!p1 [hbm4b:s3+s17], $0x80, s1, s17, $0xb8;
	[tilespmem:$0x1A800] =	vst v63  }
0xa5: {  	_ =	swait.ge [sflag:s26], $0x4000  }
0xa6: {  	[sflag:s26] =	ssyncset.done $0x0  }
0xa7: {  	[sflag:s26] =	ssyncadd.s32 $0xFFFFC000  }
0xa8: {  	_ =	swait.ge [sflag:s28], $0x4000  }
0xa9: {  	s0 =	sadd.s32 $0x1, s0;
	s1 =	simm.s32 $0x0;
	[sflag:s28] =	ssyncset.done $0x0  }
0xaa: {  	s15 =	simm.s32 $0xF100;
	s17 =	simm.s32 $0x13100;
	[sflag:s28] =	ssyncadd.s32 $0xFFFFC000  }
.LBB2_18:
0xab: {  	v1 =	vld [tilespmem:s15+$0xFFFFFF00]  }
0xac: {  	v2 =	vld [tilespmem:s17+$0xFFFFFF00]  }
0xad: {  	v3 =	vld [tilespmem:s15+$0xFFFFFF10]  }
0xae: {  	v4 =	vld [tilespmem:s17+$0xFFFFFF10]  }
0xaf: {  	v5 =	vld [tilespmem:s15+$0xFFFFFF20]  }
0xb0: {  	v6 =	vld [tilespmem:s17+$0xFFFFFF20]  }
0xb1: {  	v7 =	vld [tilespmem:s15+$0xFFFFFF30]  }
0xb2: {  	v8 =	vld [tilespmem:s17+$0xFFFFFF30]  }
0xb3: {  	v9 =	vld [tilespmem:s15+$0xFFFFFF40]  }
0xb4: {  	v10 =	vld [tilespmem:s17+$0xFFFFFF40]  }
0xb5: {  	v11 =	vld [tilespmem:s15+$0xFFFFFF50]  }
0xb6: {  	v12 =	vld [tilespmem:s17+$0xFFFFFF50]  }
0xb7: {  	v13 =	vld [tilespmem:s15+$0xFFFFFF60]  }
0xb8: {  	v14 =	vld [tilespmem:s17+$0xFFFFFF60]  }
0xb9: {  	v15 =	vld [tilespmem:s15+$0xFFFFFF70]  }
0xba: {  	v16 =	vld [tilespmem:s17+$0xFFFFFF70];
	_ =	sdelay $0x1  }
0xbb: {  	v1 =	vmul.f32 v2, v1;
	v2 =	vmul.f32 v4, v3  }
0xbc: {  	s29 =	sadd.s32 s1, s31;
	v3 =	vmul.f32 v6, v5;
	v41 =	vmul.f32 v8, v7  }
0xbd: {  	s19 =	sadd.s32 $0x80, s29;
	v42 =	vmul.f32 v10, v9;
	v43 =	vmul.f32 v12, v11  }
0xbe: {  	v46 =	vmov s19;
	v44 =	vmul.f32 v14, v13;
	v45 =	vmul.f32 v16, v15  }
0xbf: {  	v1 =	vadd.f32 v2, v1;
	v2 =	vadd.f32 v41, v3;
	v3 =	vand.u32 $0xFFFFFFFC, v46  }
0xc0: {  	v47 =	vadd.f32 v43, v42;
	v48 =	vadd.f32 v45, v44;
	v3 =	vbroadcast v3, $0x0;
	_ =	sdelay $0x1  }
0xc1: {  	v1 =	vadd.f32 v2, v1;
	v2 =	vadd.f32 v48, v47;
	_ =	sdelay $0x1  }
0xc2: {  	v1 =	vadd.f32 v2, v1;
	_ =	sdelay $0x1  }
0xc3: {  	[tilespmem:v3+s25+$0x0] =	vst.idx.add.f32.msk $0xffff, v1  }
0xc4: {  	v1 =	vld [tilespmem:s15+$0xFFFFFF80]  }
0xc5: {  	v2 =	vld [tilespmem:s17+$0xFFFFFF80]  }
0xc6: {  	v3 =	vld [tilespmem:s15+$0xFFFFFF90]  }
0xc7: {  	v49 =	vld [tilespmem:s17+$0xFFFFFF90]  }
0xc8: {  	v50 =	vld [tilespmem:s15+$0xFFFFFFA0]  }
0xc9: {  	v51 =	vld [tilespmem:s17+$0xFFFFFFA0]  }
0xca: {  	v52 =	vld [tilespmem:s15+$0xFFFFFFB0]  }
0xcb: {  	v53 =	vld [tilespmem:s17+$0xFFFFFFB0]  }
0xcc: {  	v54 =	vld [tilespmem:s15+$0xFFFFFFC0]  }
0xcd: {  	v55 =	vld [tilespmem:s17+$0xFFFFFFC0]  }
0xce: {  	v56 =	vld [tilespmem:s15+$0xFFFFFFD0]  }
0xcf: {  	v57 =	vld [tilespmem:s17+$0xFFFFFFD0]  }
0xd0: {  	v58 =	vld [tilespmem:s15+$0xFFFFFFE0]  }
0xd1: {  	v59 =	vld [tilespmem:s17+$0xFFFFFFE0]  }
0xd2: {  	v60 =	vld [tilespmem:s15+$0xFFFFFFF0]  }
0xd3: {  	v61 =	vld [tilespmem:s17+$0xFFFFFFF0];
	_ =	sdelay $0x1  }
0xd4: {  	v1 =	vmul.f32 v2, v1;
	v2 =	vmul.f32 v49, v3  }
0xd5: {  	v3 =	vmul.f32 v51, v50;
	v62 =	vmul.f32 v53, v52  }
0xd6: {  	s20 =	sadd.s32 $0x81, s29;
	v63 =	vmul.f32 v55, v54;
	v17 =	vmul.f32 v57, v56  }
0xd7: {  	v20 =	vmov s20;
	v18 =	vmul.f32 v59, v58;
	v19 =	vmul.f32 v61, v60  }
0xd8: {  	v1 =	vadd.f32 v2, v1;
	v2 =	vadd.f32 v62, v3;
	v3 =	vand.u32 $0xFFFFFFFD, v20  }
0xd9: {  	v21 =	vadd.f32 v17, v63;
	v22 =	vadd.f32 v19, v18;
	v3 =	vbroadcast v3, $0x0;
	_ =	sdelay $0x1  }
0xda: {  	v1 =	vadd.f32 v2, v1;
	v2 =	vadd.f32 v22, v21;
	_ =	sdelay $0x1  }
0xdb: {  	v1 =	vadd.f32 v2, v1;
	_ =	sdelay $0x1  }
0xdc: {  	[tilespmem:v3+s25+$0x0] =	vst.idx.add.f32.msk $0xffff, v1  }
0xdd: {  	v1 =	vld [tilespmem:s15+$0x0]  }
0xde: {  	v2 =	vld [tilespmem:s17+$0x0]  }
0xdf: {  	v3 =	vld [tilespmem:s15+$0x10]  }
0xe0: {  	v23 =	vld [tilespmem:s17+$0x10]  }
0xe1: {  	v24 =	vld [tilespmem:s15+$0x20]  }
0xe2: {  	v25 =	vld [tilespmem:s17+$0x20]  }
0xe3: {  	v26 =	vld [tilespmem:s15+$0x30]  }
0xe4: {  	v27 =	vld [tilespmem:s17+$0x30]  }
0xe5: {  	v28 =	vld [tilespmem:s15+$0x40]  }
0xe6: {  	v29 =	vld [tilespmem:s17+$0x40]  }
0xe7: {  	v30 =	vld [tilespmem:s15+$0x50]  }
0xe8: {  	v31 =	vld [tilespmem:s17+$0x50]  }
0xe9: {  	v32 =	vld [tilespmem:s15+$0x60]  }
0xea: {  	v33 =	vld [tilespmem:s17+$0x60]  }
0xeb: {  	v34 =	vld [tilespmem:s15+$0x70]  }
0xec: {  	v35 =	vld [tilespmem:s17+$0x70];
	_ =	sdelay $0x1  }
0xed: {  	v1 =	vmul.f32 v2, v1;
	v2 =	vmul.f32 v23, v3  }
0xee: {  	v3 =	vmul.f32 v25, v24;
	v36 =	vmul.f32 v27, v26  }
0xef: {  	s20 =	sadd.s32 $0x82, s29;
	v37 =	vmul.f32 v29, v28;
	v38 =	vmul.f32 v31, v30  }
0xf0: {  	v41 =	vmov s20;
	v39 =	vmul.f32 v33, v32;
	v40 =	vmul.f32 v35, v34  }
0xf1: {  	v1 =	vadd.f32 v2, v1;
	v2 =	vadd.f32 v36, v3;
	v3 =	vand.u32 $0xFFFFFFFE, v41  }
0xf2: {  	v42 =	vadd.f32 v38, v37;
	v43 =	vadd.f32 v40, v39;
	v3 =	vbroadcast v3, $0x0;
	_ =	sdelay $0x1  }
0xf3: {  	v1 =	vadd.f32 v2, v1;
	v2 =	vadd.f32 v43, v42;
	_ =	sdelay $0x1  }
0xf4: {  	v1 =	vadd.f32 v2, v1;
	_ =	sdelay $0x1  }
0xf5: {  	[tilespmem:v3+s25+$0x0] =	vst.idx.add.f32.msk $0xffff, v1  }
0xf6: {  	v1 =	vld [tilespmem:s15+$0x80]  }
0xf7: {  	v2 =	vld [tilespmem:s17+$0x80]  }
0xf8: {  	v3 =	vld [tilespmem:s15+$0x90]  }
0xf9: {  	v44 =	vld [tilespmem:s17+$0x90]  }
0xfa: {  	v45 =	vld [tilespmem:s15+$0xA0]  }
0xfb: {  	v46 =	vld [tilespmem:s17+$0xA0]  }
0xfc: {  	v47 =	vld [tilespmem:s15+$0xB0]  }
0xfd: {  	v48 =	vld [tilespmem:s17+$0xB0]  }
0xfe: {  	v49 =	vld [tilespmem:s15+$0xC0]  }
0xff: {  	v50 =	vld [tilespmem:s17+$0xC0]  }
0x100: {  	v51 =	vld [tilespmem:s15+$0xD0]  }
0x101: {  	v52 =	vld [tilespmem:s17+$0xD0]  }
0x102: {  	v53 =	vld [tilespmem:s15+$0xE0]  }
0x103: {  	v54 =	vld [tilespmem:s17+$0xE0]  }
0x104: {  	v55 =	vld [tilespmem:s15+$0xF0]  }
0x105: {  	v56 =	vld [tilespmem:s17+$0xF0];
	_ =	sdelay $0x1  }
0x106: {  	v1 =	vmul.f32 v2, v1;
	v2 =	vmul.f32 v44, v3  }
0x107: {  	v3 =	vmul.f32 v46, v45;
	v57 =	vmul.f32 v48, v47  }
0x108: {  	v58 =	vmul.f32 v50, v49;
	v59 =	vmul.f32 v52, v51  }
0x109: {  	v60 =	vmul.f32 v54, v53;
	v61 =	vmul.f32 v56, v55  }
0x10a: {  	v1 =	vadd.f32 v2, v1;
	v2 =	vadd.f32 v57, v3  }
0x10b: {  	s29 =	sadd.s32 $0x83, s29;
	v3 =	vadd.f32 v59, v58;
	v62 =	vadd.f32 v61, v60  }
0x10c: {  	p1 =	seq.s32 s1, $0x7C;
	v63 =	vmov s29  }
.Ltmp5:
0x10d: {  	v1 =	vadd.f32 v2, v1;
	v2 =	vadd.f32 v62, v3;
	(pc) =	sbr.rel @!p1 .LBB2_18-.Ltmp5, $3  }
0x10e: {  	_ = 	snop  }
0x10f: {  	v1 =	vadd.f32 v2, v1;
	_ =	sdelay $0x1  }
0x110: {  	s1 =	sadd.s32 $0x4, s1;
	s15 =	sadd.s32 $0x200, s15;
	s17 =	sadd.s32 $0x200, s17;
	[tilespmem:v63+s25+$0x0] =	vst.idx.add.f32.msk $0xffff, v1  }
0x111: {  	p1 =	seq.s32 s0, $0x38  }
.Ltmp6:
0x112: {  	_ = 	snop;
	(pc) =	sbr.rel @!p1 .LBB2_15-.Ltmp6, $2  }
0x113: {  	_ =	sdelay $0x2  }
0x114: {  	s31 =	sadd.s32 $0x100, s31  }
0x115: {  	[hbm4b:s11+s2] =	stream.linear.scatter [tilespmem:s25], [sflag:$0x5], $0x2800, $0x38;
	[tilespmem:$0x1A800] =	vst v63  }
0x116: {  	_ =	swait.ge [sflag:s14], $0x2800  }
0x117: {  	[sflag:s14] =	ssyncset.done $0x0  }
.Ltmp7:
0x118: {  	s0 =	simm.s32 $0x19800;
	[sflag:s14] =	ssyncadd.s32 $0xFFFFD800;
	(pc) =	sbr.rel .LBB2_20-.Ltmp7, $4  }
0x119: {  	[hbm4b:s12+s2] =	stream.linear.scatter [tilespmem:s0], [sflag:$0x5], $0x1000, $0x38;
	[tilespmem:$0x1A800] =	vst v63  }
0x11a: {  	_ =	swait.ge [sflag:s14], $0x1000  }
0x11b: {  	[sflag:s14] =	ssyncset.done $0x0  }
0x11c: {  	[sflag:s14] =	ssyncadd.s32 $0xFFFFF000  }
.LBB2_2:
0x11d: {  	[tilespmem:s0], [sflag:$0x5] =	stream.linear.gather [hbm4b:s4+s0], $0x1800, $0x38;
	[tilespmem:$0x1A800] =	vst v63  }
0x11e: {  	_ =	swait.ge [sflag:s14], $0x1800  }
0x11f: {  	[sflag:s14] =	ssyncset.done $0x0  }
0x120: {  	[sflag:s14] =	ssyncadd.s32 $0xFFFFE800  }
0x121: {  	[tilespmem:s16], [sflag:$0x5] =	stream.linear.gather [hbm4b:s5+s0], $0x1800, $0x38;
	[tilespmem:$0x1A800] =	vst v63  }
0x122: {  	_ =	swait.ge [sflag:s14], $0x1800  }
0x123: {  	[sflag:s14] =	ssyncset.done $0x0  }
0x124: {  	s1 =	simm.s32 $0x0;
	s0 =	simm.s32 $0x40;
	[sflag:s14] =	ssyncadd.s32 $0xFFFFE800  }
.LBB2_3:
0x125: {  	p1 =	sne.s32 s0, $0x5FC0;
	[tilespmem:s1+$0x17000] =	vst v0;
	s1 =	smov.u32 s0;
	s0 =	sadd.s32 $0x40, s0  }
.Ltmp8:
0x126: {  	(pc) =	sbr.rel @p1 .LBB2_3-.Ltmp8, $2  }
0x127: {  	_ =	sdelay $0x2  }
0x128: {  	s1 =	sshra.s32 s1, $0x2  }
0x129: {  	[tilespmem:s1+$0x17000] =	vst v0;
	s0 =	simm.s32 $0x0;
	s20 =	simm.s32 $0x7000  }
0x12a: {  	[tilespmem:s20], [sflag:$0x1] =	stream.indirect.gather [hbm4b:s3+s18], $0x80, s0, s18, $0xb8;
	[tilespmem:$0x1A800] =	vst v63  }
0x12b: {  	s29 =	simm.s32 $0xB000;
	s31 =	simm.s32 $0x0  }
0x12c: {  	[tilespmem:s29], [sflag:$0x2] =	stream.indirect.gather [hbm4b:s3+s18], $0x80, s16, s18, $0xb8;
	[tilespmem:$0x1A800] =	vst v63  }
.LBB2_6:
0x12d: {  	s1 =	sshll.u32 s0, $0x8  }
0x12e: {  	s15 =	sor.u32 $0x80, s1  }
0x12f: {  	[tilespmem:s21], [sflag:$0x3] =	stream.indirect.gather [hbm4b:s3+s18], $0x80, s15, s18, $0xb8;
	[tilespmem:$0x1A800] =	vst v63  }
0x130: {  	s20 =	sadd.s32 $0x3880, s1  }
0x131: {  	[tilespmem:s22], [sflag:$0x4] =	stream.indirect.gather [hbm4b:s3+s18], $0x80, s20, s18, $0xb8;
	[tilespmem:$0x1A800] =	vst v63  }
0x132: {  	_ =	swait.ge [sflag:s23], $0x4000  }
0x133: {  	[sflag:s23] =	ssyncset.done $0x0  }
0x134: {  	[sflag:s23] =	ssyncadd.s32 $0xFFFFC000  }
0x135: {  	_ =	swait.ge [sflag:s24], $0x4000  }
0x136: {  	s17 =	simm.s32 $0xB100;
	[sflag:s24] =	ssyncset.done $0x0  }
0x137: {  	s29 =	simm.s32 $0x0;
	s15 =	simm.s32 $0x7100;
	[sflag:s24] =	ssyncadd.s32 $0xFFFFC000  }
.LBB2_7:
0x138: {  	v1 =	vld [tilespmem:s15+$0xFFFFFF00]  }
0x139: {  	v2 =	vld [tilespmem:s17+$0xFFFFFF00]  }
0x13a: {  	v3 =	vld [tilespmem:s15+$0xFFFFFF10]  }
0x13b: {  	v4 =	vld [tilespmem:s17+$0xFFFFFF10]  }
0x13c: {  	v5 =	vld [tilespmem:s15+$0xFFFFFF20]  }
0x13d: {  	v6 =	vld [tilespmem:s17+$0xFFFFFF20]  }
0x13e: {  	v7 =	vld [tilespmem:s15+$0xFFFFFF30]  }
0x13f: {  	v8 =	vld [tilespmem:s17+$0xFFFFFF30]  }
0x140: {  	v9 =	vld [tilespmem:s15+$0xFFFFFF40]  }
0x141: {  	v10 =	vld [tilespmem:s17+$0xFFFFFF40]  }
0x142: {  	v11 =	vld [tilespmem:s15+$0xFFFFFF50]  }
0x143: {  	v12 =	vld [tilespmem:s17+$0xFFFFFF50]  }
0x144: {  	v13 =	vld [tilespmem:s15+$0xFFFFFF60]  }
0x145: {  	v14 =	vld [tilespmem:s17+$0xFFFFFF60]  }
0x146: {  	v15 =	vld [tilespmem:s15+$0xFFFFFF70]  }
0x147: {  	v16 =	vld [tilespmem:s17+$0xFFFFFF70];
	_ =	sdelay $0x1  }
0x148: {  	v1 =	vmul.f32 v2, v1;
	v2 =	vmul.f32 v4, v3  }
0x149: {  	v3 =	vmul.f32 v6, v5;
	v41 =	vmul.f32 v8, v7  }
0x14a: {  	s19 =	sadd.s32 s29, s31;
	v42 =	vmul.f32 v10, v9;
	v43 =	vmul.f32 v12, v11  }
0x14b: {  	v46 =	vmov s19;
	v44 =	vmul.f32 v14, v13;
	v45 =	vmul.f32 v16, v15  }
0x14c: {  	v1 =	vadd.f32 v2, v1;
	v2 =	vadd.f32 v41, v3;
	v3 =	vand.u32 $0xFFFFFFFC, v46  }
0x14d: {  	v47 =	vadd.f32 v43, v42;
	v48 =	vadd.f32 v45, v44;
	v3 =	vbroadcast v3, $0x0;
	_ =	sdelay $0x1  }
0x14e: {  	v1 =	vadd.f32 v2, v1;
	v2 =	vadd.f32 v48, v47;
	_ =	sdelay $0x1  }
0x14f: {  	v1 =	vadd.f32 v2, v1;
	_ =	sdelay $0x1  }
0x150: {  	[tilespmem:v3+s25+$0x0] =	vst.idx.add.f32.msk $0xffff, v1  }
0x151: {  	v1 =	vld [tilespmem:s15+$0xFFFFFF80]  }
0x152: {  	v2 =	vld [tilespmem:s17+$0xFFFFFF80]  }
0x153: {  	v3 =	vld [tilespmem:s15+$0xFFFFFF90]  }
0x154: {  	v49 =	vld [tilespmem:s17+$0xFFFFFF90]  }
0x155: {  	v50 =	vld [tilespmem:s15+$0xFFFFFFA0]  }
0x156: {  	v51 =	vld [tilespmem:s17+$0xFFFFFFA0]  }
0x157: {  	v52 =	vld [tilespmem:s15+$0xFFFFFFB0]  }
0x158: {  	v53 =	vld [tilespmem:s17+$0xFFFFFFB0]  }
0x159: {  	v54 =	vld [tilespmem:s15+$0xFFFFFFC0]  }
0x15a: {  	v55 =	vld [tilespmem:s17+$0xFFFFFFC0]  }
0x15b: {  	v56 =	vld [tilespmem:s15+$0xFFFFFFD0]  }
0x15c: {  	v57 =	vld [tilespmem:s17+$0xFFFFFFD0]  }
0x15d: {  	v58 =	vld [tilespmem:s15+$0xFFFFFFE0]  }
0x15e: {  	v59 =	vld [tilespmem:s17+$0xFFFFFFE0]  }
0x15f: {  	v60 =	vld [tilespmem:s15+$0xFFFFFFF0]  }
0x160: {  	v61 =	vld [tilespmem:s17+$0xFFFFFFF0];
	_ =	sdelay $0x1  }
0x161: {  	v1 =	vmul.f32 v2, v1;
	v2 =	vmul.f32 v49, v3  }
0x162: {  	v3 =	vmul.f32 v51, v50;
	v62 =	vmul.f32 v53, v52  }
0x163: {  	s20 =	sadd.s32 $0x1, s19;
	v63 =	vmul.f32 v55, v54;
	v17 =	vmul.f32 v57, v56  }
0x164: {  	v20 =	vmov s20;
	v18 =	vmul.f32 v59, v58;
	v19 =	vmul.f32 v61, v60  }
0x165: {  	v1 =	vadd.f32 v2, v1;
	v2 =	vadd.f32 v62, v3;
	v3 =	vand.u32 $0xFFFFFFFD, v20  }
0x166: {  	v21 =	vadd.f32 v17, v63;
	v22 =	vadd.f32 v19, v18;
	v3 =	vbroadcast v3, $0x0;
	_ =	sdelay $0x1  }
0x167: {  	v1 =	vadd.f32 v2, v1;
	v2 =	vadd.f32 v22, v21;
	_ =	sdelay $0x1  }
0x168: {  	v1 =	vadd.f32 v2, v1;
	_ =	sdelay $0x1  }
0x169: {  	[tilespmem:v3+s25+$0x0] =	vst.idx.add.f32.msk $0xffff, v1  }
0x16a: {  	v1 =	vld [tilespmem:s15+$0x0]  }
0x16b: {  	v2 =	vld [tilespmem:s17+$0x0]  }
0x16c: {  	v3 =	vld [tilespmem:s15+$0x10]  }
0x16d: {  	v23 =	vld [tilespmem:s17+$0x10]  }
0x16e: {  	v24 =	vld [tilespmem:s15+$0x20]  }
0x16f: {  	v25 =	vld [tilespmem:s17+$0x20]  }
0x170: {  	v26 =	vld [tilespmem:s15+$0x30]  }
0x171: {  	v27 =	vld [tilespmem:s17+$0x30]  }
0x172: {  	v28 =	vld [tilespmem:s15+$0x40]  }
0x173: {  	v29 =	vld [tilespmem:s17+$0x40]  }
0x174: {  	v30 =	vld [tilespmem:s15+$0x50]  }
0x175: {  	v31 =	vld [tilespmem:s17+$0x50]  }
0x176: {  	v32 =	vld [tilespmem:s15+$0x60]  }
0x177: {  	v33 =	vld [tilespmem:s17+$0x60]  }
0x178: {  	v34 =	vld [tilespmem:s15+$0x70]  }
0x179: {  	v35 =	vld [tilespmem:s17+$0x70];
	_ =	sdelay $0x1  }
0x17a: {  	v1 =	vmul.f32 v2, v1;
	v2 =	vmul.f32 v23, v3  }
0x17b: {  	v3 =	vmul.f32 v25, v24;
	v36 =	vmul.f32 v27, v26  }
0x17c: {  	s20 =	sadd.s32 $0x2, s19;
	v37 =	vmul.f32 v29, v28;
	v38 =	vmul.f32 v31, v30  }
0x17d: {  	v41 =	vmov s20;
	v39 =	vmul.f32 v33, v32;
	v40 =	vmul.f32 v35, v34  }
0x17e: {  	v1 =	vadd.f32 v2, v1;
	v2 =	vadd.f32 v36, v3;
	v3 =	vand.u32 $0xFFFFFFFE, v41  }
0x17f: {  	v42 =	vadd.f32 v38, v37;
	v43 =	vadd.f32 v40, v39;
	v3 =	vbroadcast v3, $0x0;
	_ =	sdelay $0x1  }
0x180: {  	v1 =	vadd.f32 v2, v1;
	v2 =	vadd.f32 v43, v42;
	_ =	sdelay $0x1  }
0x181: {  	v1 =	vadd.f32 v2, v1;
	_ =	sdelay $0x1  }
0x182: {  	[tilespmem:v3+s25+$0x0] =	vst.idx.add.f32.msk $0xffff, v1  }
0x183: {  	v1 =	vld [tilespmem:s15+$0x80]  }
0x184: {  	v2 =	vld [tilespmem:s17+$0x80]  }
0x185: {  	v3 =	vld [tilespmem:s15+$0x90]  }
0x186: {  	v44 =	vld [tilespmem:s17+$0x90]  }
0x187: {  	v45 =	vld [tilespmem:s15+$0xA0]  }
0x188: {  	v46 =	vld [tilespmem:s17+$0xA0]  }
0x189: {  	v47 =	vld [tilespmem:s15+$0xB0]  }
0x18a: {  	v48 =	vld [tilespmem:s17+$0xB0]  }
0x18b: {  	v49 =	vld [tilespmem:s15+$0xC0]  }
0x18c: {  	v50 =	vld [tilespmem:s17+$0xC0]  }
0x18d: {  	v51 =	vld [tilespmem:s15+$0xD0]  }
0x18e: {  	v52 =	vld [tilespmem:s17+$0xD0]  }
0x18f: {  	v53 =	vld [tilespmem:s15+$0xE0]  }
0x190: {  	v54 =	vld [tilespmem:s17+$0xE0]  }
0x191: {  	v55 =	vld [tilespmem:s15+$0xF0]  }
0x192: {  	v56 =	vld [tilespmem:s17+$0xF0];
	_ =	sdelay $0x1  }
0x193: {  	v1 =	vmul.f32 v2, v1;
	v2 =	vmul.f32 v44, v3  }
0x194: {  	v3 =	vmul.f32 v46, v45;
	v57 =	vmul.f32 v48, v47  }
0x195: {  	v58 =	vmul.f32 v50, v49;
	v59 =	vmul.f32 v52, v51  }
0x196: {  	v60 =	vmul.f32 v54, v53;
	v61 =	vmul.f32 v56, v55  }
0x197: {  	v1 =	vadd.f32 v2, v1;
	v2 =	vadd.f32 v57, v3  }
0x198: {  	s19 =	sadd.s32 $0x3, s19;
	v3 =	vadd.f32 v59, v58;
	v62 =	vadd.f32 v61, v60  }
0x199: {  	p1 =	sne.s32 s29, $0x7C;
	v63 =	vmov s19  }
.Ltmp9:
0x19a: {  	v1 =	vadd.f32 v2, v1;
	v2 =	vadd.f32 v62, v3;
	(pc) =	sbr.rel @p1 .LBB2_7-.Ltmp9, $3  }
0x19b: {  	_ = 	snop  }
0x19c: {  	v1 =	vadd.f32 v2, v1;
	_ =	sdelay $0x1  }
0x19d: {  	s29 =	sadd.s32 $0x4, s29;
	s15 =	sadd.s32 $0x200, s15;
	s17 =	sadd.s32 $0x200, s17;
	[tilespmem:v63+s25+$0x0] =	vst.idx.add.f32.msk $0xffff, v1  }
0x19e: {  	p1 =	seq.s32 s0, $0x17  }
0x19f: {  	s15 =	sadd.s32 @!p1 $0x100, s1;
	s17 =	simm.s32 @!p1 $0x80;
	s19 =	simm.s32 @!p1 $0x7000  }
0x1a0: {  	[tilespmem:s19], [sflag:$0x1] =	stream.indirect.gather @!p1 [hbm4b:s3+s17], $0x80, s15, s17, $0xb8;
	[tilespmem:$0x1A800] =	vst v63  }
0x1a1: {  	s1 =	sadd.s32 @!p1 $0x3900, s1;
	s15 =	simm.s32 @!p1 $0xB000  }
0x1a2: {  	[tilespmem:s15], [sflag:$0x2] =	stream.indirect.gather @!p1 [hbm4b:s3+s17], $0x80, s1, s17, $0xb8;
	[tilespmem:$0x1A800] =	vst v63  }
0x1a3: {  	_ =	swait.ge [sflag:s26], $0x4000  }
0x1a4: {  	[sflag:s26] =	ssyncset.done $0x0  }
0x1a5: {  	[sflag:s26] =	ssyncadd.s32 $0xFFFFC000  }
0x1a6: {  	_ =	swait.ge [sflag:s28], $0x4000  }
0x1a7: {  	s0 =	sadd.s32 $0x1, s0;
	s1 =	simm.s32 $0x0;
	[sflag:s28] =	ssyncset.done $0x0  }
0x1a8: {  	s15 =	simm.s32 $0xF100;
	s17 =	simm.s32 $0x13100;
	[sflag:s28] =	ssyncadd.s32 $0xFFFFC000  }
.LBB2_9:
0x1a9: {  	v1 =	vld [tilespmem:s15+$0xFFFFFF00]  }
0x1aa: {  	v2 =	vld [tilespmem:s17+$0xFFFFFF00]  }
0x1ab: {  	v3 =	vld [tilespmem:s15+$0xFFFFFF10]  }
0x1ac: {  	v4 =	vld [tilespmem:s17+$0xFFFFFF10]  }
0x1ad: {  	v5 =	vld [tilespmem:s15+$0xFFFFFF20]  }
0x1ae: {  	v6 =	vld [tilespmem:s17+$0xFFFFFF20]  }
0x1af: {  	v7 =	vld [tilespmem:s15+$0xFFFFFF30]  }
0x1b0: {  	v8 =	vld [tilespmem:s17+$0xFFFFFF30]  }
0x1b1: {  	v9 =	vld [tilespmem:s15+$0xFFFFFF40]  }
0x1b2: {  	v10 =	vld [tilespmem:s17+$0xFFFFFF40]  }
0x1b3: {  	v11 =	vld [tilespmem:s15+$0xFFFFFF50]  }
0x1b4: {  	v12 =	vld [tilespmem:s17+$0xFFFFFF50]  }
0x1b5: {  	v13 =	vld [tilespmem:s15+$0xFFFFFF60]  }
0x1b6: {  	v14 =	vld [tilespmem:s17+$0xFFFFFF60]  }
0x1b7: {  	v15 =	vld [tilespmem:s15+$0xFFFFFF70]  }
0x1b8: {  	v16 =	vld [tilespmem:s17+$0xFFFFFF70];
	_ =	sdelay $0x1  }
0x1b9: {  	v1 =	vmul.f32 v2, v1;
	v2 =	vmul.f32 v4, v3  }
0x1ba: {  	s29 =	sadd.s32 s1, s31;
	v3 =	vmul.f32 v6, v5;
	v41 =	vmul.f32 v8, v7  }
0x1bb: {  	s19 =	sadd.s32 $0x80, s29;
	v42 =	vmul.f32 v10, v9;
	v43 =	vmul.f32 v12, v11  }
0x1bc: {  	v46 =	vmov s19;
	v44 =	vmul.f32 v14, v13;
	v45 =	vmul.f32 v16, v15  }
0x1bd: {  	v1 =	vadd.f32 v2, v1;
	v2 =	vadd.f32 v41, v3;
	v3 =	vand.u32 $0xFFFFFFFC, v46  }
0x1be: {  	v47 =	vadd.f32 v43, v42;
	v48 =	vadd.f32 v45, v44;
	v3 =	vbroadcast v3, $0x0;
	_ =	sdelay $0x1  }
0x1bf: {  	v1 =	vadd.f32 v2, v1;
	v2 =	vadd.f32 v48, v47;
	_ =	sdelay $0x1  }
0x1c0: {  	v1 =	vadd.f32 v2, v1;
	_ =	sdelay $0x1  }
0x1c1: {  	[tilespmem:v3+s25+$0x0] =	vst.idx.add.f32.msk $0xffff, v1  }
0x1c2: {  	v1 =	vld [tilespmem:s15+$0xFFFFFF80]  }
0x1c3: {  	v2 =	vld [tilespmem:s17+$0xFFFFFF80]  }
0x1c4: {  	v3 =	vld [tilespmem:s15+$0xFFFFFF90]  }
0x1c5: {  	v49 =	vld [tilespmem:s17+$0xFFFFFF90]  }
0x1c6: {  	v50 =	vld [tilespmem:s15+$0xFFFFFFA0]  }
0x1c7: {  	v51 =	vld [tilespmem:s17+$0xFFFFFFA0]  }
0x1c8: {  	v52 =	vld [tilespmem:s15+$0xFFFFFFB0]  }
0x1c9: {  	v53 =	vld [tilespmem:s17+$0xFFFFFFB0]  }
0x1ca: {  	v54 =	vld [tilespmem:s15+$0xFFFFFFC0]  }
0x1cb: {  	v55 =	vld [tilespmem:s17+$0xFFFFFFC0]  }
0x1cc: {  	v56 =	vld [tilespmem:s15+$0xFFFFFFD0]  }
0x1cd: {  	v57 =	vld [tilespmem:s17+$0xFFFFFFD0]  }
0x1ce: {  	v58 =	vld [tilespmem:s15+$0xFFFFFFE0]  }
0x1cf: {  	v59 =	vld [tilespmem:s17+$0xFFFFFFE0]  }
0x1d0: {  	v60 =	vld [tilespmem:s15+$0xFFFFFFF0]  }
0x1d1: {  	v61 =	vld [tilespmem:s17+$0xFFFFFFF0];
	_ =	sdelay $0x1  }
0x1d2: {  	v1 =	vmul.f32 v2, v1;
	v2 =	vmul.f32 v49, v3  }
0x1d3: {  	v3 =	vmul.f32 v51, v50;
	v62 =	vmul.f32 v53, v52  }
0x1d4: {  	s20 =	sadd.s32 $0x81, s29;
	v63 =	vmul.f32 v55, v54;
	v17 =	vmul.f32 v57, v56  }
0x1d5: {  	v20 =	vmov s20;
	v18 =	vmul.f32 v59, v58;
	v19 =	vmul.f32 v61, v60  }
0x1d6: {  	v1 =	vadd.f32 v2, v1;
	v2 =	vadd.f32 v62, v3;
	v3 =	vand.u32 $0xFFFFFFFD, v20  }
0x1d7: {  	v21 =	vadd.f32 v17, v63;
	v22 =	vadd.f32 v19, v18;
	v3 =	vbroadcast v3, $0x0;
	_ =	sdelay $0x1  }
0x1d8: {  	v1 =	vadd.f32 v2, v1;
	v2 =	vadd.f32 v22, v21;
	_ =	sdelay $0x1  }
0x1d9: {  	v1 =	vadd.f32 v2, v1;
	_ =	sdelay $0x1  }
0x1da: {  	[tilespmem:v3+s25+$0x0] =	vst.idx.add.f32.msk $0xffff, v1  }
0x1db: {  	v1 =	vld [tilespmem:s15+$0x0]  }
0x1dc: {  	v2 =	vld [tilespmem:s17+$0x0]  }
0x1dd: {  	v3 =	vld [tilespmem:s15+$0x10]  }
0x1de: {  	v23 =	vld [tilespmem:s17+$0x10]  }
0x1df: {  	v24 =	vld [tilespmem:s15+$0x20]  }
0x1e0: {  	v25 =	vld [tilespmem:s17+$0x20]  }
0x1e1: {  	v26 =	vld [tilespmem:s15+$0x30]  }
0x1e2: {  	v27 =	vld [tilespmem:s17+$0x30]  }
0x1e3: {  	v28 =	vld [tilespmem:s15+$0x40]  }
0x1e4: {  	v29 =	vld [tilespmem:s17+$0x40]  }
0x1e5: {  	v30 =	vld [tilespmem:s15+$0x50]  }
0x1e6: {  	v31 =	vld [tilespmem:s17+$0x50]  }
0x1e7: {  	v32 =	vld [tilespmem:s15+$0x60]  }
0x1e8: {  	v33 =	vld [tilespmem:s17+$0x60]  }
0x1e9: {  	v34 =	vld [tilespmem:s15+$0x70]  }
0x1ea: {  	v35 =	vld [tilespmem:s17+$0x70];
	_ =	sdelay $0x1  }
0x1eb: {  	v1 =	vmul.f32 v2, v1;
	v2 =	vmul.f32 v23, v3  }
0x1ec: {  	v3 =	vmul.f32 v25, v24;
	v36 =	vmul.f32 v27, v26  }
0x1ed: {  	s20 =	sadd.s32 $0x82, s29;
	v37 =	vmul.f32 v29, v28;
	v38 =	vmul.f32 v31, v30  }
0x1ee: {  	v41 =	vmov s20;
	v39 =	vmul.f32 v33, v32;
	v40 =	vmul.f32 v35, v34  }
0x1ef: {  	v1 =	vadd.f32 v2, v1;
	v2 =	vadd.f32 v36, v3;
	v3 =	vand.u32 $0xFFFFFFFE, v41  }
0x1f0: {  	v42 =	vadd.f32 v38, v37;
	v43 =	vadd.f32 v40, v39;
	v3 =	vbroadcast v3, $0x0;
	_ =	sdelay $0x1  }
0x1f1: {  	v1 =	vadd.f32 v2, v1;
	v2 =	vadd.f32 v43, v42;
	_ =	sdelay $0x1  }
0x1f2: {  	v1 =	vadd.f32 v2, v1;
	_ =	sdelay $0x1  }
0x1f3: {  	[tilespmem:v3+s25+$0x0] =	vst.idx.add.f32.msk $0xffff, v1  }
0x1f4: {  	v1 =	vld [tilespmem:s15+$0x80]  }
0x1f5: {  	v2 =	vld [tilespmem:s17+$0x80]  }
0x1f6: {  	v3 =	vld [tilespmem:s15+$0x90]  }
0x1f7: {  	v44 =	vld [tilespmem:s17+$0x90]  }
0x1f8: {  	v45 =	vld [tilespmem:s15+$0xA0]  }
0x1f9: {  	v46 =	vld [tilespmem:s17+$0xA0]  }
0x1fa: {  	v47 =	vld [tilespmem:s15+$0xB0]  }
0x1fb: {  	v48 =	vld [tilespmem:s17+$0xB0]  }
0x1fc: {  	v49 =	vld [tilespmem:s15+$0xC0]  }
0x1fd: {  	v50 =	vld [tilespmem:s17+$0xC0]  }
0x1fe: {  	v51 =	vld [tilespmem:s15+$0xD0]  }
0x1ff: {  	v52 =	vld [tilespmem:s17+$0xD0]  }
0x200: {  	v53 =	vld [tilespmem:s15+$0xE0]  }
0x201: {  	v54 =	vld [tilespmem:s17+$0xE0]  }
0x202: {  	v55 =	vld [tilespmem:s15+$0xF0]  }
0x203: {  	v56 =	vld [tilespmem:s17+$0xF0];
	_ =	sdelay $0x1  }
0x204: {  	v1 =	vmul.f32 v2, v1;
	v2 =	vmul.f32 v44, v3  }
0x205: {  	v3 =	vmul.f32 v46, v45;
	v57 =	vmul.f32 v48, v47  }
0x206: {  	v58 =	vmul.f32 v50, v49;
	v59 =	vmul.f32 v52, v51  }
0x207: {  	v60 =	vmul.f32 v54, v53;
	v61 =	vmul.f32 v56, v55  }
0x208: {  	v1 =	vadd.f32 v2, v1;
	v2 =	vadd.f32 v57, v3  }
0x209: {  	s29 =	sadd.s32 $0x83, s29;
	v3 =	vadd.f32 v59, v58;
	v62 =	vadd.f32 v61, v60  }
0x20a: {  	p1 =	seq.s32 s1, $0x7C;
	v63 =	vmov s29  }
.Ltmp10:
0x20b: {  	v1 =	vadd.f32 v2, v1;
	v2 =	vadd.f32 v62, v3;
	(pc) =	sbr.rel @!p1 .LBB2_9-.Ltmp10, $3  }
0x20c: {  	_ = 	snop  }
0x20d: {  	v1 =	vadd.f32 v2, v1;
	_ =	sdelay $0x1  }
0x20e: {  	s1 =	sadd.s32 $0x4, s1;
	s15 =	sadd.s32 $0x200, s15;
	s17 =	sadd.s32 $0x200, s17;
	[tilespmem:v63+s25+$0x0] =	vst.idx.add.f32.msk $0xffff, v1  }
0x20f: {  	p1 =	seq.s32 s0, $0x18  }
.Ltmp11:
0x210: {  	_ = 	snop;
	(pc) =	sbr.rel @!p1 .LBB2_6-.Ltmp11, $2  }
0x211: {  	_ =	sdelay $0x2  }
0x212: {  	s31 =	sadd.s32 $0x100, s31  }
.Ltmp12:
0x213: {  	(pc) =	sbr.rel .LBB2_20-.Ltmp12, $4  }
0x214: {  	[hbm4b:s6+s2] =	stream.linear.scatter [tilespmem:s25], [sflag:$0x5], $0x1800, $0x38;
	[tilespmem:$0x1A800] =	vst v63  }
0x215: {  	_ =	swait.ge [sflag:s14], $0x1800  }
0x216: {  	[sflag:s14] =	ssyncset.done $0x0  }
0x217: {  	[sflag:s14] =	ssyncadd.s32 $0xFFFFE800  }
.LBB2_21:
0x218: {  	_ =	sfence.sel $0x180000  }
0x219: {  	[bflag:$0x0] =	sbarrier.arrive $0xFFFF  }
0x21a: {  	_ =	strace $0x90000050  }
0x21b: {  	s0 =	stileid.u32;
	[bflag:$0x2] =	sbarrier.arrive $0xFFFF  }
0x21c: {  	p0 =	sne.s32 s0, $0x0;
	s0 =	rddreg [dreg:$0x1]  }
0x21d: {  	s0 =	sadd.s32 @!p0 $0x100000, s0  }
0x21e: {  	[sflag:s0] =	ssyncadd.tile.s32 @!p0 $0x1;
	_ =	shalt  }
.Lfunc_end2:
_tile_overlayer_lowered:
.L_overlay_start_2:
0x21f: {  	(tag) =	ssettag $0x2  }
0x220: {  	s0 =	rddreg [dreg:$0x0];
	s2 =	stileid.u32  }
0x221: {  	s1 =	rddreg [dreg:$0x1];
	p0 =	sne.s32 s2, $0x0  }
0x222: {  	s3 =	rddreg [dreg:$0x2];
	[bflag:$0x3] =	sbarrier.arrive $0xFFFF;
	s2 =	simm.s32 @!p0 $0x1C05  }
0x223: {  	[timem:s3], [sflag:s2] =	dma.local @!p0 [hbm:s0], s1  }
0x224: {  	s0 =	simm.s32 @!p0 $0x5  }
0x225: {  	_ =	swait.ge @!p0 [sflag:s0], s1  }
0x226: {  	s1 =	ssub.s32 @!p0 $0x0, s1;
	[sflag:s0] =	ssyncset.done @!p0 $0x0  }
0x227: {  	[sflag:s0] =	ssyncadd.s32 @!p0 s1  }
0x228: {  	[bflag:$0x3] =	sbarrier.arrive $0xFFFF  }
0x229: {  	_ =	shalt  }

// kernel: kernel.9.cloned.1.call-start
scs
__scs_entry_jumppad:
0x0: {  	(pc) =	sbr.rel $0x88, $3  }
0x1: {  	(tag) =	ssettag $0x0;
	lr =	simm.s32 $0x1  }
0x2: {  	[smem:$0x3F9A] =	sst lr;
	_ =	strace $0xD0000000  }
0x3: {  	_ = 	snop  }
0x4: {  	_ = 	snop  }
0x5: {  	_ = 	snop  }
0x6: {  	_ = 	snop  }
0x7: {  	_ = 	snop  }
__scs_overlays_trampoline_lowered:
0x8: {  	[smem:$0x3FA9] =	sst s0  }
0x9: {  	[smem:$0x3FAA] =	sst s1  }
0xa: {  	[smem:$0x3FAB] =	sst s2  }
0xb: {  	[smem:$0x3FAC] =	sst s3  }
0xc: {  	[smem:$0x3FAD] =	sst s4  }
0xd: {  	[smem:$0x3FAE] =	sst s5  }
0xe: {  	[smem:$0x3FAF] =	sst s6  }
0xf: {  	[smem:$0x3FB0] =	sst s7  }
0x10: {  	[smem:$0x3FB1] =	sst s8  }
0x11: {  	[smem:$0x3FB2] =	sst s9;
	s0 =	simm.s32 @!p0 $0x0  }
0x12: {  	s1 =	sld [smem:$0x3F98];
	s0 =	simm.s32 @p0 $0x1  }
0x13: {  	[smem:$0x3FB3] =	sst s0;
	s0 =	simm.s32 @!p1 $0x0  }
0x14: {  	s2 =	sld [smem:$0x3F97];
	s0 =	simm.s32 @p1 $0x1  }
0x15: {  	[smem:$0x3FB4] =	sst s0;
	s0 =	simm.s32 @!p2 $0x0  }
0x16: {  	s3 =	sld [smem:$0x3FDB];
	s0 =	simm.s32 @p2 $0x1  }
0x17: {  	s4 =	simm.s32 $0x1BF5;
	[smem:$0x3FB6] =	sst s0  }
0x18: {  	s0 =	sld [smem:$0x3F99];
	_ =	swait.ge [sflag:s4], $0x0  }
0x19: {  	s7 =	sld [smem:$0x3F9A]  }
0x1a: {  	s8 =	sadd.s32 $0xFFFFE003, lr  }
0x1b: {  	s9 =	sadd.s32 $0xFFFFFEF7, lr;
	s5 =	simm.s32 $0xFFFFFFFF;
	p2 =	slt.u32 s8, $0xFFFFF086  }
0x1c: {  	p1 =	slt.u32 s9, $0xF7A;
	s5 =	simm.s32 @!p2 $0x0  }
0x1d: {  	s5 =	simm.s32 @p1 $0x1;
	p0 =	seq.s32 s7, s2  }
0x1e: {  	s7 =	smul.u32 @!p0 $0xF7A, s2;
	p2 =	seq.s32 @!p0 s5, $0x0  }
0x1f: {  	s9 =	smul.u32 $0xF7A, s1;
	s8 =	simm.s32 @!p0 $0x1BF5;
	p2 =	por !p2, p0  }
0x20: {  	[sflag:s8] =	ssyncset.s32 @!p0 $0xFFFFF086;
	s6 =	sadd.s32 @!p0 s3, s7;
	s7 =	simm.s32 @!p0 $0x108  }
0x21: {  	s3 =	sadd.s32 s3, s9;
	s6 =	sadd.s32 @!p0 $0x88, s6;
	s7 =	simm.s32 @p2 $0x1082  }
0x22: {  	[simem:s7], [sflag:s8] =	dma.local @!p0 [hbm:s6], $0xF7A  }
0x23: {  	s9 =	sor.u32 $0xD0000000, s2;
	s6 =	simm.s32 $0x108;
	_ =	swait.ge @!p0 [sflag:s8], $0x0  }
0x24: {  	s3 =	sadd.s32 $0x88, s3;
	s6 =	simm.s32 @!p1 $0x1082;
	[sflag:s4] =	ssyncset.s32 $0xFFFFF086  }
0x25: {  	[simem:s6], [sflag:s4] =	dma.local [hbm:s3], $0xF7A  }
0x26: {  	[smem:$0x3F9A] =	sst s1;
	(tag) =	ssettag s2;
	_ =	strace s9  }
0x27: {  	s1 =	sld [smem:$0x3FAA]  }
0x28: {  	s2 =	sld [smem:$0x3FAB]  }
0x29: {  	s4 =	sld [smem:$0x3FAD]  }
0x2a: {  	p0 =	seq.s32 s5, $0x0;
	s5 =	sld [smem:$0x3FAE]  }
0x2b: {  	s6 =	sld [smem:$0x3FAF]  }
0x2c: {  	s7 =	sld [smem:$0x3FB0]  }
0x2d: {  	s3 =	simm.s32 $0x108;
	s8 =	sld [smem:$0x3FB1]  }
0x2e: {  	s3 =	simm.s32 @!p0 $0x1082;
	s9 =	sld [smem:$0x3FB2]  }
0x2f: {  	lr =	sadd.s32 s0, s3;
	s0 =	sld [smem:$0x3FA9]  }
0x30: {  	s3 =	sld [smem:$0x3FAC]  }
0x31: {  	[smem:$0x3FB5] =	sst s10  }
0x32: {  	s10 =	sld [smem:$0x3FB3];
	_ =	sdelay $0x3  }
0x33: {  	p0 =	seq.s32 s10, $0x1;
	s10 =	sld [smem:$0x3FB5];
	_ =	sdelay $0x3  }
0x34: {  	[smem:$0x3FB5] =	sst s10  }
0x35: {  	s10 =	sld [smem:$0x3FB4];
	_ =	sdelay $0x3  }
0x36: {  	p1 =	seq.s32 s10, $0x1;
	s10 =	sld [smem:$0x3FB5];
	_ =	sdelay $0x3  }
0x37: {  	[smem:$0x3FB5] =	sst s10  }
0x38: {  	s10 =	sld [smem:$0x3FB6]  }
0x39: {  	_ = 	snop;
	(pc) =	sbr.ind lr, $3  }
0x3a: {  	_ = 	snop  }
0x3b: {  	_ = 	snop  }
0x3c: {  	p2 =	seq.s32 s10, $0x1;
	s10 =	sld [smem:$0x3FB5]  }
0x3d: {  	_ =	shalt  }
0x3e: {  	_ =	shalt  }
0x3f: {  	_ =	shalt  }
0x40: {  	_ =	shalt  }
0x41: {  	_ =	shalt  }
0x42: {  	_ =	shalt  }
0x43: {  	_ =	shalt  }
0x44: {  	_ =	shalt  }
0x45: {  	_ =	shalt  }
0x46: {  	_ =	shalt  }
0x47: {  	_ =	shalt  }
0x48: {  	_ =	shalt  }
0x49: {  	_ =	shalt  }
0x4a: {  	_ =	shalt  }
0x4b: {  	_ =	shalt  }
0x4c: {  	_ =	shalt  }
0x4d: {  	_ =	shalt  }
0x4e: {  	_ =	shalt  }
0x4f: {  	_ =	shalt  }
0x50: {  	_ =	shalt  }
0x51: {  	_ =	shalt  }
0x52: {  	_ =	shalt  }
0x53: {  	_ =	shalt  }
0x54: {  	_ =	shalt  }
0x55: {  	_ =	shalt  }
0x56: {  	_ =	shalt  }
0x57: {  	_ =	shalt  }
0x58: {  	_ =	shalt  }
0x59: {  	_ =	shalt  }
0x5a: {  	_ =	shalt  }
0x5b: {  	_ =	shalt  }
0x5c: {  	_ =	shalt  }
0x5d: {  	_ =	shalt  }
0x5e: {  	_ =	shalt  }
0x5f: {  	_ =	shalt  }
0x60: {  	_ =	shalt  }
0x61: {  	_ =	shalt  }
0x62: {  	_ =	shalt  }
0x63: {  	_ =	shalt  }
0x64: {  	_ =	shalt  }
0x65: {  	_ =	shalt  }
0x66: {  	_ =	shalt  }
0x67: {  	_ =	shalt  }
0x68: {  	_ =	shalt  }
0x69: {  	_ =	shalt  }
0x6a: {  	_ =	shalt  }
0x6b: {  	_ =	shalt  }
0x6c: {  	_ =	shalt  }
0x6d: {  	_ =	shalt  }
0x6e: {  	_ =	shalt  }
0x6f: {  	_ =	shalt  }
0x70: {  	_ =	shalt  }
0x71: {  	_ =	shalt  }
0x72: {  	_ =	shalt  }
0x73: {  	_ =	shalt  }
0x74: {  	_ =	shalt  }
0x75: {  	_ =	shalt  }
0x76: {  	_ =	shalt  }
0x77: {  	_ =	shalt  }
0x78: {  	_ =	shalt  }
0x79: {  	_ =	shalt  }
0x7a: {  	_ =	shalt  }
0x7b: {  	_ =	shalt  }
0x7c: {  	_ =	shalt  }
0x7d: {  	_ =	shalt  }
0x7e: {  	_ =	shalt  }
0x7f: {  	_ =	shalt  }
0x80: {  	_ =	shalt  }
0x81: {  	_ =	shalt  }
0x82: {  	_ =	shalt  }
0x83: {  	_ =	shalt  }
0x84: {  	_ =	shalt  }
0x85: {  	_ =	shalt  }
0x86: {  	_ =	shalt  }
0x87: {  	_ =	shalt  }
.Lfunc_end0:
.L_simem_size_0:
called_computation_lowered:
.L_overlay_start_0:
0x88: {  	s2 =	sld [smem:$0x3FD9]  }
0x89: {  	s3 =	sld [smem:$0x3FFE];
	_ =	sdelay $0x1  }
0x8a: {  	s1 =	srdreg.scid  }
0x8b: {  	s0 =	sand.u32 $0x1, s1  }
0x8c: {  	s16 =	sshll.u32 s0, $0xA;
	s2 =	sadd.s32 s3, s2  }
0x8d: {  	s2 =	sadd.s32 s2, s16  }
0x8e: {  	[smem:$0x3FC1] =	sst s2  }
0x8f: {  	_ = 	snop  }
0x90: {  	(tm) =	ssettm $0x1  }
0x91: {  	s17 =	sld [smem:$0x3FFB];
	_ =	sdelay $0x3  }
0x92: {  	_ =	strace s17  }
0x93: {  	s2 =	sld [smem:$0x3FFC];
	_ =	sdelay $0x3  }
0x94: {  	_ =	strace s2  }
0x95: {  	s2 =	sld [smem:$0x3FFD];
	_ =	sdelay $0x3  }
0x96: {  	_ =	strace s2  }
0x97: {  	_ =	strace $0x8FFFFFFF  }
0x98: {  	s18 =	sld [smem:$0x3FDB];
	_ =	sdelay $0x1  }
0x99: {  	s19 =	simm.s32 $_scs_section_size  }
0x9a: {  	s4 =	simm.s32 $_size__tile_overlayer_lowered;
	s5 =	simm.s32 $_tile_overlayer_lowered  }
0x9b: {  	s22 =	simm.s32 $0x1BFF;
	s21 =	sshll.u32 s5, $0x1;
	s2 =	sadd.s32 s19, s18  }
0x9c: {  	s6 =	simm.s32 $0x0;
	s20 =	sshll.u32 s4, $0x1;
	s4 =	sadd.s32 s21, s2  }
0x9d: {  	[timem:s6], [sflag:s22] =	dma.local [hbm:s4], s20  }
0x9e: {  	_ =	swait.ge [sflag:s22], s20  }
0x9f: {  	s3 =	ssub.s32 $0x0, s20;
	[sflag:s22] =	ssyncset.done $0x0  }
0xa0: {  	[sflag:s22] =	ssyncadd.s32 s3;
	_ =	sdelay $0x1  }
0xa1: {  	s23 =	simm.s32 $0x1B8B  }
0xa2: {  	_ =	swait.ge [sflag:s23], $0x1  }
0xa3: {  	[sflag:s23] =	ssyncset.done $0x0  }
0xa4: {  	s25 =	simm.s32 $0x1B8E;
	s24 =	sld [smem:$0x3FFE];
	[sflag:s23] =	ssyncadd.s32 $0xFFFFFFFF  }
0xa5: {  	s26 =	simm.s32 $execute0_lowered;
	[smem:$0x3FD2] =	sst s25  }
0xa6: {  	s4 =	sshll.u32 s26, $0x1;
	_ =	strace $0x80000046;
	[dreg:$0x1] =	wrdreg $0xFFFFFFFF  }
0xa7: {  	s28 =	simm.s32 $_size_execute0_lowered;
	s2 =	sadd.s32 s2, s4;
	[dreg:$0x0] =	wrdreg $0x0  }
0xa8: {  	s4 =	sshll.u32 s28, $0x1;
	[dreg:$0x2] =	wrdreg s2  }
0xa9: {  	[dreg:$0x3] =	wrdreg s4  }
0xaa: {  	[dreg:$0x4] =	wrdreg $0xC0  }
0xab: {  	_ =	task [dreg:s6], $0x5FFFF  }
0xac: {  	[dreg:$0x1] =	wrdreg $0xFFFFFFFF  }
0xad: {  	[dreg:$0x0] =	wrdreg $0x60  }
0xae: {  	[dreg:$0x2] =	wrdreg s24  }
0xaf: {  	[dreg:$0x3] =	wrdreg $0x9  }
0xb0: {  	_ =	task.clear_ibuf [dreg:s6], $0x4FFFF;
	_ =	strace $0x90000046  }
0xb1: {  	s29 =	simm.s32 $0x9;
	_ =	strace $0x80000048  }
0xb2: {  	_ =	swait.ge [sflag:s29], $0x1  }
0xb3: {  	[sflag:s29] =	ssyncadd.s32 $0xFFFFFFFF  }
0xb4: {  	_ =	strace $0x90000048  }
0xb5: {  	_ =	sfence  }
0xb6: {  	s30 =	sld [smem:$0x0];
	_ =	sdelay $0x2  }
0xb7: {  	s31 =	sshll.u32 s1, $0xD;
	s1 =	sshrl.u32 s1, $0x2  }
0xb8: {  	s3 =	sand.u32 $0x4000, s31;
	s1 =	sadd.s32 s1, s30  }
0xb9: {  	s0 =	sor.u32 s3, s0;
	s1 =	sshll.u32 s1, $0x11  }
0xba: {  	s0 =	sor.u32 s1, s0  }
0xbb: {  	s0 =	sadd.s32 $0x8F2B, s0  }
0xbc: {  	[sflag:s0] =	ssyncadd.remote.s32 $0x1  }
0xbd: {  	_ =	sfence.sel $0xFFFF  }
0xbe: {  	[dreg:$0x0] =	wrdreg $0xFFFFFFFF;
	(pc) =	sbr.abs _section_cstart, $3  }
0xbf: {  	[dreg:$0x1] =	wrdreg $0xFFFFFFFF  }
0xc0: {  	_ =	task.clear_ibuf [dreg:s6], $0x2FFFF;
	_ =	strace $0x9FFFFFFF  }
0xc1: {  	(tm) =	ssettm $0x7FFFFFFF  }
tec
execute0_lowered:
.L_overlay_start_1:
0x0: {  	(tag) =	ssettag $0x1  }
0x1: {  	s0 =	srdreg.scid  }
0x2: {  	s3 =	sand.u32 $0x1, s0  }
0x3: {  	s4 =	rddreg [dreg:$0x0];
	s0 =	stileid.u32;
	s1 =	sshll.u32 s3, $0x4  }
0x4: {  	s2 =	simm.s32 $0x0;
	s8 =	simm.s32 $0x80;
	s5 =	sor.u32 s0, s1  }
0x5: {  	s9 =	simm.s32 $0x400;
	[smem:$0x7FF] =	sst s2;
	s6 =	sshrl.u32 s5, $0x3  }
0x6: {  	s7 =	sshll.u32 s0, $0x7;
	s3 =	ssub.s32 $0x2, s3;
	s6 =	smul.u32 $0x14000, s6  }
0x7: {  	s1 =	rddreg [dreg:$0x1];
	s7 =	sand.u32 $0x380, s7;
	s5 =	smul.u32 $0x500, s5  }
0x8: {  	_ =	strace $0x80000047;
	s30 =	sshrl.u32 s3, $0x1;
	s6 =	sor.u32 s7, s6  }
0x9: {  	s31 =	ssub.s32 s3, s30;
	s5 =	sadd.s32 s5, s4;
	s6 =	sshrl.u32 s6, $0x3  }
0xa: {  	s3 =	sadd.s32 $0x2600, s5;
	s5 =	smax.u32 s31, $0x1;
	s4 =	sadd.s32 s6, s4  }
0xb: {  	v0 =	vimm.f32 $0.0e+00;
	v1 =	vimm.f32 $1.000000000e+00;
	s7 =	simm.s32 $0x2800;
	s6 =	simm.s32 $0x1;
	s4 =	sadd.s32 $0xC600, s4  }
.LBB2_1:
0xc: {  	s10 =	simm.s32 $0x40;
	s11 =	simm.s32 $0x0  }
.LBB2_2:
0xd: {  	p0 =	sne.s32 s10, $0x9FC0;
	[tilespmem:s11+$0x2800] =	vst v0;
	s11 =	smov.u32 s10;
	s10 =	sadd.s32 $0x40, s10  }
.Ltmp0:
0xe: {  	(pc) =	sbr.rel @p0 .LBB2_2-.Ltmp0, $2  }
0xf: {  	_ =	sdelay $0x2  }
0x10: {  	s11 =	sshra.s32 s11, $0x2  }
0x11: {  	[tilespmem:s11+$0x2800] =	vst v0;
	s10 =	simm.s32 $0x0  }
0x12: {  	[tilespmem:s10], [sflag:$0x1] =	stream.linear.gather [hbm4b:s3+s10], $0x2800, $0x38;
	[tilespmem:$0x5000] =	vst v63  }
0x13: {  	s31 =	sand.u32 $0xFE00, s10;
	_ =	swait.ge [sflag:s6], $0x2800  }
0x14: {  	s10 =	sand.u32 $0x70, s10;
	s11 =	sshrl.u32 s31, $0x2;
	[sflag:s6] =	ssyncset.done $0x0  }
0x15: {  	s10 =	sor.u32 s10, s11;
	[sflag:s6] =	ssyncadd.s32 $0xFFFFD800  }
0x16: {  	v2 =	vld [tilespmem:s10+$0x0];
	_ =	sdelay $0x4  }
0x17: {  	s12 =	simm.s32 $0x40  }
0x18: {  	s12 =	sand.u32 $0xFE00, s12;
	s11 =	simm.s32 $0x80;
	s10 =	simm.s32 $0x10  }
.LBB2_4:
0x19: {  	p0 =	sne.s32 s11, $0x9FC0;
	s13 =	sand.u32 $0x70, s10;
	s12 =	sshrl.u32 s12, $0x2  }
0x1a: {  	s12 =	sor.u32 s13, s12;
	[tilespmem:v2+s7+$0x0] =	vst.idx.add.f32.msk $0xffff, v1  }
0x1b: {  	v2 =	vld [tilespmem:s12+$0x0];
	_ =	sdelay $0x1  }
.Ltmp1:
0x1c: {  	(pc) =	sbr.rel @p0 .LBB2_4-.Ltmp1, $2  }
0x1d: {  	_ =	sdelay $0x2  }
0x1e: {  	s10 =	sadd.s32 $0x10, s10;
	s12 =	sand.u32 $0xFE00, s11;
	s11 =	sadd.s32 $0x40, s11  }
0x1f: {  	_ =	sdelay $0x2  }
0x20: {  	s10 =	sand.u32 $0x70, s10;
	s11 =	sshrl.u32 s12, $0x2  }
0x21: {  	[tilespmem:v2+s7+$0x0] =	vst.idx.add.f32.msk $0xffff, v1;
	s10 =	sor.u32 s10, s11  }
0x22: {  	v2 =	vld [tilespmem:s10+$0x0];
	_ =	sdelay $0x5  }
0x23: {  	s2 =	sadd.s32 $0x1, s2  }
0x24: {  	p0 =	sne.s32 s2, s5  }
.Ltmp2:
0x25: {  	[tilespmem:v2+s7+$0x0] =	vst.idx.add.f32.msk $0xffff, v1;
	(pc) =	sbr.rel @p0 .LBB2_1-.Ltmp2, $4  }
0x26: {  	[hbm4b:s4+s8] =	stream.strided.scatter [tilespmem:s7], [sflag:$0x1], $0x2800, s9, s8, $0x38;
	[tilespmem:$0x5000] =	vst v63  }
0x27: {  	_ =	swait.ge [sflag:s6], $0x2800  }
0x28: {  	[sflag:s6] =	ssyncset.done $0x0  }
0x29: {  	[sflag:s6] =	ssyncadd.s32 $0xFFFFD800  }
0x2a: {  	_ =	sfence.sel $0x180000  }
0x2b: {  	[bflag:$0x0] =	sbarrier.arrive $0xFFFF  }
0x2c: {  	p0 =	sne.s32 s0, $0x0;
	_ =	strace $0x90000047  }
0x2d: {  	s0 =	sadd.s32 @!p0 $0x100000, s1;
	[bflag:$0x2] =	sbarrier.arrive $0xFFFF  }
0x2e: {  	[sflag:s0] =	ssyncadd.tile.s32 @!p0 $0x1;
	_ =	shalt  }
.Lfunc_end2:
_tile_overlayer_lowered:
.L_overlay_start_2:
0x2f: {  	(tag) =	ssettag $0x2  }
0x30: {  	s0 =	rddreg [dreg:$0x0];
	s2 =	stileid.u32  }
0x31: {  	s1 =	rddreg [dreg:$0x1];
	p0 =	sne.s32 s2, $0x0  }
0x32: {  	s3 =	rddreg [dreg:$0x2];
	[bflag:$0x3] =	sbarrier.arrive $0xFFFF;
	s2 =	simm.s32 @!p0 $0x1C01  }
0x33: {  	[timem:s3], [sflag:s2] =	dma.local @!p0 [hbm:s0], s1  }
0x34: {  	s0 =	simm.s32 @!p0 $0x1  }
0x35: {  	_ =	swait.ge @!p0 [sflag:s0], s1  }
0x36: {  	s1 =	ssub.s32 @!p0 $0x0, s1;
	[sflag:s0] =	ssyncset.done @!p0 $0x0  }
0x37: {  	[sflag:s0] =	ssyncadd.s32 @!p0 s1  }
0x38: {  	[bflag:$0x3] =	sbarrier.arrive $0xFFFF  }
0x39: {  	_ =	shalt  }

</sc_bundles>
